<compile_context>
chip_gen: v7x
topology: tpu7x:2x2x1
jax: 0.10.2.dev20260603
libtpu: 0.0.44.dev20260713+nightly
codegen_flags: <defaults>
</compile_context>

<pallas_src>
import functools

import jax
import jax.numpy as jnp
from jax import lax
from jax.experimental import pallas as pl
from jax.experimental.pallas import tpu as pltpu
from jax.experimental.pallas import tpu_sc as plsc

_GAMMA = 3.0
_C = 128
_L = 16
_NC = 2
_NS = 16
_UNR = 8


def _make_dist_kernel(d, p_pad, cpw):
  mesh = plsc.VectorSubcoreMesh(
      core_axis_name="c", subcore_axis_name="s", num_cores=_NC,
      num_subcores=_NS)

  @functools.partial(
      pl.kernel,
      mesh=mesh,
      compiler_params=pltpu.CompilerParams(needs_layout_passes=False),
      out_type=jax.ShapeDtypeStruct((p_pad,), jnp.float32),
      scratch_types=[
          pltpu.VMEM((cpw, _C), jnp.int32),
          pltpu.VMEM((cpw, _C), jnp.int32),
          pltpu.VMEM((_C, d), jnp.float32),
          pltpu.VMEM((_C, d), jnp.float32),
          pltpu.VMEM((_C, d), jnp.float32),
          pltpu.VMEM((_C, d), jnp.float32),
          pltpu.VMEM((cpw * _C,), jnp.float32),
          pltpu.SemaphoreType.DMA,
          pltpu.SemaphoreType.DMA,
          pltpu.SemaphoreType.DMA,
          pltpu.SemaphoreType.DMA,
      ],
  )
  def dist_kernel(emb, idxl, idxr, out, idxl_v, idxr_v, rl0, rr0, rl1, rr1,
                  dist_v, sl0, sr0, sl1, sr1):
    wid = lax.axis_index("s") * _NC + lax.axis_index("c")
    pltpu.sync_copy(idxl.at[wid], idxl_v)
    pltpu.sync_copy(idxr.at[wid], idxr_v)
    lane = lax.iota(jnp.int32, _L)

    def fire(t, rl, rr, sl, sr):
      pltpu.async_copy(emb.at[idxl_v.at[t]], rl, sl)
      pltpu.async_copy(emb.at[idxr_v.at[t]], rr, sr)

    def drain(t, rl, rr, sl, sr):
      pltpu.make_async_copy(emb.at[idxl_v.at[t]], rl, sl).wait()
      pltpu.make_async_copy(emb.at[idxr_v.at[t]], rr, sr).wait()

    def compute(t, rl, rr):
      for g in range(_C // _L):
        row_idx = lane + (g * _L)

        def col_body(s, acc):
          for u in range(_UNR):
            dcol = s * _UNR + u
            col_idx = (lane + dcol) & (d - 1)
            lv = plsc.load_gather(rl, [row_idx, col_idx])
            rv = plsc.load_gather(rr, [row_idx, col_idx])
            acc = acc + jnp.abs(lv - rv)
          return acc

        acc = lax.fori_loop(0, d // _UNR, col_body,
                            jnp.zeros((_L,), jnp.float32))
        dist_v[pl.ds(t * _C + g * _L, _L)] = acc

    fire(0, rl0, rr0, sl0, sr0)

    def body(tt, carry):
      t0 = 2 * tt
      t1 = t0 + 1
      fire(t1, rl1, rr1, sl1, sr1)
      drain(t0, rl0, rr0, sl0, sr0)
      compute(t0, rl0, rr0)

      @pl.when(t0 + 2 < cpw)
      def _prefetch():
        fire(t0 + 2, rl0, rr0, sl0, sr0)

      drain(t1, rl1, rr1, sl1, sr1)
      compute(t1, rl1, rr1)
      return carry

    lax.fori_loop(0, cpw // 2, body, 0)
    pltpu.sync_copy(dist_v, out.at[pl.ds(wid * (cpw * _C), cpw * _C)])

  return dist_kernel


def _hinge(a, b1, b2, t, k):
  steps = 10
  rows = t // steps
  inv = 1.0 / (2.0 * k * t)

  def body(a_ref, b1_ref, b2_ref, o_ref):
    @pl.when(pl.program_id(0) == 0)
    def _init():
      o_ref[0, 0] = 0.0

    dv = a_ref[...] + _GAMMA
    s1 = jnp.sum(jnp.maximum(dv - b1_ref[...], 0.0))
    s2 = jnp.sum(jnp.maximum(dv - b2_ref[...], 0.0))
    o_ref[0, 0] += (s1 + s2) * inv

  out = pl.pallas_call(
      body,
      grid=(steps,),
      in_specs=[
          pl.BlockSpec((rows, 1), lambda i: (i, 0)),
          pl.BlockSpec((rows, k), lambda i: (i, 0)),
          pl.BlockSpec((rows, k), lambda i: (i, 0)),
      ],
      out_specs=pl.BlockSpec((1, 1), lambda i: (0, 0),
                             memory_space=pltpu.SMEM),
      out_shape=jax.ShapeDtypeStruct((1, 1), jnp.float32),
  )(a, b1, b2)
  return out[0, 0]


def kernel(out_emb, ILL, neg_left1, neg_right1, neg_left2, neg_right2):
  n, d = out_emb.shape
  t = ILL.shape[0]
  k = neg_left1.shape[0] // t
  p = t + 2 * t * k
  nw = _NC * _NS
  cpw = -(-p // (_C * nw))
  cpw += cpw % 2
  p_pad = cpw * _C * nw
  pad = p_pad - p

  zpad = jnp.zeros((pad,), jnp.int32)
  left = jnp.concatenate([ILL[:, 0], neg_left1, neg_left2, zpad])
  right = jnp.concatenate([ILL[:, 1], neg_right1, neg_right2, zpad])
  left = left.reshape(nw, cpw, _C)
  right = right.reshape(nw, cpw, _C)

  dist = _make_dist_kernel(d, p_pad, cpw)(out_emb, left, right)

  a = dist[:t].reshape(t, 1)
  b1 = dist[t:t + t * k].reshape(t, k)
  b2 = dist[t + t * k:t + 2 * t * k].reshape(t, k)
  return _hinge(a, b1, b2, t, k)

# --- scband reference (transcript-rebuilt; emitter-appended) ---
"""Pipeline reference for scband-hinge-loss-25357486915845 (READ-ONLY COPY).

The authoritative reference and input builder live on the scoring server;
editing this copy changes nothing except your own understanding.
"""

import jax, jax.numpy as jnp
import numpy as np

N = 100000
D = 128
T = 10000
K = 25
GAMMA = 3.0


def setup_inputs(seed: int = 0) -> dict:
    key = jax.random.key(seed)
    k1, k2, k3, k4, k5, k6 = jax.random.split(key, 6)
    out_emb = jax.random.normal(k1, (N, D), dtype=jnp.float32)
    ILL = jax.random.randint(k2, (T, 2), 0, N, dtype=jnp.int32)
    # The torch module samples negatives internally with torch.randint; we
    # materialize them deterministically here so the reference is reproducible.
    neg_left1 = jax.random.randint(k3, (T * K,), 0, N, dtype=jnp.int32)
    neg_right1 = jax.random.randint(k4, (T * K,), 0, N, dtype=jnp.int32)
    neg_left2 = jax.random.randint(k5, (T * K,), 0, N, dtype=jnp.int32)
    neg_right2 = jax.random.randint(k6, (T * K,), 0, N, dtype=jnp.int32)
    return {
        "out_emb": out_emb,
        "ILL": ILL,
        "neg_left1": neg_left1,
        "neg_right1": neg_right1,
        "neg_left2": neg_left2,
        "neg_right2": neg_right2,
    }


def reference(out_emb, ILL, neg_left1, neg_right1, neg_left2, neg_right2):
    t = ILL.shape[0]
    left = ILL[:, 0]
    right = ILL[:, 1]
    left_x = jnp.take(out_emb, left, axis=0)
    right_x = jnp.take(out_emb, right, axis=0)
    A = jnp.sum(jnp.abs(left_x - right_x), axis=1)
    Dv = A + GAMMA

    neg_l_x = jnp.take(out_emb, neg_left1, axis=0)
    neg_r_x = jnp.take(out_emb, neg_right1, axis=0)
    B1 = jnp.sum(jnp.abs(neg_l_x - neg_r_x), axis=1)
    C1 = -jnp.reshape(B1, (t, K))
    L1 = jax.nn.relu(C1 + jnp.reshape(Dv, (t, 1)))

    neg_l_x2 = jnp.take(out_emb, neg_left2, axis=0)
    neg_r_x2 = jnp.take(out_emb, neg_right2, axis=0)
    B2 = jnp.sum(jnp.abs(neg_l_x2 - neg_r_x2), axis=1)
    C2 = -jnp.reshape(B2, (t, K))
    L2 = jax.nn.relu(C2 + jnp.reshape(Dv, (t, 1)))

    return (jnp.sum(L1) + jnp.sum(L2)) / (2.0 * K * t)

if __name__ == "__main__":
    import jax
    _d = setup_inputs()
    print(jax.jit(kernel)(*tuple(_d.values())))

</pallas_src>

<mosaic_0001>
#map = affine_map<(d0, d1) -> (0, 0)>
#map1 = affine_map<(d0, d1) -> (0, 0, 0)>
#map2 = affine_map<(d0, d1) -> (0)>
module attributes {stable_mosaic.version = 14 : i64} {
  func.func @dist_kernel(%arg0: i32, %arg1: i32, %arg2: memref<100000x128xf32, #tpu.memory_space<hbm>>, %arg3: memref<32x126x128xi32, #tpu.memory_space<hbm>>, %arg4: memref<32x126x128xi32, #tpu.memory_space<hbm>>, %arg5: memref<516096xf32, #tpu.memory_space<hbm>>, %arg6: memref<126x128xi32, #tpu.memory_space<vmem>>, %arg7: memref<126x128xi32, #tpu.memory_space<vmem>>, %arg8: memref<128x128xf32, #tpu.memory_space<vmem>>, %arg9: memref<128x128xf32, #tpu.memory_space<vmem>>, %arg10: memref<128x128xf32, #tpu.memory_space<vmem>>, %arg11: memref<128x128xf32, #tpu.memory_space<vmem>>, %arg12: memref<16128xf32, #tpu.memory_space<vmem>>, %arg13: memref<!tpu.dma_semaphore, #tpu.memory_space<semaphore_mem>>, %arg14: memref<!tpu.dma_semaphore, #tpu.memory_space<semaphore_mem>>, %arg15: memref<!tpu.dma_semaphore, #tpu.memory_space<semaphore_mem>>, %arg16: memref<!tpu.dma_semaphore, #tpu.memory_space<semaphore_mem>>) attributes {dimension_semantics = [#tpu.dimension_semantics<core_parallel>, #tpu.dimension_semantics<subcore_parallel>], iteration_bounds = array<i64: 2, 16>, scalar_prefetch = 0 : i64, scratch_operands = 11 : i64, tpu.core_type = #tpu.core_type<sc_vector_subcore>, window_params = [{transform_indices = #map}, {transform_indices = #map1}, {transform_indices = #map1}, {transform_indices = #map2}]} {
    %mul3A = arith.constant 2 : i32
    %mul3A_0 = arith.muli %arg1, %mul3A : i32
    %add3A = arith.addi %mul3A_0, %arg0 : i32
    "tpu.region"() ({
      %run_scoped3A = tpu.sem_alloc : memref<!tpu.dma_semaphore, #tpu.memory_space<semaphore_mem>>
      %dma_start3A_21 = arith.constant 0 : i32
      %dma_start3A_22 = arith.constant 0 : i32
      %dma_start3A_23 = tpu.memref_slice %arg3[%add3A, %dma_start3A_21, %dma_start3A_22] : memref<32x126x128xi32, #tpu.memory_space<hbm>> -> memref<1x126x128xi32, #tpu.memory_space<hbm>>
      %dma_start3A_24 = tpu.memref_squeeze %dma_start3A_23 : memref<1x126x128xi32, #tpu.memory_space<hbm>> -> memref<126x128xi32, #tpu.memory_space<hbm>>
      %dma_start3A_25 = arith.constant 0 : i32
      %dma_start3A_26 = arith.constant 0 : i32
      %dma_start3A_27 = tpu.memref_slice %arg3[%add3A, %dma_start3A_25, %dma_start3A_26] : memref<32x126x128xi32, #tpu.memory_space<hbm>> -> memref<1x126x128xi32, #tpu.memory_space<hbm>>
      %dma_start3A_28 = tpu.memref_squeeze %dma_start3A_27 : memref<1x126x128xi32, #tpu.memory_space<hbm>> -> memref<126x128xi32, #tpu.memory_space<hbm>>
      tpu.enqueue_dma source(%dma_start3A_28 : memref<126x128xi32, #tpu.memory_space<hbm>>) target(%arg6 : memref<126x128xi32, #tpu.memory_space<vmem>>) target_semaphore(%run_scoped3A : memref<!tpu.dma_semaphore, #tpu.memory_space<semaphore_mem>>)
      %dma_wait3A = arith.constant 0 : i32
      %dma_wait3A_29 = arith.constant 0 : i32
      %dma_wait3A_30 = tpu.memref_slice %arg3[%add3A, %dma_wait3A, %dma_wait3A_29] : memref<32x126x128xi32, #tpu.memory_space<hbm>> -> memref<1x126x128xi32, #tpu.memory_space<hbm>>
      %dma_wait3A_31 = tpu.memref_squeeze %dma_wait3A_30 : memref<1x126x128xi32, #tpu.memory_space<hbm>> -> memref<126x128xi32, #tpu.memory_space<hbm>>
      %dma_wait3A_32 = arith.constant 0 : i32
      %dma_wait3A_33 = arith.constant 0 : i32
      %dma_wait3A_34 = tpu.memref_slice %arg3[%add3A, %dma_wait3A_32, %dma_wait3A_33] : memref<32x126x128xi32, #tpu.memory_space<hbm>> -> memref<1x126x128xi32, #tpu.memory_space<hbm>>
      %dma_wait3A_35 = tpu.memref_squeeze %dma_wait3A_34 : memref<1x126x128xi32, #tpu.memory_space<hbm>> -> memref<126x128xi32, #tpu.memory_space<hbm>>
      tpu.wait_dma2 semaphore(%run_scoped3A : memref<!tpu.dma_semaphore, #tpu.memory_space<semaphore_mem>>) src(%dma_wait3A_35 : memref<126x128xi32, #tpu.memory_space<hbm>>) dst(%arg6 : memref<126x128xi32, #tpu.memory_space<vmem>>)
      tpu.yield
    }) : () -> ()
    "tpu.region"() ({
      %run_scoped3A = tpu.sem_alloc : memref<!tpu.dma_semaphore, #tpu.memory_space<semaphore_mem>>
      %dma_start3A_21 = arith.constant 0 : i32
      %dma_start3A_22 = arith.constant 0 : i32
      %dma_start3A_23 = tpu.memref_slice %arg4[%add3A, %dma_start3A_21, %dma_start3A_22] : memref<32x126x128xi32, #tpu.memory_space<hbm>> -> memref<1x126x128xi32, #tpu.memory_space<hbm>>
      %dma_start3A_24 = tpu.memref_squeeze %dma_start3A_23 : memref<1x126x128xi32, #tpu.memory_space<hbm>> -> memref<126x128xi32, #tpu.memory_space<hbm>>
      %dma_start3A_25 = arith.constant 0 : i32
      %dma_start3A_26 = arith.constant 0 : i32
      %dma_start3A_27 = tpu.memref_slice %arg4[%add3A, %dma_start3A_25, %dma_start3A_26] : memref<32x126x128xi32, #tpu.memory_space<hbm>> -> memref<1x126x128xi32, #tpu.memory_space<hbm>>
      %dma_start3A_28 = tpu.memref_squeeze %dma_start3A_27 : memref<1x126x128xi32, #tpu.memory_space<hbm>> -> memref<126x128xi32, #tpu.memory_space<hbm>>
      tpu.enqueue_dma source(%dma_start3A_28 : memref<126x128xi32, #tpu.memory_space<hbm>>) target(%arg7 : memref<126x128xi32, #tpu.memory_space<vmem>>) target_semaphore(%run_scoped3A : memref<!tpu.dma_semaphore, #tpu.memory_space<semaphore_mem>>)
      %dma_wait3A = arith.constant 0 : i32
      %dma_wait3A_29 = arith.constant 0 : i32
      %dma_wait3A_30 = tpu.memref_slice %arg4[%add3A, %dma_wait3A, %dma_wait3A_29] : memref<32x126x128xi32, #tpu.memory_space<hbm>> -> memref<1x126x128xi32, #tpu.memory_space<hbm>>
      %dma_wait3A_31 = tpu.memref_squeeze %dma_wait3A_30 : memref<1x126x128xi32, #tpu.memory_space<hbm>> -> memref<126x128xi32, #tpu.memory_space<hbm>>
      %dma_wait3A_32 = arith.constant 0 : i32
      %dma_wait3A_33 = arith.constant 0 : i32
      %dma_wait3A_34 = tpu.memref_slice %arg4[%add3A, %dma_wait3A_32, %dma_wait3A_33] : memref<32x126x128xi32, #tpu.memory_space<hbm>> -> memref<1x126x128xi32, #tpu.memory_space<hbm>>
      %dma_wait3A_35 = tpu.memref_squeeze %dma_wait3A_34 : memref<1x126x128xi32, #tpu.memory_space<hbm>> -> memref<126x128xi32, #tpu.memory_space<hbm>>
      tpu.wait_dma2 semaphore(%run_scoped3A : memref<!tpu.dma_semaphore, #tpu.memory_space<semaphore_mem>>) src(%dma_wait3A_35 : memref<126x128xi32, #tpu.memory_space<hbm>>) dst(%arg7 : memref<126x128xi32, #tpu.memory_space<vmem>>)
      tpu.yield
    }) : () -> ()
    %iota3A = tpu.iota {dimensions = array<i32: 0>} : vector<16xi32>
    %dma_start3A = arith.constant 0 : i32
    %dma_start3A_1 = arith.constant 0 : i32
    %dma_start3A_2 = tpu.memref_slice %arg6[%dma_start3A, %dma_start3A_1] : memref<126x128xi32, #tpu.memory_space<vmem>> -> memref<1x128xi32, #tpu.memory_space<vmem>>
    %dma_start3A_3 = tpu.memref_squeeze %dma_start3A_2 : memref<1x128xi32, #tpu.memory_space<vmem>> -> memref<128xi32, #tpu.memory_space<vmem>>
    %dma_start3A_4 = arith.constant 0 : i32
    %dma_start3A_5 = arith.constant 0 : i32
    %dma_start3A_6 = tpu.memref_slice %arg2[%dma_start3A_4, %dma_start3A_5] : memref<100000x128xf32, #tpu.memory_space<hbm>> -> memref<100000x128xf32, #tpu.memory_space<hbm>>
    tpu.enqueue_indirect_dma source(%dma_start3A_6 : memref<100000x128xf32, #tpu.memory_space<hbm>>) target(%arg8 : memref<128x128xf32, #tpu.memory_space<vmem>>) offsets(%dma_start3A_3 : memref<128xi32, #tpu.memory_space<vmem>>) semaphore(%arg13 : memref<!tpu.dma_semaphore, #tpu.memory_space<semaphore_mem>>)
    %dma_start3A_7 = arith.constant 0 : i32
    %dma_start3A_8 = arith.constant 0 : i32
    %dma_start3A_9 = tpu.memref_slice %arg7[%dma_start3A_7, %dma_start3A_8] : memref<126x128xi32, #tpu.memory_space<vmem>> -> memref<1x128xi32, #tpu.memory_space<vmem>>
    %dma_start3A_10 = tpu.memref_squeeze %dma_start3A_9 : memref<1x128xi32, #tpu.memory_space<vmem>> -> memref<128xi32, #tpu.memory_space<vmem>>
    %dma_start3A_11 = arith.constant 0 : i32
    %dma_start3A_12 = arith.constant 0 : i32
    %dma_start3A_13 = tpu.memref_slice %arg2[%dma_start3A_11, %dma_start3A_12] : memref<100000x128xf32, #tpu.memory_space<hbm>> -> memref<100000x128xf32, #tpu.memory_space<hbm>>
    tpu.enqueue_indirect_dma source(%dma_start3A_13 : memref<100000x128xf32, #tpu.memory_space<hbm>>) target(%arg9 : memref<128x128xf32, #tpu.memory_space<vmem>>) offsets(%dma_start3A_10 : memref<128xi32, #tpu.memory_space<vmem>>) semaphore(%arg14 : memref<!tpu.dma_semaphore, #tpu.memory_space<semaphore_mem>>)
    %scan3A = arith.constant 0 : i32
    %scan3A_14 = arith.constant 0 : i32
    %scan3A_15 = arith.constant 63 : i32
    %scan3A_16 = arith.addi %scan3A_14, %scan3A_15 : i32
    %scan3A_17 = arith.constant 1 : i32
    scf.for %scan3A_21 = %scan3A_14 to %scan3A_16 step %scan3A_17  : i32 {
      %mul3A_22 = arith.constant 2 : i32
      %mul3A_23 = arith.muli %mul3A_22, %scan3A_21 : i32
      %add3A_24 = arith.constant 1 : i32
      %add3A_25 = arith.addi %mul3A_23, %add3A_24 : i32
      %dma_start3A_26 = arith.constant 0 : i32
      %dma_start3A_27 = tpu.memref_slice %arg6[%add3A_25, %dma_start3A_26] : memref<126x128xi32, #tpu.memory_space<vmem>> -> memref<1x128xi32, #tpu.memory_space<vmem>>
      %dma_start3A_28 = tpu.memref_squeeze %dma_start3A_27 : memref<1x128xi32, #tpu.memory_space<vmem>> -> memref<128xi32, #tpu.memory_space<vmem>>
      %dma_start3A_29 = arith.constant 0 : i32
      %dma_start3A_30 = arith.constant 0 : i32
      %dma_start3A_31 = tpu.memref_slice %arg2[%dma_start3A_29, %dma_start3A_30] : memref<100000x128xf32, #tpu.memory_space<hbm>> -> memref<100000x128xf32, #tpu.memory_space<hbm>>
      tpu.enqueue_indirect_dma source(%dma_start3A_31 : memref<100000x128xf32, #tpu.memory_space<hbm>>) target(%arg10 : memref<128x128xf32, #tpu.memory_space<vmem>>) offsets(%dma_start3A_28 : memref<128xi32, #tpu.memory_space<vmem>>) semaphore(%arg15 : memref<!tpu.dma_semaphore, #tpu.memory_space<semaphore_mem>>)
      %dma_start3A_32 = arith.constant 0 : i32
      %dma_start3A_33 = tpu.memref_slice %arg7[%add3A_25, %dma_start3A_32] : memref<126x128xi32, #tpu.memory_space<vmem>> -> memref<1x128xi32, #tpu.memory_space<vmem>>
      %dma_start3A_34 = tpu.memref_squeeze %dma_start3A_33 : memref<1x128xi32, #tpu.memory_space<vmem>> -> memref<128xi32, #tpu.memory_space<vmem>>
      %dma_start3A_35 = arith.constant 0 : i32
      %dma_start3A_36 = arith.constant 0 : i32
      %dma_start3A_37 = tpu.memref_slice %arg2[%dma_start3A_35, %dma_start3A_36] : memref<100000x128xf32, #tpu.memory_space<hbm>> -> memref<100000x128xf32, #tpu.memory_space<hbm>>
      tpu.enqueue_indirect_dma source(%dma_start3A_37 : memref<100000x128xf32, #tpu.memory_space<hbm>>) target(%arg11 : memref<128x128xf32, #tpu.memory_space<vmem>>) offsets(%dma_start3A_34 : memref<128xi32, #tpu.memory_space<vmem>>) semaphore(%arg16 : memref<!tpu.dma_semaphore, #tpu.memory_space<semaphore_mem>>)
      %dma_wait3A = arith.constant 0 : i32
      %dma_wait3A_38 = tpu.memref_slice %arg6[%mul3A_23, %dma_wait3A] : memref<126x128xi32, #tpu.memory_space<vmem>> -> memref<1x128xi32, #tpu.memory_space<vmem>>
      %dma_wait3A_39 = tpu.memref_squeeze %dma_wait3A_38 : memref<1x128xi32, #tpu.memory_space<vmem>> -> memref<128xi32, #tpu.memory_space<vmem>>
      %dma_wait3A_40 = arith.constant 0 : i32
      %dma_wait3A_41 = arith.constant 0 : i32
      %dma_wait3A_42 = tpu.memref_slice %arg2[%dma_wait3A_40, %dma_wait3A_41] : memref<100000x128xf32, #tpu.memory_space<hbm>> -> memref<100000x128xf32, #tpu.memory_space<hbm>>
      tpu.wait_indirect_dma semaphore(%arg13 : memref<!tpu.dma_semaphore, #tpu.memory_space<semaphore_mem>>) src(%dma_wait3A_42 : memref<100000x128xf32, #tpu.memory_space<hbm>>) dst(%arg8 : memref<128x128xf32, #tpu.memory_space<vmem>>)
      %dma_wait3A_43 = arith.constant 0 : i32
      %dma_wait3A_44 = tpu.memref_slice %arg7[%mul3A_23, %dma_wait3A_43] : memref<126x128xi32, #tpu.memory_space<vmem>> -> memref<1x128xi32, #tpu.memory_space<vmem>>
      %dma_wait3A_45 = tpu.memref_squeeze %dma_wait3A_44 : memref<1x128xi32, #tpu.memory_space<vmem>> -> memref<128xi32, #tpu.memory_space<vmem>>
      %dma_wait3A_46 = arith.constant 0 : i32
      %dma_wait3A_47 = arith.constant 0 : i32
      %dma_wait3A_48 = tpu.memref_slice %arg2[%dma_wait3A_46, %dma_wait3A_47] : memref<100000x128xf32, #tpu.memory_space<hbm>> -> memref<100000x128xf32, #tpu.memory_space<hbm>>
      tpu.wait_indirect_dma semaphore(%arg14 : memref<!tpu.dma_semaphore, #tpu.memory_space<semaphore_mem>>) src(%dma_wait3A_48 : memref<100000x128xf32, #tpu.memory_space<hbm>>) dst(%arg9 : memref<128x128xf32, #tpu.memory_space<vmem>>)
      %add3A_49 = arith.constant 0 : i32
      %add3A_50 = vector.broadcast %add3A_49 : i32 to vector<16xi32>
      %add3A_51 = arith.addi %iota3A, %add3A_50 : vector<16xi32>
      %broadcast_in_dim3A = arith.constant 0.000000e+00 : f32
      %broadcast_in_dim3A_52 = vector.broadcast %broadcast_in_dim3A : f32 to vector<16xf32>
      %scan3A_53 = arith.constant 0 : i32
      %scan3A_54 = arith.constant 16 : i32
      %scan3A_55 = arith.addi %scan3A_53, %scan3A_54 : i32
      %scan3A_56 = arith.constant 1 : i32
      %scan3A_57 = scf.for %scan3A_335 = %scan3A_53 to %scan3A_55 step %scan3A_56 iter_args(%scan3A_336 = %broadcast_in_dim3A_52) -> (vector<16xf32>)  : i32 {
        %mul3A_337 = arith.constant 8 : i32
        %mul3A_338 = arith.muli %scan3A_335, %mul3A_337 : i32
        %add3A_339 = arith.constant 0 : i32
        %add3A_340 = arith.addi %mul3A_338, %add3A_339 : i32
        %add3A_341 = vector.broadcast %add3A_340 : i32 to vector<16xi32>
        %add3A_342 = arith.addi %iota3A, %add3A_341 : vector<16xi32>
        %and3A = arith.constant 127 : i32
        %and3A_343 = vector.broadcast %and3A : i32 to vector<16xi32>
        %and3A_344 = arith.andi %add3A_342, %and3A_343 : vector<16xi32>
        %gather3A = tpu.vector_load_idx %arg8[%add3A_51, %and3A_344] : memref<128x128xf32, #tpu.memory_space<vmem>>[vector<16xi32>, vector<16xi32>], vector<16xf32>,
        %gather3A_345 = tpu.vector_load_idx %arg9[%add3A_51, %and3A_344] : memref<128x128xf32, #tpu.memory_space<vmem>>[vector<16xi32>, vector<16xi32>], vector<16xf32>,
        %sub3A = arith.subf %gather3A, %gather3A_345 : vector<16xf32>
        %abs3A = math.absf %sub3A : vector<16xf32>
        %add3A_346 = arith.addf %scan3A_336, %abs3A : vector<16xf32>
        %mul3A_347 = arith.constant 8 : i32
        %mul3A_348 = arith.muli %scan3A_335, %mul3A_347 : i32
        %add3A_349 = arith.constant 1 : i32
        %add3A_350 = arith.addi %mul3A_348, %add3A_349 : i32
        %add3A_351 = vector.broadcast %add3A_350 : i32 to vector<16xi32>
        %add3A_352 = arith.addi %iota3A, %add3A_351 : vector<16xi32>
        %and3A_353 = arith.constant 127 : i32
        %and3A_354 = vector.broadcast %and3A_353 : i32 to vector<16xi32>
        %and3A_355 = arith.andi %add3A_352, %and3A_354 : vector<16xi32>
        %gather3A_356 = tpu.vector_load_idx %arg8[%add3A_51, %and3A_355] : memref<128x128xf32, #tpu.memory_space<vmem>>[vector<16xi32>, vector<16xi32>], vector<16xf32>,
        %gather3A_357 = tpu.vector_load_idx %arg9[%add3A_51, %and3A_355] : memref<128x128xf32, #tpu.memory_space<vmem>>[vector<16xi32>, vector<16xi32>], vector<16xf32>,
        %sub3A_358 = arith.subf %gather3A_356, %gather3A_357 : vector<16xf32>
        %abs3A_359 = math.absf %sub3A_358 : vector<16xf32>
        %add3A_360 = arith.addf %add3A_346, %abs3A_359 : vector<16xf32>
        %mul3A_361 = arith.constant 8 : i32
        %mul3A_362 = arith.muli %scan3A_335, %mul3A_361 : i32
        %add3A_363 = arith.constant 2 : i32
        %add3A_364 = arith.addi %mul3A_362, %add3A_363 : i32
        %add3A_365 = vector.broadcast %add3A_364 : i32 to vector<16xi32>
        %add3A_366 = arith.addi %iota3A, %add3A_365 : vector<16xi32>
        %and3A_367 = arith.constant 127 : i32
        %and3A_368 = vector.broadcast %and3A_367 : i32 to vector<16xi32>
        %and3A_369 = arith.andi %add3A_366, %and3A_368 : vector<16xi32>
        %gather3A_370 = tpu.vector_load_idx %arg8[%add3A_51, %and3A_369] : memref<128x128xf32, #tpu.memory_space<vmem>>[vector<16xi32>, vector<16xi32>], vector<16xf32>,
        %gather3A_371 = tpu.vector_load_idx %arg9[%add3A_51, %and3A_369] : memref<128x128xf32, #tpu.memory_space<vmem>>[vector<16xi32>, vector<16xi32>], vector<16xf32>,
        %sub3A_372 = arith.subf %gather3A_370, %gather3A_371 : vector<16xf32>
        %abs3A_373 = math.absf %sub3A_372 : vector<16xf32>
        %add3A_374 = arith.addf %add3A_360, %abs3A_373 : vector<16xf32>
        %mul3A_375 = arith.constant 8 : i32
        %mul3A_376 = arith.muli %scan3A_335, %mul3A_375 : i32
        %add3A_377 = arith.constant 3 : i32
        %add3A_378 = arith.addi %mul3A_376, %add3A_377 : i32
        %add3A_379 = vector.broadcast %add3A_378 : i32 to vector<16xi32>
        %add3A_380 = arith.addi %iota3A, %add3A_379 : vector<16xi32>
        %and3A_381 = arith.constant 127 : i32
        %and3A_382 = vector.broadcast %and3A_381 : i32 to vector<16xi32>
        %and3A_383 = arith.andi %add3A_380, %and3A_382 : vector<16xi32>
        %gather3A_384 = tpu.vector_load_idx %arg8[%add3A_51, %and3A_383] : memref<128x128xf32, #tpu.memory_space<vmem>>[vector<16xi32>, vector<16xi32>], vector<16xf32>,
        %gather3A_385 = tpu.vector_load_idx %arg9[%add3A_51, %and3A_383] : memref<128x128xf32, #tpu.memory_space<vmem>>[vector<16xi32>, vector<16xi32>], vector<16xf32>,
        %sub3A_386 = arith.subf %gather3A_384, %gather3A_385 : vector<16xf32>
        %abs3A_387 = math.absf %sub3A_386 : vector<16xf32>
        %add3A_388 = arith.addf %add3A_374, %abs3A_387 : vector<16xf32>
        %mul3A_389 = arith.constant 8 : i32
        %mul3A_390 = arith.muli %scan3A_335, %mul3A_389 : i32
        %add3A_391 = arith.constant 4 : i32
        %add3A_392 = arith.addi %mul3A_390, %add3A_391 : i32
        %add3A_393 = vector.broadcast %add3A_392 : i32 to vector<16xi32>
        %add3A_394 = arith.addi %iota3A, %add3A_393 : vector<16xi32>
        %and3A_395 = arith.constant 127 : i32
        %and3A_396 = vector.broadcast %and3A_395 : i32 to vector<16xi32>
        %and3A_397 = arith.andi %add3A_394, %and3A_396 : vector<16xi32>
        %gather3A_398 = tpu.vector_load_idx %arg8[%add3A_51, %and3A_397] : memref<128x128xf32, #tpu.memory_space<vmem>>[vector<16xi32>, vector<16xi32>], vector<16xf32>,
        %gather3A_399 = tpu.vector_load_idx %arg9[%add3A_51, %and3A_397] : memref<128x128xf32, #tpu.memory_space<vmem>>[vector<16xi32>, vector<16xi32>], vector<16xf32>,
        %sub3A_400 = arith.subf %gather3A_398, %gather3A_399 : vector<16xf32>
        %abs3A_401 = math.absf %sub3A_400 : vector<16xf32>
        %add3A_402 = arith.addf %add3A_388, %abs3A_401 : vector<16xf32>
        %mul3A_403 = arith.constant 8 : i32
        %mul3A_404 = arith.muli %scan3A_335, %mul3A_403 : i32
        %add3A_405 = arith.constant 5 : i32
        %add3A_406 = arith.addi %mul3A_404, %add3A_405 : i32
        %add3A_407 = vector.broadcast %add3A_406 : i32 to vector<16xi32>
        %add3A_408 = arith.addi %iota3A, %add3A_407 : vector<16xi32>
        %and3A_409 = arith.constant 127 : i32
        %and3A_410 = vector.broadcast %and3A_409 : i32 to vector<16xi32>
        %and3A_411 = arith.andi %add3A_408, %and3A_410 : vector<16xi32>
        %gather3A_412 = tpu.vector_load_idx %arg8[%add3A_51, %and3A_411] : memref<128x128xf32, #tpu.memory_space<vmem>>[vector<16xi32>, vector<16xi32>], vector<16xf32>,
        %gather3A_413 = tpu.vector_load_idx %arg9[%add3A_51, %and3A_411] : memref<128x128xf32, #tpu.memory_space<vmem>>[vector<16xi32>, vector<16xi32>], vector<16xf32>,
        %sub3A_414 = arith.subf %gather3A_412, %gather3A_413 : vector<16xf32>
        %abs3A_415 = math.absf %sub3A_414 : vector<16xf32>
        %add3A_416 = arith.addf %add3A_402, %abs3A_415 : vector<16xf32>
        %mul3A_417 = arith.constant 8 : i32
        %mul3A_418 = arith.muli %scan3A_335, %mul3A_417 : i32
        %add3A_419 = arith.constant 6 : i32
        %add3A_420 = arith.addi %mul3A_418, %add3A_419 : i32
        %add3A_421 = vector.broadcast %add3A_420 : i32 to vector<16xi32>
        %add3A_422 = arith.addi %iota3A, %add3A_421 : vector<16xi32>
        %and3A_423 = arith.constant 127 : i32
        %and3A_424 = vector.broadcast %and3A_423 : i32 to vector<16xi32>
        %and3A_425 = arith.andi %add3A_422, %and3A_424 : vector<16xi32>
        %gather3A_426 = tpu.vector_load_idx %arg8[%add3A_51, %and3A_425] : memref<128x128xf32, #tpu.memory_space<vmem>>[vector<16xi32>, vector<16xi32>], vector<16xf32>,
        %gather3A_427 = tpu.vector_load_idx %arg9[%add3A_51, %and3A_425] : memref<128x128xf32, #tpu.memory_space<vmem>>[vector<16xi32>, vector<16xi32>], vector<16xf32>,
        %sub3A_428 = arith.subf %gather3A_426, %gather3A_427 : vector<16xf32>
        %abs3A_429 = math.absf %sub3A_428 : vector<16xf32>
        %add3A_430 = arith.addf %add3A_416, %abs3A_429 : vector<16xf32>
        %mul3A_431 = arith.constant 8 : i32
        %mul3A_432 = arith.muli %scan3A_335, %mul3A_431 : i32
        %add3A_433 = arith.constant 7 : i32
        %add3A_434 = arith.addi %mul3A_432, %add3A_433 : i32
        %add3A_435 = vector.broadcast %add3A_434 : i32 to vector<16xi32>
        %add3A_436 = arith.addi %iota3A, %add3A_435 : vector<16xi32>
        %and3A_437 = arith.constant 127 : i32
        %and3A_438 = vector.broadcast %and3A_437 : i32 to vector<16xi32>
        %and3A_439 = arith.andi %add3A_436, %and3A_438 : vector<16xi32>
        %gather3A_440 = tpu.vector_load_idx %arg8[%add3A_51, %and3A_439] : memref<128x128xf32, #tpu.memory_space<vmem>>[vector<16xi32>, vector<16xi32>], vector<16xf32>,
        %gather3A_441 = tpu.vector_load_idx %arg9[%add3A_51, %and3A_439] : memref<128x128xf32, #tpu.memory_space<vmem>>[vector<16xi32>, vector<16xi32>], vector<16xf32>,
        %sub3A_442 = arith.subf %gather3A_440, %gather3A_441 : vector<16xf32>
        %abs3A_443 = math.absf %sub3A_442 : vector<16xf32>
        %add3A_444 = arith.addf %add3A_430, %abs3A_443 : vector<16xf32>
        scf.yield %add3A_444 : vector<16xf32>
      }
      %scan3A_58 = arith.constant 16 : i32
      %mul3A_59 = arith.constant 128 : i32
      %mul3A_60 = arith.muli %mul3A_23, %mul3A_59 : i32
      %add3A_61 = arith.constant 0 : i32
      %add3A_62 = arith.addi %mul3A_60, %add3A_61 : i32
      %swap3A = arith.index_cast %add3A_62 : i32 to index
      %swap3A_63 = tpu.vector_load %arg12[%swap3A] {strides = array<i32>} : memref<16128xf32, #tpu.memory_space<vmem>>, vector<16xf32>,
      tpu.vector_store %arg12[%swap3A], %scan3A_57 {strides = array<i32>} : memref<16128xf32, #tpu.memory_space<vmem>>, vector<16xf32>,
      %add3A_64 = arith.constant 16 : i32
      %add3A_65 = vector.broadcast %add3A_64 : i32 to vector<16xi32>
      %add3A_66 = arith.addi %iota3A, %add3A_65 : vector<16xi32>
      %broadcast_in_dim3A_67 = arith.constant 0.000000e+00 : f32
      %broadcast_in_dim3A_68 = vector.broadcast %broadcast_in_dim3A_67 : f32 to vector<16xf32>
      %scan3A_69 = arith.constant 0 : i32
      %scan3A_70 = arith.constant 16 : i32
      %scan3A_71 = arith.addi %scan3A_69, %scan3A_70 : i32
      %scan3A_72 = arith.constant 1 : i32
      %scan3A_73 = scf.for %scan3A_335 = %scan3A_69 to %scan3A_71 step %scan3A_72 iter_args(%scan3A_336 = %broadcast_in_dim3A_68) -> (vector<16xf32>)  : i32 {
        %mul3A_337 = arith.constant 8 : i32
        %mul3A_338 = arith.muli %scan3A_335, %mul3A_337 : i32
        %add3A_339 = arith.constant 0 : i32
        %add3A_340 = arith.addi %mul3A_338, %add3A_339 : i32
        %add3A_341 = vector.broadcast %add3A_340 : i32 to vector<16xi32>
        %add3A_342 = arith.addi %iota3A, %add3A_341 : vector<16xi32>
        %and3A = arith.constant 127 : i32
        %and3A_343 = vector.broadcast %and3A : i32 to vector<16xi32>
        %and3A_344 = arith.andi %add3A_342, %and3A_343 : vector<16xi32>
        %gather3A = tpu.vector_load_idx %arg8[%add3A_66, %and3A_344] : memref<128x128xf32, #tpu.memory_space<vmem>>[vector<16xi32>, vector<16xi32>], vector<16xf32>,
        %gather3A_345 = tpu.vector_load_idx %arg9[%add3A_66, %and3A_344] : memref<128x128xf32, #tpu.memory_space<vmem>>[vector<16xi32>, vector<16xi32>], vector<16xf32>,
        %sub3A = arith.subf %gather3A, %gather3A_345 : vector<16xf32>
        %abs3A = math.absf %sub3A : vector<16xf32>
        %add3A_346 = arith.addf %scan3A_336, %abs3A : vector<16xf32>
        %mul3A_347 = arith.constant 8 : i32
        %mul3A_348 = arith.muli %scan3A_335, %mul3A_347 : i32
        %add3A_349 = arith.constant 1 : i32
        %add3A_350 = arith.addi %mul3A_348, %add3A_349 : i32
        %add3A_351 = vector.broadcast %add3A_350 : i32 to vector<16xi32>
        %add3A_352 = arith.addi %iota3A, %add3A_351 : vector<16xi32>
        %and3A_353 = arith.constant 127 : i32
        %and3A_354 = vector.broadcast %and3A_353 : i32 to vector<16xi32>
        %and3A_355 = arith.andi %add3A_352, %and3A_354 : vector<16xi32>
        %gather3A_356 = tpu.vector_load_idx %arg8[%add3A_66, %and3A_355] : memref<128x128xf32, #tpu.memory_space<vmem>>[vector<16xi32>, vector<16xi32>], vector<16xf32>,
        %gather3A_357 = tpu.vector_load_idx %arg9[%add3A_66, %and3A_355] : memref<128x128xf32, #tpu.memory_space<vmem>>[vector<16xi32>, vector<16xi32>], vector<16xf32>,
        %sub3A_358 = arith.subf %gather3A_356, %gather3A_357 : vector<16xf32>
        %abs3A_359 = math.absf %sub3A_358 : vector<16xf32>
        %add3A_360 = arith.addf %add3A_346, %abs3A_359 : vector<16xf32>
        %mul3A_361 = arith.constant 8 : i32
        %mul3A_362 = arith.muli %scan3A_335, %mul3A_361 : i32
        %add3A_363 = arith.constant 2 : i32
        %add3A_364 = arith.addi %mul3A_362, %add3A_363 : i32
        %add3A_365 = vector.broadcast %add3A_364 : i32 to vector<16xi32>
        %add3A_366 = arith.addi %iota3A, %add3A_365 : vector<16xi32>
        %and3A_367 = arith.constant 127 : i32
        %and3A_368 = vector.broadcast %and3A_367 : i32 to vector<16xi32>
        %and3A_369 = arith.andi %add3A_366, %and3A_368 : vector<16xi32>
        %gather3A_370 = tpu.vector_load_idx %arg8[%add3A_66, %and3A_369] : memref<128x128xf32, #tpu.memory_space<vmem>>[vector<16xi32>, vector<16xi32>], vector<16xf32>,
        %gather3A_371 = tpu.vector_load_idx %arg9[%add3A_66, %and3A_369] : memref<128x128xf32, #tpu.memory_space<vmem>>[vector<16xi32>, vector<16xi32>], vector<16xf32>,
        %sub3A_372 = arith.subf %gather3A_370, %gather3A_371 : vector<16xf32>
        %abs3A_373 = math.absf %sub3A_372 : vector<16xf32>
        %add3A_374 = arith.addf %add3A_360, %abs3A_373 : vector<16xf32>
        %mul3A_375 = arith.constant 8 : i32
        %mul3A_376 = arith.muli %scan3A_335, %mul3A_375 : i32
        %add3A_377 = arith.constant 3 : i32
        %add3A_378 = arith.addi %mul3A_376, %add3A_377 : i32
        %add3A_379 = vector.broadcast %add3A_378 : i32 to vector<16xi32>
        %add3A_380 = arith.addi %iota3A, %add3A_379 : vector<16xi32>
        %and3A_381 = arith.constant 127 : i32
        %and3A_382 = vector.broadcast %and3A_381 : i32 to vector<16xi32>
        %and3A_383 = arith.andi %add3A_380, %and3A_382 : vector<16xi32>
        %gather3A_384 = tpu.vector_load_idx %arg8[%add3A_66, %and3A_383] : memref<128x128xf32, #tpu.memory_space<vmem>>[vector<16xi32>, vector<16xi32>], vector<16xf32>,
        %gather3A_385 = tpu.vector_load_idx %arg9[%add3A_66, %and3A_383] : memref<128x128xf32, #tpu.memory_space<vmem>>[vector<16xi32>, vector<16xi32>], vector<16xf32>,
        %sub3A_386 = arith.subf %gather3A_384, %gather3A_385 : vector<16xf32>
        %abs3A_387 = math.absf %sub3A_386 : vector<16xf32>
        %add3A_388 = arith.addf %add3A_374, %abs3A_387 : vector<16xf32>
        %mul3A_389 = arith.constant 8 : i32
        %mul3A_390 = arith.muli %scan3A_335, %mul3A_389 : i32
        %add3A_391 = arith.constant 4 : i32
        %add3A_392 = arith.addi %mul3A_390, %add3A_391 : i32
        %add3A_393 = vector.broadcast %add3A_392 : i32 to vector<16xi32>
        %add3A_394 = arith.addi %iota3A, %add3A_393 : vector<16xi32>
        %and3A_395 = arith.constant 127 : i32
        %and3A_396 = vector.broadcast %and3A_395 : i32 to vector<16xi32>
        %and3A_397 = arith.andi %add3A_394, %and3A_396 : vector<16xi32>
        %gather3A_398 = tpu.vector_load_idx %arg8[%add3A_66, %and3A_397] : memref<128x128xf32, #tpu.memory_space<vmem>>[vector<16xi32>, vector<16xi32>], vector<16xf32>,
        %gather3A_399 = tpu.vector_load_idx %arg9[%add3A_66, %and3A_397] : memref<128x128xf32, #tpu.memory_space<vmem>>[vector<16xi32>, vector<16xi32>], vector<16xf32>,
        %sub3A_400 = arith.subf %gather3A_398, %gather3A_399 : vector<16xf32>
        %abs3A_401 = math.absf %sub3A_400 : vector<16xf32>
        %add3A_402 = arith.addf %add3A_388, %abs3A_401 : vector<16xf32>
        %mul3A_403 = arith.constant 8 : i32
        %mul3A_404 = arith.muli %scan3A_335, %mul3A_403 : i32
        %add3A_405 = arith.constant 5 : i32
        %add3A_406 = arith.addi %mul3A_404, %add3A_405 : i32
        %add3A_407 = vector.broadcast %add3A_406 : i32 to vector<16xi32>
        %add3A_408 = arith.addi %iota3A, %add3A_407 : vector<16xi32>
        %and3A_409 = arith.constant 127 : i32
        %and3A_410 = vector.broadcast %and3A_409 : i32 to vector<16xi32>
        %and3A_411 = arith.andi %add3A_408, %and3A_410 : vector<16xi32>
        %gather3A_412 = tpu.vector_load_idx %arg8[%add3A_66, %and3A_411] : memref<128x128xf32, #tpu.memory_space<vmem>>[vector<16xi32>, vector<16xi32>], vector<16xf32>,
        %gather3A_413 = tpu.vector_load_idx %arg9[%add3A_66, %and3A_411] : memref<128x128xf32, #tpu.memory_space<vmem>>[vector<16xi32>, vector<16xi32>], vector<16xf32>,
        %sub3A_414 = arith.subf %gather3A_412, %gather3A_413 : vector<16xf32>
        %abs3A_415 = math.absf %sub3A_414 : vector<16xf32>
        %add3A_416 = arith.addf %add3A_402, %abs3A_415 : vector<16xf32>
        %mul3A_417 = arith.constant 8 : i32
        %mul3A_418 = arith.muli %scan3A_335, %mul3A_417 : i32
        %add3A_419 = arith.constant 6 : i32
        %add3A_420 = arith.addi %mul3A_418, %add3A_419 : i32
        %add3A_421 = vector.broadcast %add3A_420 : i32 to vector<16xi32>
        %add3A_422 = arith.addi %iota3A, %add3A_421 : vector<16xi32>
        %and3A_423 = arith.constant 127 : i32
        %and3A_424 = vector.broadcast %and3A_423 : i32 to vector<16xi32>
        %and3A_425 = arith.andi %add3A_422, %and3A_424 : vector<16xi32>
        %gather3A_426 = tpu.vector_load_idx %arg8[%add3A_66, %and3A_425] : memref<128x128xf32, #tpu.memory_space<vmem>>[vector<16xi32>, vector<16xi32>], vector<16xf32>,
        %gather3A_427 = tpu.vector_load_idx %arg9[%add3A_66, %and3A_425] : memref<128x128xf32, #tpu.memory_space<vmem>>[vector<16xi32>, vector<16xi32>], vector<16xf32>,
        %sub3A_428 = arith.subf %gather3A_426, %gather3A_427 : vector<16xf32>
        %abs3A_429 = math.absf %sub3A_428 : vector<16xf32>
        %add3A_430 = arith.addf %add3A_416, %abs3A_429 : vector<16xf32>
        %mul3A_431 = arith.constant 8 : i32
        %mul3A_432 = arith.muli %scan3A_335, %mul3A_431 : i32
        %add3A_433 = arith.constant 7 : i32
        %add3A_434 = arith.addi %mul3A_432, %add3A_433 : i32
        %add3A_435 = vector.broadcast %add3A_434 : i32 to vector<16xi32>
        %add3A_436 = arith.addi %iota3A, %add3A_435 : vector<16xi32>
        %and3A_437 = arith.constant 127 : i32
        %and3A_438 = vector.broadcast %and3A_437 : i32 to vector<16xi32>
        %and3A_439 = arith.andi %add3A_436, %and3A_438 : vector<16xi32>
        %gather3A_440 = tpu.vector_load_idx %arg8[%add3A_66, %and3A_439] : memref<128x128xf32, #tpu.memory_space<vmem>>[vector<16xi32>, vector<16xi32>], vector<16xf32>,
        %gather3A_441 = tpu.vector_load_idx %arg9[%add3A_66, %and3A_439] : memref<128x128xf32, #tpu.memory_space<vmem>>[vector<16xi32>, vector<16xi32>], vector<16xf32>,
        %sub3A_442 = arith.subf %gather3A_440, %gather3A_441 : vector<16xf32>
        %abs3A_443 = math.absf %sub3A_442 : vector<16xf32>
        %add3A_444 = arith.addf %add3A_430, %abs3A_443 : vector<16xf32>
        scf.yield %add3A_444 : vector<16xf32>
      }
      %scan3A_74 = arith.constant 16 : i32
      %mul3A_75 = arith.constant 128 : i32
      %mul3A_76 = arith.muli %mul3A_23, %mul3A_75 : i32
      %add3A_77 = arith.constant 16 : i32
      %add3A_78 = arith.addi %mul3A_76, %add3A_77 : i32
      %swap3A_79 = arith.index_cast %add3A_78 : i32 to index
      %swap3A_80 = tpu.vector_load %arg12[%swap3A_79] {strides = array<i32>} : memref<16128xf32, #tpu.memory_space<vmem>>, vector<16xf32>,
      tpu.vector_store %arg12[%swap3A_79], %scan3A_73 {strides = array<i32>} : memref<16128xf32, #tpu.memory_space<vmem>>, vector<16xf32>,
      %add3A_81 = arith.constant 32 : i32
      %add3A_82 = vector.broadcast %add3A_81 : i32 to vector<16xi32>
      %add3A_83 = arith.addi %iota3A, %add3A_82 : vector<16xi32>
      %broadcast_in_dim3A_84 = arith.constant 0.000000e+00 : f32
      %broadcast_in_dim3A_85 = vector.broadcast %broadcast_in_dim3A_84 : f32 to vector<16xf32>
      %scan3A_86 = arith.constant 0 : i32
      %scan3A_87 = arith.constant 16 : i32
      %scan3A_88 = arith.addi %scan3A_86, %scan3A_87 : i32
      %scan3A_89 = arith.constant 1 : i32
      %scan3A_90 = scf.for %scan3A_335 = %scan3A_86 to %scan3A_88 step %scan3A_89 iter_args(%scan3A_336 = %broadcast_in_dim3A_85) -> (vector<16xf32>)  : i32 {
        %mul3A_337 = arith.constant 8 : i32
        %mul3A_338 = arith.muli %scan3A_335, %mul3A_337 : i32
        %add3A_339 = arith.constant 0 : i32
        %add3A_340 = arith.addi %mul3A_338, %add3A_339 : i32
        %add3A_341 = vector.broadcast %add3A_340 : i32 to vector<16xi32>
        %add3A_342 = arith.addi %iota3A, %add3A_341 : vector<16xi32>
        %and3A = arith.constant 127 : i32
        %and3A_343 = vector.broadcast %and3A : i32 to vector<16xi32>
        %and3A_344 = arith.andi %add3A_342, %and3A_343 : vector<16xi32>
        %gather3A = tpu.vector_load_idx %arg8[%add3A_83, %and3A_344] : memref<128x128xf32, #tpu.memory_space<vmem>>[vector<16xi32>, vector<16xi32>], vector<16xf32>,
        %gather3A_345 = tpu.vector_load_idx %arg9[%add3A_83, %and3A_344] : memref<128x128xf32, #tpu.memory_space<vmem>>[vector<16xi32>, vector<16xi32>], vector<16xf32>,
        %sub3A = arith.subf %gather3A, %gather3A_345 : vector<16xf32>
        %abs3A = math.absf %sub3A : vector<16xf32>
        %add3A_346 = arith.addf %scan3A_336, %abs3A : vector<16xf32>
        %mul3A_347 = arith.constant 8 : i32
        %mul3A_348 = arith.muli %scan3A_335, %mul3A_347 : i32
        %add3A_349 = arith.constant 1 : i32
        %add3A_350 = arith.addi %mul3A_348, %add3A_349 : i32
        %add3A_351 = vector.broadcast %add3A_350 : i32 to vector<16xi32>
        %add3A_352 = arith.addi %iota3A, %add3A_351 : vector<16xi32>
        %and3A_353 = arith.constant 127 : i32
        %and3A_354 = vector.broadcast %and3A_353 : i32 to vector<16xi32>
        %and3A_355 = arith.andi %add3A_352, %and3A_354 : vector<16xi32>
        %gather3A_356 = tpu.vector_load_idx %arg8[%add3A_83, %and3A_355] : memref<128x128xf32, #tpu.memory_space<vmem>>[vector<16xi32>, vector<16xi32>], vector<16xf32>,
        %gather3A_357 = tpu.vector_load_idx %arg9[%add3A_83, %and3A_355] : memref<128x128xf32, #tpu.memory_space<vmem>>[vector<16xi32>, vector<16xi32>], vector<16xf32>,
        %sub3A_358 = arith.subf %gather3A_356, %gather3A_357 : vector<16xf32>
        %abs3A_359 = math.absf %sub3A_358 : vector<16xf32>
        %add3A_360 = arith.addf %add3A_346, %abs3A_359 : vector<16xf32>
        %mul3A_361 = arith.constant 8 : i32
        %mul3A_362 = arith.muli %scan3A_335, %mul3A_361 : i32
        %add3A_363 = arith.constant 2 : i32
        %add3A_364 = arith.addi %mul3A_362, %add3A_363 : i32
        %add3A_365 = vector.broadcast %add3A_364 : i32 to vector<16xi32>
        %add3A_366 = arith.addi %iota3A, %add3A_365 : vector<16xi32>
        %and3A_367 = arith.constant 127 : i32
        %and3A_368 = vector.broadcast %and3A_367 : i32 to vector<16xi32>
        %and3A_369 = arith.andi %add3A_366, %and3A_368 : vector<16xi32>
        %gather3A_370 = tpu.vector_load_idx %arg8[%add3A_83, %and3A_369] : memref<128x128xf32, #tpu.memory_space<vmem>>[vector<16xi32>, vector<16xi32>], vector<16xf32>,
        %gather3A_371 = tpu.vector_load_idx %arg9[%add3A_83, %and3A_369] : memref<128x128xf32, #tpu.memory_space<vmem>>[vector<16xi32>, vector<16xi32>], vector<16xf32>,
        %sub3A_372 = arith.subf %gather3A_370, %gather3A_371 : vector<16xf32>
        %abs3A_373 = math.absf %sub3A_372 : vector<16xf32>
        %add3A_374 = arith.addf %add3A_360, %abs3A_373 : vector<16xf32>
        %mul3A_375 = arith.constant 8 : i32
        %mul3A_376 = arith.muli %scan3A_335, %mul3A_375 : i32
        %add3A_377 = arith.constant 3 : i32
        %add3A_378 = arith.addi %mul3A_376, %add3A_377 : i32
        %add3A_379 = vector.broadcast %add3A_378 : i32 to vector<16xi32>
        %add3A_380 = arith.addi %iota3A, %add3A_379 : vector<16xi32>
        %and3A_381 = arith.constant 127 : i32
        %and3A_382 = vector.broadcast %and3A_381 : i32 to vector<16xi32>
        %and3A_383 = arith.andi %add3A_380, %and3A_382 : vector<16xi32>
        %gather3A_384 = tpu.vector_load_idx %arg8[%add3A_83, %and3A_383] : memref<128x128xf32, #tpu.memory_space<vmem>>[vector<16xi32>, vector<16xi32>], vector<16xf32>,
        %gather3A_385 = tpu.vector_load_idx %arg9[%add3A_83, %and3A_383] : memref<128x128xf32, #tpu.memory_space<vmem>>[vector<16xi32>, vector<16xi32>], vector<16xf32>,
        %sub3A_386 = arith.subf %gather3A_384, %gather3A_385 : vector<16xf32>
        %abs3A_387 = math.absf %sub3A_386 : vector<16xf32>
        %add3A_388 = arith.addf %add3A_374, %abs3A_387 : vector<16xf32>
        %mul3A_389 = arith.constant 8 : i32
        %mul3A_390 = arith.muli %scan3A_335, %mul3A_389 : i32
        %add3A_391 = arith.constant 4 : i32
        %add3A_392 = arith.addi %mul3A_390, %add3A_391 : i32
        %add3A_393 = vector.broadcast %add3A_392 : i32 to vector<16xi32>
        %add3A_394 = arith.addi %iota3A, %add3A_393 : vector<16xi32>
        %and3A_395 = arith.constant 127 : i32
        %and3A_396 = vector.broadcast %and3A_395 : i32 to vector<16xi32>
        %and3A_397 = arith.andi %add3A_394, %and3A_396 : vector<16xi32>
        %gather3A_398 = tpu.vector_load_idx %arg8[%add3A_83, %and3A_397] : memref<128x128xf32, #tpu.memory_space<vmem>>[vector<16xi32>, vector<16xi32>], vector<16xf32>,
        %gather3A_399 = tpu.vector_load_idx %arg9[%add3A_83, %and3A_397] : memref<128x128xf32, #tpu.memory_space<vmem>>[vector<16xi32>, vector<16xi32>], vector<16xf32>,
        %sub3A_400 = arith.subf %gather3A_398, %gather3A_399 : vector<16xf32>
        %abs3A_401 = math.absf %sub3A_400 : vector<16xf32>
        %add3A_402 = arith.addf %add3A_388, %abs3A_401 : vector<16xf32>
        %mul3A_403 = arith.constant 8 : i32
        %mul3A_404 = arith.muli %scan3A_335, %mul3A_403 : i32
        %add3A_405 = arith.constant 5 : i32
        %add3A_406 = arith.addi %mul3A_404, %add3A_405 : i32
        %add3A_407 = vector.broadcast %add3A_406 : i32 to vector<16xi32>
        %add3A_408 = arith.addi %iota3A, %add3A_407 : vector<16xi32>
        %and3A_409 = arith.constant 127 : i32
        %and3A_410 = vector.broadcast %and3A_409 : i32 to vector<16xi32>
        %and3A_411 = arith.andi %add3A_408, %and3A_410 : vector<16xi32>
        %gather3A_412 = tpu.vector_load_idx %arg8[%add3A_83, %and3A_411] : memref<128x128xf32, #tpu.memory_space<vmem>>[vector<16xi32>, vector<16xi32>], vector<16xf32>,
        %gather3A_413 = tpu.vector_load_idx %arg9[%add3A_83, %and3A_411] : memref<128x128xf32, #tpu.memory_space<vmem>>[vector<16xi32>, vector<16xi32>], vector<16xf32>,
        %sub3A_414 = arith.subf %gather3A_412, %gather3A_413 : vector<16xf32>
        %abs3A_415 = math.absf %sub3A_414 : vector<16xf32>
        %add3A_416 = arith.addf %add3A_402, %abs3A_415 : vector<16xf32>
        %mul3A_417 = arith.constant 8 : i32
        %mul3A_418 = arith.muli %scan3A_335, %mul3A_417 : i32
        %add3A_419 = arith.constant 6 : i32
        %add3A_420 = arith.addi %mul3A_418, %add3A_419 : i32
        %add3A_421 = vector.broadcast %add3A_420 : i32 to vector<16xi32>
        %add3A_422 = arith.addi %iota3A, %add3A_421 : vector<16xi32>
        %and3A_423 = arith.constant 127 : i32
        %and3A_424 = vector.broadcast %and3A_423 : i32 to vector<16xi32>
        %and3A_425 = arith.andi %add3A_422, %and3A_424 : vector<16xi32>
        %gather3A_426 = tpu.vector_load_idx %arg8[%add3A_83, %and3A_425] : memref<128x128xf32, #tpu.memory_space<vmem>>[vector<16xi32>, vector<16xi32>], vector<16xf32>,
        %gather3A_427 = tpu.vector_load_idx %arg9[%add3A_83, %and3A_425] : memref<128x128xf32, #tpu.memory_space<vmem>>[vector<16xi32>, vector<16xi32>], vector<16xf32>,
        %sub3A_428 = arith.subf %gather3A_426, %gather3A_427 : vector<16xf32>
        %abs3A_429 = math.absf %sub3A_428 : vector<16xf32>
        %add3A_430 = arith.addf %add3A_416, %abs3A_429 : vector<16xf32>
        %mul3A_431 = arith.constant 8 : i32
        %mul3A_432 = arith.muli %scan3A_335, %mul3A_431 : i32
        %add3A_433 = arith.constant 7 : i32
        %add3A_434 = arith.addi %mul3A_432, %add3A_433 : i32
        %add3A_435 = vector.broadcast %add3A_434 : i32 to vector<16xi32>
        %add3A_436 = arith.addi %iota3A, %add3A_435 : vector<16xi32>
        %and3A_437 = arith.constant 127 : i32
        %and3A_438 = vector.broadcast %and3A_437 : i32 to vector<16xi32>
        %and3A_439 = arith.andi %add3A_436, %and3A_438 : vector<16xi32>
        %gather3A_440 = tpu.vector_load_idx %arg8[%add3A_83, %and3A_439] : memref<128x128xf32, #tpu.memory_space<vmem>>[vector<16xi32>, vector<16xi32>], vector<16xf32>,
        %gather3A_441 = tpu.vector_load_idx %arg9[%add3A_83, %and3A_439] : memref<128x128xf32, #tpu.memory_space<vmem>>[vector<16xi32>, vector<16xi32>], vector<16xf32>,
        %sub3A_442 = arith.subf %gather3A_440, %gather3A_441 : vector<16xf32>
        %abs3A_443 = math.absf %sub3A_442 : vector<16xf32>
        %add3A_444 = arith.addf %add3A_430, %abs3A_443 : vector<16xf32>
        scf.yield %add3A_444 : vector<16xf32>
      }
      %scan3A_91 = arith.constant 16 : i32
      %mul3A_92 = arith.constant 128 : i32
      %mul3A_93 = arith.muli %mul3A_23, %mul3A_92 : i32
      %add3A_94 = arith.constant 32 : i32
      %add3A_95 = arith.addi %mul3A_93, %add3A_94 : i32
      %swap3A_96 = arith.index_cast %add3A_95 : i32 to index
      %swap3A_97 = tpu.vector_load %arg12[%swap3A_96] {strides = array<i32>} : memref<16128xf32, #tpu.memory_space<vmem>>, vector<16xf32>,
      tpu.vector_store %arg12[%swap3A_96], %scan3A_90 {strides = array<i32>} : memref<16128xf32, #tpu.memory_space<vmem>>, vector<16xf32>,
      %add3A_98 = arith.constant 48 : i32
      %add3A_99 = vector.broadcast %add3A_98 : i32 to vector<16xi32>
      %add3A_100 = arith.addi %iota3A, %add3A_99 : vector<16xi32>
      %broadcast_in_dim3A_101 = arith.constant 0.000000e+00 : f32
      %broadcast_in_dim3A_102 = vector.broadcast %broadcast_in_dim3A_101 : f32 to vector<16xf32>
      %scan3A_103 = arith.constant 0 : i32
      %scan3A_104 = arith.constant 16 : i32
      %scan3A_105 = arith.addi %scan3A_103, %scan3A_104 : i32
      %scan3A_106 = arith.constant 1 : i32
      %scan3A_107 = scf.for %scan3A_335 = %scan3A_103 to %scan3A_105 step %scan3A_106 iter_args(%scan3A_336 = %broadcast_in_dim3A_102) -> (vector<16xf32>)  : i32 {
        %mul3A_337 = arith.constant 8 : i32
        %mul3A_338 = arith.muli %scan3A_335, %mul3A_337 : i32
        %add3A_339 = arith.constant 0 : i32
        %add3A_340 = arith.addi %mul3A_338, %add3A_339 : i32
        %add3A_341 = vector.broadcast %add3A_340 : i32 to vector<16xi32>
        %add3A_342 = arith.addi %iota3A, %add3A_341 : vector<16xi32>
        %and3A = arith.constant 127 : i32
        %and3A_343 = vector.broadcast %and3A : i32 to vector<16xi32>
        %and3A_344 = arith.andi %add3A_342, %and3A_343 : vector<16xi32>
        %gather3A = tpu.vector_load_idx %arg8[%add3A_100, %and3A_344] : memref<128x128xf32, #tpu.memory_space<vmem>>[vector<16xi32>, vector<16xi32>], vector<16xf32>,
        %gather3A_345 = tpu.vector_load_idx %arg9[%add3A_100, %and3A_344] : memref<128x128xf32, #tpu.memory_space<vmem>>[vector<16xi32>, vector<16xi32>], vector<16xf32>,
        %sub3A = arith.subf %gather3A, %gather3A_345 : vector<16xf32>
        %abs3A = math.absf %sub3A : vector<16xf32>
        %add3A_346 = arith.addf %scan3A_336, %abs3A : vector<16xf32>
        %mul3A_347 = arith.constant 8 : i32
        %mul3A_348 = arith.muli %scan3A_335, %mul3A_347 : i32
        %add3A_349 = arith.constant 1 : i32
        %add3A_350 = arith.addi %mul3A_348, %add3A_349 : i32
        %add3A_351 = vector.broadcast %add3A_350 : i32 to vector<16xi32>
        %add3A_352 = arith.addi %iota3A, %add3A_351 : vector<16xi32>
        %and3A_353 = arith.constant 127 : i32
        %and3A_354 = vector.broadcast %and3A_353 : i32 to vector<16xi32>
        %and3A_355 = arith.andi %add3A_352, %and3A_354 : vector<16xi32>
        %gather3A_356 = tpu.vector_load_idx %arg8[%add3A_100, %and3A_355] : memref<128x128xf32, #tpu.memory_space<vmem>>[vector<16xi32>, vector<16xi32>], vector<16xf32>,
        %gather3A_357 = tpu.vector_load_idx %arg9[%add3A_100, %and3A_355] : memref<128x128xf32, #tpu.memory_space<vmem>>[vector<16xi32>, vector<16xi32>], vector<16xf32>,
        %sub3A_358 = arith.subf %gather3A_356, %gather3A_357 : vector<16xf32>
        %abs3A_359 = math.absf %sub3A_358 : vector<16xf32>
        %add3A_360 = arith.addf %add3A_346, %abs3A_359 : vector<16xf32>
        %mul3A_361 = arith.constant 8 : i32
        %mul3A_362 = arith.muli %scan3A_335, %mul3A_361 : i32
        %add3A_363 = arith.constant 2 : i32
        %add3A_364 = arith.addi %mul3A_362, %add3A_363 : i32
        %add3A_365 = vector.broadcast %add3A_364 : i32 to vector<16xi32>
        %add3A_366 = arith.addi %iota3A, %add3A_365 : vector<16xi32>
        %and3A_367 = arith.constant 127 : i32
        %and3A_368 = vector.broadcast %and3A_367 : i32 to vector<16xi32>
        %and3A_369 = arith.andi %add3A_366, %and3A_368 : vector<16xi32>
        %gather3A_370 = tpu.vector_load_idx %arg8[%add3A_100, %and3A_369] : memref<128x128xf32, #tpu.memory_space<vmem>>[vector<16xi32>, vector<16xi32>], vector<16xf32>,
        %gather3A_371 = tpu.vector_load_idx %arg9[%add3A_100, %and3A_369] : memref<128x128xf32, #tpu.memory_space<vmem>>[vector<16xi32>, vector<16xi32>], vector<16xf32>,
        %sub3A_372 = arith.subf %gather3A_370, %gather3A_371 : vector<16xf32>
        %abs3A_373 = math.absf %sub3A_372 : vector<16xf32>
        %add3A_374 = arith.addf %add3A_360, %abs3A_373 : vector<16xf32>
        %mul3A_375 = arith.constant 8 : i32
        %mul3A_376 = arith.muli %scan3A_335, %mul3A_375 : i32
        %add3A_377 = arith.constant 3 : i32
        %add3A_378 = arith.addi %mul3A_376, %add3A_377 : i32
        %add3A_379 = vector.broadcast %add3A_378 : i32 to vector<16xi32>
        %add3A_380 = arith.addi %iota3A, %add3A_379 : vector<16xi32>
        %and3A_381 = arith.constant 127 : i32
        %and3A_382 = vector.broadcast %and3A_381 : i32 to vector<16xi32>
        %and3A_383 = arith.andi %add3A_380, %and3A_382 : vector<16xi32>
        %gather3A_384 = tpu.vector_load_idx %arg8[%add3A_100, %and3A_383] : memref<128x128xf32, #tpu.memory_space<vmem>>[vector<16xi32>, vector<16xi32>], vector<16xf32>,
        %gather3A_385 = tpu.vector_load_idx %arg9[%add3A_100, %and3A_383] : memref<128x128xf32, #tpu.memory_space<vmem>>[vector<16xi32>, vector<16xi32>], vector<16xf32>,
        %sub3A_386 = arith.subf %gather3A_384, %gather3A_385 : vector<16xf32>
        %abs3A_387 = math.absf %sub3A_386 : vector<16xf32>
        %add3A_388 = arith.addf %add3A_374, %abs3A_387 : vector<16xf32>
        %mul3A_389 = arith.constant 8 : i32
        %mul3A_390 = arith.muli %scan3A_335, %mul3A_389 : i32
        %add3A_391 = arith.constant 4 : i32
        %add3A_392 = arith.addi %mul3A_390, %add3A_391 : i32
        %add3A_393 = vector.broadcast %add3A_392 : i32 to vector<16xi32>
        %add3A_394 = arith.addi %iota3A, %add3A_393 : vector<16xi32>
        %and3A_395 = arith.constant 127 : i32
        %and3A_396 = vector.broadcast %and3A_395 : i32 to vector<16xi32>
        %and3A_397 = arith.andi %add3A_394, %and3A_396 : vector<16xi32>
        %gather3A_398 = tpu.vector_load_idx %arg8[%add3A_100, %and3A_397] : memref<128x128xf32, #tpu.memory_space<vmem>>[vector<16xi32>, vector<16xi32>], vector<16xf32>,
        %gather3A_399 = tpu.vector_load_idx %arg9[%add3A_100, %and3A_397] : memref<128x128xf32, #tpu.memory_space<vmem>>[vector<16xi32>, vector<16xi32>], vector<16xf32>,
        %sub3A_400 = arith.subf %gather3A_398, %gather3A_399 : vector<16xf32>
        %abs3A_401 = math.absf %sub3A_400 : vector<16xf32>
        %add3A_402 = arith.addf %add3A_388, %abs3A_401 : vector<16xf32>
        %mul3A_403 = arith.constant 8 : i32
        %mul3A_404 = arith.muli %scan3A_335, %mul3A_403 : i32
        %add3A_405 = arith.constant 5 : i32
        %add3A_406 = arith.addi %mul3A_404, %add3A_405 : i32
        %add3A_407 = vector.broadcast %add3A_406 : i32 to vector<16xi32>
        %add3A_408 = arith.addi %iota3A, %add3A_407 : vector<16xi32>
        %and3A_409 = arith.constant 127 : i32
        %and3A_410 = vector.broadcast %and3A_409 : i32 to vector<16xi32>
        %and3A_411 = arith.andi %add3A_408, %and3A_410 : vector<16xi32>
        %gather3A_412 = tpu.vector_load_idx %arg8[%add3A_100, %and3A_411] : memref<128x128xf32, #tpu.memory_space<vmem>>[vector<16xi32>, vector<16xi32>], vector<16xf32>,
        %gather3A_413 = tpu.vector_load_idx %arg9[%add3A_100, %and3A_411] : memref<128x128xf32, #tpu.memory_space<vmem>>[vector<16xi32>, vector<16xi32>], vector<16xf32>,
        %sub3A_414 = arith.subf %gather3A_412, %gather3A_413 : vector<16xf32>
        %abs3A_415 = math.absf %sub3A_414 : vector<16xf32>
        %add3A_416 = arith.addf %add3A_402, %abs3A_415 : vector<16xf32>
        %mul3A_417 = arith.constant 8 : i32
        %mul3A_418 = arith.muli %scan3A_335, %mul3A_417 : i32
        %add3A_419 = arith.constant 6 : i32
        %add3A_420 = arith.addi %mul3A_418, %add3A_419 : i32
        %add3A_421 = vector.broadcast %add3A_420 : i32 to vector<16xi32>
        %add3A_422 = arith.addi %iota3A, %add3A_421 : vector<16xi32>
        %and3A_423 = arith.constant 127 : i32
        %and3A_424 = vector.broadcast %and3A_423 : i32 to vector<16xi32>
        %and3A_425 = arith.andi %add3A_422, %and3A_424 : vector<16xi32>
        %gather3A_426 = tpu.vector_load_idx %arg8[%add3A_100, %and3A_425] : memref<128x128xf32, #tpu.memory_space<vmem>>[vector<16xi32>, vector<16xi32>], vector<16xf32>,
        %gather3A_427 = tpu.vector_load_idx %arg9[%add3A_100, %and3A_425] : memref<128x128xf32, #tpu.memory_space<vmem>>[vector<16xi32>, vector<16xi32>], vector<16xf32>,
        %sub3A_428 = arith.subf %gather3A_426, %gather3A_427 : vector<16xf32>
        %abs3A_429 = math.absf %sub3A_428 : vector<16xf32>
        %add3A_430 = arith.addf %add3A_416, %abs3A_429 : vector<16xf32>
        %mul3A_431 = arith.constant 8 : i32
        %mul3A_432 = arith.muli %scan3A_335, %mul3A_431 : i32
        %add3A_433 = arith.constant 7 : i32
        %add3A_434 = arith.addi %mul3A_432, %add3A_433 : i32
        %add3A_435 = vector.broadcast %add3A_434 : i32 to vector<16xi32>
        %add3A_436 = arith.addi %iota3A, %add3A_435 : vector<16xi32>
        %and3A_437 = arith.constant 127 : i32
        %and3A_438 = vector.broadcast %and3A_437 : i32 to vector<16xi32>
        %and3A_439 = arith.andi %add3A_436, %and3A_438 : vector<16xi32>
        %gather3A_440 = tpu.vector_load_idx %arg8[%add3A_100, %and3A_439] : memref<128x128xf32, #tpu.memory_space<vmem>>[vector<16xi32>, vector<16xi32>], vector<16xf32>,
        %gather3A_441 = tpu.vector_load_idx %arg9[%add3A_100, %and3A_439] : memref<128x128xf32, #tpu.memory_space<vmem>>[vector<16xi32>, vector<16xi32>], vector<16xf32>,
        %sub3A_442 = arith.subf %gather3A_440, %gather3A_441 : vector<16xf32>
        %abs3A_443 = math.absf %sub3A_442 : vector<16xf32>
        %add3A_444 = arith.addf %add3A_430, %abs3A_443 : vector<16xf32>
        scf.yield %add3A_444 : vector<16xf32>
      }
      %scan3A_108 = arith.constant 16 : i32
      %mul3A_109 = arith.constant 128 : i32
      %mul3A_110 = arith.muli %mul3A_23, %mul3A_109 : i32
      %add3A_111 = arith.constant 48 : i32
      %add3A_112 = arith.addi %mul3A_110, %add3A_111 : i32
      %swap3A_113 = arith.index_cast %add3A_112 : i32 to index
      %swap3A_114 = tpu.vector_load %arg12[%swap3A_113] {strides = array<i32>} : memref<16128xf32, #tpu.memory_space<vmem>>, vector<16xf32>,
      tpu.vector_store %arg12[%swap3A_113], %scan3A_107 {strides = array<i32>} : memref<16128xf32, #tpu.memory_space<vmem>>, vector<16xf32>,
      %add3A_115 = arith.constant 64 : i32
      %add3A_116 = vector.broadcast %add3A_115 : i32 to vector<16xi32>
      %add3A_117 = arith.addi %iota3A, %add3A_116 : vector<16xi32>
      %broadcast_in_dim3A_118 = arith.constant 0.000000e+00 : f32
      %broadcast_in_dim3A_119 = vector.broadcast %broadcast_in_dim3A_118 : f32 to vector<16xf32>
      %scan3A_120 = arith.constant 0 : i32
      %scan3A_121 = arith.constant 16 : i32
      %scan3A_122 = arith.addi %scan3A_120, %scan3A_121 : i32
      %scan3A_123 = arith.constant 1 : i32
      %scan3A_124 = scf.for %scan3A_335 = %scan3A_120 to %scan3A_122 step %scan3A_123 iter_args(%scan3A_336 = %broadcast_in_dim3A_119) -> (vector<16xf32>)  : i32 {
        %mul3A_337 = arith.constant 8 : i32
        %mul3A_338 = arith.muli %scan3A_335, %mul3A_337 : i32
        %add3A_339 = arith.constant 0 : i32
        %add3A_340 = arith.addi %mul3A_338, %add3A_339 : i32
        %add3A_341 = vector.broadcast %add3A_340 : i32 to vector<16xi32>
        %add3A_342 = arith.addi %iota3A, %add3A_341 : vector<16xi32>
        %and3A = arith.constant 127 : i32
        %and3A_343 = vector.broadcast %and3A : i32 to vector<16xi32>
        %and3A_344 = arith.andi %add3A_342, %and3A_343 : vector<16xi32>
        %gather3A = tpu.vector_load_idx %arg8[%add3A_117, %and3A_344] : memref<128x128xf32, #tpu.memory_space<vmem>>[vector<16xi32>, vector<16xi32>], vector<16xf32>,
        %gather3A_345 = tpu.vector_load_idx %arg9[%add3A_117, %and3A_344] : memref<128x128xf32, #tpu.memory_space<vmem>>[vector<16xi32>, vector<16xi32>], vector<16xf32>,
        %sub3A = arith.subf %gather3A, %gather3A_345 : vector<16xf32>
        %abs3A = math.absf %sub3A : vector<16xf32>
        %add3A_346 = arith.addf %scan3A_336, %abs3A : vector<16xf32>
        %mul3A_347 = arith.constant 8 : i32
        %mul3A_348 = arith.muli %scan3A_335, %mul3A_347 : i32
        %add3A_349 = arith.constant 1 : i32
        %add3A_350 = arith.addi %mul3A_348, %add3A_349 : i32
        %add3A_351 = vector.broadcast %add3A_350 : i32 to vector<16xi32>
        %add3A_352 = arith.addi %iota3A, %add3A_351 : vector<16xi32>
        %and3A_353 = arith.constant 127 : i32
        %and3A_354 = vector.broadcast %and3A_353 : i32 to vector<16xi32>
        %and3A_355 = arith.andi %add3A_352, %and3A_354 : vector<16xi32>
        %gather3A_356 = tpu.vector_load_idx %arg8[%add3A_117, %and3A_355] : memref<128x128xf32, #tpu.memory_space<vmem>>[vector<16xi32>, vector<16xi32>], vector<16xf32>,
        %gather3A_357 = tpu.vector_load_idx %arg9[%add3A_117, %and3A_355] : memref<128x128xf32, #tpu.memory_space<vmem>>[vector<16xi32>, vector<16xi32>], vector<16xf32>,
        %sub3A_358 = arith.subf %gather3A_356, %gather3A_357 : vector<16xf32>
        %abs3A_359 = math.absf %sub3A_358 : vector<16xf32>
        %add3A_360 = arith.addf %add3A_346, %abs3A_359 : vector<16xf32>
        %mul3A_361 = arith.constant 8 : i32
        %mul3A_362 = arith.muli %scan3A_335, %mul3A_361 : i32
        %add3A_363 = arith.constant 2 : i32
        %add3A_364 = arith.addi %mul3A_362, %add3A_363 : i32
        %add3A_365 = vector.broadcast %add3A_364 : i32 to vector<16xi32>
        %add3A_366 = arith.addi %iota3A, %add3A_365 : vector<16xi32>
        %and3A_367 = arith.constant 127 : i32
        %and3A_368 = vector.broadcast %and3A_367 : i32 to vector<16xi32>
        %and3A_369 = arith.andi %add3A_366, %and3A_368 : vector<16xi32>
        %gather3A_370 = tpu.vector_load_idx %arg8[%add3A_117, %and3A_369] : memref<128x128xf32, #tpu.memory_space<vmem>>[vector<16xi32>, vector<16xi32>], vector<16xf32>,
        %gather3A_371 = tpu.vector_load_idx %arg9[%add3A_117, %and3A_369] : memref<128x128xf32, #tpu.memory_space<vmem>>[vector<16xi32>, vector<16xi32>], vector<16xf32>,
        %sub3A_372 = arith.subf %gather3A_370, %gather3A_371 : vector<16xf32>
        %abs3A_373 = math.absf %sub3A_372 : vector<16xf32>
        %add3A_374 = arith.addf %add3A_360, %abs3A_373 : vector<16xf32>
        %mul3A_375 = arith.constant 8 : i32
        %mul3A_376 = arith.muli %scan3A_335, %mul3A_375 : i32
        %add3A_377 = arith.constant 3 : i32
        %add3A_378 = arith.addi %mul3A_376, %add3A_377 : i32
        %add3A_379 = vector.broadcast %add3A_378 : i32 to vector<16xi32>
        %add3A_380 = arith.addi %iota3A, %add3A_379 : vector<16xi32>
        %and3A_381 = arith.constant 127 : i32
        %and3A_382 = vector.broadcast %and3A_381 : i32 to vector<16xi32>
        %and3A_383 = arith.andi %add3A_380, %and3A_382 : vector<16xi32>
        %gather3A_384 = tpu.vector_load_idx %arg8[%add3A_117, %and3A_383] : memref<128x128xf32, #tpu.memory_space<vmem>>[vector<16xi32>, vector<16xi32>], vector<16xf32>,
        %gather3A_385 = tpu.vector_load_idx %arg9[%add3A_117, %and3A_383] : memref<128x128xf32, #tpu.memory_space<vmem>>[vector<16xi32>, vector<16xi32>], vector<16xf32>,
        %sub3A_386 = arith.subf %gather3A_384, %gather3A_385 : vector<16xf32>
        %abs3A_387 = math.absf %sub3A_386 : vector<16xf32>
        %add3A_388 = arith.addf %add3A_374, %abs3A_387 : vector<16xf32>
        %mul3A_389 = arith.constant 8 : i32
        %mul3A_390 = arith.muli %scan3A_335, %mul3A_389 : i32
        %add3A_391 = arith.constant 4 : i32
        %add3A_392 = arith.addi %mul3A_390, %add3A_391 : i32
        %add3A_393 = vector.broadcast %add3A_392 : i32 to vector<16xi32>
        %add3A_394 = arith.addi %iota3A, %add3A_393 : vector<16xi32>
        %and3A_395 = arith.constant 127 : i32
        %and3A_396 = vector.broadcast %and3A_395 : i32 to vector<16xi32>
        %and3A_397 = arith.andi %add3A_394, %and3A_396 : vector<16xi32>
        %gather3A_398 = tpu.vector_load_idx %arg8[%add3A_117, %and3A_397] : memref<128x128xf32, #tpu.memory_space<vmem>>[vector<16xi32>, vector<16xi32>], vector<16xf32>,
        %gather3A_399 = tpu.vector_load_idx %arg9[%add3A_117, %and3A_397] : memref<128x128xf32, #tpu.memory_space<vmem>>[vector<16xi32>, vector<16xi32>], vector<16xf32>,
        %sub3A_400 = arith.subf %gather3A_398, %gather3A_399 : vector<16xf32>
        %abs3A_401 = math.absf %sub3A_400 : vector<16xf32>
        %add3A_402 = arith.addf %add3A_388, %abs3A_401 : vector<16xf32>
        %mul3A_403 = arith.constant 8 : i32
        %mul3A_404 = arith.muli %scan3A_335, %mul3A_403 : i32
        %add3A_405 = arith.constant 5 : i32
        %add3A_406 = arith.addi %mul3A_404, %add3A_405 : i32
        %add3A_407 = vector.broadcast %add3A_406 : i32 to vector<16xi32>
        %add3A_408 = arith.addi %iota3A, %add3A_407 : vector<16xi32>
        %and3A_409 = arith.constant 127 : i32
        %and3A_410 = vector.broadcast %and3A_409 : i32 to vector<16xi32>
        %and3A_411 = arith.andi %add3A_408, %and3A_410 : vector<16xi32>
        %gather3A_412 = tpu.vector_load_idx %arg8[%add3A_117, %and3A_411] : memref<128x128xf32, #tpu.memory_space<vmem>>[vector<16xi32>, vector<16xi32>], vector<16xf32>,
        %gather3A_413 = tpu.vector_load_idx %arg9[%add3A_117, %and3A_411] : memref<128x128xf32, #tpu.memory_space<vmem>>[vector<16xi32>, vector<16xi32>], vector<16xf32>,
        %sub3A_414 = arith.subf %gather3A_412, %gather3A_413 : vector<16xf32>
        %abs3A_415 = math.absf %sub3A_414 : vector<16xf32>
        %add3A_416 = arith.addf %add3A_402, %abs3A_415 : vector<16xf32>
        %mul3A_417 = arith.constant 8 : i32
        %mul3A_418 = arith.muli %scan3A_335, %mul3A_417 : i32
        %add3A_419 = arith.constant 6 : i32
        %add3A_420 = arith.addi %mul3A_418, %add3A_419 : i32
        %add3A_421 = vector.broadcast %add3A_420 : i32 to vector<16xi32>
        %add3A_422 = arith.addi %iota3A, %add3A_421 : vector<16xi32>
        %and3A_423 = arith.constant 127 : i32
        %and3A_424 = vector.broadcast %and3A_423 : i32 to vector<16xi32>
        %and3A_425 = arith.andi %add3A_422, %and3A_424 : vector<16xi32>
        %gather3A_426 = tpu.vector_load_idx %arg8[%add3A_117, %and3A_425] : memref<128x128xf32, #tpu.memory_space<vmem>>[vector<16xi32>, vector<16xi32>], vector<16xf32>,
        %gather3A_427 = tpu.vector_load_idx %arg9[%add3A_117, %and3A_425] : memref<128x128xf32, #tpu.memory_space<vmem>>[vector<16xi32>, vector<16xi32>], vector<16xf32>,
        %sub3A_428 = arith.subf %gather3A_426, %gather3A_427 : vector<16xf32>
        %abs3A_429 = math.absf %sub3A_428 : vector<16xf32>
        %add3A_430 = arith.addf %add3A_416, %abs3A_429 : vector<16xf32>
        %mul3A_431 = arith.constant 8 : i32
        %mul3A_432 = arith.muli %scan3A_335, %mul3A_431 : i32
        %add3A_433 = arith.constant 7 : i32
        %add3A_434 = arith.addi %mul3A_432, %add3A_433 : i32
        %add3A_435 = vector.broadcast %add3A_434 : i32 to vector<16xi32>
        %add3A_436 = arith.addi %iota3A, %add3A_435 : vector<16xi32>
        %and3A_437 = arith.constant 127 : i32
        %and3A_438 = vector.broadcast %and3A_437 : i32 to vector<16xi32>
        %and3A_439 = arith.andi %add3A_436, %and3A_438 : vector<16xi32>
        %gather3A_440 = tpu.vector_load_idx %arg8[%add3A_117, %and3A_439] : memref<128x128xf32, #tpu.memory_space<vmem>>[vector<16xi32>, vector<16xi32>], vector<16xf32>,
        %gather3A_441 = tpu.vector_load_idx %arg9[%add3A_117, %and3A_439] : memref<128x128xf32, #tpu.memory_space<vmem>>[vector<16xi32>, vector<16xi32>], vector<16xf32>,
        %sub3A_442 = arith.subf %gather3A_440, %gather3A_441 : vector<16xf32>
        %abs3A_443 = math.absf %sub3A_442 : vector<16xf32>
        %add3A_444 = arith.addf %add3A_430, %abs3A_443 : vector<16xf32>
        scf.yield %add3A_444 : vector<16xf32>
      }
      %scan3A_125 = arith.constant 16 : i32
      %mul3A_126 = arith.constant 128 : i32
      %mul3A_127 = arith.muli %mul3A_23, %mul3A_126 : i32
      %add3A_128 = arith.constant 64 : i32
      %add3A_129 = arith.addi %mul3A_127, %add3A_128 : i32
      %swap3A_130 = arith.index_cast %add3A_129 : i32 to index
      %swap3A_131 = tpu.vector_load %arg12[%swap3A_130] {strides = array<i32>} : memref<16128xf32, #tpu.memory_space<vmem>>, vector<16xf32>,
      tpu.vector_store %arg12[%swap3A_130], %scan3A_124 {strides = array<i32>} : memref<16128xf32, #tpu.memory_space<vmem>>, vector<16xf32>,
      %add3A_132 = arith.constant 80 : i32
      %add3A_133 = vector.broadcast %add3A_132 : i32 to vector<16xi32>
      %add3A_134 = arith.addi %iota3A, %add3A_133 : vector<16xi32>
      %broadcast_in_dim3A_135 = arith.constant 0.000000e+00 : f32
      %broadcast_in_dim3A_136 = vector.broadcast %broadcast_in_dim3A_135 : f32 to vector<16xf32>
      %scan3A_137 = arith.constant 0 : i32
      %scan3A_138 = arith.constant 16 : i32
      %scan3A_139 = arith.addi %scan3A_137, %scan3A_138 : i32
      %scan3A_140 = arith.constant 1 : i32
      %scan3A_141 = scf.for %scan3A_335 = %scan3A_137 to %scan3A_139 step %scan3A_140 iter_args(%scan3A_336 = %broadcast_in_dim3A_136) -> (vector<16xf32>)  : i32 {
        %mul3A_337 = arith.constant 8 : i32
        %mul3A_338 = arith.muli %scan3A_335, %mul3A_337 : i32
        %add3A_339 = arith.constant 0 : i32
        %add3A_340 = arith.addi %mul3A_338, %add3A_339 : i32
        %add3A_341 = vector.broadcast %add3A_340 : i32 to vector<16xi32>
        %add3A_342 = arith.addi %iota3A, %add3A_341 : vector<16xi32>
        %and3A = arith.constant 127 : i32
        %and3A_343 = vector.broadcast %and3A : i32 to vector<16xi32>
        %and3A_344 = arith.andi %add3A_342, %and3A_343 : vector<16xi32>
        %gather3A = tpu.vector_load_idx %arg8[%add3A_134, %and3A_344] : memref<128x128xf32, #tpu.memory_space<vmem>>[vector<16xi32>, vector<16xi32>], vector<16xf32>,
        %gather3A_345 = tpu.vector_load_idx %arg9[%add3A_134, %and3A_344] : memref<128x128xf32, #tpu.memory_space<vmem>>[vector<16xi32>, vector<16xi32>], vector<16xf32>,
        %sub3A = arith.subf %gather3A, %gather3A_345 : vector<16xf32>
        %abs3A = math.absf %sub3A : vector<16xf32>
        %add3A_346 = arith.addf %scan3A_336, %abs3A : vector<16xf32>
        %mul3A_347 = arith.constant 8 : i32
        %mul3A_348 = arith.muli %scan3A_335, %mul3A_347 : i32
        %add3A_349 = arith.constant 1 : i32
        %add3A_350 = arith.addi %mul3A_348, %add3A_349 : i32
        %add3A_351 = vector.broadcast %add3A_350 : i32 to vector<16xi32>
        %add3A_352 = arith.addi %iota3A, %add3A_351 : vector<16xi32>
        %and3A_353 = arith.constant 127 : i32
        %and3A_354 = vector.broadcast %and3A_353 : i32 to vector<16xi32>
        %and3A_355 = arith.andi %add3A_352, %and3A_354 : vector<16xi32>
        %gather3A_356 = tpu.vector_load_idx %arg8[%add3A_134, %and3A_355] : memref<128x128xf32, #tpu.memory_space<vmem>>[vector<16xi32>, vector<16xi32>], vector<16xf32>,
        %gather3A_357 = tpu.vector_load_idx %arg9[%add3A_134, %and3A_355] : memref<128x128xf32, #tpu.memory_space<vmem>>[vector<16xi32>, vector<16xi32>], vector<16xf32>,
        %sub3A_358 = arith.subf %gather3A_356, %gather3A_357 : vector<16xf32>
        %abs3A_359 = math.absf %sub3A_358 : vector<16xf32>
        %add3A_360 = arith.addf %add3A_346, %abs3A_359 : vector<16xf32>
        %mul3A_361 = arith.constant 8 : i32
        %mul3A_362 = arith.muli %scan3A_335, %mul3A_361 : i32
        %add3A_363 = arith.constant 2 : i32
        %add3A_364 = arith.addi %mul3A_362, %add3A_363 : i32
        %add3A_365 = vector.broadcast %add3A_364 : i32 to vector<16xi32>
        %add3A_366 = arith.addi %iota3A, %add3A_365 : vector<16xi32>
        %and3A_367 = arith.constant 127 : i32
        %and3A_368 = vector.broadcast %and3A_367 : i32 to vector<16xi32>
        %and3A_369 = arith.andi %add3A_366, %and3A_368 : vector<16xi32>
        %gather3A_370 = tpu.vector_load_idx %arg8[%add3A_134, %and3A_369] : memref<128x128xf32, #tpu.memory_space<vmem>>[vector<16xi32>, vector<16xi32>], vector<16xf32>,
        %gather3A_371 = tpu.vector_load_idx %arg9[%add3A_134, %and3A_369] : memref<128x128xf32, #tpu.memory_space<vmem>>[vector<16xi32>, vector<16xi32>], vector<16xf32>,
        %sub3A_372 = arith.subf %gather3A_370, %gather3A_371 : vector<16xf32>
        %abs3A_373 = math.absf %sub3A_372 : vector<16xf32>
        %add3A_374 = arith.addf %add3A_360, %abs3A_373 : vector<16xf32>
        %mul3A_375 = arith.constant 8 : i32
        %mul3A_376 = arith.muli %scan3A_335, %mul3A_375 : i32
        %add3A_377 = arith.constant 3 : i32
        %add3A_378 = arith.addi %mul3A_376, %add3A_377 : i32
        %add3A_379 = vector.broadcast %add3A_378 : i32 to vector<16xi32>
        %add3A_380 = arith.addi %iota3A, %add3A_379 : vector<16xi32>
        %and3A_381 = arith.constant 127 : i32
        %and3A_382 = vector.broadcast %and3A_381 : i32 to vector<16xi32>
        %and3A_383 = arith.andi %add3A_380, %and3A_382 : vector<16xi32>
        %gather3A_384 = tpu.vector_load_idx %arg8[%add3A_134, %and3A_383] : memref<128x128xf32, #tpu.memory_space<vmem>>[vector<16xi32>, vector<16xi32>], vector<16xf32>,
        %gather3A_385 = tpu.vector_load_idx %arg9[%add3A_134, %and3A_383] : memref<128x128xf32, #tpu.memory_space<vmem>>[vector<16xi32>, vector<16xi32>], vector<16xf32>,
        %sub3A_386 = arith.subf %gather3A_384, %gather3A_385 : vector<16xf32>
        %abs3A_387 = math.absf %sub3A_386 : vector<16xf32>
        %add3A_388 = arith.addf %add3A_374, %abs3A_387 : vector<16xf32>
        %mul3A_389 = arith.constant 8 : i32
        %mul3A_390 = arith.muli %scan3A_335, %mul3A_389 : i32
        %add3A_391 = arith.constant 4 : i32
        %add3A_392 = arith.addi %mul3A_390, %add3A_391 : i32
        %add3A_393 = vector.broadcast %add3A_392 : i32 to vector<16xi32>
        %add3A_394 = arith.addi %iota3A, %add3A_393 : vector<16xi32>
        %and3A_395 = arith.constant 127 : i32
        %and3A_396 = vector.broadcast %and3A_395 : i32 to vector<16xi32>
        %and3A_397 = arith.andi %add3A_394, %and3A_396 : vector<16xi32>
        %gather3A_398 = tpu.vector_load_idx %arg8[%add3A_134, %and3A_397] : memref<128x128xf32, #tpu.memory_space<vmem>>[vector<16xi32>, vector<16xi32>], vector<16xf32>,
        %gather3A_399 = tpu.vector_load_idx %arg9[%add3A_134, %and3A_397] : memref<128x128xf32, #tpu.memory_space<vmem>>[vector<16xi32>, vector<16xi32>], vector<16xf32>,
        %sub3A_400 = arith.subf %gather3A_398, %gather3A_399 : vector<16xf32>
        %abs3A_401 = math.absf %sub3A_400 : vector<16xf32>
        %add3A_402 = arith.addf %add3A_388, %abs3A_401 : vector<16xf32>
        %mul3A_403 = arith.constant 8 : i32
        %mul3A_404 = arith.muli %scan3A_335, %mul3A_403 : i32
        %add3A_405 = arith.constant 5 : i32
        %add3A_406 = arith.addi %mul3A_404, %add3A_405 : i32
        %add3A_407 = vector.broadcast %add3A_406 : i32 to vector<16xi32>
        %add3A_408 = arith.addi %iota3A, %add3A_407 : vector<16xi32>
        %and3A_409 = arith.constant 127 : i32
        %and3A_410 = vector.broadcast %and3A_409 : i32 to vector<16xi32>
        %and3A_411 = arith.andi %add3A_408, %and3A_410 : vector<16xi32>
        %gather3A_412 = tpu.vector_load_idx %arg8[%add3A_134, %and3A_411] : memref<128x128xf32, #tpu.memory_space<vmem>>[vector<16xi32>, vector<16xi32>], vector<16xf32>,
        %gather3A_413 = tpu.vector_load_idx %arg9[%add3A_134, %and3A_411] : memref<128x128xf32, #tpu.memory_space<vmem>>[vector<16xi32>, vector<16xi32>], vector<16xf32>,
        %sub3A_414 = arith.subf %gather3A_412, %gather3A_413 : vector<16xf32>
        %abs3A_415 = math.absf %sub3A_414 : vector<16xf32>
        %add3A_416 = arith.addf %add3A_402, %abs3A_415 : vector<16xf32>
        %mul3A_417 = arith.constant 8 : i32
        %mul3A_418 = arith.muli %scan3A_335, %mul3A_417 : i32
        %add3A_419 = arith.constant 6 : i32
        %add3A_420 = arith.addi %mul3A_418, %add3A_419 : i32
        %add3A_421 = vector.broadcast %add3A_420 : i32 to vector<16xi32>
        %add3A_422 = arith.addi %iota3A, %add3A_421 : vector<16xi32>
        %and3A_423 = arith.constant 127 : i32
        %and3A_424 = vector.broadcast %and3A_423 : i32 to vector<16xi32>
        %and3A_425 = arith.andi %add3A_422, %and3A_424 : vector<16xi32>
        %gather3A_426 = tpu.vector_load_idx %arg8[%add3A_134, %and3A_425] : memref<128x128xf32, #tpu.memory_space<vmem>>[vector<16xi32>, vector<16xi32>], vector<16xf32>,
        %gather3A_427 = tpu.vector_load_idx %arg9[%add3A_134, %and3A_425] : memref<128x128xf32, #tpu.memory_space<vmem>>[vector<16xi32>, vector<16xi32>], vector<16xf32>,
        %sub3A_428 = arith.subf %gather3A_426, %gather3A_427 : vector<16xf32>
        %abs3A_429 = math.absf %sub3A_428 : vector<16xf32>
        %add3A_430 = arith.addf %add3A_416, %abs3A_429 : vector<16xf32>
        %mul3A_431 = arith.constant 8 : i32
        %mul3A_432 = arith.muli %scan3A_335, %mul3A_431 : i32
        %add3A_433 = arith.constant 7 : i32
        %add3A_434 = arith.addi %mul3A_432, %add3A_433 : i32
        %add3A_435 = vector.broadcast %add3A_434 : i32 to vector<16xi32>
        %add3A_436 = arith.addi %iota3A, %add3A_435 : vector<16xi32>
        %and3A_437 = arith.constant 127 : i32
        %and3A_438 = vector.broadcast %and3A_437 : i32 to vector<16xi32>
        %and3A_439 = arith.andi %add3A_436, %and3A_438 : vector<16xi32>
        %gather3A_440 = tpu.vector_load_idx %arg8[%add3A_134, %and3A_439] : memref<128x128xf32, #tpu.memory_space<vmem>>[vector<16xi32>, vector<16xi32>], vector<16xf32>,
        %gather3A_441 = tpu.vector_load_idx %arg9[%add3A_134, %and3A_439] : memref<128x128xf32, #tpu.memory_space<vmem>>[vector<16xi32>, vector<16xi32>], vector<16xf32>,
        %sub3A_442 = arith.subf %gather3A_440, %gather3A_441 : vector<16xf32>
        %abs3A_443 = math.absf %sub3A_442 : vector<16xf32>
        %add3A_444 = arith.addf %add3A_430, %abs3A_443 : vector<16xf32>
        scf.yield %add3A_444 : vector<16xf32>
      }
      %scan3A_142 = arith.constant 16 : i32
      %mul3A_143 = arith.constant 128 : i32
      %mul3A_144 = arith.muli %mul3A_23, %mul3A_143 : i32
      %add3A_145 = arith.constant 80 : i32
      %add3A_146 = arith.addi %mul3A_144, %add3A_145 : i32
      %swap3A_147 = arith.index_cast %add3A_146 : i32 to index
      %swap3A_148 = tpu.vector_load %arg12[%swap3A_147] {strides = array<i32>} : memref<16128xf32, #tpu.memory_space<vmem>>, vector<16xf32>,
      tpu.vector_store %arg12[%swap3A_147], %scan3A_141 {strides = array<i32>} : memref<16128xf32, #tpu.memory_space<vmem>>, vector<16xf32>,
      %add3A_149 = arith.constant 96 : i32
      %add3A_150 = vector.broadcast %add3A_149 : i32 to vector<16xi32>
      %add3A_151 = arith.addi %iota3A, %add3A_150 : vector<16xi32>
      %broadcast_in_dim3A_152 = arith.constant 0.000000e+00 : f32
      %broadcast_in_dim3A_153 = vector.broadcast %broadcast_in_dim3A_152 : f32 to vector<16xf32>
      %scan3A_154 = arith.constant 0 : i32
      %scan3A_155 = arith.constant 16 : i32
      %scan3A_156 = arith.addi %scan3A_154, %scan3A_155 : i32
      %scan3A_157 = arith.constant 1 : i32
      %scan3A_158 = scf.for %scan3A_335 = %scan3A_154 to %scan3A_156 step %scan3A_157 iter_args(%scan3A_336 = %broadcast_in_dim3A_153) -> (vector<16xf32>)  : i32 {
        %mul3A_337 = arith.constant 8 : i32
        %mul3A_338 = arith.muli %scan3A_335, %mul3A_337 : i32
        %add3A_339 = arith.constant 0 : i32
        %add3A_340 = arith.addi %mul3A_338, %add3A_339 : i32
        %add3A_341 = vector.broadcast %add3A_340 : i32 to vector<16xi32>
        %add3A_342 = arith.addi %iota3A, %add3A_341 : vector<16xi32>
        %and3A = arith.constant 127 : i32
        %and3A_343 = vector.broadcast %and3A : i32 to vector<16xi32>
        %and3A_344 = arith.andi %add3A_342, %and3A_343 : vector<16xi32>
        %gather3A = tpu.vector_load_idx %arg8[%add3A_151, %and3A_344] : memref<128x128xf32, #tpu.memory_space<vmem>>[vector<16xi32>, vector<16xi32>], vector<16xf32>,
        %gather3A_345 = tpu.vector_load_idx %arg9[%add3A_151, %and3A_344] : memref<128x128xf32, #tpu.memory_space<vmem>>[vector<16xi32>, vector<16xi32>], vector<16xf32>,
        %sub3A = arith.subf %gather3A, %gather3A_345 : vector<16xf32>
        %abs3A = math.absf %sub3A : vector<16xf32>
        %add3A_346 = arith.addf %scan3A_336, %abs3A : vector<16xf32>
        %mul3A_347 = arith.constant 8 : i32
        %mul3A_348 = arith.muli %scan3A_335, %mul3A_347 : i32
        %add3A_349 = arith.constant 1 : i32
        %add3A_350 = arith.addi %mul3A_348, %add3A_349 : i32
        %add3A_351 = vector.broadcast %add3A_350 : i32 to vector<16xi32>
        %add3A_352 = arith.addi %iota3A, %add3A_351 : vector<16xi32>
        %and3A_353 = arith.constant 127 : i32
        %and3A_354 = vector.broadcast %and3A_353 : i32 to vector<16xi32>
        %and3A_355 = arith.andi %add3A_352, %and3A_354 : vector<16xi32>
        %gather3A_356 = tpu.vector_load_idx %arg8[%add3A_151, %and3A_355] : memref<128x128xf32, #tpu.memory_space<vmem>>[vector<16xi32>, vector<16xi32>], vector<16xf32>,
        %gather3A_357 = tpu.vector_load_idx %arg9[%add3A_151, %and3A_355] : memref<128x128xf32, #tpu.memory_space<vmem>>[vector<16xi32>, vector<16xi32>], vector<16xf32>,
        %sub3A_358 = arith.subf %gather3A_356, %gather3A_357 : vector<16xf32>
        %abs3A_359 = math.absf %sub3A_358 : vector<16xf32>
        %add3A_360 = arith.addf %add3A_346, %abs3A_359 : vector<16xf32>
        %mul3A_361 = arith.constant 8 : i32
        %mul3A_362 = arith.muli %scan3A_335, %mul3A_361 : i32
        %add3A_363 = arith.constant 2 : i32
        %add3A_364 = arith.addi %mul3A_362, %add3A_363 : i32
        %add3A_365 = vector.broadcast %add3A_364 : i32 to vector<16xi32>
        %add3A_366 = arith.addi %iota3A, %add3A_365 : vector<16xi32>
        %and3A_367 = arith.constant 127 : i32
        %and3A_368 = vector.broadcast %and3A_367 : i32 to vector<16xi32>
        %and3A_369 = arith.andi %add3A_366, %and3A_368 : vector<16xi32>
        %gather3A_370 = tpu.vector_load_idx %arg8[%add3A_151, %and3A_369] : memref<128x128xf32, #tpu.memory_space<vmem>>[vector<16xi32>, vector<16xi32>], vector<16xf32>,
        %gather3A_371 = tpu.vector_load_idx %arg9[%add3A_151, %and3A_369] : memref<128x128xf32, #tpu.memory_space<vmem>>[vector<16xi32>, vector<16xi32>], vector<16xf32>,
        %sub3A_372 = arith.subf %gather3A_370, %gather3A_371 : vector<16xf32>
        %abs3A_373 = math.absf %sub3A_372 : vector<16xf32>
        %add3A_374 = arith.addf %add3A_360, %abs3A_373 : vector<16xf32>
        %mul3A_375 = arith.constant 8 : i32
        %mul3A_376 = arith.muli %scan3A_335, %mul3A_375 : i32
        %add3A_377 = arith.constant 3 : i32
        %add3A_378 = arith.addi %mul3A_376, %add3A_377 : i32
        %add3A_379 = vector.broadcast %add3A_378 : i32 to vector<16xi32>
        %add3A_380 = arith.addi %iota3A, %add3A_379 : vector<16xi32>
        %and3A_381 = arith.constant 127 : i32
        %and3A_382 = vector.broadcast %and3A_381 : i32 to vector<16xi32>
        %and3A_383 = arith.andi %add3A_380, %and3A_382 : vector<16xi32>
        %gather3A_384 = tpu.vector_load_idx %arg8[%add3A_151, %and3A_383] : memref<128x128xf32, #tpu.memory_space<vmem>>[vector<16xi32>, vector<16xi32>], vector<16xf32>,
        %gather3A_385 = tpu.vector_load_idx %arg9[%add3A_151, %and3A_383] : memref<128x128xf32, #tpu.memory_space<vmem>>[vector<16xi32>, vector<16xi32>], vector<16xf32>,
        %sub3A_386 = arith.subf %gather3A_384, %gather3A_385 : vector<16xf32>
        %abs3A_387 = math.absf %sub3A_386 : vector<16xf32>
        %add3A_388 = arith.addf %add3A_374, %abs3A_387 : vector<16xf32>
        %mul3A_389 = arith.constant 8 : i32
        %mul3A_390 = arith.muli %scan3A_335, %mul3A_389 : i32
        %add3A_391 = arith.constant 4 : i32
        %add3A_392 = arith.addi %mul3A_390, %add3A_391 : i32
        %add3A_393 = vector.broadcast %add3A_392 : i32 to vector<16xi32>
        %add3A_394 = arith.addi %iota3A, %add3A_393 : vector<16xi32>
        %and3A_395 = arith.constant 127 : i32
        %and3A_396 = vector.broadcast %and3A_395 : i32 to vector<16xi32>
        %and3A_397 = arith.andi %add3A_394, %and3A_396 : vector<16xi32>
        %gather3A_398 = tpu.vector_load_idx %arg8[%add3A_151, %and3A_397] : memref<128x128xf32, #tpu.memory_space<vmem>>[vector<16xi32>, vector<16xi32>], vector<16xf32>,
        %gather3A_399 = tpu.vector_load_idx %arg9[%add3A_151, %and3A_397] : memref<128x128xf32, #tpu.memory_space<vmem>>[vector<16xi32>, vector<16xi32>], vector<16xf32>,
        %sub3A_400 = arith.subf %gather3A_398, %gather3A_399 : vector<16xf32>
        %abs3A_401 = math.absf %sub3A_400 : vector<16xf32>
        %add3A_402 = arith.addf %add3A_388, %abs3A_401 : vector<16xf32>
        %mul3A_403 = arith.constant 8 : i32
        %mul3A_404 = arith.muli %scan3A_335, %mul3A_403 : i32
        %add3A_405 = arith.constant 5 : i32
        %add3A_406 = arith.addi %mul3A_404, %add3A_405 : i32
        %add3A_407 = vector.broadcast %add3A_406 : i32 to vector<16xi32>
        %add3A_408 = arith.addi %iota3A, %add3A_407 : vector<16xi32>
        %and3A_409 = arith.constant 127 : i32
        %and3A_410 = vector.broadcast %and3A_409 : i32 to vector<16xi32>
        %and3A_411 = arith.andi %add3A_408, %and3A_410 : vector<16xi32>
        %gather3A_412 = tpu.vector_load_idx %arg8[%add3A_151, %and3A_411] : memref<128x128xf32, #tpu.memory_space<vmem>>[vector<16xi32>, vector<16xi32>], vector<16xf32>,
        %gather3A_413 = tpu.vector_load_idx %arg9[%add3A_151, %and3A_411] : memref<128x128xf32, #tpu.memory_space<vmem>>[vector<16xi32>, vector<16xi32>], vector<16xf32>,
        %sub3A_414 = arith.subf %gather3A_412, %gather3A_413 : vector<16xf32>
        %abs3A_415 = math.absf %sub3A_414 : vector<16xf32>
        %add3A_416 = arith.addf %add3A_402, %abs3A_415 : vector<16xf32>
        %mul3A_417 = arith.constant 8 : i32
        %mul3A_418 = arith.muli %scan3A_335, %mul3A_417 : i32
        %add3A_419 = arith.constant 6 : i32
        %add3A_420 = arith.addi %mul3A_418, %add3A_419 : i32
        %add3A_421 = vector.broadcast %add3A_420 : i32 to vector<16xi32>
        %add3A_422 = arith.addi %iota3A, %add3A_421 : vector<16xi32>
        %and3A_423 = arith.constant 127 : i32
        %and3A_424 = vector.broadcast %and3A_423 : i32 to vector<16xi32>
        %and3A_425 = arith.andi %add3A_422, %and3A_424 : vector<16xi32>
        %gather3A_426 = tpu.vector_load_idx %arg8[%add3A_151, %and3A_425] : memref<128x128xf32, #tpu.memory_space<vmem>>[vector<16xi32>, vector<16xi32>], vector<16xf32>,
        %gather3A_427 = tpu.vector_load_idx %arg9[%add3A_151, %and3A_425] : memref<128x128xf32, #tpu.memory_space<vmem>>[vector<16xi32>, vector<16xi32>], vector<16xf32>,
        %sub3A_428 = arith.subf %gather3A_426, %gather3A_427 : vector<16xf32>
        %abs3A_429 = math.absf %sub3A_428 : vector<16xf32>
        %add3A_430 = arith.addf %add3A_416, %abs3A_429 : vector<16xf32>
        %mul3A_431 = arith.constant 8 : i32
        %mul3A_432 = arith.muli %scan3A_335, %mul3A_431 : i32
        %add3A_433 = arith.constant 7 : i32
        %add3A_434 = arith.addi %mul3A_432, %add3A_433 : i32
        %add3A_435 = vector.broadcast %add3A_434 : i32 to vector<16xi32>
        %add3A_436 = arith.addi %iota3A, %add3A_435 : vector<16xi32>
        %and3A_437 = arith.constant 127 : i32
        %and3A_438 = vector.broadcast %and3A_437 : i32 to vector<16xi32>
        %and3A_439 = arith.andi %add3A_436, %and3A_438 : vector<16xi32>
        %gather3A_440 = tpu.vector_load_idx %arg8[%add3A_151, %and3A_439] : memref<128x128xf32, #tpu.memory_space<vmem>>[vector<16xi32>, vector<16xi32>], vector<16xf32>,
        %gather3A_441 = tpu.vector_load_idx %arg9[%add3A_151, %and3A_439] : memref<128x128xf32, #tpu.memory_space<vmem>>[vector<16xi32>, vector<16xi32>], vector<16xf32>,
        %sub3A_442 = arith.subf %gather3A_440, %gather3A_441 : vector<16xf32>
        %abs3A_443 = math.absf %sub3A_442 : vector<16xf32>
        %add3A_444 = arith.addf %add3A_430, %abs3A_443 : vector<16xf32>
        scf.yield %add3A_444 : vector<16xf32>
      }
      %scan3A_159 = arith.constant 16 : i32
      %mul3A_160 = arith.constant 128 : i32
      %mul3A_161 = arith.muli %mul3A_23, %mul3A_160 : i32
      %add3A_162 = arith.constant 96 : i32
      %add3A_163 = arith.addi %mul3A_161, %add3A_162 : i32
      %swap3A_164 = arith.index_cast %add3A_163 : i32 to index
      %swap3A_165 = tpu.vector_load %arg12[%swap3A_164] {strides = array<i32>} : memref<16128xf32, #tpu.memory_space<vmem>>, vector<16xf32>,
      tpu.vector_store %arg12[%swap3A_164], %scan3A_158 {strides = array<i32>} : memref<16128xf32, #tpu.memory_space<vmem>>, vector<16xf32>,
      %add3A_166 = arith.constant 112 : i32
      %add3A_167 = vector.broadcast %add3A_166 : i32 to vector<16xi32>
      %add3A_168 = arith.addi %iota3A, %add3A_167 : vector<16xi32>
      %broadcast_in_dim3A_169 = arith.constant 0.000000e+00 : f32
      %broadcast_in_dim3A_170 = vector.broadcast %broadcast_in_dim3A_169 : f32 to vector<16xf32>
      %scan3A_171 = arith.constant 0 : i32
      %scan3A_172 = arith.constant 16 : i32
      %scan3A_173 = arith.addi %scan3A_171, %scan3A_172 : i32
      %scan3A_174 = arith.constant 1 : i32
      %scan3A_175 = scf.for %scan3A_335 = %scan3A_171 to %scan3A_173 step %scan3A_174 iter_args(%scan3A_336 = %broadcast_in_dim3A_170) -> (vector<16xf32>)  : i32 {
        %mul3A_337 = arith.constant 8 : i32
        %mul3A_338 = arith.muli %scan3A_335, %mul3A_337 : i32
        %add3A_339 = arith.constant 0 : i32
        %add3A_340 = arith.addi %mul3A_338, %add3A_339 : i32
        %add3A_341 = vector.broadcast %add3A_340 : i32 to vector<16xi32>
        %add3A_342 = arith.addi %iota3A, %add3A_341 : vector<16xi32>
        %and3A = arith.constant 127 : i32
        %and3A_343 = vector.broadcast %and3A : i32 to vector<16xi32>
        %and3A_344 = arith.andi %add3A_342, %and3A_343 : vector<16xi32>
        %gather3A = tpu.vector_load_idx %arg8[%add3A_168, %and3A_344] : memref<128x128xf32, #tpu.memory_space<vmem>>[vector<16xi32>, vector<16xi32>], vector<16xf32>,
        %gather3A_345 = tpu.vector_load_idx %arg9[%add3A_168, %and3A_344] : memref<128x128xf32, #tpu.memory_space<vmem>>[vector<16xi32>, vector<16xi32>], vector<16xf32>,
        %sub3A = arith.subf %gather3A, %gather3A_345 : vector<16xf32>
        %abs3A = math.absf %sub3A : vector<16xf32>
        %add3A_346 = arith.addf %scan3A_336, %abs3A : vector<16xf32>
        %mul3A_347 = arith.constant 8 : i32
        %mul3A_348 = arith.muli %scan3A_335, %mul3A_347 : i32
        %add3A_349 = arith.constant 1 : i32
        %add3A_350 = arith.addi %mul3A_348, %add3A_349 : i32
        %add3A_351 = vector.broadcast %add3A_350 : i32 to vector<16xi32>
        %add3A_352 = arith.addi %iota3A, %add3A_351 : vector<16xi32>
        %and3A_353 = arith.constant 127 : i32
        %and3A_354 = vector.broadcast %and3A_353 : i32 to vector<16xi32>
        %and3A_355 = arith.andi %add3A_352, %and3A_354 : vector<16xi32>
        %gather3A_356 = tpu.vector_load_idx %arg8[%add3A_168, %and3A_355] : memref<128x128xf32, #tpu.memory_space<vmem>>[vector<16xi32>, vector<16xi32>], vector<16xf32>,
        %gather3A_357 = tpu.vector_load_idx %arg9[%add3A_168, %and3A_355] : memref<128x128xf32, #tpu.memory_space<vmem>>[vector<16xi32>, vector<16xi32>], vector<16xf32>,
        %sub3A_358 = arith.subf %gather3A_356, %gather3A_357 : vector<16xf32>
        %abs3A_359 = math.absf %sub3A_358 : vector<16xf32>
        %add3A_360 = arith.addf %add3A_346, %abs3A_359 : vector<16xf32>
        %mul3A_361 = arith.constant 8 : i32
        %mul3A_362 = arith.muli %scan3A_335, %mul3A_361 : i32
        %add3A_363 = arith.constant 2 : i32
        %add3A_364 = arith.addi %mul3A_362, %add3A_363 : i32
        %add3A_365 = vector.broadcast %add3A_364 : i32 to vector<16xi32>
        %add3A_366 = arith.addi %iota3A, %add3A_365 : vector<16xi32>
        %and3A_367 = arith.constant 127 : i32
        %and3A_368 = vector.broadcast %and3A_367 : i32 to vector<16xi32>
        %and3A_369 = arith.andi %add3A_366, %and3A_368 : vector<16xi32>
        %gather3A_370 = tpu.vector_load_idx %arg8[%add3A_168, %and3A_369] : memref<128x128xf32, #tpu.memory_space<vmem>>[vector<16xi32>, vector<16xi32>], vector<16xf32>,
        %gather3A_371 = tpu.vector_load_idx %arg9[%add3A_168, %and3A_369] : memref<128x128xf32, #tpu.memory_space<vmem>>[vector<16xi32>, vector<16xi32>], vector<16xf32>,
        %sub3A_372 = arith.subf %gather3A_370, %gather3A_371 : vector<16xf32>
        %abs3A_373 = math.absf %sub3A_372 : vector<16xf32>
        %add3A_374 = arith.addf %add3A_360, %abs3A_373 : vector<16xf32>
        %mul3A_375 = arith.constant 8 : i32
        %mul3A_376 = arith.muli %scan3A_335, %mul3A_375 : i32
        %add3A_377 = arith.constant 3 : i32
        %add3A_378 = arith.addi %mul3A_376, %add3A_377 : i32
        %add3A_379 = vector.broadcast %add3A_378 : i32 to vector<16xi32>
        %add3A_380 = arith.addi %iota3A, %add3A_379 : vector<16xi32>
        %and3A_381 = arith.constant 127 : i32
        %and3A_382 = vector.broadcast %and3A_381 : i32 to vector<16xi32>
        %and3A_383 = arith.andi %add3A_380, %and3A_382 : vector<16xi32>
        %gather3A_384 = tpu.vector_load_idx %arg8[%add3A_168, %and3A_383] : memref<128x128xf32, #tpu.memory_space<vmem>>[vector<16xi32>, vector<16xi32>], vector<16xf32>,
        %gather3A_385 = tpu.vector_load_idx %arg9[%add3A_168, %and3A_383] : memref<128x128xf32, #tpu.memory_space<vmem>>[vector<16xi32>, vector<16xi32>], vector<16xf32>,
        %sub3A_386 = arith.subf %gather3A_384, %gather3A_385 : vector<16xf32>
        %abs3A_387 = math.absf %sub3A_386 : vector<16xf32>
        %add3A_388 = arith.addf %add3A_374, %abs3A_387 : vector<16xf32>
        %mul3A_389 = arith.constant 8 : i32
        %mul3A_390 = arith.muli %scan3A_335, %mul3A_389 : i32
        %add3A_391 = arith.constant 4 : i32
        %add3A_392 = arith.addi %mul3A_390, %add3A_391 : i32
        %add3A_393 = vector.broadcast %add3A_392 : i32 to vector<16xi32>
        %add3A_394 = arith.addi %iota3A, %add3A_393 : vector<16xi32>
        %and3A_395 = arith.constant 127 : i32
        %and3A_396 = vector.broadcast %and3A_395 : i32 to vector<16xi32>
        %and3A_397 = arith.andi %add3A_394, %and3A_396 : vector<16xi32>
        %gather3A_398 = tpu.vector_load_idx %arg8[%add3A_168, %and3A_397] : memref<128x128xf32, #tpu.memory_space<vmem>>[vector<16xi32>, vector<16xi32>], vector<16xf32>,
        %gather3A_399 = tpu.vector_load_idx %arg9[%add3A_168, %and3A_397] : memref<128x128xf32, #tpu.memory_space<vmem>>[vector<16xi32>, vector<16xi32>], vector<16xf32>,
        %sub3A_400 = arith.subf %gather3A_398, %gather3A_399 : vector<16xf32>
        %abs3A_401 = math.absf %sub3A_400 : vector<16xf32>
        %add3A_402 = arith.addf %add3A_388, %abs3A_401 : vector<16xf32>
        %mul3A_403 = arith.constant 8 : i32
        %mul3A_404 = arith.muli %scan3A_335, %mul3A_403 : i32
        %add3A_405 = arith.constant 5 : i32
        %add3A_406 = arith.addi %mul3A_404, %add3A_405 : i32
        %add3A_407 = vector.broadcast %add3A_406 : i32 to vector<16xi32>
        %add3A_408 = arith.addi %iota3A, %add3A_407 : vector<16xi32>
        %and3A_409 = arith.constant 127 : i32
        %and3A_410 = vector.broadcast %and3A_409 : i32 to vector<16xi32>
        %and3A_411 = arith.andi %add3A_408, %and3A_410 : vector<16xi32>
        %gather3A_412 = tpu.vector_load_idx %arg8[%add3A_168, %and3A_411] : memref<128x128xf32, #tpu.memory_space<vmem>>[vector<16xi32>, vector<16xi32>], vector<16xf32>,
        %gather3A_413 = tpu.vector_load_idx %arg9[%add3A_168, %and3A_411] : memref<128x128xf32, #tpu.memory_space<vmem>>[vector<16xi32>, vector<16xi32>], vector<16xf32>,
        %sub3A_414 = arith.subf %gather3A_412, %gather3A_413 : vector<16xf32>
        %abs3A_415 = math.absf %sub3A_414 : vector<16xf32>
        %add3A_416 = arith.addf %add3A_402, %abs3A_415 : vector<16xf32>
        %mul3A_417 = arith.constant 8 : i32
        %mul3A_418 = arith.muli %scan3A_335, %mul3A_417 : i32
        %add3A_419 = arith.constant 6 : i32
        %add3A_420 = arith.addi %mul3A_418, %add3A_419 : i32
        %add3A_421 = vector.broadcast %add3A_420 : i32 to vector<16xi32>
        %add3A_422 = arith.addi %iota3A, %add3A_421 : vector<16xi32>
        %and3A_423 = arith.constant 127 : i32
        %and3A_424 = vector.broadcast %and3A_423 : i32 to vector<16xi32>
        %and3A_425 = arith.andi %add3A_422, %and3A_424 : vector<16xi32>
        %gather3A_426 = tpu.vector_load_idx %arg8[%add3A_168, %and3A_425] : memref<128x128xf32, #tpu.memory_space<vmem>>[vector<16xi32>, vector<16xi32>], vector<16xf32>,
        %gather3A_427 = tpu.vector_load_idx %arg9[%add3A_168, %and3A_425] : memref<128x128xf32, #tpu.memory_space<vmem>>[vector<16xi32>, vector<16xi32>], vector<16xf32>,
        %sub3A_428 = arith.subf %gather3A_426, %gather3A_427 : vector<16xf32>
        %abs3A_429 = math.absf %sub3A_428 : vector<16xf32>
        %add3A_430 = arith.addf %add3A_416, %abs3A_429 : vector<16xf32>
        %mul3A_431 = arith.constant 8 : i32
        %mul3A_432 = arith.muli %scan3A_335, %mul3A_431 : i32
        %add3A_433 = arith.constant 7 : i32
        %add3A_434 = arith.addi %mul3A_432, %add3A_433 : i32
        %add3A_435 = vector.broadcast %add3A_434 : i32 to vector<16xi32>
        %add3A_436 = arith.addi %iota3A, %add3A_435 : vector<16xi32>
        %and3A_437 = arith.constant 127 : i32
        %and3A_438 = vector.broadcast %and3A_437 : i32 to vector<16xi32>
        %and3A_439 = arith.andi %add3A_436, %and3A_438 : vector<16xi32>
        %gather3A_440 = tpu.vector_load_idx %arg8[%add3A_168, %and3A_439] : memref<128x128xf32, #tpu.memory_space<vmem>>[vector<16xi32>, vector<16xi32>], vector<16xf32>,
        %gather3A_441 = tpu.vector_load_idx %arg9[%add3A_168, %and3A_439] : memref<128x128xf32, #tpu.memory_space<vmem>>[vector<16xi32>, vector<16xi32>], vector<16xf32>,
        %sub3A_442 = arith.subf %gather3A_440, %gather3A_441 : vector<16xf32>
        %abs3A_443 = math.absf %sub3A_442 : vector<16xf32>
        %add3A_444 = arith.addf %add3A_430, %abs3A_443 : vector<16xf32>
        scf.yield %add3A_444 : vector<16xf32>
      }
      %scan3A_176 = arith.constant 16 : i32
      %mul3A_177 = arith.constant 128 : i32
      %mul3A_178 = arith.muli %mul3A_23, %mul3A_177 : i32
      %add3A_179 = arith.constant 112 : i32
      %add3A_180 = arith.addi %mul3A_178, %add3A_179 : i32
      %swap3A_181 = arith.index_cast %add3A_180 : i32 to index
      %swap3A_182 = tpu.vector_load %arg12[%swap3A_181] {strides = array<i32>} : memref<16128xf32, #tpu.memory_space<vmem>>, vector<16xf32>,
      tpu.vector_store %arg12[%swap3A_181], %scan3A_175 {strides = array<i32>} : memref<16128xf32, #tpu.memory_space<vmem>>, vector<16xf32>,
      %add3A_183 = arith.constant 2 : i32
      %add3A_184 = arith.addi %mul3A_23, %add3A_183 : i32
      %lt3A = arith.constant 126 : i32
      %lt3A_185 = arith.cmpi slt, %add3A_184, %lt3A : i32
      %convert_element_type3A = arith.extui %lt3A_185 : i1 to i32
      %cond3A = arith.constant 0 : i32
      %cond3A_186 = arith.cmpi ne, %convert_element_type3A, %cond3A : i32
      scf.if %cond3A_186 {
        %add3A_335 = arith.constant 2 : i32
        %add3A_336 = arith.addi %mul3A_23, %add3A_335 : i32
        %dma_start3A_337 = arith.constant 0 : i32
        %dma_start3A_338 = tpu.memref_slice %arg6[%add3A_336, %dma_start3A_337] : memref<126x128xi32, #tpu.memory_space<vmem>> -> memref<1x128xi32, #tpu.memory_space<vmem>>
        %dma_start3A_339 = tpu.memref_squeeze %dma_start3A_338 : memref<1x128xi32, #tpu.memory_space<vmem>> -> memref<128xi32, #tpu.memory_space<vmem>>
        %dma_start3A_340 = arith.constant 0 : i32
        %dma_start3A_341 = arith.constant 0 : i32
        %dma_start3A_342 = tpu.memref_slice %arg2[%dma_start3A_340, %dma_start3A_341] : memref<100000x128xf32, #tpu.memory_space<hbm>> -> memref<100000x128xf32, #tpu.memory_space<hbm>>
        tpu.enqueue_indirect_dma source(%dma_start3A_342 : memref<100000x128xf32, #tpu.memory_space<hbm>>) target(%arg8 : memref<128x128xf32, #tpu.memory_space<vmem>>) offsets(%dma_start3A_339 : memref<128xi32, #tpu.memory_space<vmem>>) semaphore(%arg13 : memref<!tpu.dma_semaphore, #tpu.memory_space<semaphore_mem>>)
        %dma_start3A_343 = arith.constant 0 : i32
        %dma_start3A_344 = tpu.memref_slice %arg7[%add3A_336, %dma_start3A_343] : memref<126x128xi32, #tpu.memory_space<vmem>> -> memref<1x128xi32, #tpu.memory_space<vmem>>
        %dma_start3A_345 = tpu.memref_squeeze %dma_start3A_344 : memref<1x128xi32, #tpu.memory_space<vmem>> -> memref<128xi32, #tpu.memory_space<vmem>>
        %dma_start3A_346 = arith.constant 0 : i32
        %dma_start3A_347 = arith.constant 0 : i32
        %dma_start3A_348 = tpu.memref_slice %arg2[%dma_start3A_346, %dma_start3A_347] : memref<100000x128xf32, #tpu.memory_space<hbm>> -> memref<100000x128xf32, #tpu.memory_space<hbm>>
        tpu.enqueue_indirect_dma source(%dma_start3A_348 : memref<100000x128xf32, #tpu.memory_space<hbm>>) target(%arg9 : memref<128x128xf32, #tpu.memory_space<vmem>>) offsets(%dma_start3A_345 : memref<128xi32, #tpu.memory_space<vmem>>) semaphore(%arg14 : memref<!tpu.dma_semaphore, #tpu.memory_space<semaphore_mem>>)
      } else {
      }
      %dma_wait3A_187 = arith.constant 0 : i32
      %dma_wait3A_188 = tpu.memref_slice %arg6[%add3A_25, %dma_wait3A_187] : memref<126x128xi32, #tpu.memory_space<vmem>> -> memref<1x128xi32, #tpu.memory_space<vmem>>
      %dma_wait3A_189 = tpu.memref_squeeze %dma_wait3A_188 : memref<1x128xi32, #tpu.memory_space<vmem>> -> memref<128xi32, #tpu.memory_space<vmem>>
      %dma_wait3A_190 = arith.constant 0 : i32
      %dma_wait3A_191 = arith.constant 0 : i32
      %dma_wait3A_192 = tpu.memref_slice %arg2[%dma_wait3A_190, %dma_wait3A_191] : memref<100000x128xf32, #tpu.memory_space<hbm>> -> memref<100000x128xf32, #tpu.memory_space<hbm>>
      tpu.wait_indirect_dma semaphore(%arg15 : memref<!tpu.dma_semaphore, #tpu.memory_space<semaphore_mem>>) src(%dma_wait3A_192 : memref<100000x128xf32, #tpu.memory_space<hbm>>) dst(%arg10 : memref<128x128xf32, #tpu.memory_space<vmem>>)
      %dma_wait3A_193 = arith.constant 0 : i32
      %dma_wait3A_194 = tpu.memref_slice %arg7[%add3A_25, %dma_wait3A_193] : memref<126x128xi32, #tpu.memory_space<vmem>> -> memref<1x128xi32, #tpu.memory_space<vmem>>
      %dma_wait3A_195 = tpu.memref_squeeze %dma_wait3A_194 : memref<1x128xi32, #tpu.memory_space<vmem>> -> memref<128xi32, #tpu.memory_space<vmem>>
      %dma_wait3A_196 = arith.constant 0 : i32
      %dma_wait3A_197 = arith.constant 0 : i32
      %dma_wait3A_198 = tpu.memref_slice %arg2[%dma_wait3A_196, %dma_wait3A_197] : memref<100000x128xf32, #tpu.memory_space<hbm>> -> memref<100000x128xf32, #tpu.memory_space<hbm>>
      tpu.wait_indirect_dma semaphore(%arg16 : memref<!tpu.dma_semaphore, #tpu.memory_space<semaphore_mem>>) src(%dma_wait3A_198 : memref<100000x128xf32, #tpu.memory_space<hbm>>) dst(%arg11 : memref<128x128xf32, #tpu.memory_space<vmem>>)
      %add3A_199 = arith.constant 0 : i32
      %add3A_200 = vector.broadcast %add3A_199 : i32 to vector<16xi32>
      %add3A_201 = arith.addi %iota3A, %add3A_200 : vector<16xi32>
      %broadcast_in_dim3A_202 = arith.constant 0.000000e+00 : f32
      %broadcast_in_dim3A_203 = vector.broadcast %broadcast_in_dim3A_202 : f32 to vector<16xf32>
      %scan3A_204 = arith.constant 0 : i32
      %scan3A_205 = arith.constant 16 : i32
      %scan3A_206 = arith.addi %scan3A_204, %scan3A_205 : i32
      %scan3A_207 = arith.constant 1 : i32
      %scan3A_208 = scf.for %scan3A_335 = %scan3A_204 to %scan3A_206 step %scan3A_207 iter_args(%scan3A_336 = %broadcast_in_dim3A_203) -> (vector<16xf32>)  : i32 {
        %mul3A_337 = arith.constant 8 : i32
        %mul3A_338 = arith.muli %scan3A_335, %mul3A_337 : i32
        %add3A_339 = arith.constant 0 : i32
        %add3A_340 = arith.addi %mul3A_338, %add3A_339 : i32
        %add3A_341 = vector.broadcast %add3A_340 : i32 to vector<16xi32>
        %add3A_342 = arith.addi %iota3A, %add3A_341 : vector<16xi32>
        %and3A = arith.constant 127 : i32
        %and3A_343 = vector.broadcast %and3A : i32 to vector<16xi32>
        %and3A_344 = arith.andi %add3A_342, %and3A_343 : vector<16xi32>
        %gather3A = tpu.vector_load_idx %arg10[%add3A_201, %and3A_344] : memref<128x128xf32, #tpu.memory_space<vmem>>[vector<16xi32>, vector<16xi32>], vector<16xf32>,
        %gather3A_345 = tpu.vector_load_idx %arg11[%add3A_201, %and3A_344] : memref<128x128xf32, #tpu.memory_space<vmem>>[vector<16xi32>, vector<16xi32>], vector<16xf32>,
        %sub3A = arith.subf %gather3A, %gather3A_345 : vector<16xf32>
        %abs3A = math.absf %sub3A : vector<16xf32>
        %add3A_346 = arith.addf %scan3A_336, %abs3A : vector<16xf32>
        %mul3A_347 = arith.constant 8 : i32
        %mul3A_348 = arith.muli %scan3A_335, %mul3A_347 : i32
        %add3A_349 = arith.constant 1 : i32
        %add3A_350 = arith.addi %mul3A_348, %add3A_349 : i32
        %add3A_351 = vector.broadcast %add3A_350 : i32 to vector<16xi32>
        %add3A_352 = arith.addi %iota3A, %add3A_351 : vector<16xi32>
        %and3A_353 = arith.constant 127 : i32
        %and3A_354 = vector.broadcast %and3A_353 : i32 to vector<16xi32>
        %and3A_355 = arith.andi %add3A_352, %and3A_354 : vector<16xi32>
        %gather3A_356 = tpu.vector_load_idx %arg10[%add3A_201, %and3A_355] : memref<128x128xf32, #tpu.memory_space<vmem>>[vector<16xi32>, vector<16xi32>], vector<16xf32>,
        %gather3A_357 = tpu.vector_load_idx %arg11[%add3A_201, %and3A_355] : memref<128x128xf32, #tpu.memory_space<vmem>>[vector<16xi32>, vector<16xi32>], vector<16xf32>,
        %sub3A_358 = arith.subf %gather3A_356, %gather3A_357 : vector<16xf32>
        %abs3A_359 = math.absf %sub3A_358 : vector<16xf32>
        %add3A_360 = arith.addf %add3A_346, %abs3A_359 : vector<16xf32>
        %mul3A_361 = arith.constant 8 : i32
        %mul3A_362 = arith.muli %scan3A_335, %mul3A_361 : i32
        %add3A_363 = arith.constant 2 : i32
        %add3A_364 = arith.addi %mul3A_362, %add3A_363 : i32
        %add3A_365 = vector.broadcast %add3A_364 : i32 to vector<16xi32>
        %add3A_366 = arith.addi %iota3A, %add3A_365 : vector<16xi32>
        %and3A_367 = arith.constant 127 : i32
        %and3A_368 = vector.broadcast %and3A_367 : i32 to vector<16xi32>
        %and3A_369 = arith.andi %add3A_366, %and3A_368 : vector<16xi32>
        %gather3A_370 = tpu.vector_load_idx %arg10[%add3A_201, %and3A_369] : memref<128x128xf32, #tpu.memory_space<vmem>>[vector<16xi32>, vector<16xi32>], vector<16xf32>,
        %gather3A_371 = tpu.vector_load_idx %arg11[%add3A_201, %and3A_369] : memref<128x128xf32, #tpu.memory_space<vmem>>[vector<16xi32>, vector<16xi32>], vector<16xf32>,
        %sub3A_372 = arith.subf %gather3A_370, %gather3A_371 : vector<16xf32>
        %abs3A_373 = math.absf %sub3A_372 : vector<16xf32>
        %add3A_374 = arith.addf %add3A_360, %abs3A_373 : vector<16xf32>
        %mul3A_375 = arith.constant 8 : i32
        %mul3A_376 = arith.muli %scan3A_335, %mul3A_375 : i32
        %add3A_377 = arith.constant 3 : i32
        %add3A_378 = arith.addi %mul3A_376, %add3A_377 : i32
        %add3A_379 = vector.broadcast %add3A_378 : i32 to vector<16xi32>
        %add3A_380 = arith.addi %iota3A, %add3A_379 : vector<16xi32>
        %and3A_381 = arith.constant 127 : i32
        %and3A_382 = vector.broadcast %and3A_381 : i32 to vector<16xi32>
        %and3A_383 = arith.andi %add3A_380, %and3A_382 : vector<16xi32>
        %gather3A_384 = tpu.vector_load_idx %arg10[%add3A_201, %and3A_383] : memref<128x128xf32, #tpu.memory_space<vmem>>[vector<16xi32>, vector<16xi32>], vector<16xf32>,
        %gather3A_385 = tpu.vector_load_idx %arg11[%add3A_201, %and3A_383] : memref<128x128xf32, #tpu.memory_space<vmem>>[vector<16xi32>, vector<16xi32>], vector<16xf32>,
        %sub3A_386 = arith.subf %gather3A_384, %gather3A_385 : vector<16xf32>
        %abs3A_387 = math.absf %sub3A_386 : vector<16xf32>
        %add3A_388 = arith.addf %add3A_374, %abs3A_387 : vector<16xf32>
        %mul3A_389 = arith.constant 8 : i32
        %mul3A_390 = arith.muli %scan3A_335, %mul3A_389 : i32
        %add3A_391 = arith.constant 4 : i32
        %add3A_392 = arith.addi %mul3A_390, %add3A_391 : i32
        %add3A_393 = vector.broadcast %add3A_392 : i32 to vector<16xi32>
        %add3A_394 = arith.addi %iota3A, %add3A_393 : vector<16xi32>
        %and3A_395 = arith.constant 127 : i32
        %and3A_396 = vector.broadcast %and3A_395 : i32 to vector<16xi32>
        %and3A_397 = arith.andi %add3A_394, %and3A_396 : vector<16xi32>
        %gather3A_398 = tpu.vector_load_idx %arg10[%add3A_201, %and3A_397] : memref<128x128xf32, #tpu.memory_space<vmem>>[vector<16xi32>, vector<16xi32>], vector<16xf32>,
        %gather3A_399 = tpu.vector_load_idx %arg11[%add3A_201, %and3A_397] : memref<128x128xf32, #tpu.memory_space<vmem>>[vector<16xi32>, vector<16xi32>], vector<16xf32>,
        %sub3A_400 = arith.subf %gather3A_398, %gather3A_399 : vector<16xf32>
        %abs3A_401 = math.absf %sub3A_400 : vector<16xf32>
        %add3A_402 = arith.addf %add3A_388, %abs3A_401 : vector<16xf32>
        %mul3A_403 = arith.constant 8 : i32
        %mul3A_404 = arith.muli %scan3A_335, %mul3A_403 : i32
        %add3A_405 = arith.constant 5 : i32
        %add3A_406 = arith.addi %mul3A_404, %add3A_405 : i32
        %add3A_407 = vector.broadcast %add3A_406 : i32 to vector<16xi32>
        %add3A_408 = arith.addi %iota3A, %add3A_407 : vector<16xi32>
        %and3A_409 = arith.constant 127 : i32
        %and3A_410 = vector.broadcast %and3A_409 : i32 to vector<16xi32>
        %and3A_411 = arith.andi %add3A_408, %and3A_410 : vector<16xi32>
        %gather3A_412 = tpu.vector_load_idx %arg10[%add3A_201, %and3A_411] : memref<128x128xf32, #tpu.memory_space<vmem>>[vector<16xi32>, vector<16xi32>], vector<16xf32>,
        %gather3A_413 = tpu.vector_load_idx %arg11[%add3A_201, %and3A_411] : memref<128x128xf32, #tpu.memory_space<vmem>>[vector<16xi32>, vector<16xi32>], vector<16xf32>,
        %sub3A_414 = arith.subf %gather3A_412, %gather3A_413 : vector<16xf32>
        %abs3A_415 = math.absf %sub3A_414 : vector<16xf32>
        %add3A_416 = arith.addf %add3A_402, %abs3A_415 : vector<16xf32>
        %mul3A_417 = arith.constant 8 : i32
        %mul3A_418 = arith.muli %scan3A_335, %mul3A_417 : i32
        %add3A_419 = arith.constant 6 : i32
        %add3A_420 = arith.addi %mul3A_418, %add3A_419 : i32
        %add3A_421 = vector.broadcast %add3A_420 : i32 to vector<16xi32>
        %add3A_422 = arith.addi %iota3A, %add3A_421 : vector<16xi32>
        %and3A_423 = arith.constant 127 : i32
        %and3A_424 = vector.broadcast %and3A_423 : i32 to vector<16xi32>
        %and3A_425 = arith.andi %add3A_422, %and3A_424 : vector<16xi32>
        %gather3A_426 = tpu.vector_load_idx %arg10[%add3A_201, %and3A_425] : memref<128x128xf32, #tpu.memory_space<vmem>>[vector<16xi32>, vector<16xi32>], vector<16xf32>,
        %gather3A_427 = tpu.vector_load_idx %arg11[%add3A_201, %and3A_425] : memref<128x128xf32, #tpu.memory_space<vmem>>[vector<16xi32>, vector<16xi32>], vector<16xf32>,
        %sub3A_428 = arith.subf %gather3A_426, %gather3A_427 : vector<16xf32>
        %abs3A_429 = math.absf %sub3A_428 : vector<16xf32>
        %add3A_430 = arith.addf %add3A_416, %abs3A_429 : vector<16xf32>
        %mul3A_431 = arith.constant 8 : i32
        %mul3A_432 = arith.muli %scan3A_335, %mul3A_431 : i32
        %add3A_433 = arith.constant 7 : i32
        %add3A_434 = arith.addi %mul3A_432, %add3A_433 : i32
        %add3A_435 = vector.broadcast %add3A_434 : i32 to vector<16xi32>
        %add3A_436 = arith.addi %iota3A, %add3A_435 : vector<16xi32>
        %and3A_437 = arith.constant 127 : i32
        %and3A_438 = vector.broadcast %and3A_437 : i32 to vector<16xi32>
        %and3A_439 = arith.andi %add3A_436, %and3A_438 : vector<16xi32>
        %gather3A_440 = tpu.vector_load_idx %arg10[%add3A_201, %and3A_439] : memref<128x128xf32, #tpu.memory_space<vmem>>[vector<16xi32>, vector<16xi32>], vector<16xf32>,
        %gather3A_441 = tpu.vector_load_idx %arg11[%add3A_201, %and3A_439] : memref<128x128xf32, #tpu.memory_space<vmem>>[vector<16xi32>, vector<16xi32>], vector<16xf32>,
        %sub3A_442 = arith.subf %gather3A_440, %gather3A_441 : vector<16xf32>
        %abs3A_443 = math.absf %sub3A_442 : vector<16xf32>
        %add3A_444 = arith.addf %add3A_430, %abs3A_443 : vector<16xf32>
        scf.yield %add3A_444 : vector<16xf32>
      }
      %scan3A_209 = arith.constant 16 : i32
      %mul3A_210 = arith.constant 128 : i32
      %mul3A_211 = arith.muli %add3A_25, %mul3A_210 : i32
      %add3A_212 = arith.constant 0 : i32
      %add3A_213 = arith.addi %mul3A_211, %add3A_212 : i32
      %swap3A_214 = arith.index_cast %add3A_213 : i32 to index
      %swap3A_215 = tpu.vector_load %arg12[%swap3A_214] {strides = array<i32>} : memref<16128xf32, #tpu.memory_space<vmem>>, vector<16xf32>,
      tpu.vector_store %arg12[%swap3A_214], %scan3A_208 {strides = array<i32>} : memref<16128xf32, #tpu.memory_space<vmem>>, vector<16xf32>,
      %add3A_216 = arith.constant 16 : i32
      %add3A_217 = vector.broadcast %add3A_216 : i32 to vector<16xi32>
      %add3A_218 = arith.addi %iota3A, %add3A_217 : vector<16xi32>
      %broadcast_in_dim3A_219 = arith.constant 0.000000e+00 : f32
      %broadcast_in_dim3A_220 = vector.broadcast %broadcast_in_dim3A_219 : f32 to vector<16xf32>
      %scan3A_221 = arith.constant 0 : i32
      %scan3A_222 = arith.constant 16 : i32
      %scan3A_223 = arith.addi %scan3A_221, %scan3A_222 : i32
      %scan3A_224 = arith.constant 1 : i32
      %scan3A_225 = scf.for %scan3A_335 = %scan3A_221 to %scan3A_223 step %scan3A_224 iter_args(%scan3A_336 = %broadcast_in_dim3A_220) -> (vector<16xf32>)  : i32 {
        %mul3A_337 = arith.constant 8 : i32
        %mul3A_338 = arith.muli %scan3A_335, %mul3A_337 : i32
        %add3A_339 = arith.constant 0 : i32
        %add3A_340 = arith.addi %mul3A_338, %add3A_339 : i32
        %add3A_341 = vector.broadcast %add3A_340 : i32 to vector<16xi32>
        %add3A_342 = arith.addi %iota3A, %add3A_341 : vector<16xi32>
        %and3A = arith.constant 127 : i32
        %and3A_343 = vector.broadcast %and3A : i32 to vector<16xi32>
        %and3A_344 = arith.andi %add3A_342, %and3A_343 : vector<16xi32>
        %gather3A = tpu.vector_load_idx %arg10[%add3A_218, %and3A_344] : memref<128x128xf32, #tpu.memory_space<vmem>>[vector<16xi32>, vector<16xi32>], vector<16xf32>,
        %gather3A_345 = tpu.vector_load_idx %arg11[%add3A_218, %and3A_344] : memref<128x128xf32, #tpu.memory_space<vmem>>[vector<16xi32>, vector<16xi32>], vector<16xf32>,
        %sub3A = arith.subf %gather3A, %gather3A_345 : vector<16xf32>
        %abs3A = math.absf %sub3A : vector<16xf32>
        %add3A_346 = arith.addf %scan3A_336, %abs3A : vector<16xf32>
        %mul3A_347 = arith.constant 8 : i32
        %mul3A_348 = arith.muli %scan3A_335, %mul3A_347 : i32
        %add3A_349 = arith.constant 1 : i32
        %add3A_350 = arith.addi %mul3A_348, %add3A_349 : i32
        %add3A_351 = vector.broadcast %add3A_350 : i32 to vector<16xi32>
        %add3A_352 = arith.addi %iota3A, %add3A_351 : vector<16xi32>
        %and3A_353 = arith.constant 127 : i32
        %and3A_354 = vector.broadcast %and3A_353 : i32 to vector<16xi32>
        %and3A_355 = arith.andi %add3A_352, %and3A_354 : vector<16xi32>
        %gather3A_356 = tpu.vector_load_idx %arg10[%add3A_218, %and3A_355] : memref<128x128xf32, #tpu.memory_space<vmem>>[vector<16xi32>, vector<16xi32>], vector<16xf32>,
        %gather3A_357 = tpu.vector_load_idx %arg11[%add3A_218, %and3A_355] : memref<128x128xf32, #tpu.memory_space<vmem>>[vector<16xi32>, vector<16xi32>], vector<16xf32>,
        %sub3A_358 = arith.subf %gather3A_356, %gather3A_357 : vector<16xf32>
        %abs3A_359 = math.absf %sub3A_358 : vector<16xf32>
        %add3A_360 = arith.addf %add3A_346, %abs3A_359 : vector<16xf32>
        %mul3A_361 = arith.constant 8 : i32
        %mul3A_362 = arith.muli %scan3A_335, %mul3A_361 : i32
        %add3A_363 = arith.constant 2 : i32
        %add3A_364 = arith.addi %mul3A_362, %add3A_363 : i32
        %add3A_365 = vector.broadcast %add3A_364 : i32 to vector<16xi32>
        %add3A_366 = arith.addi %iota3A, %add3A_365 : vector<16xi32>
        %and3A_367 = arith.constant 127 : i32
        %and3A_368 = vector.broadcast %and3A_367 : i32 to vector<16xi32>
        %and3A_369 = arith.andi %add3A_366, %and3A_368 : vector<16xi32>
        %gather3A_370 = tpu.vector_load_idx %arg10[%add3A_218, %and3A_369] : memref<128x128xf32, #tpu.memory_space<vmem>>[vector<16xi32>, vector<16xi32>], vector<16xf32>,
        %gather3A_371 = tpu.vector_load_idx %arg11[%add3A_218, %and3A_369] : memref<128x128xf32, #tpu.memory_space<vmem>>[vector<16xi32>, vector<16xi32>], vector<16xf32>,
        %sub3A_372 = arith.subf %gather3A_370, %gather3A_371 : vector<16xf32>
        %abs3A_373 = math.absf %sub3A_372 : vector<16xf32>
        %add3A_374 = arith.addf %add3A_360, %abs3A_373 : vector<16xf32>
        %mul3A_375 = arith.constant 8 : i32
        %mul3A_376 = arith.muli %scan3A_335, %mul3A_375 : i32
        %add3A_377 = arith.constant 3 : i32
        %add3A_378 = arith.addi %mul3A_376, %add3A_377 : i32
        %add3A_379 = vector.broadcast %add3A_378 : i32 to vector<16xi32>
        %add3A_380 = arith.addi %iota3A, %add3A_379 : vector<16xi32>
        %and3A_381 = arith.constant 127 : i32
        %and3A_382 = vector.broadcast %and3A_381 : i32 to vector<16xi32>
        %and3A_383 = arith.andi %add3A_380, %and3A_382 : vector<16xi32>
        %gather3A_384 = tpu.vector_load_idx %arg10[%add3A_218, %and3A_383] : memref<128x128xf32, #tpu.memory_space<vmem>>[vector<16xi32>, vector<16xi32>], vector<16xf32>,
        %gather3A_385 = tpu.vector_load_idx %arg11[%add3A_218, %and3A_383] : memref<128x128xf32, #tpu.memory_space<vmem>>[vector<16xi32>, vector<16xi32>], vector<16xf32>,
        %sub3A_386 = arith.subf %gather3A_384, %gather3A_385 : vector<16xf32>
        %abs3A_387 = math.absf %sub3A_386 : vector<16xf32>
        %add3A_388 = arith.addf %add3A_374, %abs3A_387 : vector<16xf32>
        %mul3A_389 = arith.constant 8 : i32
        %mul3A_390 = arith.muli %scan3A_335, %mul3A_389 : i32
        %add3A_391 = arith.constant 4 : i32
        %add3A_392 = arith.addi %mul3A_390, %add3A_391 : i32
        %add3A_393 = vector.broadcast %add3A_392 : i32 to vector<16xi32>
        %add3A_394 = arith.addi %iota3A, %add3A_393 : vector<16xi32>
        %and3A_395 = arith.constant 127 : i32
        %and3A_396 = vector.broadcast %and3A_395 : i32 to vector<16xi32>
        %and3A_397 = arith.andi %add3A_394, %and3A_396 : vector<16xi32>
        %gather3A_398 = tpu.vector_load_idx %arg10[%add3A_218, %and3A_397] : memref<128x128xf32, #tpu.memory_space<vmem>>[vector<16xi32>, vector<16xi32>], vector<16xf32>,
        %gather3A_399 = tpu.vector_load_idx %arg11[%add3A_218, %and3A_397] : memref<128x128xf32, #tpu.memory_space<vmem>>[vector<16xi32>, vector<16xi32>], vector<16xf32>,
        %sub3A_400 = arith.subf %gather3A_398, %gather3A_399 : vector<16xf32>
        %abs3A_401 = math.absf %sub3A_400 : vector<16xf32>
        %add3A_402 = arith.addf %add3A_388, %abs3A_401 : vector<16xf32>
        %mul3A_403 = arith.constant 8 : i32
        %mul3A_404 = arith.muli %scan3A_335, %mul3A_403 : i32
        %add3A_405 = arith.constant 5 : i32
        %add3A_406 = arith.addi %mul3A_404, %add3A_405 : i32
        %add3A_407 = vector.broadcast %add3A_406 : i32 to vector<16xi32>
        %add3A_408 = arith.addi %iota3A, %add3A_407 : vector<16xi32>
        %and3A_409 = arith.constant 127 : i32
        %and3A_410 = vector.broadcast %and3A_409 : i32 to vector<16xi32>
        %and3A_411 = arith.andi %add3A_408, %and3A_410 : vector<16xi32>
        %gather3A_412 = tpu.vector_load_idx %arg10[%add3A_218, %and3A_411] : memref<128x128xf32, #tpu.memory_space<vmem>>[vector<16xi32>, vector<16xi32>], vector<16xf32>,
        %gather3A_413 = tpu.vector_load_idx %arg11[%add3A_218, %and3A_411] : memref<128x128xf32, #tpu.memory_space<vmem>>[vector<16xi32>, vector<16xi32>], vector<16xf32>,
        %sub3A_414 = arith.subf %gather3A_412, %gather3A_413 : vector<16xf32>
        %abs3A_415 = math.absf %sub3A_414 : vector<16xf32>
        %add3A_416 = arith.addf %add3A_402, %abs3A_415 : vector<16xf32>
        %mul3A_417 = arith.constant 8 : i32
        %mul3A_418 = arith.muli %scan3A_335, %mul3A_417 : i32
        %add3A_419 = arith.constant 6 : i32
        %add3A_420 = arith.addi %mul3A_418, %add3A_419 : i32
        %add3A_421 = vector.broadcast %add3A_420 : i32 to vector<16xi32>
        %add3A_422 = arith.addi %iota3A, %add3A_421 : vector<16xi32>
        %and3A_423 = arith.constant 127 : i32
        %and3A_424 = vector.broadcast %and3A_423 : i32 to vector<16xi32>
        %and3A_425 = arith.andi %add3A_422, %and3A_424 : vector<16xi32>
        %gather3A_426 = tpu.vector_load_idx %arg10[%add3A_218, %and3A_425] : memref<128x128xf32, #tpu.memory_space<vmem>>[vector<16xi32>, vector<16xi32>], vector<16xf32>,
        %gather3A_427 = tpu.vector_load_idx %arg11[%add3A_218, %and3A_425] : memref<128x128xf32, #tpu.memory_space<vmem>>[vector<16xi32>, vector<16xi32>], vector<16xf32>,
        %sub3A_428 = arith.subf %gather3A_426, %gather3A_427 : vector<16xf32>
        %abs3A_429 = math.absf %sub3A_428 : vector<16xf32>
        %add3A_430 = arith.addf %add3A_416, %abs3A_429 : vector<16xf32>
        %mul3A_431 = arith.constant 8 : i32
        %mul3A_432 = arith.muli %scan3A_335, %mul3A_431 : i32
        %add3A_433 = arith.constant 7 : i32
        %add3A_434 = arith.addi %mul3A_432, %add3A_433 : i32
        %add3A_435 = vector.broadcast %add3A_434 : i32 to vector<16xi32>
        %add3A_436 = arith.addi %iota3A, %add3A_435 : vector<16xi32>
        %and3A_437 = arith.constant 127 : i32
        %and3A_438 = vector.broadcast %and3A_437 : i32 to vector<16xi32>
        %and3A_439 = arith.andi %add3A_436, %and3A_438 : vector<16xi32>
        %gather3A_440 = tpu.vector_load_idx %arg10[%add3A_218, %and3A_439] : memref<128x128xf32, #tpu.memory_space<vmem>>[vector<16xi32>, vector<16xi32>], vector<16xf32>,
        %gather3A_441 = tpu.vector_load_idx %arg11[%add3A_218, %and3A_439] : memref<128x128xf32, #tpu.memory_space<vmem>>[vector<16xi32>, vector<16xi32>], vector<16xf32>,
        %sub3A_442 = arith.subf %gather3A_440, %gather3A_441 : vector<16xf32>
        %abs3A_443 = math.absf %sub3A_442 : vector<16xf32>
        %add3A_444 = arith.addf %add3A_430, %abs3A_443 : vector<16xf32>
        scf.yield %add3A_444 : vector<16xf32>
      }
      %scan3A_226 = arith.constant 16 : i32
      %mul3A_227 = arith.constant 128 : i32
      %mul3A_228 = arith.muli %add3A_25, %mul3A_227 : i32
      %add3A_229 = arith.constant 16 : i32
      %add3A_230 = arith.addi %mul3A_228, %add3A_229 : i32
      %swap3A_231 = arith.index_cast %add3A_230 : i32 to index
      %swap3A_232 = tpu.vector_load %arg12[%swap3A_231] {strides = array<i32>} : memref<16128xf32, #tpu.memory_space<vmem>>, vector<16xf32>,
      tpu.vector_store %arg12[%swap3A_231], %scan3A_225 {strides = array<i32>} : memref<16128xf32, #tpu.memory_space<vmem>>, vector<16xf32>,
      %add3A_233 = arith.constant 32 : i32
      %add3A_234 = vector.broadcast %add3A_233 : i32 to vector<16xi32>
      %add3A_235 = arith.addi %iota3A, %add3A_234 : vector<16xi32>
      %broadcast_in_dim3A_236 = arith.constant 0.000000e+00 : f32
      %broadcast_in_dim3A_237 = vector.broadcast %broadcast_in_dim3A_236 : f32 to vector<16xf32>
      %scan3A_238 = arith.constant 0 : i32
      %scan3A_239 = arith.constant 16 : i32
      %scan3A_240 = arith.addi %scan3A_238, %scan3A_239 : i32
      %scan3A_241 = arith.constant 1 : i32
      %scan3A_242 = scf.for %scan3A_335 = %scan3A_238 to %scan3A_240 step %scan3A_241 iter_args(%scan3A_336 = %broadcast_in_dim3A_237) -> (vector<16xf32>)  : i32 {
        %mul3A_337 = arith.constant 8 : i32
        %mul3A_338 = arith.muli %scan3A_335, %mul3A_337 : i32
        %add3A_339 = arith.constant 0 : i32
        %add3A_340 = arith.addi %mul3A_338, %add3A_339 : i32
        %add3A_341 = vector.broadcast %add3A_340 : i32 to vector<16xi32>
        %add3A_342 = arith.addi %iota3A, %add3A_341 : vector<16xi32>
        %and3A = arith.constant 127 : i32
        %and3A_343 = vector.broadcast %and3A : i32 to vector<16xi32>
        %and3A_344 = arith.andi %add3A_342, %and3A_343 : vector<16xi32>
        %gather3A = tpu.vector_load_idx %arg10[%add3A_235, %and3A_344] : memref<128x128xf32, #tpu.memory_space<vmem>>[vector<16xi32>, vector<16xi32>], vector<16xf32>,
        %gather3A_345 = tpu.vector_load_idx %arg11[%add3A_235, %and3A_344] : memref<128x128xf32, #tpu.memory_space<vmem>>[vector<16xi32>, vector<16xi32>], vector<16xf32>,
        %sub3A = arith.subf %gather3A, %gather3A_345 : vector<16xf32>
        %abs3A = math.absf %sub3A : vector<16xf32>
        %add3A_346 = arith.addf %scan3A_336, %abs3A : vector<16xf32>
        %mul3A_347 = arith.constant 8 : i32
        %mul3A_348 = arith.muli %scan3A_335, %mul3A_347 : i32
        %add3A_349 = arith.constant 1 : i32
        %add3A_350 = arith.addi %mul3A_348, %add3A_349 : i32
        %add3A_351 = vector.broadcast %add3A_350 : i32 to vector<16xi32>
        %add3A_352 = arith.addi %iota3A, %add3A_351 : vector<16xi32>
        %and3A_353 = arith.constant 127 : i32
        %and3A_354 = vector.broadcast %and3A_353 : i32 to vector<16xi32>
        %and3A_355 = arith.andi %add3A_352, %and3A_354 : vector<16xi32>
        %gather3A_356 = tpu.vector_load_idx %arg10[%add3A_235, %and3A_355] : memref<128x128xf32, #tpu.memory_space<vmem>>[vector<16xi32>, vector<16xi32>], vector<16xf32>,
        %gather3A_357 = tpu.vector_load_idx %arg11[%add3A_235, %and3A_355] : memref<128x128xf32, #tpu.memory_space<vmem>>[vector<16xi32>, vector<16xi32>], vector<16xf32>,
        %sub3A_358 = arith.subf %gather3A_356, %gather3A_357 : vector<16xf32>
        %abs3A_359 = math.absf %sub3A_358 : vector<16xf32>
        %add3A_360 = arith.addf %add3A_346, %abs3A_359 : vector<16xf32>
        %mul3A_361 = arith.constant 8 : i32
        %mul3A_362 = arith.muli %scan3A_335, %mul3A_361 : i32
        %add3A_363 = arith.constant 2 : i32
        %add3A_364 = arith.addi %mul3A_362, %add3A_363 : i32
        %add3A_365 = vector.broadcast %add3A_364 : i32 to vector<16xi32>
        %add3A_366 = arith.addi %iota3A, %add3A_365 : vector<16xi32>
        %and3A_367 = arith.constant 127 : i32
        %and3A_368 = vector.broadcast %and3A_367 : i32 to vector<16xi32>
        %and3A_369 = arith.andi %add3A_366, %and3A_368 : vector<16xi32>
        %gather3A_370 = tpu.vector_load_idx %arg10[%add3A_235, %and3A_369] : memref<128x128xf32, #tpu.memory_space<vmem>>[vector<16xi32>, vector<16xi32>], vector<16xf32>,
        %gather3A_371 = tpu.vector_load_idx %arg11[%add3A_235, %and3A_369] : memref<128x128xf32, #tpu.memory_space<vmem>>[vector<16xi32>, vector<16xi32>], vector<16xf32>,
        %sub3A_372 = arith.subf %gather3A_370, %gather3A_371 : vector<16xf32>
        %abs3A_373 = math.absf %sub3A_372 : vector<16xf32>
        %add3A_374 = arith.addf %add3A_360, %abs3A_373 : vector<16xf32>
        %mul3A_375 = arith.constant 8 : i32
        %mul3A_376 = arith.muli %scan3A_335, %mul3A_375 : i32
        %add3A_377 = arith.constant 3 : i32
        %add3A_378 = arith.addi %mul3A_376, %add3A_377 : i32
        %add3A_379 = vector.broadcast %add3A_378 : i32 to vector<16xi32>
        %add3A_380 = arith.addi %iota3A, %add3A_379 : vector<16xi32>
        %and3A_381 = arith.constant 127 : i32
        %and3A_382 = vector.broadcast %and3A_381 : i32 to vector<16xi32>
        %and3A_383 = arith.andi %add3A_380, %and3A_382 : vector<16xi32>
        %gather3A_384 = tpu.vector_load_idx %arg10[%add3A_235, %and3A_383] : memref<128x128xf32, #tpu.memory_space<vmem>>[vector<16xi32>, vector<16xi32>], vector<16xf32>,
        %gather3A_385 = tpu.vector_load_idx %arg11[%add3A_235, %and3A_383] : memref<128x128xf32, #tpu.memory_space<vmem>>[vector<16xi32>, vector<16xi32>], vector<16xf32>,
        %sub3A_386 = arith.subf %gather3A_384, %gather3A_385 : vector<16xf32>
        %abs3A_387 = math.absf %sub3A_386 : vector<16xf32>
        %add3A_388 = arith.addf %add3A_374, %abs3A_387 : vector<16xf32>
        %mul3A_389 = arith.constant 8 : i32
        %mul3A_390 = arith.muli %scan3A_335, %mul3A_389 : i32
        %add3A_391 = arith.constant 4 : i32
        %add3A_392 = arith.addi %mul3A_390, %add3A_391 : i32
        %add3A_393 = vector.broadcast %add3A_392 : i32 to vector<16xi32>
        %add3A_394 = arith.addi %iota3A, %add3A_393 : vector<16xi32>
        %and3A_395 = arith.constant 127 : i32
        %and3A_396 = vector.broadcast %and3A_395 : i32 to vector<16xi32>
        %and3A_397 = arith.andi %add3A_394, %and3A_396 : vector<16xi32>
        %gather3A_398 = tpu.vector_load_idx %arg10[%add3A_235, %and3A_397] : memref<128x128xf32, #tpu.memory_space<vmem>>[vector<16xi32>, vector<16xi32>], vector<16xf32>,
        %gather3A_399 = tpu.vector_load_idx %arg11[%add3A_235, %and3A_397] : memref<128x128xf32, #tpu.memory_space<vmem>>[vector<16xi32>, vector<16xi32>], vector<16xf32>,
        %sub3A_400 = arith.subf %gather3A_398, %gather3A_399 : vector<16xf32>
        %abs3A_401 = math.absf %sub3A_400 : vector<16xf32>
        %add3A_402 = arith.addf %add3A_388, %abs3A_401 : vector<16xf32>
        %mul3A_403 = arith.constant 8 : i32
        %mul3A_404 = arith.muli %scan3A_335, %mul3A_403 : i32
        %add3A_405 = arith.constant 5 : i32
        %add3A_406 = arith.addi %mul3A_404, %add3A_405 : i32
        %add3A_407 = vector.broadcast %add3A_406 : i32 to vector<16xi32>
        %add3A_408 = arith.addi %iota3A, %add3A_407 : vector<16xi32>
        %and3A_409 = arith.constant 127 : i32
        %and3A_410 = vector.broadcast %and3A_409 : i32 to vector<16xi32>
        %and3A_411 = arith.andi %add3A_408, %and3A_410 : vector<16xi32>
        %gather3A_412 = tpu.vector_load_idx %arg10[%add3A_235, %and3A_411] : memref<128x128xf32, #tpu.memory_space<vmem>>[vector<16xi32>, vector<16xi32>], vector<16xf32>,
        %gather3A_413 = tpu.vector_load_idx %arg11[%add3A_235, %and3A_411] : memref<128x128xf32, #tpu.memory_space<vmem>>[vector<16xi32>, vector<16xi32>], vector<16xf32>,
        %sub3A_414 = arith.subf %gather3A_412, %gather3A_413 : vector<16xf32>
        %abs3A_415 = math.absf %sub3A_414 : vector<16xf32>
        %add3A_416 = arith.addf %add3A_402, %abs3A_415 : vector<16xf32>
        %mul3A_417 = arith.constant 8 : i32
        %mul3A_418 = arith.muli %scan3A_335, %mul3A_417 : i32
        %add3A_419 = arith.constant 6 : i32
        %add3A_420 = arith.addi %mul3A_418, %add3A_419 : i32
        %add3A_421 = vector.broadcast %add3A_420 : i32 to vector<16xi32>
        %add3A_422 = arith.addi %iota3A, %add3A_421 : vector<16xi32>
        %and3A_423 = arith.constant 127 : i32
        %and3A_424 = vector.broadcast %and3A_423 : i32 to vector<16xi32>
        %and3A_425 = arith.andi %add3A_422, %and3A_424 : vector<16xi32>
        %gather3A_426 = tpu.vector_load_idx %arg10[%add3A_235, %and3A_425] : memref<128x128xf32, #tpu.memory_space<vmem>>[vector<16xi32>, vector<16xi32>], vector<16xf32>,
        %gather3A_427 = tpu.vector_load_idx %arg11[%add3A_235, %and3A_425] : memref<128x128xf32, #tpu.memory_space<vmem>>[vector<16xi32>, vector<16xi32>], vector<16xf32>,
        %sub3A_428 = arith.subf %gather3A_426, %gather3A_427 : vector<16xf32>
        %abs3A_429 = math.absf %sub3A_428 : vector<16xf32>
        %add3A_430 = arith.addf %add3A_416, %abs3A_429 : vector<16xf32>
        %mul3A_431 = arith.constant 8 : i32
        %mul3A_432 = arith.muli %scan3A_335, %mul3A_431 : i32
        %add3A_433 = arith.constant 7 : i32
        %add3A_434 = arith.addi %mul3A_432, %add3A_433 : i32
        %add3A_435 = vector.broadcast %add3A_434 : i32 to vector<16xi32>
        %add3A_436 = arith.addi %iota3A, %add3A_435 : vector<16xi32>
        %and3A_437 = arith.constant 127 : i32
        %and3A_438 = vector.broadcast %and3A_437 : i32 to vector<16xi32>
        %and3A_439 = arith.andi %add3A_436, %and3A_438 : vector<16xi32>
        %gather3A_440 = tpu.vector_load_idx %arg10[%add3A_235, %and3A_439] : memref<128x128xf32, #tpu.memory_space<vmem>>[vector<16xi32>, vector<16xi32>], vector<16xf32>,
        %gather3A_441 = tpu.vector_load_idx %arg11[%add3A_235, %and3A_439] : memref<128x128xf32, #tpu.memory_space<vmem>>[vector<16xi32>, vector<16xi32>], vector<16xf32>,
        %sub3A_442 = arith.subf %gather3A_440, %gather3A_441 : vector<16xf32>
        %abs3A_443 = math.absf %sub3A_442 : vector<16xf32>
        %add3A_444 = arith.addf %add3A_430, %abs3A_443 : vector<16xf32>
        scf.yield %add3A_444 : vector<16xf32>
      }
      %scan3A_243 = arith.constant 16 : i32
      %mul3A_244 = arith.constant 128 : i32
      %mul3A_245 = arith.muli %add3A_25, %mul3A_244 : i32
      %add3A_246 = arith.constant 32 : i32
      %add3A_247 = arith.addi %mul3A_245, %add3A_246 : i32
      %swap3A_248 = arith.index_cast %add3A_247 : i32 to index
      %swap3A_249 = tpu.vector_load %arg12[%swap3A_248] {strides = array<i32>} : memref<16128xf32, #tpu.memory_space<vmem>>, vector<16xf32>,
      tpu.vector_store %arg12[%swap3A_248], %scan3A_242 {strides = array<i32>} : memref<16128xf32, #tpu.memory_space<vmem>>, vector<16xf32>,
      %add3A_250 = arith.constant 48 : i32
      %add3A_251 = vector.broadcast %add3A_250 : i32 to vector<16xi32>
      %add3A_252 = arith.addi %iota3A, %add3A_251 : vector<16xi32>
      %broadcast_in_dim3A_253 = arith.constant 0.000000e+00 : f32
      %broadcast_in_dim3A_254 = vector.broadcast %broadcast_in_dim3A_253 : f32 to vector<16xf32>
      %scan3A_255 = arith.constant 0 : i32
      %scan3A_256 = arith.constant 16 : i32
      %scan3A_257 = arith.addi %scan3A_255, %scan3A_256 : i32
      %scan3A_258 = arith.constant 1 : i32
      %scan3A_259 = scf.for %scan3A_335 = %scan3A_255 to %scan3A_257 step %scan3A_258 iter_args(%scan3A_336 = %broadcast_in_dim3A_254) -> (vector<16xf32>)  : i32 {
        %mul3A_337 = arith.constant 8 : i32
        %mul3A_338 = arith.muli %scan3A_335, %mul3A_337 : i32
        %add3A_339 = arith.constant 0 : i32
        %add3A_340 = arith.addi %mul3A_338, %add3A_339 : i32
        %add3A_341 = vector.broadcast %add3A_340 : i32 to vector<16xi32>
        %add3A_342 = arith.addi %iota3A, %add3A_341 : vector<16xi32>
        %and3A = arith.constant 127 : i32
        %and3A_343 = vector.broadcast %and3A : i32 to vector<16xi32>
        %and3A_344 = arith.andi %add3A_342, %and3A_343 : vector<16xi32>
        %gather3A = tpu.vector_load_idx %arg10[%add3A_252, %and3A_344] : memref<128x128xf32, #tpu.memory_space<vmem>>[vector<16xi32>, vector<16xi32>], vector<16xf32>,
        %gather3A_345 = tpu.vector_load_idx %arg11[%add3A_252, %and3A_344] : memref<128x128xf32, #tpu.memory_space<vmem>>[vector<16xi32>, vector<16xi32>], vector<16xf32>,
        %sub3A = arith.subf %gather3A, %gather3A_345 : vector<16xf32>
        %abs3A = math.absf %sub3A : vector<16xf32>
        %add3A_346 = arith.addf %scan3A_336, %abs3A : vector<16xf32>
        %mul3A_347 = arith.constant 8 : i32
        %mul3A_348 = arith.muli %scan3A_335, %mul3A_347 : i32
        %add3A_349 = arith.constant 1 : i32
        %add3A_350 = arith.addi %mul3A_348, %add3A_349 : i32
        %add3A_351 = vector.broadcast %add3A_350 : i32 to vector<16xi32>
        %add3A_352 = arith.addi %iota3A, %add3A_351 : vector<16xi32>
        %and3A_353 = arith.constant 127 : i32
        %and3A_354 = vector.broadcast %and3A_353 : i32 to vector<16xi32>
        %and3A_355 = arith.andi %add3A_352, %and3A_354 : vector<16xi32>
        %gather3A_356 = tpu.vector_load_idx %arg10[%add3A_252, %and3A_355] : memref<128x128xf32, #tpu.memory_space<vmem>>[vector<16xi32>, vector<16xi32>], vector<16xf32>,
        %gather3A_357 = tpu.vector_load_idx %arg11[%add3A_252, %and3A_355] : memref<128x128xf32, #tpu.memory_space<vmem>>[vector<16xi32>, vector<16xi32>], vector<16xf32>,
        %sub3A_358 = arith.subf %gather3A_356, %gather3A_357 : vector<16xf32>
        %abs3A_359 = math.absf %sub3A_358 : vector<16xf32>
        %add3A_360 = arith.addf %add3A_346, %abs3A_359 : vector<16xf32>
        %mul3A_361 = arith.constant 8 : i32
        %mul3A_362 = arith.muli %scan3A_335, %mul3A_361 : i32
        %add3A_363 = arith.constant 2 : i32
        %add3A_364 = arith.addi %mul3A_362, %add3A_363 : i32
        %add3A_365 = vector.broadcast %add3A_364 : i32 to vector<16xi32>
        %add3A_366 = arith.addi %iota3A, %add3A_365 : vector<16xi32>
        %and3A_367 = arith.constant 127 : i32
        %and3A_368 = vector.broadcast %and3A_367 : i32 to vector<16xi32>
        %and3A_369 = arith.andi %add3A_366, %and3A_368 : vector<16xi32>
        %gather3A_370 = tpu.vector_load_idx %arg10[%add3A_252, %and3A_369] : memref<128x128xf32, #tpu.memory_space<vmem>>[vector<16xi32>, vector<16xi32>], vector<16xf32>,
        %gather3A_371 = tpu.vector_load_idx %arg11[%add3A_252, %and3A_369] : memref<128x128xf32, #tpu.memory_space<vmem>>[vector<16xi32>, vector<16xi32>], vector<16xf32>,
        %sub3A_372 = arith.subf %gather3A_370, %gather3A_371 : vector<16xf32>
        %abs3A_373 = math.absf %sub3A_372 : vector<16xf32>
        %add3A_374 = arith.addf %add3A_360, %abs3A_373 : vector<16xf32>
        %mul3A_375 = arith.constant 8 : i32
        %mul3A_376 = arith.muli %scan3A_335, %mul3A_375 : i32
        %add3A_377 = arith.constant 3 : i32
        %add3A_378 = arith.addi %mul3A_376, %add3A_377 : i32
        %add3A_379 = vector.broadcast %add3A_378 : i32 to vector<16xi32>
        %add3A_380 = arith.addi %iota3A, %add3A_379 : vector<16xi32>
        %and3A_381 = arith.constant 127 : i32
        %and3A_382 = vector.broadcast %and3A_381 : i32 to vector<16xi32>
        %and3A_383 = arith.andi %add3A_380, %and3A_382 : vector<16xi32>
        %gather3A_384 = tpu.vector_load_idx %arg10[%add3A_252, %and3A_383] : memref<128x128xf32, #tpu.memory_space<vmem>>[vector<16xi32>, vector<16xi32>], vector<16xf32>,
        %gather3A_385 = tpu.vector_load_idx %arg11[%add3A_252, %and3A_383] : memref<128x128xf32, #tpu.memory_space<vmem>>[vector<16xi32>, vector<16xi32>], vector<16xf32>,
        %sub3A_386 = arith.subf %gather3A_384, %gather3A_385 : vector<16xf32>
        %abs3A_387 = math.absf %sub3A_386 : vector<16xf32>
        %add3A_388 = arith.addf %add3A_374, %abs3A_387 : vector<16xf32>
        %mul3A_389 = arith.constant 8 : i32
        %mul3A_390 = arith.muli %scan3A_335, %mul3A_389 : i32
        %add3A_391 = arith.constant 4 : i32
        %add3A_392 = arith.addi %mul3A_390, %add3A_391 : i32
        %add3A_393 = vector.broadcast %add3A_392 : i32 to vector<16xi32>
        %add3A_394 = arith.addi %iota3A, %add3A_393 : vector<16xi32>
        %and3A_395 = arith.constant 127 : i32
        %and3A_396 = vector.broadcast %and3A_395 : i32 to vector<16xi32>
        %and3A_397 = arith.andi %add3A_394, %and3A_396 : vector<16xi32>
        %gather3A_398 = tpu.vector_load_idx %arg10[%add3A_252, %and3A_397] : memref<128x128xf32, #tpu.memory_space<vmem>>[vector<16xi32>, vector<16xi32>], vector<16xf32>,
        %gather3A_399 = tpu.vector_load_idx %arg11[%add3A_252, %and3A_397] : memref<128x128xf32, #tpu.memory_space<vmem>>[vector<16xi32>, vector<16xi32>], vector<16xf32>,
        %sub3A_400 = arith.subf %gather3A_398, %gather3A_399 : vector<16xf32>
        %abs3A_401 = math.absf %sub3A_400 : vector<16xf32>
        %add3A_402 = arith.addf %add3A_388, %abs3A_401 : vector<16xf32>
        %mul3A_403 = arith.constant 8 : i32
        %mul3A_404 = arith.muli %scan3A_335, %mul3A_403 : i32
        %add3A_405 = arith.constant 5 : i32
        %add3A_406 = arith.addi %mul3A_404, %add3A_405 : i32
        %add3A_407 = vector.broadcast %add3A_406 : i32 to vector<16xi32>
        %add3A_408 = arith.addi %iota3A, %add3A_407 : vector<16xi32>
        %and3A_409 = arith.constant 127 : i32
        %and3A_410 = vector.broadcast %and3A_409 : i32 to vector<16xi32>
        %and3A_411 = arith.andi %add3A_408, %and3A_410 : vector<16xi32>
        %gather3A_412 = tpu.vector_load_idx %arg10[%add3A_252, %and3A_411] : memref<128x128xf32, #tpu.memory_space<vmem>>[vector<16xi32>, vector<16xi32>], vector<16xf32>,
        %gather3A_413 = tpu.vector_load_idx %arg11[%add3A_252, %and3A_411] : memref<128x128xf32, #tpu.memory_space<vmem>>[vector<16xi32>, vector<16xi32>], vector<16xf32>,
        %sub3A_414 = arith.subf %gather3A_412, %gather3A_413 : vector<16xf32>
        %abs3A_415 = math.absf %sub3A_414 : vector<16xf32>
        %add3A_416 = arith.addf %add3A_402, %abs3A_415 : vector<16xf32>
        %mul3A_417 = arith.constant 8 : i32
        %mul3A_418 = arith.muli %scan3A_335, %mul3A_417 : i32
        %add3A_419 = arith.constant 6 : i32
        %add3A_420 = arith.addi %mul3A_418, %add3A_419 : i32
        %add3A_421 = vector.broadcast %add3A_420 : i32 to vector<16xi32>
        %add3A_422 = arith.addi %iota3A, %add3A_421 : vector<16xi32>
        %and3A_423 = arith.constant 127 : i32
        %and3A_424 = vector.broadcast %and3A_423 : i32 to vector<16xi32>
        %and3A_425 = arith.andi %add3A_422, %and3A_424 : vector<16xi32>
        %gather3A_426 = tpu.vector_load_idx %arg10[%add3A_252, %and3A_425] : memref<128x128xf32, #tpu.memory_space<vmem>>[vector<16xi32>, vector<16xi32>], vector<16xf32>,
        %gather3A_427 = tpu.vector_load_idx %arg11[%add3A_252, %and3A_425] : memref<128x128xf32, #tpu.memory_space<vmem>>[vector<16xi32>, vector<16xi32>], vector<16xf32>,
        %sub3A_428 = arith.subf %gather3A_426, %gather3A_427 : vector<16xf32>
        %abs3A_429 = math.absf %sub3A_428 : vector<16xf32>
        %add3A_430 = arith.addf %add3A_416, %abs3A_429 : vector<16xf32>
        %mul3A_431 = arith.constant 8 : i32
        %mul3A_432 = arith.muli %scan3A_335, %mul3A_431 : i32
        %add3A_433 = arith.constant 7 : i32
        %add3A_434 = arith.addi %mul3A_432, %add3A_433 : i32
        %add3A_435 = vector.broadcast %add3A_434 : i32 to vector<16xi32>
        %add3A_436 = arith.addi %iota3A, %add3A_435 : vector<16xi32>
        %and3A_437 = arith.constant 127 : i32
        %and3A_438 = vector.broadcast %and3A_437 : i32 to vector<16xi32>
        %and3A_439 = arith.andi %add3A_436, %and3A_438 : vector<16xi32>
        %gather3A_440 = tpu.vector_load_idx %arg10[%add3A_252, %and3A_439] : memref<128x128xf32, #tpu.memory_space<vmem>>[vector<16xi32>, vector<16xi32>], vector<16xf32>,
        %gather3A_441 = tpu.vector_load_idx %arg11[%add3A_252, %and3A_439] : memref<128x128xf32, #tpu.memory_space<vmem>>[vector<16xi32>, vector<16xi32>], vector<16xf32>,
        %sub3A_442 = arith.subf %gather3A_440, %gather3A_441 : vector<16xf32>
        %abs3A_443 = math.absf %sub3A_442 : vector<16xf32>
        %add3A_444 = arith.addf %add3A_430, %abs3A_443 : vector<16xf32>
        scf.yield %add3A_444 : vector<16xf32>
      }
      %scan3A_260 = arith.constant 16 : i32
      %mul3A_261 = arith.constant 128 : i32
      %mul3A_262 = arith.muli %add3A_25, %mul3A_261 : i32
      %add3A_263 = arith.constant 48 : i32
      %add3A_264 = arith.addi %mul3A_262, %add3A_263 : i32
      %swap3A_265 = arith.index_cast %add3A_264 : i32 to index
      %swap3A_266 = tpu.vector_load %arg12[%swap3A_265] {strides = array<i32>} : memref<16128xf32, #tpu.memory_space<vmem>>, vector<16xf32>,
      tpu.vector_store %arg12[%swap3A_265], %scan3A_259 {strides = array<i32>} : memref<16128xf32, #tpu.memory_space<vmem>>, vector<16xf32>,
      %add3A_267 = arith.constant 64 : i32
      %add3A_268 = vector.broadcast %add3A_267 : i32 to vector<16xi32>
      %add3A_269 = arith.addi %iota3A, %add3A_268 : vector<16xi32>
      %broadcast_in_dim3A_270 = arith.constant 0.000000e+00 : f32
      %broadcast_in_dim3A_271 = vector.broadcast %broadcast_in_dim3A_270 : f32 to vector<16xf32>
      %scan3A_272 = arith.constant 0 : i32
      %scan3A_273 = arith.constant 16 : i32
      %scan3A_274 = arith.addi %scan3A_272, %scan3A_273 : i32
      %scan3A_275 = arith.constant 1 : i32
      %scan3A_276 = scf.for %scan3A_335 = %scan3A_272 to %scan3A_274 step %scan3A_275 iter_args(%scan3A_336 = %broadcast_in_dim3A_271) -> (vector<16xf32>)  : i32 {
        %mul3A_337 = arith.constant 8 : i32
        %mul3A_338 = arith.muli %scan3A_335, %mul3A_337 : i32
        %add3A_339 = arith.constant 0 : i32
        %add3A_340 = arith.addi %mul3A_338, %add3A_339 : i32
        %add3A_341 = vector.broadcast %add3A_340 : i32 to vector<16xi32>
        %add3A_342 = arith.addi %iota3A, %add3A_341 : vector<16xi32>
        %and3A = arith.constant 127 : i32
        %and3A_343 = vector.broadcast %and3A : i32 to vector<16xi32>
        %and3A_344 = arith.andi %add3A_342, %and3A_343 : vector<16xi32>
        %gather3A = tpu.vector_load_idx %arg10[%add3A_269, %and3A_344] : memref<128x128xf32, #tpu.memory_space<vmem>>[vector<16xi32>, vector<16xi32>], vector<16xf32>,
        %gather3A_345 = tpu.vector_load_idx %arg11[%add3A_269, %and3A_344] : memref<128x128xf32, #tpu.memory_space<vmem>>[vector<16xi32>, vector<16xi32>], vector<16xf32>,
        %sub3A = arith.subf %gather3A, %gather3A_345 : vector<16xf32>
        %abs3A = math.absf %sub3A : vector<16xf32>
        %add3A_346 = arith.addf %scan3A_336, %abs3A : vector<16xf32>
        %mul3A_347 = arith.constant 8 : i32
        %mul3A_348 = arith.muli %scan3A_335, %mul3A_347 : i32
        %add3A_349 = arith.constant 1 : i32
        %add3A_350 = arith.addi %mul3A_348, %add3A_349 : i32
        %add3A_351 = vector.broadcast %add3A_350 : i32 to vector<16xi32>
        %add3A_352 = arith.addi %iota3A, %add3A_351 : vector<16xi32>
        %and3A_353 = arith.constant 127 : i32
        %and3A_354 = vector.broadcast %and3A_353 : i32 to vector<16xi32>
        %and3A_355 = arith.andi %add3A_352, %and3A_354 : vector<16xi32>
        %gather3A_356 = tpu.vector_load_idx %arg10[%add3A_269, %and3A_355] : memref<128x128xf32, #tpu.memory_space<vmem>>[vector<16xi32>, vector<16xi32>], vector<16xf32>,
        %gather3A_357 = tpu.vector_load_idx %arg11[%add3A_269, %and3A_355] : memref<128x128xf32, #tpu.memory_space<vmem>>[vector<16xi32>, vector<16xi32>], vector<16xf32>,
        %sub3A_358 = arith.subf %gather3A_356, %gather3A_357 : vector<16xf32>
        %abs3A_359 = math.absf %sub3A_358 : vector<16xf32>
        %add3A_360 = arith.addf %add3A_346, %abs3A_359 : vector<16xf32>
        %mul3A_361 = arith.constant 8 : i32
        %mul3A_362 = arith.muli %scan3A_335, %mul3A_361 : i32
        %add3A_363 = arith.constant 2 : i32
        %add3A_364 = arith.addi %mul3A_362, %add3A_363 : i32
        %add3A_365 = vector.broadcast %add3A_364 : i32 to vector<16xi32>
        %add3A_366 = arith.addi %iota3A, %add3A_365 : vector<16xi32>
        %and3A_367 = arith.constant 127 : i32
        %and3A_368 = vector.broadcast %and3A_367 : i32 to vector<16xi32>
        %and3A_369 = arith.andi %add3A_366, %and3A_368 : vector<16xi32>
        %gather3A_370 = tpu.vector_load_idx %arg10[%add3A_269, %and3A_369] : memref<128x128xf32, #tpu.memory_space<vmem>>[vector<16xi32>, vector<16xi32>], vector<16xf32>,
        %gather3A_371 = tpu.vector_load_idx %arg11[%add3A_269, %and3A_369] : memref<128x128xf32, #tpu.memory_space<vmem>>[vector<16xi32>, vector<16xi32>], vector<16xf32>,
        %sub3A_372 = arith.subf %gather3A_370, %gather3A_371 : vector<16xf32>
        %abs3A_373 = math.absf %sub3A_372 : vector<16xf32>
        %add3A_374 = arith.addf %add3A_360, %abs3A_373 : vector<16xf32>
        %mul3A_375 = arith.constant 8 : i32
        %mul3A_376 = arith.muli %scan3A_335, %mul3A_375 : i32
        %add3A_377 = arith.constant 3 : i32
        %add3A_378 = arith.addi %mul3A_376, %add3A_377 : i32
        %add3A_379 = vector.broadcast %add3A_378 : i32 to vector<16xi32>
        %add3A_380 = arith.addi %iota3A, %add3A_379 : vector<16xi32>
        %and3A_381 = arith.constant 127 : i32
        %and3A_382 = vector.broadcast %and3A_381 : i32 to vector<16xi32>
        %and3A_383 = arith.andi %add3A_380, %and3A_382 : vector<16xi32>
        %gather3A_384 = tpu.vector_load_idx %arg10[%add3A_269, %and3A_383] : memref<128x128xf32, #tpu.memory_space<vmem>>[vector<16xi32>, vector<16xi32>], vector<16xf32>,
        %gather3A_385 = tpu.vector_load_idx %arg11[%add3A_269, %and3A_383] : memref<128x128xf32, #tpu.memory_space<vmem>>[vector<16xi32>, vector<16xi32>], vector<16xf32>,
        %sub3A_386 = arith.subf %gather3A_384, %gather3A_385 : vector<16xf32>
        %abs3A_387 = math.absf %sub3A_386 : vector<16xf32>
        %add3A_388 = arith.addf %add3A_374, %abs3A_387 : vector<16xf32>
        %mul3A_389 = arith.constant 8 : i32
        %mul3A_390 = arith.muli %scan3A_335, %mul3A_389 : i32
        %add3A_391 = arith.constant 4 : i32
        %add3A_392 = arith.addi %mul3A_390, %add3A_391 : i32
        %add3A_393 = vector.broadcast %add3A_392 : i32 to vector<16xi32>
        %add3A_394 = arith.addi %iota3A, %add3A_393 : vector<16xi32>
        %and3A_395 = arith.constant 127 : i32
        %and3A_396 = vector.broadcast %and3A_395 : i32 to vector<16xi32>
        %and3A_397 = arith.andi %add3A_394, %and3A_396 : vector<16xi32>
        %gather3A_398 = tpu.vector_load_idx %arg10[%add3A_269, %and3A_397] : memref<128x128xf32, #tpu.memory_space<vmem>>[vector<16xi32>, vector<16xi32>], vector<16xf32>,
        %gather3A_399 = tpu.vector_load_idx %arg11[%add3A_269, %and3A_397] : memref<128x128xf32, #tpu.memory_space<vmem>>[vector<16xi32>, vector<16xi32>], vector<16xf32>,
        %sub3A_400 = arith.subf %gather3A_398, %gather3A_399 : vector<16xf32>
        %abs3A_401 = math.absf %sub3A_400 : vector<16xf32>
        %add3A_402 = arith.addf %add3A_388, %abs3A_401 : vector<16xf32>
        %mul3A_403 = arith.constant 8 : i32
        %mul3A_404 = arith.muli %scan3A_335, %mul3A_403 : i32
        %add3A_405 = arith.constant 5 : i32
        %add3A_406 = arith.addi %mul3A_404, %add3A_405 : i32
        %add3A_407 = vector.broadcast %add3A_406 : i32 to vector<16xi32>
        %add3A_408 = arith.addi %iota3A, %add3A_407 : vector<16xi32>
        %and3A_409 = arith.constant 127 : i32
        %and3A_410 = vector.broadcast %and3A_409 : i32 to vector<16xi32>
        %and3A_411 = arith.andi %add3A_408, %and3A_410 : vector<16xi32>
        %gather3A_412 = tpu.vector_load_idx %arg10[%add3A_269, %and3A_411] : memref<128x128xf32, #tpu.memory_space<vmem>>[vector<16xi32>, vector<16xi32>], vector<16xf32>,
        %gather3A_413 = tpu.vector_load_idx %arg11[%add3A_269, %and3A_411] : memref<128x128xf32, #tpu.memory_space<vmem>>[vector<16xi32>, vector<16xi32>], vector<16xf32>,
        %sub3A_414 = arith.subf %gather3A_412, %gather3A_413 : vector<16xf32>
        %abs3A_415 = math.absf %sub3A_414 : vector<16xf32>
        %add3A_416 = arith.addf %add3A_402, %abs3A_415 : vector<16xf32>
        %mul3A_417 = arith.constant 8 : i32
        %mul3A_418 = arith.muli %scan3A_335, %mul3A_417 : i32
        %add3A_419 = arith.constant 6 : i32
        %add3A_420 = arith.addi %mul3A_418, %add3A_419 : i32
        %add3A_421 = vector.broadcast %add3A_420 : i32 to vector<16xi32>
        %add3A_422 = arith.addi %iota3A, %add3A_421 : vector<16xi32>
        %and3A_423 = arith.constant 127 : i32
        %and3A_424 = vector.broadcast %and3A_423 : i32 to vector<16xi32>
        %and3A_425 = arith.andi %add3A_422, %and3A_424 : vector<16xi32>
        %gather3A_426 = tpu.vector_load_idx %arg10[%add3A_269, %and3A_425] : memref<128x128xf32, #tpu.memory_space<vmem>>[vector<16xi32>, vector<16xi32>], vector<16xf32>,
        %gather3A_427 = tpu.vector_load_idx %arg11[%add3A_269, %and3A_425] : memref<128x128xf32, #tpu.memory_space<vmem>>[vector<16xi32>, vector<16xi32>], vector<16xf32>,
        %sub3A_428 = arith.subf %gather3A_426, %gather3A_427 : vector<16xf32>
        %abs3A_429 = math.absf %sub3A_428 : vector<16xf32>
        %add3A_430 = arith.addf %add3A_416, %abs3A_429 : vector<16xf32>
        %mul3A_431 = arith.constant 8 : i32
        %mul3A_432 = arith.muli %scan3A_335, %mul3A_431 : i32
        %add3A_433 = arith.constant 7 : i32
        %add3A_434 = arith.addi %mul3A_432, %add3A_433 : i32
        %add3A_435 = vector.broadcast %add3A_434 : i32 to vector<16xi32>
        %add3A_436 = arith.addi %iota3A, %add3A_435 : vector<16xi32>
        %and3A_437 = arith.constant 127 : i32
        %and3A_438 = vector.broadcast %and3A_437 : i32 to vector<16xi32>
        %and3A_439 = arith.andi %add3A_436, %and3A_438 : vector<16xi32>
        %gather3A_440 = tpu.vector_load_idx %arg10[%add3A_269, %and3A_439] : memref<128x128xf32, #tpu.memory_space<vmem>>[vector<16xi32>, vector<16xi32>], vector<16xf32>,
        %gather3A_441 = tpu.vector_load_idx %arg11[%add3A_269, %and3A_439] : memref<128x128xf32, #tpu.memory_space<vmem>>[vector<16xi32>, vector<16xi32>], vector<16xf32>,
        %sub3A_442 = arith.subf %gather3A_440, %gather3A_441 : vector<16xf32>
        %abs3A_443 = math.absf %sub3A_442 : vector<16xf32>
        %add3A_444 = arith.addf %add3A_430, %abs3A_443 : vector<16xf32>
        scf.yield %add3A_444 : vector<16xf32>
      }
      %scan3A_277 = arith.constant 16 : i32
      %mul3A_278 = arith.constant 128 : i32
      %mul3A_279 = arith.muli %add3A_25, %mul3A_278 : i32
      %add3A_280 = arith.constant 64 : i32
      %add3A_281 = arith.addi %mul3A_279, %add3A_280 : i32
      %swap3A_282 = arith.index_cast %add3A_281 : i32 to index
      %swap3A_283 = tpu.vector_load %arg12[%swap3A_282] {strides = array<i32>} : memref<16128xf32, #tpu.memory_space<vmem>>, vector<16xf32>,
      tpu.vector_store %arg12[%swap3A_282], %scan3A_276 {strides = array<i32>} : memref<16128xf32, #tpu.memory_space<vmem>>, vector<16xf32>,
      %add3A_284 = arith.constant 80 : i32
      %add3A_285 = vector.broadcast %add3A_284 : i32 to vector<16xi32>
      %add3A_286 = arith.addi %iota3A, %add3A_285 : vector<16xi32>
      %broadcast_in_dim3A_287 = arith.constant 0.000000e+00 : f32
      %broadcast_in_dim3A_288 = vector.broadcast %broadcast_in_dim3A_287 : f32 to vector<16xf32>
      %scan3A_289 = arith.constant 0 : i32
      %scan3A_290 = arith.constant 16 : i32
      %scan3A_291 = arith.addi %scan3A_289, %scan3A_290 : i32
      %scan3A_292 = arith.constant 1 : i32
      %scan3A_293 = scf.for %scan3A_335 = %scan3A_289 to %scan3A_291 step %scan3A_292 iter_args(%scan3A_336 = %broadcast_in_dim3A_288) -> (vector<16xf32>)  : i32 {
        %mul3A_337 = arith.constant 8 : i32
        %mul3A_338 = arith.muli %scan3A_335, %mul3A_337 : i32
        %add3A_339 = arith.constant 0 : i32
        %add3A_340 = arith.addi %mul3A_338, %add3A_339 : i32
        %add3A_341 = vector.broadcast %add3A_340 : i32 to vector<16xi32>
        %add3A_342 = arith.addi %iota3A, %add3A_341 : vector<16xi32>
        %and3A = arith.constant 127 : i32
        %and3A_343 = vector.broadcast %and3A : i32 to vector<16xi32>
        %and3A_344 = arith.andi %add3A_342, %and3A_343 : vector<16xi32>
        %gather3A = tpu.vector_load_idx %arg10[%add3A_286, %and3A_344] : memref<128x128xf32, #tpu.memory_space<vmem>>[vector<16xi32>, vector<16xi32>], vector<16xf32>,
        %gather3A_345 = tpu.vector_load_idx %arg11[%add3A_286, %and3A_344] : memref<128x128xf32, #tpu.memory_space<vmem>>[vector<16xi32>, vector<16xi32>], vector<16xf32>,
        %sub3A = arith.subf %gather3A, %gather3A_345 : vector<16xf32>
        %abs3A = math.absf %sub3A : vector<16xf32>
        %add3A_346 = arith.addf %scan3A_336, %abs3A : vector<16xf32>
        %mul3A_347 = arith.constant 8 : i32
        %mul3A_348 = arith.muli %scan3A_335, %mul3A_347 : i32
        %add3A_349 = arith.constant 1 : i32
        %add3A_350 = arith.addi %mul3A_348, %add3A_349 : i32
        %add3A_351 = vector.broadcast %add3A_350 : i32 to vector<16xi32>
        %add3A_352 = arith.addi %iota3A, %add3A_351 : vector<16xi32>
        %and3A_353 = arith.constant 127 : i32
        %and3A_354 = vector.broadcast %and3A_353 : i32 to vector<16xi32>
        %and3A_355 = arith.andi %add3A_352, %and3A_354 : vector<16xi32>
        %gather3A_356 = tpu.vector_load_idx %arg10[%add3A_286, %and3A_355] : memref<128x128xf32, #tpu.memory_space<vmem>>[vector<16xi32>, vector<16xi32>], vector<16xf32>,
        %gather3A_357 = tpu.vector_load_idx %arg11[%add3A_286, %and3A_355] : memref<128x128xf32, #tpu.memory_space<vmem>>[vector<16xi32>, vector<16xi32>], vector<16xf32>,
        %sub3A_358 = arith.subf %gather3A_356, %gather3A_357 : vector<16xf32>
        %abs3A_359 = math.absf %sub3A_358 : vector<16xf32>
        %add3A_360 = arith.addf %add3A_346, %abs3A_359 : vector<16xf32>
        %mul3A_361 = arith.constant 8 : i32
        %mul3A_362 = arith.muli %scan3A_335, %mul3A_361 : i32
        %add3A_363 = arith.constant 2 : i32
        %add3A_364 = arith.addi %mul3A_362, %add3A_363 : i32
        %add3A_365 = vector.broadcast %add3A_364 : i32 to vector<16xi32>
        %add3A_366 = arith.addi %iota3A, %add3A_365 : vector<16xi32>
        %and3A_367 = arith.constant 127 : i32
        %and3A_368 = vector.broadcast %and3A_367 : i32 to vector<16xi32>
        %and3A_369 = arith.andi %add3A_366, %and3A_368 : vector<16xi32>
        %gather3A_370 = tpu.vector_load_idx %arg10[%add3A_286, %and3A_369] : memref<128x128xf32, #tpu.memory_space<vmem>>[vector<16xi32>, vector<16xi32>], vector<16xf32>,
        %gather3A_371 = tpu.vector_load_idx %arg11[%add3A_286, %and3A_369] : memref<128x128xf32, #tpu.memory_space<vmem>>[vector<16xi32>, vector<16xi32>], vector<16xf32>,
        %sub3A_372 = arith.subf %gather3A_370, %gather3A_371 : vector<16xf32>
        %abs3A_373 = math.absf %sub3A_372 : vector<16xf32>
        %add3A_374 = arith.addf %add3A_360, %abs3A_373 : vector<16xf32>
        %mul3A_375 = arith.constant 8 : i32
        %mul3A_376 = arith.muli %scan3A_335, %mul3A_375 : i32
        %add3A_377 = arith.constant 3 : i32
        %add3A_378 = arith.addi %mul3A_376, %add3A_377 : i32
        %add3A_379 = vector.broadcast %add3A_378 : i32 to vector<16xi32>
        %add3A_380 = arith.addi %iota3A, %add3A_379 : vector<16xi32>
        %and3A_381 = arith.constant 127 : i32
        %and3A_382 = vector.broadcast %and3A_381 : i32 to vector<16xi32>
        %and3A_383 = arith.andi %add3A_380, %and3A_382 : vector<16xi32>
        %gather3A_384 = tpu.vector_load_idx %arg10[%add3A_286, %and3A_383] : memref<128x128xf32, #tpu.memory_space<vmem>>[vector<16xi32>, vector<16xi32>], vector<16xf32>,
        %gather3A_385 = tpu.vector_load_idx %arg11[%add3A_286, %and3A_383] : memref<128x128xf32, #tpu.memory_space<vmem>>[vector<16xi32>, vector<16xi32>], vector<16xf32>,
        %sub3A_386 = arith.subf %gather3A_384, %gather3A_385 : vector<16xf32>
        %abs3A_387 = math.absf %sub3A_386 : vector<16xf32>
        %add3A_388 = arith.addf %add3A_374, %abs3A_387 : vector<16xf32>
        %mul3A_389 = arith.constant 8 : i32
        %mul3A_390 = arith.muli %scan3A_335, %mul3A_389 : i32
        %add3A_391 = arith.constant 4 : i32
        %add3A_392 = arith.addi %mul3A_390, %add3A_391 : i32
        %add3A_393 = vector.broadcast %add3A_392 : i32 to vector<16xi32>
        %add3A_394 = arith.addi %iota3A, %add3A_393 : vector<16xi32>
        %and3A_395 = arith.constant 127 : i32
        %and3A_396 = vector.broadcast %and3A_395 : i32 to vector<16xi32>
        %and3A_397 = arith.andi %add3A_394, %and3A_396 : vector<16xi32>
        %gather3A_398 = tpu.vector_load_idx %arg10[%add3A_286, %and3A_397] : memref<128x128xf32, #tpu.memory_space<vmem>>[vector<16xi32>, vector<16xi32>], vector<16xf32>,
        %gather3A_399 = tpu.vector_load_idx %arg11[%add3A_286, %and3A_397] : memref<128x128xf32, #tpu.memory_space<vmem>>[vector<16xi32>, vector<16xi32>], vector<16xf32>,
        %sub3A_400 = arith.subf %gather3A_398, %gather3A_399 : vector<16xf32>
        %abs3A_401 = math.absf %sub3A_400 : vector<16xf32>
        %add3A_402 = arith.addf %add3A_388, %abs3A_401 : vector<16xf32>
        %mul3A_403 = arith.constant 8 : i32
        %mul3A_404 = arith.muli %scan3A_335, %mul3A_403 : i32
        %add3A_405 = arith.constant 5 : i32
        %add3A_406 = arith.addi %mul3A_404, %add3A_405 : i32
        %add3A_407 = vector.broadcast %add3A_406 : i32 to vector<16xi32>
        %add3A_408 = arith.addi %iota3A, %add3A_407 : vector<16xi32>
        %and3A_409 = arith.constant 127 : i32
        %and3A_410 = vector.broadcast %and3A_409 : i32 to vector<16xi32>
        %and3A_411 = arith.andi %add3A_408, %and3A_410 : vector<16xi32>
        %gather3A_412 = tpu.vector_load_idx %arg10[%add3A_286, %and3A_411] : memref<128x128xf32, #tpu.memory_space<vmem>>[vector<16xi32>, vector<16xi32>], vector<16xf32>,
        %gather3A_413 = tpu.vector_load_idx %arg11[%add3A_286, %and3A_411] : memref<128x128xf32, #tpu.memory_space<vmem>>[vector<16xi32>, vector<16xi32>], vector<16xf32>,
        %sub3A_414 = arith.subf %gather3A_412, %gather3A_413 : vector<16xf32>
        %abs3A_415 = math.absf %sub3A_414 : vector<16xf32>
        %add3A_416 = arith.addf %add3A_402, %abs3A_415 : vector<16xf32>
        %mul3A_417 = arith.constant 8 : i32
        %mul3A_418 = arith.muli %scan3A_335, %mul3A_417 : i32
        %add3A_419 = arith.constant 6 : i32
        %add3A_420 = arith.addi %mul3A_418, %add3A_419 : i32
        %add3A_421 = vector.broadcast %add3A_420 : i32 to vector<16xi32>
        %add3A_422 = arith.addi %iota3A, %add3A_421 : vector<16xi32>
        %and3A_423 = arith.constant 127 : i32
        %and3A_424 = vector.broadcast %and3A_423 : i32 to vector<16xi32>
        %and3A_425 = arith.andi %add3A_422, %and3A_424 : vector<16xi32>
        %gather3A_426 = tpu.vector_load_idx %arg10[%add3A_286, %and3A_425] : memref<128x128xf32, #tpu.memory_space<vmem>>[vector<16xi32>, vector<16xi32>], vector<16xf32>,
        %gather3A_427 = tpu.vector_load_idx %arg11[%add3A_286, %and3A_425] : memref<128x128xf32, #tpu.memory_space<vmem>>[vector<16xi32>, vector<16xi32>], vector<16xf32>,
        %sub3A_428 = arith.subf %gather3A_426, %gather3A_427 : vector<16xf32>
        %abs3A_429 = math.absf %sub3A_428 : vector<16xf32>
        %add3A_430 = arith.addf %add3A_416, %abs3A_429 : vector<16xf32>
        %mul3A_431 = arith.constant 8 : i32
        %mul3A_432 = arith.muli %scan3A_335, %mul3A_431 : i32
        %add3A_433 = arith.constant 7 : i32
        %add3A_434 = arith.addi %mul3A_432, %add3A_433 : i32
        %add3A_435 = vector.broadcast %add3A_434 : i32 to vector<16xi32>
        %add3A_436 = arith.addi %iota3A, %add3A_435 : vector<16xi32>
        %and3A_437 = arith.constant 127 : i32
        %and3A_438 = vector.broadcast %and3A_437 : i32 to vector<16xi32>
        %and3A_439 = arith.andi %add3A_436, %and3A_438 : vector<16xi32>
        %gather3A_440 = tpu.vector_load_idx %arg10[%add3A_286, %and3A_439] : memref<128x128xf32, #tpu.memory_space<vmem>>[vector<16xi32>, vector<16xi32>], vector<16xf32>,
        %gather3A_441 = tpu.vector_load_idx %arg11[%add3A_286, %and3A_439] : memref<128x128xf32, #tpu.memory_space<vmem>>[vector<16xi32>, vector<16xi32>], vector<16xf32>,
        %sub3A_442 = arith.subf %gather3A_440, %gather3A_441 : vector<16xf32>
        %abs3A_443 = math.absf %sub3A_442 : vector<16xf32>
        %add3A_444 = arith.addf %add3A_430, %abs3A_443 : vector<16xf32>
        scf.yield %add3A_444 : vector<16xf32>
      }
      %scan3A_294 = arith.constant 16 : i32
      %mul3A_295 = arith.constant 128 : i32
      %mul3A_296 = arith.muli %add3A_25, %mul3A_295 : i32
      %add3A_297 = arith.constant 80 : i32
      %add3A_298 = arith.addi %mul3A_296, %add3A_297 : i32
      %swap3A_299 = arith.index_cast %add3A_298 : i32 to index
      %swap3A_300 = tpu.vector_load %arg12[%swap3A_299] {strides = array<i32>} : memref<16128xf32, #tpu.memory_space<vmem>>, vector<16xf32>,
      tpu.vector_store %arg12[%swap3A_299], %scan3A_293 {strides = array<i32>} : memref<16128xf32, #tpu.memory_space<vmem>>, vector<16xf32>,
      %add3A_301 = arith.constant 96 : i32
      %add3A_302 = vector.broadcast %add3A_301 : i32 to vector<16xi32>
      %add3A_303 = arith.addi %iota3A, %add3A_302 : vector<16xi32>
      %broadcast_in_dim3A_304 = arith.constant 0.000000e+00 : f32
      %broadcast_in_dim3A_305 = vector.broadcast %broadcast_in_dim3A_304 : f32 to vector<16xf32>
      %scan3A_306 = arith.constant 0 : i32
      %scan3A_307 = arith.constant 16 : i32
      %scan3A_308 = arith.addi %scan3A_306, %scan3A_307 : i32
      %scan3A_309 = arith.constant 1 : i32
      %scan3A_310 = scf.for %scan3A_335 = %scan3A_306 to %scan3A_308 step %scan3A_309 iter_args(%scan3A_336 = %broadcast_in_dim3A_305) -> (vector<16xf32>)  : i32 {
        %mul3A_337 = arith.constant 8 : i32
        %mul3A_338 = arith.muli %scan3A_335, %mul3A_337 : i32
        %add3A_339 = arith.constant 0 : i32
        %add3A_340 = arith.addi %mul3A_338, %add3A_339 : i32
        %add3A_341 = vector.broadcast %add3A_340 : i32 to vector<16xi32>
        %add3A_342 = arith.addi %iota3A, %add3A_341 : vector<16xi32>
        %and3A = arith.constant 127 : i32
        %and3A_343 = vector.broadcast %and3A : i32 to vector<16xi32>
        %and3A_344 = arith.andi %add3A_342, %and3A_343 : vector<16xi32>
        %gather3A = tpu.vector_load_idx %arg10[%add3A_303, %and3A_344] : memref<128x128xf32, #tpu.memory_space<vmem>>[vector<16xi32>, vector<16xi32>], vector<16xf32>,
        %gather3A_345 = tpu.vector_load_idx %arg11[%add3A_303, %and3A_344] : memref<128x128xf32, #tpu.memory_space<vmem>>[vector<16xi32>, vector<16xi32>], vector<16xf32>,
        %sub3A = arith.subf %gather3A, %gather3A_345 : vector<16xf32>
        %abs3A = math.absf %sub3A : vector<16xf32>
        %add3A_346 = arith.addf %scan3A_336, %abs3A : vector<16xf32>
        %mul3A_347 = arith.constant 8 : i32
        %mul3A_348 = arith.muli %scan3A_335, %mul3A_347 : i32
        %add3A_349 = arith.constant 1 : i32
        %add3A_350 = arith.addi %mul3A_348, %add3A_349 : i32
        %add3A_351 = vector.broadcast %add3A_350 : i32 to vector<16xi32>
        %add3A_352 = arith.addi %iota3A, %add3A_351 : vector<16xi32>
        %and3A_353 = arith.constant 127 : i32
        %and3A_354 = vector.broadcast %and3A_353 : i32 to vector<16xi32>
        %and3A_355 = arith.andi %add3A_352, %and3A_354 : vector<16xi32>
        %gather3A_356 = tpu.vector_load_idx %arg10[%add3A_303, %and3A_355] : memref<128x128xf32, #tpu.memory_space<vmem>>[vector<16xi32>, vector<16xi32>], vector<16xf32>,
        %gather3A_357 = tpu.vector_load_idx %arg11[%add3A_303, %and3A_355] : memref<128x128xf32, #tpu.memory_space<vmem>>[vector<16xi32>, vector<16xi32>], vector<16xf32>,
        %sub3A_358 = arith.subf %gather3A_356, %gather3A_357 : vector<16xf32>
        %abs3A_359 = math.absf %sub3A_358 : vector<16xf32>
        %add3A_360 = arith.addf %add3A_346, %abs3A_359 : vector<16xf32>
        %mul3A_361 = arith.constant 8 : i32
        %mul3A_362 = arith.muli %scan3A_335, %mul3A_361 : i32
        %add3A_363 = arith.constant 2 : i32
        %add3A_364 = arith.addi %mul3A_362, %add3A_363 : i32
        %add3A_365 = vector.broadcast %add3A_364 : i32 to vector<16xi32>
        %add3A_366 = arith.addi %iota3A, %add3A_365 : vector<16xi32>
        %and3A_367 = arith.constant 127 : i32
        %and3A_368 = vector.broadcast %and3A_367 : i32 to vector<16xi32>
        %and3A_369 = arith.andi %add3A_366, %and3A_368 : vector<16xi32>
        %gather3A_370 = tpu.vector_load_idx %arg10[%add3A_303, %and3A_369] : memref<128x128xf32, #tpu.memory_space<vmem>>[vector<16xi32>, vector<16xi32>], vector<16xf32>,
        %gather3A_371 = tpu.vector_load_idx %arg11[%add3A_303, %and3A_369] : memref<128x128xf32, #tpu.memory_space<vmem>>[vector<16xi32>, vector<16xi32>], vector<16xf32>,
        %sub3A_372 = arith.subf %gather3A_370, %gather3A_371 : vector<16xf32>
        %abs3A_373 = math.absf %sub3A_372 : vector<16xf32>
        %add3A_374 = arith.addf %add3A_360, %abs3A_373 : vector<16xf32>
        %mul3A_375 = arith.constant 8 : i32
        %mul3A_376 = arith.muli %scan3A_335, %mul3A_375 : i32
        %add3A_377 = arith.constant 3 : i32
        %add3A_378 = arith.addi %mul3A_376, %add3A_377 : i32
        %add3A_379 = vector.broadcast %add3A_378 : i32 to vector<16xi32>
        %add3A_380 = arith.addi %iota3A, %add3A_379 : vector<16xi32>
        %and3A_381 = arith.constant 127 : i32
        %and3A_382 = vector.broadcast %and3A_381 : i32 to vector<16xi32>
        %and3A_383 = arith.andi %add3A_380, %and3A_382 : vector<16xi32>
        %gather3A_384 = tpu.vector_load_idx %arg10[%add3A_303, %and3A_383] : memref<128x128xf32, #tpu.memory_space<vmem>>[vector<16xi32>, vector<16xi32>], vector<16xf32>,
        %gather3A_385 = tpu.vector_load_idx %arg11[%add3A_303, %and3A_383] : memref<128x128xf32, #tpu.memory_space<vmem>>[vector<16xi32>, vector<16xi32>], vector<16xf32>,
        %sub3A_386 = arith.subf %gather3A_384, %gather3A_385 : vector<16xf32>
        %abs3A_387 = math.absf %sub3A_386 : vector<16xf32>
        %add3A_388 = arith.addf %add3A_374, %abs3A_387 : vector<16xf32>
        %mul3A_389 = arith.constant 8 : i32
        %mul3A_390 = arith.muli %scan3A_335, %mul3A_389 : i32
        %add3A_391 = arith.constant 4 : i32
        %add3A_392 = arith.addi %mul3A_390, %add3A_391 : i32
        %add3A_393 = vector.broadcast %add3A_392 : i32 to vector<16xi32>
        %add3A_394 = arith.addi %iota3A, %add3A_393 : vector<16xi32>
        %and3A_395 = arith.constant 127 : i32
        %and3A_396 = vector.broadcast %and3A_395 : i32 to vector<16xi32>
        %and3A_397 = arith.andi %add3A_394, %and3A_396 : vector<16xi32>
        %gather3A_398 = tpu.vector_load_idx %arg10[%add3A_303, %and3A_397] : memref<128x128xf32, #tpu.memory_space<vmem>>[vector<16xi32>, vector<16xi32>], vector<16xf32>,
        %gather3A_399 = tpu.vector_load_idx %arg11[%add3A_303, %and3A_397] : memref<128x128xf32, #tpu.memory_space<vmem>>[vector<16xi32>, vector<16xi32>], vector<16xf32>,
        %sub3A_400 = arith.subf %gather3A_398, %gather3A_399 : vector<16xf32>
        %abs3A_401 = math.absf %sub3A_400 : vector<16xf32>
        %add3A_402 = arith.addf %add3A_388, %abs3A_401 : vector<16xf32>
        %mul3A_403 = arith.constant 8 : i32
        %mul3A_404 = arith.muli %scan3A_335, %mul3A_403 : i32
        %add3A_405 = arith.constant 5 : i32
        %add3A_406 = arith.addi %mul3A_404, %add3A_405 : i32
        %add3A_407 = vector.broadcast %add3A_406 : i32 to vector<16xi32>
        %add3A_408 = arith.addi %iota3A, %add3A_407 : vector<16xi32>
        %and3A_409 = arith.constant 127 : i32
        %and3A_410 = vector.broadcast %and3A_409 : i32 to vector<16xi32>
        %and3A_411 = arith.andi %add3A_408, %and3A_410 : vector<16xi32>
        %gather3A_412 = tpu.vector_load_idx %arg10[%add3A_303, %and3A_411] : memref<128x128xf32, #tpu.memory_space<vmem>>[vector<16xi32>, vector<16xi32>], vector<16xf32>,
        %gather3A_413 = tpu.vector_load_idx %arg11[%add3A_303, %and3A_411] : memref<128x128xf32, #tpu.memory_space<vmem>>[vector<16xi32>, vector<16xi32>], vector<16xf32>,
        %sub3A_414 = arith.subf %gather3A_412, %gather3A_413 : vector<16xf32>
        %abs3A_415 = math.absf %sub3A_414 : vector<16xf32>
        %add3A_416 = arith.addf %add3A_402, %abs3A_415 : vector<16xf32>
        %mul3A_417 = arith.constant 8 : i32
        %mul3A_418 = arith.muli %scan3A_335, %mul3A_417 : i32
        %add3A_419 = arith.constant 6 : i32
        %add3A_420 = arith.addi %mul3A_418, %add3A_419 : i32
        %add3A_421 = vector.broadcast %add3A_420 : i32 to vector<16xi32>
        %add3A_422 = arith.addi %iota3A, %add3A_421 : vector<16xi32>
        %and3A_423 = arith.constant 127 : i32
        %and3A_424 = vector.broadcast %and3A_423 : i32 to vector<16xi32>
        %and3A_425 = arith.andi %add3A_422, %and3A_424 : vector<16xi32>
        %gather3A_426 = tpu.vector_load_idx %arg10[%add3A_303, %and3A_425] : memref<128x128xf32, #tpu.memory_space<vmem>>[vector<16xi32>, vector<16xi32>], vector<16xf32>,
        %gather3A_427 = tpu.vector_load_idx %arg11[%add3A_303, %and3A_425] : memref<128x128xf32, #tpu.memory_space<vmem>>[vector<16xi32>, vector<16xi32>], vector<16xf32>,
        %sub3A_428 = arith.subf %gather3A_426, %gather3A_427 : vector<16xf32>
        %abs3A_429 = math.absf %sub3A_428 : vector<16xf32>
        %add3A_430 = arith.addf %add3A_416, %abs3A_429 : vector<16xf32>
        %mul3A_431 = arith.constant 8 : i32
        %mul3A_432 = arith.muli %scan3A_335, %mul3A_431 : i32
        %add3A_433 = arith.constant 7 : i32
        %add3A_434 = arith.addi %mul3A_432, %add3A_433 : i32
        %add3A_435 = vector.broadcast %add3A_434 : i32 to vector<16xi32>
        %add3A_436 = arith.addi %iota3A, %add3A_435 : vector<16xi32>
        %and3A_437 = arith.constant 127 : i32
        %and3A_438 = vector.broadcast %and3A_437 : i32 to vector<16xi32>
        %and3A_439 = arith.andi %add3A_436, %and3A_438 : vector<16xi32>
        %gather3A_440 = tpu.vector_load_idx %arg10[%add3A_303, %and3A_439] : memref<128x128xf32, #tpu.memory_space<vmem>>[vector<16xi32>, vector<16xi32>], vector<16xf32>,
        %gather3A_441 = tpu.vector_load_idx %arg11[%add3A_303, %and3A_439] : memref<128x128xf32, #tpu.memory_space<vmem>>[vector<16xi32>, vector<16xi32>], vector<16xf32>,
        %sub3A_442 = arith.subf %gather3A_440, %gather3A_441 : vector<16xf32>
        %abs3A_443 = math.absf %sub3A_442 : vector<16xf32>
        %add3A_444 = arith.addf %add3A_430, %abs3A_443 : vector<16xf32>
        scf.yield %add3A_444 : vector<16xf32>
      }
      %scan3A_311 = arith.constant 16 : i32
      %mul3A_312 = arith.constant 128 : i32
      %mul3A_313 = arith.muli %add3A_25, %mul3A_312 : i32
      %add3A_314 = arith.constant 96 : i32
      %add3A_315 = arith.addi %mul3A_313, %add3A_314 : i32
      %swap3A_316 = arith.index_cast %add3A_315 : i32 to index
      %swap3A_317 = tpu.vector_load %arg12[%swap3A_316] {strides = array<i32>} : memref<16128xf32, #tpu.memory_space<vmem>>, vector<16xf32>,
      tpu.vector_store %arg12[%swap3A_316], %scan3A_310 {strides = array<i32>} : memref<16128xf32, #tpu.memory_space<vmem>>, vector<16xf32>,
      %add3A_318 = arith.constant 112 : i32
      %add3A_319 = vector.broadcast %add3A_318 : i32 to vector<16xi32>
      %add3A_320 = arith.addi %iota3A, %add3A_319 : vector<16xi32>
      %broadcast_in_dim3A_321 = arith.constant 0.000000e+00 : f32
      %broadcast_in_dim3A_322 = vector.broadcast %broadcast_in_dim3A_321 : f32 to vector<16xf32>
      %scan3A_323 = arith.constant 0 : i32
      %scan3A_324 = arith.constant 16 : i32
      %scan3A_325 = arith.addi %scan3A_323, %scan3A_324 : i32
      %scan3A_326 = arith.constant 1 : i32
      %scan3A_327 = scf.for %scan3A_335 = %scan3A_323 to %scan3A_325 step %scan3A_326 iter_args(%scan3A_336 = %broadcast_in_dim3A_322) -> (vector<16xf32>)  : i32 {
        %mul3A_337 = arith.constant 8 : i32
        %mul3A_338 = arith.muli %scan3A_335, %mul3A_337 : i32
        %add3A_339 = arith.constant 0 : i32
        %add3A_340 = arith.addi %mul3A_338, %add3A_339 : i32
        %add3A_341 = vector.broadcast %add3A_340 : i32 to vector<16xi32>
        %add3A_342 = arith.addi %iota3A, %add3A_341 : vector<16xi32>
        %and3A = arith.constant 127 : i32
        %and3A_343 = vector.broadcast %and3A : i32 to vector<16xi32>
        %and3A_344 = arith.andi %add3A_342, %and3A_343 : vector<16xi32>
        %gather3A = tpu.vector_load_idx %arg10[%add3A_320, %and3A_344] : memref<128x128xf32, #tpu.memory_space<vmem>>[vector<16xi32>, vector<16xi32>], vector<16xf32>,
        %gather3A_345 = tpu.vector_load_idx %arg11[%add3A_320, %and3A_344] : memref<128x128xf32, #tpu.memory_space<vmem>>[vector<16xi32>, vector<16xi32>], vector<16xf32>,
        %sub3A = arith.subf %gather3A, %gather3A_345 : vector<16xf32>
        %abs3A = math.absf %sub3A : vector<16xf32>
        %add3A_346 = arith.addf %scan3A_336, %abs3A : vector<16xf32>
        %mul3A_347 = arith.constant 8 : i32
        %mul3A_348 = arith.muli %scan3A_335, %mul3A_347 : i32
        %add3A_349 = arith.constant 1 : i32
        %add3A_350 = arith.addi %mul3A_348, %add3A_349 : i32
        %add3A_351 = vector.broadcast %add3A_350 : i32 to vector<16xi32>
        %add3A_352 = arith.addi %iota3A, %add3A_351 : vector<16xi32>
        %and3A_353 = arith.constant 127 : i32
        %and3A_354 = vector.broadcast %and3A_353 : i32 to vector<16xi32>
        %and3A_355 = arith.andi %add3A_352, %and3A_354 : vector<16xi32>
        %gather3A_356 = tpu.vector_load_idx %arg10[%add3A_320, %and3A_355] : memref<128x128xf32, #tpu.memory_space<vmem>>[vector<16xi32>, vector<16xi32>], vector<16xf32>,
        %gather3A_357 = tpu.vector_load_idx %arg11[%add3A_320, %and3A_355] : memref<128x128xf32, #tpu.memory_space<vmem>>[vector<16xi32>, vector<16xi32>], vector<16xf32>,
        %sub3A_358 = arith.subf %gather3A_356, %gather3A_357 : vector<16xf32>
        %abs3A_359 = math.absf %sub3A_358 : vector<16xf32>
        %add3A_360 = arith.addf %add3A_346, %abs3A_359 : vector<16xf32>
        %mul3A_361 = arith.constant 8 : i32
        %mul3A_362 = arith.muli %scan3A_335, %mul3A_361 : i32
        %add3A_363 = arith.constant 2 : i32
        %add3A_364 = arith.addi %mul3A_362, %add3A_363 : i32
        %add3A_365 = vector.broadcast %add3A_364 : i32 to vector<16xi32>
        %add3A_366 = arith.addi %iota3A, %add3A_365 : vector<16xi32>
        %and3A_367 = arith.constant 127 : i32
        %and3A_368 = vector.broadcast %and3A_367 : i32 to vector<16xi32>
        %and3A_369 = arith.andi %add3A_366, %and3A_368 : vector<16xi32>
        %gather3A_370 = tpu.vector_load_idx %arg10[%add3A_320, %and3A_369] : memref<128x128xf32, #tpu.memory_space<vmem>>[vector<16xi32>, vector<16xi32>], vector<16xf32>,
        %gather3A_371 = tpu.vector_load_idx %arg11[%add3A_320, %and3A_369] : memref<128x128xf32, #tpu.memory_space<vmem>>[vector<16xi32>, vector<16xi32>], vector<16xf32>,
        %sub3A_372 = arith.subf %gather3A_370, %gather3A_371 : vector<16xf32>
        %abs3A_373 = math.absf %sub3A_372 : vector<16xf32>
        %add3A_374 = arith.addf %add3A_360, %abs3A_373 : vector<16xf32>
        %mul3A_375 = arith.constant 8 : i32
        %mul3A_376 = arith.muli %scan3A_335, %mul3A_375 : i32
        %add3A_377 = arith.constant 3 : i32
        %add3A_378 = arith.addi %mul3A_376, %add3A_377 : i32
        %add3A_379 = vector.broadcast %add3A_378 : i32 to vector<16xi32>
        %add3A_380 = arith.addi %iota3A, %add3A_379 : vector<16xi32>
        %and3A_381 = arith.constant 127 : i32
        %and3A_382 = vector.broadcast %and3A_381 : i32 to vector<16xi32>
        %and3A_383 = arith.andi %add3A_380, %and3A_382 : vector<16xi32>
        %gather3A_384 = tpu.vector_load_idx %arg10[%add3A_320, %and3A_383] : memref<128x128xf32, #tpu.memory_space<vmem>>[vector<16xi32>, vector<16xi32>], vector<16xf32>,
        %gather3A_385 = tpu.vector_load_idx %arg11[%add3A_320, %and3A_383] : memref<128x128xf32, #tpu.memory_space<vmem>>[vector<16xi32>, vector<16xi32>], vector<16xf32>,
        %sub3A_386 = arith.subf %gather3A_384, %gather3A_385 : vector<16xf32>
        %abs3A_387 = math.absf %sub3A_386 : vector<16xf32>
        %add3A_388 = arith.addf %add3A_374, %abs3A_387 : vector<16xf32>
        %mul3A_389 = arith.constant 8 : i32
        %mul3A_390 = arith.muli %scan3A_335, %mul3A_389 : i32
        %add3A_391 = arith.constant 4 : i32
        %add3A_392 = arith.addi %mul3A_390, %add3A_391 : i32
        %add3A_393 = vector.broadcast %add3A_392 : i32 to vector<16xi32>
        %add3A_394 = arith.addi %iota3A, %add3A_393 : vector<16xi32>
        %and3A_395 = arith.constant 127 : i32
        %and3A_396 = vector.broadcast %and3A_395 : i32 to vector<16xi32>
        %and3A_397 = arith.andi %add3A_394, %and3A_396 : vector<16xi32>
        %gather3A_398 = tpu.vector_load_idx %arg10[%add3A_320, %and3A_397] : memref<128x128xf32, #tpu.memory_space<vmem>>[vector<16xi32>, vector<16xi32>], vector<16xf32>,
        %gather3A_399 = tpu.vector_load_idx %arg11[%add3A_320, %and3A_397] : memref<128x128xf32, #tpu.memory_space<vmem>>[vector<16xi32>, vector<16xi32>], vector<16xf32>,
        %sub3A_400 = arith.subf %gather3A_398, %gather3A_399 : vector<16xf32>
        %abs3A_401 = math.absf %sub3A_400 : vector<16xf32>
        %add3A_402 = arith.addf %add3A_388, %abs3A_401 : vector<16xf32>
        %mul3A_403 = arith.constant 8 : i32
        %mul3A_404 = arith.muli %scan3A_335, %mul3A_403 : i32
        %add3A_405 = arith.constant 5 : i32
        %add3A_406 = arith.addi %mul3A_404, %add3A_405 : i32
        %add3A_407 = vector.broadcast %add3A_406 : i32 to vector<16xi32>
        %add3A_408 = arith.addi %iota3A, %add3A_407 : vector<16xi32>
        %and3A_409 = arith.constant 127 : i32
        %and3A_410 = vector.broadcast %and3A_409 : i32 to vector<16xi32>
        %and3A_411 = arith.andi %add3A_408, %and3A_410 : vector<16xi32>
        %gather3A_412 = tpu.vector_load_idx %arg10[%add3A_320, %and3A_411] : memref<128x128xf32, #tpu.memory_space<vmem>>[vector<16xi32>, vector<16xi32>], vector<16xf32>,
        %gather3A_413 = tpu.vector_load_idx %arg11[%add3A_320, %and3A_411] : memref<128x128xf32, #tpu.memory_space<vmem>>[vector<16xi32>, vector<16xi32>], vector<16xf32>,
        %sub3A_414 = arith.subf %gather3A_412, %gather3A_413 : vector<16xf32>
        %abs3A_415 = math.absf %sub3A_414 : vector<16xf32>
        %add3A_416 = arith.addf %add3A_402, %abs3A_415 : vector<16xf32>
        %mul3A_417 = arith.constant 8 : i32
        %mul3A_418 = arith.muli %scan3A_335, %mul3A_417 : i32
        %add3A_419 = arith.constant 6 : i32
        %add3A_420 = arith.addi %mul3A_418, %add3A_419 : i32
        %add3A_421 = vector.broadcast %add3A_420 : i32 to vector<16xi32>
        %add3A_422 = arith.addi %iota3A, %add3A_421 : vector<16xi32>
        %and3A_423 = arith.constant 127 : i32
        %and3A_424 = vector.broadcast %and3A_423 : i32 to vector<16xi32>
        %and3A_425 = arith.andi %add3A_422, %and3A_424 : vector<16xi32>
        %gather3A_426 = tpu.vector_load_idx %arg10[%add3A_320, %and3A_425] : memref<128x128xf32, #tpu.memory_space<vmem>>[vector<16xi32>, vector<16xi32>], vector<16xf32>,
        %gather3A_427 = tpu.vector_load_idx %arg11[%add3A_320, %and3A_425] : memref<128x128xf32, #tpu.memory_space<vmem>>[vector<16xi32>, vector<16xi32>], vector<16xf32>,
        %sub3A_428 = arith.subf %gather3A_426, %gather3A_427 : vector<16xf32>
        %abs3A_429 = math.absf %sub3A_428 : vector<16xf32>
        %add3A_430 = arith.addf %add3A_416, %abs3A_429 : vector<16xf32>
        %mul3A_431 = arith.constant 8 : i32
        %mul3A_432 = arith.muli %scan3A_335, %mul3A_431 : i32
        %add3A_433 = arith.constant 7 : i32
        %add3A_434 = arith.addi %mul3A_432, %add3A_433 : i32
        %add3A_435 = vector.broadcast %add3A_434 : i32 to vector<16xi32>
        %add3A_436 = arith.addi %iota3A, %add3A_435 : vector<16xi32>
        %and3A_437 = arith.constant 127 : i32
        %and3A_438 = vector.broadcast %and3A_437 : i32 to vector<16xi32>
        %and3A_439 = arith.andi %add3A_436, %and3A_438 : vector<16xi32>
        %gather3A_440 = tpu.vector_load_idx %arg10[%add3A_320, %and3A_439] : memref<128x128xf32, #tpu.memory_space<vmem>>[vector<16xi32>, vector<16xi32>], vector<16xf32>,
        %gather3A_441 = tpu.vector_load_idx %arg11[%add3A_320, %and3A_439] : memref<128x128xf32, #tpu.memory_space<vmem>>[vector<16xi32>, vector<16xi32>], vector<16xf32>,
        %sub3A_442 = arith.subf %gather3A_440, %gather3A_441 : vector<16xf32>
        %abs3A_443 = math.absf %sub3A_442 : vector<16xf32>
        %add3A_444 = arith.addf %add3A_430, %abs3A_443 : vector<16xf32>
        scf.yield %add3A_444 : vector<16xf32>
      }
      %scan3A_328 = arith.constant 16 : i32
      %mul3A_329 = arith.constant 128 : i32
      %mul3A_330 = arith.muli %add3A_25, %mul3A_329 : i32
      %add3A_331 = arith.constant 112 : i32
      %add3A_332 = arith.addi %mul3A_330, %add3A_331 : i32
      %swap3A_333 = arith.index_cast %add3A_332 : i32 to index
      %swap3A_334 = tpu.vector_load %arg12[%swap3A_333] {strides = array<i32>} : memref<16128xf32, #tpu.memory_space<vmem>>, vector<16xf32>,
      tpu.vector_store %arg12[%swap3A_333], %scan3A_327 {strides = array<i32>} : memref<16128xf32, #tpu.memory_space<vmem>>, vector<16xf32>,
    }
    %scan3A_18 = arith.constant 63 : i32
    %mul3A_19 = arith.constant 16128 : i32
    %mul3A_20 = arith.muli %add3A, %mul3A_19 : i32
    "tpu.region"() ({
      %run_scoped3A = tpu.sem_alloc : memref<!tpu.dma_semaphore, #tpu.memory_space<semaphore_mem>>
      %dma_start3A_21 = tpu.memref_slice %arg5[%mul3A_20] : memref<516096xf32, #tpu.memory_space<hbm>> -> memref<16128xf32, #tpu.memory_space<hbm>>
      %dma_start3A_22 = tpu.memref_slice %arg5[%mul3A_20] : memref<516096xf32, #tpu.memory_space<hbm>> -> memref<16128xf32, #tpu.memory_space<hbm>>
      tpu.enqueue_dma source(%arg12 : memref<16128xf32, #tpu.memory_space<vmem>>) target(%dma_start3A_22 : memref<16128xf32, #tpu.memory_space<hbm>>) target_semaphore(%run_scoped3A : memref<!tpu.dma_semaphore, #tpu.memory_space<semaphore_mem>>)
      %dma_wait3A = tpu.memref_slice %arg5[%mul3A_20] : memref<516096xf32, #tpu.memory_space<hbm>> -> memref<16128xf32, #tpu.memory_space<hbm>>
      %dma_wait3A_23 = tpu.memref_slice %arg5[%mul3A_20] : memref<516096xf32, #tpu.memory_space<hbm>> -> memref<16128xf32, #tpu.memory_space<hbm>>
      tpu.wait_dma2 semaphore(%run_scoped3A : memref<!tpu.dma_semaphore, #tpu.memory_space<semaphore_mem>>) src(%arg12 : memref<16128xf32, #tpu.memory_space<vmem>>) dst(%dma_wait3A_23 : memref<16128xf32, #tpu.memory_space<hbm>>)
      tpu.yield
    }) : () -> ()
    return
  }
}

module attributes {stable_mosaic.version = 14 : i64} {
  func.func @body(%arg0: i32, %arg1: memref<1000x1xf32, #tpu.memory_space<vmem>>, %arg2: memref<1000x25xf32, #tpu.memory_space<vmem>>, %arg3: memref<1000x25xf32, #tpu.memory_space<vmem>>, %arg4: memref<1x1xf32, #tpu.memory_space<smem>>) attributes {dimension_semantics = [#tpu.dimension_semantics<arbitrary>], iteration_bounds = array<i64: 10>, scalar_prefetch = 0 : i64, scratch_operands = 0 : i64, tpu.core_type = #tpu.core_type<tc>, window_params = [{transform_indices = @transform_0, window_bounds = array<i64: 1000, 1>}, {transform_indices = @transform_1, window_bounds = array<i64: 1000, 25>}, {transform_indices = @transform_2, window_bounds = array<i64: 1000, 25>}, {transform_indices = @transform_3, window_bounds = array<i64: 1, 1>}]} {
    %eq3A = arith.constant 0 : i32
    %eq3A_0 = arith.cmpi eq, %arg0, %eq3A : i32
    %convert_element_type3A = arith.extui %eq3A_0 : i1 to i32
    %cond3A = arith.constant 0 : i32
    %cond3A_1 = arith.cmpi ne, %convert_element_type3A, %cond3A : i32
    scf.if %cond3A_1 {
      %swap3A_37 = arith.constant 0.000000e+00 : f32
      %swap3A_38 = arith.constant 0 : index
      %swap3A_39 = arith.constant 0 : index
      %swap3A_40 = memref.load %arg4[%swap3A_38, %swap3A_39] : memref<1x1xf32, #tpu.memory_space<smem>>
      memref.store %swap3A_37, %arg4[%swap3A_38, %swap3A_39] : memref<1x1xf32, #tpu.memory_space<smem>>
    } else {
    }
    %get3A = arith.constant 0 : index
    %get3A_2 = arith.constant 0 : index
    %get3A_3 = vector.load %arg1[%get3A, %get3A_2] : memref<1000x1xf32, #tpu.memory_space<vmem>>, vector<1000x1xf32>
    %add3A = arith.constant 3.000000e+00 : f32
    %add3A_4 = vector.broadcast %add3A : f32 to vector<1000x1xf32>
    %add3A_5 = arith.addf %get3A_3, %add3A_4 : vector<1000x1xf32>
    %get3A_6 = arith.constant 0 : index
    %get3A_7 = arith.constant 0 : index
    %get3A_8 = vector.load %arg2[%get3A_6, %get3A_7] : memref<1000x25xf32, #tpu.memory_space<vmem>>, vector<1000x25xf32>
    %sub3A = vector.broadcast %add3A_5 : vector<1000x1xf32> to vector<1000x25xf32>
    %sub3A_9 = arith.subf %sub3A, %get3A_8 : vector<1000x25xf32>
    %max3A = arith.constant 0.000000e+00 : f32
    %max3A_10 = vector.broadcast %max3A : f32 to vector<1000x25xf32>
    %max3A_11 = arith.maximumf %sub3A_9, %max3A_10 : vector<1000x25xf32>
    %reduce_sum3A = vector.shape_cast %max3A_11 : vector<1000x25xf32> to vector<1x1000x25xf32>
    %reduce_sum3A_12 = arith.constant dense<0.000000e+00> : vector<1xf32>
    %reduce_sum3A_13 = vector.multi_reduction <add>, %reduce_sum3A, %reduce_sum3A_12 [1, 2] : vector<1x1000x25xf32> to vector<1xf32>
    %reduce_sum3A_14 = vector.shape_cast %reduce_sum3A_13 : vector<1xf32> to vector<1x1x1xf32>
    %reduce_sum3A_15 = vector.extract %reduce_sum3A_14[0, 0, 0] : f32 from vector<1x1x1xf32>
    %get3A_16 = arith.constant 0 : index
    %get3A_17 = arith.constant 0 : index
    %get3A_18 = vector.load %arg3[%get3A_16, %get3A_17] : memref<1000x25xf32, #tpu.memory_space<vmem>>, vector<1000x25xf32>
    %sub3A_19 = vector.broadcast %add3A_5 : vector<1000x1xf32> to vector<1000x25xf32>
    %sub3A_20 = arith.subf %sub3A_19, %get3A_18 : vector<1000x25xf32>
    %max3A_21 = arith.constant 0.000000e+00 : f32
    %max3A_22 = vector.broadcast %max3A_21 : f32 to vector<1000x25xf32>
    %max3A_23 = arith.maximumf %sub3A_20, %max3A_22 : vector<1000x25xf32>
    %reduce_sum3A_24 = vector.shape_cast %max3A_23 : vector<1000x25xf32> to vector<1x1000x25xf32>
    %reduce_sum3A_25 = arith.constant dense<0.000000e+00> : vector<1xf32>
    %reduce_sum3A_26 = vector.multi_reduction <add>, %reduce_sum3A_24, %reduce_sum3A_25 [1, 2] : vector<1x1000x25xf32> to vector<1xf32>
    %reduce_sum3A_27 = vector.shape_cast %reduce_sum3A_26 : vector<1xf32> to vector<1x1x1xf32>
    %reduce_sum3A_28 = vector.extract %reduce_sum3A_27[0, 0, 0] : f32 from vector<1x1x1xf32>
    %get3A_29 = arith.constant 0 : index
    %get3A_30 = arith.constant 0 : index
    %get3A_31 = memref.load %arg4[%get3A_29, %get3A_30] : memref<1x1xf32, #tpu.memory_space<smem>>
    %add3A_32 = arith.addf %reduce_sum3A_15, %reduce_sum3A_28 : f32
    %mul3A = arith.constant 2.000000e-06 : f32
    %mul3A_33 = arith.mulf %add3A_32, %mul3A : f32
    %add3A_34 = arith.addf %get3A_31, %mul3A_33 : f32
    %swap3A = arith.constant 0 : index
    %swap3A_35 = arith.constant 0 : index
    %swap3A_36 = memref.load %arg4[%swap3A, %swap3A_35] : memref<1x1xf32, #tpu.memory_space<smem>>
    memref.store %add3A_34, %arg4[%swap3A, %swap3A_35] : memref<1x1xf32, #tpu.memory_space<smem>>
    return
  }
  func.func @transform_0(%arg0: i32) -> (i32, i32) {
    %c0_i32 = arith.constant 0 : i32
    %c0_i32_0 = arith.constant 0 : i32
    return %arg0, %c0_i32 : i32, i32
  }
  func.func @transform_1(%arg0: i32) -> (i32, i32) {
    %c0_i32 = arith.constant 0 : i32
    %c0_i32_0 = arith.constant 0 : i32
    return %arg0, %c0_i32 : i32, i32
  }
  func.func @transform_2(%arg0: i32) -> (i32, i32) {
    %c0_i32 = arith.constant 0 : i32
    %c0_i32_0 = arith.constant 0 : i32
    return %arg0, %c0_i32 : i32, i32
  }
  func.func @transform_3(%arg0: i32) -> (i32, i32) {
    %c0_i32 = arith.constant 0 : i32
    %c0_i32_0 = arith.constant 0 : i32
    %c0_i32_1 = arith.constant 0 : i32
    return %c0_i32, %c0_i32_0 : i32, i32
  }
}

</mosaic_0001>

<sc_bundles>
// kernel: kernel.4.cloned.1.call-start
scs
__scs_entry_jumppad:
0x0: {  	(pc) =	sbr.rel $0x88, $3  }
0x1: {  	(tag) =	ssettag $0x0;
	lr =	simm.s32 $0x1  }
0x2: {  	[smem:$0x3F9B] =	sst lr;
	_ =	strace $0xD0000000  }
0x3: {  	_ = 	snop  }
0x4: {  	_ = 	snop  }
0x5: {  	_ = 	snop  }
0x6: {  	_ = 	snop  }
0x7: {  	_ = 	snop  }
__scs_overlays_trampoline_lowered:
0x8: {  	[smem:$0x3FAA] =	sst s0  }
0x9: {  	[smem:$0x3FAB] =	sst s1  }
0xa: {  	[smem:$0x3FAC] =	sst s2  }
0xb: {  	[smem:$0x3FAD] =	sst s3  }
0xc: {  	[smem:$0x3FAE] =	sst s4  }
0xd: {  	[smem:$0x3FAF] =	sst s5  }
0xe: {  	[smem:$0x3FB0] =	sst s6  }
0xf: {  	[smem:$0x3FB1] =	sst s7  }
0x10: {  	[smem:$0x3FB2] =	sst s8  }
0x11: {  	[smem:$0x3FB3] =	sst s9;
	s0 =	simm.s32 @!p0 $0x0  }
0x12: {  	s1 =	sld [smem:$0x3F99];
	s0 =	simm.s32 @p0 $0x1  }
0x13: {  	[smem:$0x3FB4] =	sst s0;
	s0 =	simm.s32 @!p1 $0x0  }
0x14: {  	s2 =	sld [smem:$0x3F98];
	s0 =	simm.s32 @p1 $0x1  }
0x15: {  	[smem:$0x3FB5] =	sst s0;
	s0 =	simm.s32 @!p2 $0x0  }
0x16: {  	s3 =	sld [smem:$0x3FDB];
	s0 =	simm.s32 @p2 $0x1  }
0x17: {  	s4 =	simm.s32 $0x1BF5;
	[smem:$0x3FB7] =	sst s0  }
0x18: {  	s0 =	sld [smem:$0x3F9A];
	_ =	swait.ge [sflag:s4], $0x0  }
0x19: {  	s7 =	sld [smem:$0x3F9B]  }
0x1a: {  	s8 =	sadd.s32 $0xFFFFE003, lr  }
0x1b: {  	s9 =	sadd.s32 $0xFFFFFEF7, lr;
	s5 =	simm.s32 $0xFFFFFFFF;
	p2 =	slt.u32 s8, $0xFFFFF086  }
0x1c: {  	p1 =	slt.u32 s9, $0xF7A;
	s5 =	simm.s32 @!p2 $0x0  }
0x1d: {  	s5 =	simm.s32 @p1 $0x1;
	p0 =	seq.s32 s7, s2  }
0x1e: {  	s7 =	smul.u32 @!p0 $0xF7A, s2;
	p2 =	seq.s32 @!p0 s5, $0x0  }
0x1f: {  	s9 =	smul.u32 $0xF7A, s1;
	s8 =	simm.s32 @!p0 $0x1BF5;
	p2 =	por !p2, p0  }
0x20: {  	[sflag:s8] =	ssyncset.s32 @!p0 $0xFFFFF086;
	s6 =	sadd.s32 @!p0 s3, s7;
	s7 =	simm.s32 @!p0 $0x108  }
0x21: {  	s3 =	sadd.s32 s3, s9;
	s6 =	sadd.s32 @!p0 $0x88, s6;
	s7 =	simm.s32 @p2 $0x1082  }
0x22: {  	[simem:s7], [sflag:s8] =	dma.local @!p0 [hbm:s6], $0xF7A  }
0x23: {  	s9 =	sor.u32 $0xD0000000, s2;
	s6 =	simm.s32 $0x108;
	_ =	swait.ge @!p0 [sflag:s8], $0x0  }
0x24: {  	s3 =	sadd.s32 $0x88, s3;
	s6 =	simm.s32 @!p1 $0x1082;
	[sflag:s4] =	ssyncset.s32 $0xFFFFF086  }
0x25: {  	[simem:s6], [sflag:s4] =	dma.local [hbm:s3], $0xF7A  }
0x26: {  	[smem:$0x3F9B] =	sst s1;
	(tag) =	ssettag s2;
	_ =	strace s9  }
0x27: {  	s1 =	sld [smem:$0x3FAB]  }
0x28: {  	s2 =	sld [smem:$0x3FAC]  }
0x29: {  	s4 =	sld [smem:$0x3FAE]  }
0x2a: {  	p0 =	seq.s32 s5, $0x0;
	s5 =	sld [smem:$0x3FAF]  }
0x2b: {  	s6 =	sld [smem:$0x3FB0]  }
0x2c: {  	s7 =	sld [smem:$0x3FB1]  }
0x2d: {  	s3 =	simm.s32 $0x108;
	s8 =	sld [smem:$0x3FB2]  }
0x2e: {  	s3 =	simm.s32 @!p0 $0x1082;
	s9 =	sld [smem:$0x3FB3]  }
0x2f: {  	lr =	sadd.s32 s0, s3;
	s0 =	sld [smem:$0x3FAA]  }
0x30: {  	s3 =	sld [smem:$0x3FAD]  }
0x31: {  	[smem:$0x3FB6] =	sst s10  }
0x32: {  	s10 =	sld [smem:$0x3FB4];
	_ =	sdelay $0x3  }
0x33: {  	p0 =	seq.s32 s10, $0x1;
	s10 =	sld [smem:$0x3FB6];
	_ =	sdelay $0x3  }
0x34: {  	[smem:$0x3FB6] =	sst s10  }
0x35: {  	s10 =	sld [smem:$0x3FB5];
	_ =	sdelay $0x3  }
0x36: {  	p1 =	seq.s32 s10, $0x1;
	s10 =	sld [smem:$0x3FB6];
	_ =	sdelay $0x3  }
0x37: {  	[smem:$0x3FB6] =	sst s10  }
0x38: {  	s10 =	sld [smem:$0x3FB7]  }
0x39: {  	_ = 	snop;
	(pc) =	sbr.ind lr, $3  }
0x3a: {  	_ = 	snop  }
0x3b: {  	_ = 	snop  }
0x3c: {  	p2 =	seq.s32 s10, $0x1;
	s10 =	sld [smem:$0x3FB6]  }
0x3d: {  	_ =	shalt  }
0x3e: {  	_ =	shalt  }
0x3f: {  	_ =	shalt  }
0x40: {  	_ =	shalt  }
0x41: {  	_ =	shalt  }
0x42: {  	_ =	shalt  }
0x43: {  	_ =	shalt  }
0x44: {  	_ =	shalt  }
0x45: {  	_ =	shalt  }
0x46: {  	_ =	shalt  }
0x47: {  	_ =	shalt  }
0x48: {  	_ =	shalt  }
0x49: {  	_ =	shalt  }
0x4a: {  	_ =	shalt  }
0x4b: {  	_ =	shalt  }
0x4c: {  	_ =	shalt  }
0x4d: {  	_ =	shalt  }
0x4e: {  	_ =	shalt  }
0x4f: {  	_ =	shalt  }
0x50: {  	_ =	shalt  }
0x51: {  	_ =	shalt  }
0x52: {  	_ =	shalt  }
0x53: {  	_ =	shalt  }
0x54: {  	_ =	shalt  }
0x55: {  	_ =	shalt  }
0x56: {  	_ =	shalt  }
0x57: {  	_ =	shalt  }
0x58: {  	_ =	shalt  }
0x59: {  	_ =	shalt  }
0x5a: {  	_ =	shalt  }
0x5b: {  	_ =	shalt  }
0x5c: {  	_ =	shalt  }
0x5d: {  	_ =	shalt  }
0x5e: {  	_ =	shalt  }
0x5f: {  	_ =	shalt  }
0x60: {  	_ =	shalt  }
0x61: {  	_ =	shalt  }
0x62: {  	_ =	shalt  }
0x63: {  	_ =	shalt  }
0x64: {  	_ =	shalt  }
0x65: {  	_ =	shalt  }
0x66: {  	_ =	shalt  }
0x67: {  	_ =	shalt  }
0x68: {  	_ =	shalt  }
0x69: {  	_ =	shalt  }
0x6a: {  	_ =	shalt  }
0x6b: {  	_ =	shalt  }
0x6c: {  	_ =	shalt  }
0x6d: {  	_ =	shalt  }
0x6e: {  	_ =	shalt  }
0x6f: {  	_ =	shalt  }
0x70: {  	_ =	shalt  }
0x71: {  	_ =	shalt  }
0x72: {  	_ =	shalt  }
0x73: {  	_ =	shalt  }
0x74: {  	_ =	shalt  }
0x75: {  	_ =	shalt  }
0x76: {  	_ =	shalt  }
0x77: {  	_ =	shalt  }
0x78: {  	_ =	shalt  }
0x79: {  	_ =	shalt  }
0x7a: {  	_ =	shalt  }
0x7b: {  	_ =	shalt  }
0x7c: {  	_ =	shalt  }
0x7d: {  	_ =	shalt  }
0x7e: {  	_ =	shalt  }
0x7f: {  	_ =	shalt  }
0x80: {  	_ =	shalt  }
0x81: {  	_ =	shalt  }
0x82: {  	_ =	shalt  }
0x83: {  	_ =	shalt  }
0x84: {  	_ =	shalt  }
0x85: {  	_ =	shalt  }
0x86: {  	_ =	shalt  }
0x87: {  	_ =	shalt  }
.Lfunc_end0:
.L_simem_size_0:
called_computation_lowered:
.L_overlay_start_0:
0x88: {  	s2 =	sld [smem:$0x3FD9]  }
0x89: {  	s3 =	sld [smem:$0x3FFE];
	_ =	sdelay $0x1  }
0x8a: {  	s1 =	srdreg.scid  }
0x8b: {  	s0 =	sand.u32 $0x1, s1  }
0x8c: {  	s17 =	sshll.u32 s0, $0xA;
	s2 =	sadd.s32 s3, s2  }
0x8d: {  	s2 =	sadd.s32 s2, s17  }
0x8e: {  	[smem:$0x3FC2] =	sst s2  }
0x8f: {  	_ = 	snop  }
0x90: {  	s2 =	sld [smem:$0x3FC9];
	(tm) =	ssettm $0x1  }
0x91: {  	s18 =	sld [smem:$0x3FFB];
	_ =	sdelay $0x3  }
0x92: {  	_ =	strace s18  }
0x93: {  	s3 =	sld [smem:$0x3FFC];
	_ =	sdelay $0x3  }
0x94: {  	_ =	strace s3  }
0x95: {  	s3 =	sld [smem:$0x3FFD];
	_ =	sdelay $0x3  }
0x96: {  	_ =	strace s3  }
0x97: {  	_ =	strace $0x8FFFFFFF  }
0x98: {  	s19 =	sld [smem:$0x3FDB];
	_ =	sdelay $0x1  }
0x99: {  	s4 =	simm.s32 $_scs_section_size  }
0x9a: {  	s5 =	simm.s32 $_size__tile_overlayer_lowered;
	s6 =	simm.s32 $_tile_overlayer_lowered  }
0x9b: {  	s22 =	simm.s32 $0x1BFF;
	s21 =	sshll.u32 s6, $0x1;
	s3 =	sadd.s32 s4, s19  }
0x9c: {  	s7 =	simm.s32 $0x0;
	s20 =	sshll.u32 s5, $0x1;
	s5 =	sadd.s32 s21, s3  }
0x9d: {  	[timem:s7], [sflag:s22] =	dma.local [hbm:s5], s20  }
0x9e: {  	_ =	swait.ge [sflag:s22], s20  }
0x9f: {  	s4 =	ssub.s32 $0x0, s20;
	[sflag:s22] =	ssyncset.done $0x0  }
0xa0: {  	[sflag:s22] =	ssyncadd.s32 s4;
	_ =	sdelay $0x1  }
0xa1: {  	s23 =	simm.s32 $0x1B8B  }
0xa2: {  	_ =	swait.ge [sflag:s23], $0x1  }
0xa3: {  	[sflag:s23] =	ssyncset.done $0x0  }
0xa4: {  	s25 =	simm.s32 $0x1B8E;
	s24 =	sld [smem:$0x3FFE];
	[sflag:s23] =	ssyncadd.s32 $0xFFFFFFFF  }
0xa5: {  	s26 =	simm.s32 $execute0_lowered;
	[smem:$0x3FD2] =	sst s25  }
0xa6: {  	s5 =	sshll.u32 s26, $0x1;
	_ =	strace $0x80000046;
	[dreg:$0x1] =	wrdreg $0xFFFFFFFF  }
0xa7: {  	s28 =	simm.s32 $_size_execute0_lowered;
	s3 =	sadd.s32 s3, s5;
	[dreg:$0x0] =	wrdreg $0x0  }
0xa8: {  	s5 =	sshll.u32 s28, $0x1;
	[dreg:$0x2] =	wrdreg s3  }
0xa9: {  	[dreg:$0x3] =	wrdreg s5  }
0xaa: {  	[dreg:$0x4] =	wrdreg $0xC0  }
0xab: {  	_ =	task [dreg:s7], $0x5FFFF  }
0xac: {  	[dreg:$0x1] =	wrdreg $0xFFFFFFFF  }
0xad: {  	[dreg:$0x0] =	wrdreg $0x60  }
0xae: {  	[dreg:$0x2] =	wrdreg s2  }
0xaf: {  	[dreg:$0x3] =	wrdreg s24  }
0xb0: {  	[dreg:$0x4] =	wrdreg $0x9  }
0xb1: {  	_ =	task.clear_ibuf [dreg:s7], $0x5FFFF;
	_ =	strace $0x90000046  }
0xb2: {  	s29 =	simm.s32 $0x9;
	_ =	strace $0x80000048  }
0xb3: {  	_ =	swait.ge [sflag:s29], $0x1  }
0xb4: {  	[sflag:s29] =	ssyncadd.s32 $0xFFFFFFFF  }
0xb5: {  	_ =	strace $0x90000048  }
0xb6: {  	_ =	sfence  }
0xb7: {  	s30 =	sld [smem:$0x0];
	_ =	sdelay $0x2  }
0xb8: {  	s31 =	sshll.u32 s1, $0xD;
	s1 =	sshrl.u32 s1, $0x2  }
0xb9: {  	s3 =	sand.u32 $0x4000, s31;
	s1 =	sadd.s32 s1, s30  }
0xba: {  	s0 =	sor.u32 s3, s0;
	s1 =	sshll.u32 s1, $0x11  }
0xbb: {  	s0 =	sor.u32 s1, s0  }
0xbc: {  	s0 =	sadd.s32 $0x8F2B, s0  }
0xbd: {  	[sflag:s0] =	ssyncadd.remote.s32 $0x1  }
0xbe: {  	_ =	sfence.sel $0xFFFF  }
0xbf: {  	[dreg:$0x0] =	wrdreg $0xFFFFFFFF;
	(pc) =	sbr.abs _section_cstart, $3  }
0xc0: {  	[dreg:$0x1] =	wrdreg $0xFFFFFFFF  }
0xc1: {  	_ =	task.clear_ibuf [dreg:s7], $0x2FFFF;
	_ =	strace $0x9FFFFFFF  }
0xc2: {  	(tm) =	ssettm $0x7FFFFFFF  }
0xc3: {  	_ =	shalt  }
tec
execute0_lowered:
.L_overlay_start_1:
0x0: {  	(tag) =	ssettag $0x1  }
0x1: {  	s2 =	rddreg [dreg:$0x0]  }
0x2: {  	s1 =	srdreg.scid;
	s0 =	stileid.u32  }
0x3: {  	s4 =	rddreg [dreg:$0x1];
	s3 =	simm.s32 $0x0;
	s9 =	simm.s32 $0x4000  }
0x4: {  	s10 =	simm.s32 $0x80;
	s11 =	simm.s32 $0x8000;
	s12 =	simm.s32 $0xC000  }
0x5: {  	s13 =	simm.s32 $0x10000;
	s14 =	simm.s32 $0x14000;
	s15 =	simm.s32 $0x1  }
0x6: {  	s16 =	simm.s32 $0x2;
	s17 =	simm.s32 $0x3;
	s18 =	simm.s32 $0x4  }
0x7: {  	s19 =	simm.s32 $0x18000;
	s20 =	simm.s32 $0x0;
	s28 =	simm.s32 $0x0  }
0x8: {  	s5 =	sand.u32 $0x1, s1;
	s6 =	sshll.u32 s0, $0x1;
	s1 =	rddreg [dreg:$0x2]  }
0x9: {  	v0 =	vlaneseq.u32;
	[smem:$0x7FF] =	sst s3;
	s6 =	sor.u32 s5, s6;
	s5 =	ssub.s32 $0x2, s5  }
0xa: {  	v1 =	vmul.u32 $0x80, v0;
	s7 =	smul.u32 $0x7E0, s6;
	s6 =	sshll.u32 s6, $0xB;
	s31 =	sshrl.u32 s5, $0x1  }
0xb: {  	_ =	strace $0x80000047;
	s6 =	sadd.s32 s6, s4;
	s8 =	ssub.s32 s5, s31  }
0xc: {  	v2 =	vor.u32 $0x800, v1;
	v3 =	vor.u32 $0x1000, v1;
	s7 =	sadd.s32 s7, s4;
	s4 =	sadd.s32 $0x600, s6;
	s5 =	sadd.s32 $0x10600, s6  }
0xd: {  	v4 =	vor.u32 $0x1800, v1;
	v5 =	vor.u32 $0x2000, v1;
	v6 =	vor.u32 $0x2800, v1;
	s6 =	sadd.s32 $0x20600, s7;
	s7 =	smax.u32 s8, $0x1;
	s8 =	simm.s32 $0x5  }
.LBB2_1:
0xe: {  	[tilespmem:s3], [sflag:$0x5] =	stream.linear.gather [hbm4b:s4+s3], $0x3F00, $0x38;
	[tilespmem:$0x1BF00] =	vst v63  }
0xf: {  	_ =	swait.ge [sflag:s8], $0x3F00  }
0x10: {  	[sflag:s8] =	ssyncset.done $0x0  }
0x11: {  	[sflag:s8] =	ssyncadd.s32 $0xFFFFC100  }
0x12: {  	[tilespmem:s9], [sflag:$0x5] =	stream.linear.gather [hbm4b:s5+s3], $0x3F00, $0x38;
	[tilespmem:$0x1BF00] =	vst v63  }
0x13: {  	_ =	swait.ge [sflag:s8], $0x3F00  }
0x14: {  	[sflag:s8] =	ssyncset.done $0x0  }
0x15: {  	[sflag:s8] =	ssyncadd.s32 $0xFFFFC100  }
0x16: {  	[tilespmem:s11], [sflag:$0x1] =	stream.indirect.gather [hbm4b:s2+s10], $0x80, s3, s10, $0xb8;
	[tilespmem:$0x1BF00] =	vst v63  }
0x17: {  	s21 =	simm.s32 $0x0  }
0x18: {  	[tilespmem:s12], [sflag:$0x2] =	stream.indirect.gather [hbm4b:s2+s10], $0x80, s9, s10, $0xb8;
	[tilespmem:$0x1BF00] =	vst v63  }
.LBB2_2:
0x19: {  	s22 =	sshll.u32 s21, $0x8  }
0x1a: {  	s23 =	sor.u32 $0x80, s22  }
0x1b: {  	[tilespmem:s13], [sflag:$0x3] =	stream.indirect.gather [hbm4b:s2+s10], $0x80, s23, s10, $0xb8;
	[tilespmem:$0x1BF00] =	vst v63  }
0x1c: {  	s25 =	simm.s32 $0x0;
	s24 =	sadd.s32 $0x4080, s22  }
0x1d: {  	v7 =	vadd.s32 s25, v0;
	[tilespmem:s14], [sflag:$0x4] =	stream.indirect.gather [hbm4b:s2+s10], $0x80, s24, s10, $0xb8;
	[tilespmem:$0x1BF00] =	vst v63  }
0x1e: {  	s29 =	simm.s32 $0x1;
	v7 =	vand.u32 $0x7F, v7;
	_ =	swait.ge [sflag:s15], $0x4000  }
0x1f: {  	v8 =	vadd.s32 s29, v0;
	v7 =	vor.u32 v1, v7;
	[sflag:s15] =	ssyncset.done $0x0  }
0x20: {  	s30 =	simm.s32 $0x2;
	v8 =	vand.u32 $0x7F, v8;
	[sflag:s15] =	ssyncadd.s32 $0xFFFFC000  }
0x21: {  	v9 =	vadd.s32 s30, v0;
	v8 =	vor.u32 v1, v8;
	_ =	swait.ge [sflag:s16], $0x4000  }
0x22: {  	s31 =	simm.s32 $0x3;
	v9 =	vand.u32 $0x7F, v9;
	[sflag:s16] =	ssyncset.done $0x0  }
0x23: {  	v10 =	vadd.s32 s31, v0;
	v11 =	vor.u32 v1, v9;
	[sflag:s16] =	ssyncadd.s32 $0xFFFFC000  }
0x24: {  	s25 =	simm.s32 $0x4;
	v9 =	vand.u32 $0x7F, v10;
	v12 =	vld.idx.msk [tilespmem:v7+s11+$0x0], $0xffff  }
0x25: {  	v10 =	vadd.s32 s25, v0;
	v14 =	vor.u32 v1, v9;
	v13 =	vld.idx.msk [tilespmem:v7+s12+$0x0], $0xffff  }
0x26: {  	s26 =	simm.s32 $0x5;
	v15 =	vld.idx.msk [tilespmem:v8+s11+$0x0], $0xffff;
	v7 =	vand.u32 $0x7F, v10  }
0x27: {  	v18 =	vld.idx.msk [tilespmem:v8+s12+$0x0], $0xffff;
	v20 =	vor.u32 v1, v7;
	v7 =	vadd.s32 s26, v0  }
0x28: {  	s29 =	simm.s32 $0x6;
	v9 =	vld.idx.msk [tilespmem:v11+s11+$0x0], $0xffff;
	v7 =	vand.u32 $0x7F, v7  }
0x29: {  	v10 =	vld.idx.msk [tilespmem:v11+s12+$0x0], $0xffff;
	v8 =	vadd.s32 s29, v0;
	v11 =	vor.u32 v1, v7  }
0x2a: {  	s30 =	simm.s32 $0x7;
	v8 =	vand.u32 $0x7F, v8;
	v7 =	vld.idx.msk [tilespmem:v14+s11+$0x0], $0xffff  }
0x2b: {  	s31 =	simm.s32 $0x8;
	v19 =	vadd.s32 s30, v0;
	v21 =	vsub.f32 v12, v13;
	v13 =	vld.idx.msk [tilespmem:v14+s12+$0x0], $0xffff;
	v12 =	vor.u32 v1, v8  }
0x2c: {  	v16 =	vimm.f32 $0.0e+00;
	v17 =	vadd.s32 s31, v0;
	v14 =	vand.u32 $0x7F, v19;
	v8 =	vld.idx.msk [tilespmem:v20+s11+$0x0], $0xffff  }
0x2d: {  	s25 =	simm.s32 $0x17;
	s24 =	simm.s32 $0xF;
	s26 =	simm.s32 $0x9;
	v18 =	vsub.f32 v15, v18;
	v15 =	vld.idx.msk [tilespmem:v20+s12+$0x0], $0xffff;
	v14 =	vor.u32 v1, v14;
	v19 =	vand.u32 $0x7FFFFFFF, v21  }
.LBB2_3:
0x2e: {  	p0 =	sne.s32 s25, $0x7F;
	v17 =	vand.u32 $0x7F, v17;
	v20 =	vadd.s32 s26, v0;
	v16 =	vadd.f32 v19, v16;
	v19 =	vld.idx.msk [tilespmem:v11+s11+$0x0], $0xffff  }
0x2f: {  	s26 =	sadd.s32 $0xFFFFFFFB, s24;
	v9 =	vsub.f32 v9, v10;
	v17 =	vor.u32 v1, v17;
	v18 =	vand.u32 $0x7FFFFFFF, v18;
	v10 =	vld.idx.msk [tilespmem:v11+s12+$0x0], $0xffff  }
0x30: {  	v11 =	vand.u32 $0x7F, v20;
	v20 =	vadd.s32 s26, v0;
	v16 =	vadd.f32 v18, v16;
	v18 =	vld.idx.msk [tilespmem:v12+s11+$0x0], $0xffff  }
0x31: {  	s26 =	sadd.s32 $0xFFFFFFFC, s24;
	v11 =	vor.u32 v1, v11;
	v9 =	vand.u32 $0x7FFFFFFF, v9;
	v7 =	vsub.f32 v7, v13;
	v12 =	vld.idx.msk [tilespmem:v12+s12+$0x0], $0xffff  }
0x32: {  	v13 =	vand.u32 $0x7F, v20;
	v20 =	vadd.s32 s26, v0;
	v9 =	vadd.f32 v9, v16;
	v16 =	vld.idx.msk [tilespmem:v14+s11+$0x0], $0xffff  }
0x33: {  	s26 =	sadd.s32 $0xFFFFFFFD, s24;
	v13 =	vor.u32 v1, v13;
	v7 =	vand.u32 $0x7FFFFFFF, v7;
	v8 =	vsub.f32 v8, v15;
	v14 =	vld.idx.msk [tilespmem:v14+s12+$0x0], $0xffff  }
0x34: {  	v20 =	vand.u32 $0x7F, v20;
	v21 =	vadd.s32 s26, v0;
	v15 =	vld.idx.msk [tilespmem:v17+s11+$0x0], $0xffff;
	v7 =	vadd.f32 v7, v9  }
0x35: {  	s26 =	sadd.s32 $0xFFFFFFFE, s24;
	v20 =	vor.u32 v1, v20;
	v8 =	vand.u32 $0x7FFFFFFF, v8;
	v9 =	vsub.f32 v19, v10;
	v17 =	vld.idx.msk [tilespmem:v17+s12+$0x0], $0xffff  }
0x36: {  	v10 =	vand.u32 $0x7F, v21;
	v19 =	vadd.s32 s26, v0;
	v22 =	vld.idx.msk [tilespmem:v11+s11+$0x0], $0xffff;
	v7 =	vadd.f32 v8, v7  }
0x37: {  	s26 =	sadd.s32 $0xFFFFFFFF, s24;
	v23 =	vor.u32 v1, v10;
	v8 =	vand.u32 $0x7FFFFFFF, v9;
	v12 =	vsub.f32 v18, v12;
	v21 =	vld.idx.msk [tilespmem:v11+s12+$0x0], $0xffff  }
0x38: {  	v18 =	vadd.s32 s26, v0;
	v11 =	vand.u32 $0x7F, v19;
	v9 =	vld.idx.msk [tilespmem:v13+s11+$0x0], $0xffff;
	v8 =	vadd.f32 v8, v7  }
.Ltmp0:
0x39: {  	v11 =	vor.u32 v1, v11;
	v12 =	vand.u32 $0x7FFFFFFF, v12;
	v14 =	vsub.f32 v16, v14;
	v10 =	vld.idx.msk [tilespmem:v13+s12+$0x0], $0xffff;
	(pc) =	sbr.rel @p0 .LBB2_3-.Ltmp0, $4  }
0x3a: {  	v16 =	vand.u32 $0x7F, v18;
	v18 =	vadd.s32 s24, v0;
	s24 =	smov.u32 s25;
	v7 =	vld.idx.msk [tilespmem:v20+s11+$0x0], $0xffff;
	v19 =	vadd.f32 v12, v8  }
0x3b: {  	s26 =	sadd.s32 $0xFFFFFFF9, s25;
	v15 =	vsub.f32 v15, v17;
	v12 =	vor.u32 v1, v16;
	v14 =	vand.u32 $0x7FFFFFFF, v14;
	v13 =	vld.idx.msk [tilespmem:v20+s12+$0x0], $0xffff  }
0x3c: {  	v17 =	vadd.s32 s26, v0;
	v20 =	vand.u32 $0x7F, v18;
	v8 =	vld.idx.msk [tilespmem:v23+s11+$0x0], $0xffff;
	v16 =	vadd.f32 v14, v19  }
0x3d: {  	s25 =	sadd.s32 $0x8, s25;
	s26 =	sadd.s32 $0xFFFFFFFA, s24;
	v19 =	vand.u32 $0x7FFFFFFF, v15;
	v18 =	vsub.f32 v22, v21;
	v14 =	vor.u32 v1, v20;
	v15 =	vld.idx.msk [tilespmem:v23+s12+$0x0], $0xffff  }
0x3e: {  	_ =	sdelay $0x2  }
0x3f: {  	v16 =	vadd.f32 v19, v16  }
0x40: {  	v17 =	vand.u32 $0x7F, v17;
	v19 =	vld.idx.msk [tilespmem:v11+s11+$0x0], $0xffff;
	v9 =	vsub.f32 v9, v10;
	v18 =	vand.u32 $0x7FFFFFFF, v18  }
0x41: {  	v10 =	vadd.s32 s26, v0;
	v11 =	vld.idx.msk [tilespmem:v11+s12+$0x0], $0xffff;
	v17 =	vor.u32 v1, v17;
	v16 =	vadd.f32 v18, v16  }
0x42: {  	s25 =	sadd.s32 $0xFFFFFFFB, s24;
	v10 =	vand.u32 $0x7F, v10;
	v18 =	vld.idx.msk [tilespmem:v12+s11+$0x0], $0xffff;
	v9 =	vand.u32 $0x7FFFFFFF, v9;
	v7 =	vsub.f32 v7, v13  }
0x43: {  	v13 =	vadd.s32 s25, v0;
	v10 =	vor.u32 v1, v10;
	v12 =	vld.idx.msk [tilespmem:v12+s12+$0x0], $0xffff;
	v9 =	vadd.f32 v9, v16  }
0x44: {  	s26 =	sadd.s32 $0xFFFFFFFC, s24;
	v13 =	vand.u32 $0x7F, v13;
	v16 =	vld.idx.msk [tilespmem:v14+s11+$0x0], $0xffff;
	v7 =	vand.u32 $0x7FFFFFFF, v7;
	v8 =	vsub.f32 v8, v15  }
0x45: {  	v15 =	vadd.s32 s26, v0;
	v13 =	vor.u32 v1, v13;
	v14 =	vld.idx.msk [tilespmem:v14+s12+$0x0], $0xffff;
	v7 =	vadd.f32 v7, v9  }
0x46: {  	s29 =	sadd.s32 $0xFFFFFFFD, s24;
	v15 =	vand.u32 $0x7F, v15;
	v11 =	vsub.f32 v19, v11;
	v9 =	vld.idx.msk [tilespmem:v17+s11+$0x0], $0xffff;
	v8 =	vand.u32 $0x7FFFFFFF, v8  }
0x47: {  	v19 =	vadd.s32 s29, v0;
	v17 =	vld.idx.msk [tilespmem:v17+s12+$0x0], $0xffff;
	v15 =	vor.u32 v1, v15;
	v7 =	vadd.f32 v8, v7  }
0x48: {  	s30 =	sadd.s32 $0xFFFFFFFE, s24;
	v19 =	vand.u32 $0x7F, v19;
	v11 =	vand.u32 $0x7FFFFFFF, v11;
	v12 =	vsub.f32 v18, v12;
	v8 =	vld.idx.msk [tilespmem:v10+s11+$0x0], $0xffff  }
0x49: {  	v18 =	vadd.s32 s30, v0;
	v19 =	vor.u32 v1, v19;
	v10 =	vld.idx.msk [tilespmem:v10+s12+$0x0], $0xffff;
	v7 =	vadd.f32 v11, v7  }
0x4a: {  	s31 =	sadd.s32 $0xFFFFFFFF, s24;
	v18 =	vand.u32 $0x7F, v18;
	v12 =	vand.u32 $0x7FFFFFFF, v12;
	v14 =	vsub.f32 v16, v14;
	v11 =	vld.idx.msk [tilespmem:v13+s11+$0x0], $0xffff  }
0x4b: {  	v16 =	vadd.s32 s31, v0;
	v18 =	vor.u32 v1, v18;
	v13 =	vld.idx.msk [tilespmem:v13+s12+$0x0], $0xffff;
	v7 =	vadd.f32 v12, v7  }
0x4c: {  	v16 =	vand.u32 $0x7F, v16;
	v9 =	vsub.f32 v9, v17;
	v14 =	vand.u32 $0x7FFFFFFF, v14;
	v12 =	vld.idx.msk [tilespmem:v15+s11+$0x0], $0xffff  }
0x4d: {  	v17 =	vadd.s32 s24, v0;
	v16 =	vor.u32 v1, v16;
	v15 =	vld.idx.msk [tilespmem:v15+s12+$0x0], $0xffff;
	v7 =	vadd.f32 v14, v7  }
0x4e: {  	v17 =	vand.u32 $0x7F, v17;
	v9 =	vand.u32 $0x7FFFFFFF, v9;
	v8 =	vsub.f32 v8, v10;
	v10 =	vld.idx.msk [tilespmem:v19+s12+$0x0], $0xffff  }
0x4f: {  	v17 =	vor.u32 v1, v17;
	v14 =	vld.idx.msk [tilespmem:v19+s11+$0x0], $0xffff;
	v7 =	vadd.f32 v9, v7  }
0x50: {  	v8 =	vand.u32 $0x7FFFFFFF, v8;
	v11 =	vsub.f32 v11, v13;
	v13 =	vld.idx.msk [tilespmem:v18+s12+$0x0], $0xffff  }
0x51: {  	v9 =	vld.idx.msk [tilespmem:v18+s11+$0x0], $0xffff;
	v7 =	vadd.f32 v8, v7  }
0x52: {  	v11 =	vand.u32 $0x7FFFFFFF, v11;
	v12 =	vsub.f32 v12, v15;
	v15 =	vld.idx.msk [tilespmem:v16+s12+$0x0], $0xffff  }
0x53: {  	v8 =	vld.idx.msk [tilespmem:v16+s11+$0x0], $0xffff;
	v7 =	vadd.f32 v11, v7  }
0x54: {  	v12 =	vand.u32 $0x7FFFFFFF, v12;
	v10 =	vsub.f32 v14, v10;
	v14 =	vld.idx.msk [tilespmem:v17+s12+$0x0], $0xffff  }
0x55: {  	v11 =	vld.idx.msk [tilespmem:v17+s11+$0x0], $0xffff;
	v7 =	vadd.f32 v12, v7  }
0x56: {  	v10 =	vand.u32 $0x7FFFFFFF, v10;
	v9 =	vsub.f32 v9, v13  }
0x57: {  	v7 =	vadd.f32 v10, v7  }
0x58: {  	s26 =	simm.s32 $0x0;
	v9 =	vand.u32 $0x7FFFFFFF, v9;
	v8 =	vsub.f32 v8, v15  }
0x59: {  	v7 =	vadd.f32 v9, v7;
	v9 =	vadd.s32 s26, v0  }
0x5a: {  	s29 =	simm.s32 $0x1;
	v8 =	vand.u32 $0x7FFFFFFF, v8;
	v10 =	vsub.f32 v11, v14;
	v9 =	vand.u32 $0x7F, v9  }
0x5b: {  	v7 =	vadd.f32 v8, v7;
	v8 =	vadd.s32 s29, v0;
	v9 =	vor.u32 v2, v9  }
0x5c: {  	s30 =	simm.s32 $0x2;
	v10 =	vand.u32 $0x7FFFFFFF, v10;
	v8 =	vand.u32 $0x7F, v8  }
0x5d: {  	v7 =	vadd.f32 v10, v7;
	v10 =	vadd.s32 s30, v0;
	v8 =	vor.u32 v2, v8  }
0x5e: {  	s31 =	simm.s32 $0x3;
	v10 =	vand.u32 $0x7F, v10  }
0x5f: {  	[tilespmem:s22+$0x18000] =	vst v7;
	v7 =	vadd.s32 s31, v0;
	v10 =	vor.u32 v2, v10  }
0x60: {  	s25 =	simm.s32 $0x4;
	v12 =	vld.idx.msk [tilespmem:v9+s11+$0x0], $0xffff;
	v7 =	vand.u32 $0x7F, v7  }
0x61: {  	v11 =	vadd.s32 s25, v0;
	v13 =	vld.idx.msk [tilespmem:v9+s12+$0x0], $0xffff;
	v14 =	vor.u32 v2, v7  }
0x62: {  	s26 =	simm.s32 $0x5;
	v7 =	vand.u32 $0x7F, v11;
	v15 =	vld.idx.msk [tilespmem:v8+s11+$0x0], $0xffff  }
0x63: {  	v18 =	vld.idx.msk [tilespmem:v8+s12+$0x0], $0xffff;
	v20 =	vor.u32 v2, v7;
	v7 =	vadd.s32 s26, v0  }
0x64: {  	s29 =	simm.s32 $0x6;
	v7 =	vand.u32 $0x7F, v7;
	v9 =	vld.idx.msk [tilespmem:v10+s11+$0x0], $0xffff  }
0x65: {  	v8 =	vadd.s32 s29, v0;
	v10 =	vld.idx.msk [tilespmem:v10+s12+$0x0], $0xffff;
	v11 =	vor.u32 v2, v7  }
0x66: {  	s30 =	simm.s32 $0x7;
	v8 =	vand.u32 $0x7F, v8;
	v7 =	vld.idx.msk [tilespmem:v14+s11+$0x0], $0xffff  }
0x67: {  	v19 =	vadd.s32 s30, v0;
	s31 =	simm.s32 $0x8;
	v21 =	vsub.f32 v12, v13;
	v12 =	vor.u32 v2, v8;
	v13 =	vld.idx.msk [tilespmem:v14+s12+$0x0], $0xffff  }
0x68: {  	v16 =	vimm.f32 $0.0e+00;
	v17 =	vadd.s32 s31, v0;
	v14 =	vand.u32 $0x7F, v19;
	v8 =	vld.idx.msk [tilespmem:v20+s11+$0x0], $0xffff  }
0x69: {  	s24 =	simm.s32 $0xF;
	s25 =	simm.s32 $0x17;
	s26 =	simm.s32 $0x9;
	v19 =	vand.u32 $0x7FFFFFFF, v21;
	v18 =	vsub.f32 v15, v18;
	v15 =	vld.idx.msk [tilespmem:v20+s12+$0x0], $0xffff;
	v14 =	vor.u32 v2, v14  }
.LBB2_5:
0x6a: {  	p0 =	sne.s32 s25, $0x7F;
	v17 =	vand.u32 $0x7F, v17;
	v20 =	vadd.s32 s26, v0;
	v16 =	vadd.f32 v19, v16;
	v19 =	vld.idx.msk [tilespmem:v11+s11+$0x0], $0xffff  }
0x6b: {  	s26 =	sadd.s32 $0xFFFFFFFB, s24;
	v9 =	vsub.f32 v9, v10;
	v17 =	vor.u32 v2, v17;
	v18 =	vand.u32 $0x7FFFFFFF, v18;
	v10 =	vld.idx.msk [tilespmem:v11+s12+$0x0], $0xffff  }
0x6c: {  	v11 =	vand.u32 $0x7F, v20;
	v20 =	vadd.s32 s26, v0;
	v16 =	vadd.f32 v18, v16;
	v18 =	vld.idx.msk [tilespmem:v12+s11+$0x0], $0xffff  }
0x6d: {  	s26 =	sadd.s32 $0xFFFFFFFC, s24;
	v11 =	vor.u32 v2, v11;
	v9 =	vand.u32 $0x7FFFFFFF, v9;
	v7 =	vsub.f32 v7, v13;
	v12 =	vld.idx.msk [tilespmem:v12+s12+$0x0], $0xffff  }
0x6e: {  	v13 =	vand.u32 $0x7F, v20;
	v20 =	vadd.s32 s26, v0;
	v9 =	vadd.f32 v9, v16;
	v16 =	vld.idx.msk [tilespmem:v14+s11+$0x0], $0xffff  }
0x6f: {  	s26 =	sadd.s32 $0xFFFFFFFD, s24;
	v13 =	vor.u32 v2, v13;
	v7 =	vand.u32 $0x7FFFFFFF, v7;
	v8 =	vsub.f32 v8, v15;
	v14 =	vld.idx.msk [tilespmem:v14+s12+$0x0], $0xffff  }
0x70: {  	v20 =	vand.u32 $0x7F, v20;
	v21 =	vadd.s32 s26, v0;
	v15 =	vld.idx.msk [tilespmem:v17+s11+$0x0], $0xffff;
	v7 =	vadd.f32 v7, v9  }
0x71: {  	s26 =	sadd.s32 $0xFFFFFFFE, s24;
	v20 =	vor.u32 v2, v20;
	v8 =	vand.u32 $0x7FFFFFFF, v8;
	v9 =	vsub.f32 v19, v10;
	v17 =	vld.idx.msk [tilespmem:v17+s12+$0x0], $0xffff  }
0x72: {  	v10 =	vand.u32 $0x7F, v21;
	v19 =	vadd.s32 s26, v0;
	v22 =	vld.idx.msk [tilespmem:v11+s11+$0x0], $0xffff;
	v7 =	vadd.f32 v8, v7  }
0x73: {  	s26 =	sadd.s32 $0xFFFFFFFF, s24;
	v23 =	vor.u32 v2, v10;
	v8 =	vand.u32 $0x7FFFFFFF, v9;
	v12 =	vsub.f32 v18, v12;
	v21 =	vld.idx.msk [tilespmem:v11+s12+$0x0], $0xffff  }
0x74: {  	v18 =	vadd.s32 s26, v0;
	v11 =	vand.u32 $0x7F, v19;
	v9 =	vld.idx.msk [tilespmem:v13+s11+$0x0], $0xffff;
	v8 =	vadd.f32 v8, v7  }
.Ltmp1:
0x75: {  	v11 =	vor.u32 v2, v11;
	v12 =	vand.u32 $0x7FFFFFFF, v12;
	v14 =	vsub.f32 v16, v14;
	v10 =	vld.idx.msk [tilespmem:v13+s12+$0x0], $0xffff;
	(pc) =	sbr.rel @p0 .LBB2_5-.Ltmp1, $4  }
0x76: {  	v16 =	vand.u32 $0x7F, v18;
	v18 =	vadd.s32 s24, v0;
	s24 =	smov.u32 s25;
	v7 =	vld.idx.msk [tilespmem:v20+s11+$0x0], $0xffff;
	v19 =	vadd.f32 v12, v8  }
0x77: {  	s26 =	sadd.s32 $0xFFFFFFF9, s25;
	v15 =	vsub.f32 v15, v17;
	v12 =	vor.u32 v2, v16;
	v14 =	vand.u32 $0x7FFFFFFF, v14;
	v13 =	vld.idx.msk [tilespmem:v20+s12+$0x0], $0xffff  }
0x78: {  	v17 =	vadd.s32 s26, v0;
	v20 =	vand.u32 $0x7F, v18;
	v8 =	vld.idx.msk [tilespmem:v23+s11+$0x0], $0xffff;
	v16 =	vadd.f32 v14, v19  }
0x79: {  	s25 =	sadd.s32 $0x8, s25;
	s26 =	sadd.s32 $0xFFFFFFFA, s24;
	v19 =	vand.u32 $0x7FFFFFFF, v15;
	v18 =	vsub.f32 v22, v21;
	v14 =	vor.u32 v2, v20;
	v15 =	vld.idx.msk [tilespmem:v23+s12+$0x0], $0xffff  }
0x7a: {  	_ =	sdelay $0x2  }
0x7b: {  	v16 =	vadd.f32 v19, v16  }
0x7c: {  	v17 =	vand.u32 $0x7F, v17;
	v19 =	vld.idx.msk [tilespmem:v11+s11+$0x0], $0xffff;
	v9 =	vsub.f32 v9, v10;
	v18 =	vand.u32 $0x7FFFFFFF, v18  }
0x7d: {  	v10 =	vadd.s32 s26, v0;
	v11 =	vld.idx.msk [tilespmem:v11+s12+$0x0], $0xffff;
	v17 =	vor.u32 v2, v17;
	v16 =	vadd.f32 v18, v16  }
0x7e: {  	s25 =	sadd.s32 $0xFFFFFFFB, s24;
	v10 =	vand.u32 $0x7F, v10;
	v18 =	vld.idx.msk [tilespmem:v12+s11+$0x0], $0xffff;
	v9 =	vand.u32 $0x7FFFFFFF, v9;
	v7 =	vsub.f32 v7, v13  }
0x7f: {  	v13 =	vadd.s32 s25, v0;
	v10 =	vor.u32 v2, v10;
	v12 =	vld.idx.msk [tilespmem:v12+s12+$0x0], $0xffff;
	v9 =	vadd.f32 v9, v16  }
0x80: {  	s26 =	sadd.s32 $0xFFFFFFFC, s24;
	v13 =	vand.u32 $0x7F, v13;
	v16 =	vld.idx.msk [tilespmem:v14+s11+$0x0], $0xffff;
	v7 =	vand.u32 $0x7FFFFFFF, v7;
	v8 =	vsub.f32 v8, v15  }
0x81: {  	v15 =	vadd.s32 s26, v0;
	v13 =	vor.u32 v2, v13;
	v14 =	vld.idx.msk [tilespmem:v14+s12+$0x0], $0xffff;
	v7 =	vadd.f32 v7, v9  }
0x82: {  	s29 =	sadd.s32 $0xFFFFFFFD, s24;
	v15 =	vand.u32 $0x7F, v15;
	v11 =	vsub.f32 v19, v11;
	v9 =	vld.idx.msk [tilespmem:v17+s11+$0x0], $0xffff;
	v8 =	vand.u32 $0x7FFFFFFF, v8  }
0x83: {  	v19 =	vadd.s32 s29, v0;
	v17 =	vld.idx.msk [tilespmem:v17+s12+$0x0], $0xffff;
	v15 =	vor.u32 v2, v15;
	v7 =	vadd.f32 v8, v7  }
0x84: {  	s30 =	sadd.s32 $0xFFFFFFFE, s24;
	v19 =	vand.u32 $0x7F, v19;
	v11 =	vand.u32 $0x7FFFFFFF, v11;
	v12 =	vsub.f32 v18, v12;
	v8 =	vld.idx.msk [tilespmem:v10+s11+$0x0], $0xffff  }
0x85: {  	v18 =	vadd.s32 s30, v0;
	v19 =	vor.u32 v2, v19;
	v10 =	vld.idx.msk [tilespmem:v10+s12+$0x0], $0xffff;
	v7 =	vadd.f32 v11, v7  }
0x86: {  	s31 =	sadd.s32 $0xFFFFFFFF, s24;
	v18 =	vand.u32 $0x7F, v18;
	v12 =	vand.u32 $0x7FFFFFFF, v12;
	v14 =	vsub.f32 v16, v14;
	v11 =	vld.idx.msk [tilespmem:v13+s11+$0x0], $0xffff  }
0x87: {  	v16 =	vadd.s32 s31, v0;
	v18 =	vor.u32 v2, v18;
	v13 =	vld.idx.msk [tilespmem:v13+s12+$0x0], $0xffff;
	v7 =	vadd.f32 v12, v7  }
0x88: {  	v16 =	vand.u32 $0x7F, v16;
	v9 =	vsub.f32 v9, v17;
	v14 =	vand.u32 $0x7FFFFFFF, v14;
	v12 =	vld.idx.msk [tilespmem:v15+s11+$0x0], $0xffff  }
0x89: {  	v17 =	vadd.s32 s24, v0;
	v16 =	vor.u32 v2, v16;
	v15 =	vld.idx.msk [tilespmem:v15+s12+$0x0], $0xffff;
	v7 =	vadd.f32 v14, v7  }
0x8a: {  	v17 =	vand.u32 $0x7F, v17;
	v9 =	vand.u32 $0x7FFFFFFF, v9;
	v8 =	vsub.f32 v8, v10;
	v10 =	vld.idx.msk [tilespmem:v19+s12+$0x0], $0xffff  }
0x8b: {  	v17 =	vor.u32 v2, v17;
	v14 =	vld.idx.msk [tilespmem:v19+s11+$0x0], $0xffff;
	v7 =	vadd.f32 v9, v7  }
0x8c: {  	v8 =	vand.u32 $0x7FFFFFFF, v8;
	v11 =	vsub.f32 v11, v13;
	v13 =	vld.idx.msk [tilespmem:v18+s12+$0x0], $0xffff  }
0x8d: {  	v9 =	vld.idx.msk [tilespmem:v18+s11+$0x0], $0xffff;
	v7 =	vadd.f32 v8, v7  }
0x8e: {  	v11 =	vand.u32 $0x7FFFFFFF, v11;
	v12 =	vsub.f32 v12, v15;
	v15 =	vld.idx.msk [tilespmem:v16+s12+$0x0], $0xffff  }
0x8f: {  	v8 =	vld.idx.msk [tilespmem:v16+s11+$0x0], $0xffff;
	v7 =	vadd.f32 v11, v7  }
0x90: {  	v12 =	vand.u32 $0x7FFFFFFF, v12;
	v10 =	vsub.f32 v14, v10;
	v14 =	vld.idx.msk [tilespmem:v17+s12+$0x0], $0xffff  }
0x91: {  	v11 =	vld.idx.msk [tilespmem:v17+s11+$0x0], $0xffff;
	v7 =	vadd.f32 v12, v7  }
0x92: {  	v10 =	vand.u32 $0x7FFFFFFF, v10;
	v9 =	vsub.f32 v9, v13  }
0x93: {  	v7 =	vadd.f32 v10, v7  }
0x94: {  	s26 =	simm.s32 $0x0;
	v9 =	vand.u32 $0x7FFFFFFF, v9;
	v8 =	vsub.f32 v8, v15  }
0x95: {  	v7 =	vadd.f32 v9, v7;
	v9 =	vadd.s32 s26, v0  }
0x96: {  	s29 =	simm.s32 $0x1;
	v8 =	vand.u32 $0x7FFFFFFF, v8;
	v10 =	vsub.f32 v11, v14;
	v9 =	vand.u32 $0x7F, v9  }
0x97: {  	v7 =	vadd.f32 v8, v7;
	v8 =	vadd.s32 s29, v0;
	v9 =	vor.u32 v3, v9  }
0x98: {  	s30 =	simm.s32 $0x2;
	v10 =	vand.u32 $0x7FFFFFFF, v10;
	v8 =	vand.u32 $0x7F, v8  }
0x99: {  	v7 =	vadd.f32 v10, v7;
	v10 =	vadd.s32 s30, v0;
	v8 =	vor.u32 v3, v8  }
0x9a: {  	s31 =	simm.s32 $0x3;
	v10 =	vand.u32 $0x7F, v10  }
0x9b: {  	[tilespmem:s22+$0x18010] =	vst v7;
	v7 =	vadd.s32 s31, v0;
	v10 =	vor.u32 v3, v10  }
0x9c: {  	s25 =	simm.s32 $0x4;
	v12 =	vld.idx.msk [tilespmem:v9+s11+$0x0], $0xffff;
	v7 =	vand.u32 $0x7F, v7  }
0x9d: {  	v11 =	vadd.s32 s25, v0;
	v13 =	vld.idx.msk [tilespmem:v9+s12+$0x0], $0xffff;
	v14 =	vor.u32 v3, v7  }
0x9e: {  	s26 =	simm.s32 $0x5;
	v7 =	vand.u32 $0x7F, v11;
	v15 =	vld.idx.msk [tilespmem:v8+s11+$0x0], $0xffff  }
0x9f: {  	v18 =	vld.idx.msk [tilespmem:v8+s12+$0x0], $0xffff;
	v20 =	vor.u32 v3, v7;
	v7 =	vadd.s32 s26, v0  }
0xa0: {  	s29 =	simm.s32 $0x6;
	v7 =	vand.u32 $0x7F, v7;
	v9 =	vld.idx.msk [tilespmem:v10+s11+$0x0], $0xffff  }
0xa1: {  	v8 =	vadd.s32 s29, v0;
	v10 =	vld.idx.msk [tilespmem:v10+s12+$0x0], $0xffff;
	v11 =	vor.u32 v3, v7  }
0xa2: {  	s30 =	simm.s32 $0x7;
	v8 =	vand.u32 $0x7F, v8;
	v7 =	vld.idx.msk [tilespmem:v14+s11+$0x0], $0xffff  }
0xa3: {  	v19 =	vadd.s32 s30, v0;
	s31 =	simm.s32 $0x8;
	v21 =	vsub.f32 v12, v13;
	v12 =	vor.u32 v3, v8;
	v13 =	vld.idx.msk [tilespmem:v14+s12+$0x0], $0xffff  }
0xa4: {  	v16 =	vimm.f32 $0.0e+00;
	v17 =	vadd.s32 s31, v0;
	v14 =	vand.u32 $0x7F, v19;
	v8 =	vld.idx.msk [tilespmem:v20+s11+$0x0], $0xffff  }
0xa5: {  	s24 =	simm.s32 $0xF;
	s25 =	simm.s32 $0x17;
	s26 =	simm.s32 $0x9;
	v19 =	vand.u32 $0x7FFFFFFF, v21;
	v18 =	vsub.f32 v15, v18;
	v15 =	vld.idx.msk [tilespmem:v20+s12+$0x0], $0xffff;
	v14 =	vor.u32 v3, v14  }
.LBB2_7:
0xa6: {  	p0 =	sne.s32 s25, $0x7F;
	v17 =	vand.u32 $0x7F, v17;
	v20 =	vadd.s32 s26, v0;
	v16 =	vadd.f32 v19, v16;
	v19 =	vld.idx.msk [tilespmem:v11+s11+$0x0], $0xffff  }
0xa7: {  	s26 =	sadd.s32 $0xFFFFFFFB, s24;
	v9 =	vsub.f32 v9, v10;
	v17 =	vor.u32 v3, v17;
	v18 =	vand.u32 $0x7FFFFFFF, v18;
	v10 =	vld.idx.msk [tilespmem:v11+s12+$0x0], $0xffff  }
0xa8: {  	v11 =	vand.u32 $0x7F, v20;
	v20 =	vadd.s32 s26, v0;
	v16 =	vadd.f32 v18, v16;
	v18 =	vld.idx.msk [tilespmem:v12+s11+$0x0], $0xffff  }
0xa9: {  	s26 =	sadd.s32 $0xFFFFFFFC, s24;
	v11 =	vor.u32 v3, v11;
	v9 =	vand.u32 $0x7FFFFFFF, v9;
	v7 =	vsub.f32 v7, v13;
	v12 =	vld.idx.msk [tilespmem:v12+s12+$0x0], $0xffff  }
0xaa: {  	v13 =	vand.u32 $0x7F, v20;
	v20 =	vadd.s32 s26, v0;
	v9 =	vadd.f32 v9, v16;
	v16 =	vld.idx.msk [tilespmem:v14+s11+$0x0], $0xffff  }
0xab: {  	s26 =	sadd.s32 $0xFFFFFFFD, s24;
	v13 =	vor.u32 v3, v13;
	v7 =	vand.u32 $0x7FFFFFFF, v7;
	v8 =	vsub.f32 v8, v15;
	v14 =	vld.idx.msk [tilespmem:v14+s12+$0x0], $0xffff  }
0xac: {  	v20 =	vand.u32 $0x7F, v20;
	v21 =	vadd.s32 s26, v0;
	v15 =	vld.idx.msk [tilespmem:v17+s11+$0x0], $0xffff;
	v7 =	vadd.f32 v7, v9  }
0xad: {  	s26 =	sadd.s32 $0xFFFFFFFE, s24;
	v20 =	vor.u32 v3, v20;
	v8 =	vand.u32 $0x7FFFFFFF, v8;
	v9 =	vsub.f32 v19, v10;
	v17 =	vld.idx.msk [tilespmem:v17+s12+$0x0], $0xffff  }
0xae: {  	v10 =	vand.u32 $0x7F, v21;
	v19 =	vadd.s32 s26, v0;
	v22 =	vld.idx.msk [tilespmem:v11+s11+$0x0], $0xffff;
	v7 =	vadd.f32 v8, v7  }
0xaf: {  	s26 =	sadd.s32 $0xFFFFFFFF, s24;
	v23 =	vor.u32 v3, v10;
	v8 =	vand.u32 $0x7FFFFFFF, v9;
	v12 =	vsub.f32 v18, v12;
	v21 =	vld.idx.msk [tilespmem:v11+s12+$0x0], $0xffff  }
0xb0: {  	v18 =	vadd.s32 s26, v0;
	v11 =	vand.u32 $0x7F, v19;
	v9 =	vld.idx.msk [tilespmem:v13+s11+$0x0], $0xffff;
	v8 =	vadd.f32 v8, v7  }
.Ltmp2:
0xb1: {  	v11 =	vor.u32 v3, v11;
	v12 =	vand.u32 $0x7FFFFFFF, v12;
	v14 =	vsub.f32 v16, v14;
	v10 =	vld.idx.msk [tilespmem:v13+s12+$0x0], $0xffff;
	(pc) =	sbr.rel @p0 .LBB2_7-.Ltmp2, $4  }
0xb2: {  	v16 =	vand.u32 $0x7F, v18;
	v18 =	vadd.s32 s24, v0;
	s24 =	smov.u32 s25;
	v7 =	vld.idx.msk [tilespmem:v20+s11+$0x0], $0xffff;
	v19 =	vadd.f32 v12, v8  }
0xb3: {  	s26 =	sadd.s32 $0xFFFFFFF9, s25;
	v15 =	vsub.f32 v15, v17;
	v12 =	vor.u32 v3, v16;
	v14 =	vand.u32 $0x7FFFFFFF, v14;
	v13 =	vld.idx.msk [tilespmem:v20+s12+$0x0], $0xffff  }
0xb4: {  	v17 =	vadd.s32 s26, v0;
	v20 =	vand.u32 $0x7F, v18;
	v8 =	vld.idx.msk [tilespmem:v23+s11+$0x0], $0xffff;
	v16 =	vadd.f32 v14, v19  }
0xb5: {  	s25 =	sadd.s32 $0x8, s25;
	s26 =	sadd.s32 $0xFFFFFFFA, s24;
	v19 =	vand.u32 $0x7FFFFFFF, v15;
	v18 =	vsub.f32 v22, v21;
	v14 =	vor.u32 v3, v20;
	v15 =	vld.idx.msk [tilespmem:v23+s12+$0x0], $0xffff  }
0xb6: {  	_ =	sdelay $0x2  }
0xb7: {  	v16 =	vadd.f32 v19, v16  }
0xb8: {  	v17 =	vand.u32 $0x7F, v17;
	v19 =	vld.idx.msk [tilespmem:v11+s11+$0x0], $0xffff;
	v9 =	vsub.f32 v9, v10;
	v18 =	vand.u32 $0x7FFFFFFF, v18  }
0xb9: {  	v10 =	vadd.s32 s26, v0;
	v11 =	vld.idx.msk [tilespmem:v11+s12+$0x0], $0xffff;
	v17 =	vor.u32 v3, v17;
	v16 =	vadd.f32 v18, v16  }
0xba: {  	s25 =	sadd.s32 $0xFFFFFFFB, s24;
	v10 =	vand.u32 $0x7F, v10;
	v18 =	vld.idx.msk [tilespmem:v12+s11+$0x0], $0xffff;
	v9 =	vand.u32 $0x7FFFFFFF, v9;
	v7 =	vsub.f32 v7, v13  }
0xbb: {  	v13 =	vadd.s32 s25, v0;
	v10 =	vor.u32 v3, v10;
	v12 =	vld.idx.msk [tilespmem:v12+s12+$0x0], $0xffff;
	v9 =	vadd.f32 v9, v16  }
0xbc: {  	s26 =	sadd.s32 $0xFFFFFFFC, s24;
	v13 =	vand.u32 $0x7F, v13;
	v16 =	vld.idx.msk [tilespmem:v14+s11+$0x0], $0xffff;
	v7 =	vand.u32 $0x7FFFFFFF, v7;
	v8 =	vsub.f32 v8, v15  }
0xbd: {  	v15 =	vadd.s32 s26, v0;
	v13 =	vor.u32 v3, v13;
	v14 =	vld.idx.msk [tilespmem:v14+s12+$0x0], $0xffff;
	v7 =	vadd.f32 v7, v9  }
0xbe: {  	s29 =	sadd.s32 $0xFFFFFFFD, s24;
	v15 =	vand.u32 $0x7F, v15;
	v11 =	vsub.f32 v19, v11;
	v9 =	vld.idx.msk [tilespmem:v17+s11+$0x0], $0xffff;
	v8 =	vand.u32 $0x7FFFFFFF, v8  }
0xbf: {  	v19 =	vadd.s32 s29, v0;
	v17 =	vld.idx.msk [tilespmem:v17+s12+$0x0], $0xffff;
	v15 =	vor.u32 v3, v15;
	v7 =	vadd.f32 v8, v7  }
0xc0: {  	s30 =	sadd.s32 $0xFFFFFFFE, s24;
	v19 =	vand.u32 $0x7F, v19;
	v11 =	vand.u32 $0x7FFFFFFF, v11;
	v12 =	vsub.f32 v18, v12;
	v8 =	vld.idx.msk [tilespmem:v10+s11+$0x0], $0xffff  }
0xc1: {  	v18 =	vadd.s32 s30, v0;
	v19 =	vor.u32 v3, v19;
	v10 =	vld.idx.msk [tilespmem:v10+s12+$0x0], $0xffff;
	v7 =	vadd.f32 v11, v7  }
0xc2: {  	s31 =	sadd.s32 $0xFFFFFFFF, s24;
	v18 =	vand.u32 $0x7F, v18;
	v12 =	vand.u32 $0x7FFFFFFF, v12;
	v14 =	vsub.f32 v16, v14;
	v11 =	vld.idx.msk [tilespmem:v13+s11+$0x0], $0xffff  }
0xc3: {  	v16 =	vadd.s32 s31, v0;
	v18 =	vor.u32 v3, v18;
	v13 =	vld.idx.msk [tilespmem:v13+s12+$0x0], $0xffff;
	v7 =	vadd.f32 v12, v7  }
0xc4: {  	v16 =	vand.u32 $0x7F, v16;
	v9 =	vsub.f32 v9, v17;
	v14 =	vand.u32 $0x7FFFFFFF, v14;
	v12 =	vld.idx.msk [tilespmem:v15+s11+$0x0], $0xffff  }
0xc5: {  	v17 =	vadd.s32 s24, v0;
	v16 =	vor.u32 v3, v16;
	v15 =	vld.idx.msk [tilespmem:v15+s12+$0x0], $0xffff;
	v7 =	vadd.f32 v14, v7  }
0xc6: {  	v17 =	vand.u32 $0x7F, v17;
	v9 =	vand.u32 $0x7FFFFFFF, v9;
	v8 =	vsub.f32 v8, v10;
	v10 =	vld.idx.msk [tilespmem:v19+s12+$0x0], $0xffff  }
0xc7: {  	v17 =	vor.u32 v3, v17;
	v14 =	vld.idx.msk [tilespmem:v19+s11+$0x0], $0xffff;
	v7 =	vadd.f32 v9, v7  }
0xc8: {  	v8 =	vand.u32 $0x7FFFFFFF, v8;
	v11 =	vsub.f32 v11, v13;
	v13 =	vld.idx.msk [tilespmem:v18+s12+$0x0], $0xffff  }
0xc9: {  	v9 =	vld.idx.msk [tilespmem:v18+s11+$0x0], $0xffff;
	v7 =	vadd.f32 v8, v7  }
0xca: {  	v11 =	vand.u32 $0x7FFFFFFF, v11;
	v12 =	vsub.f32 v12, v15;
	v15 =	vld.idx.msk [tilespmem:v16+s12+$0x0], $0xffff  }
0xcb: {  	v8 =	vld.idx.msk [tilespmem:v16+s11+$0x0], $0xffff;
	v7 =	vadd.f32 v11, v7  }
0xcc: {  	v12 =	vand.u32 $0x7FFFFFFF, v12;
	v10 =	vsub.f32 v14, v10;
	v14 =	vld.idx.msk [tilespmem:v17+s12+$0x0], $0xffff  }
0xcd: {  	v11 =	vld.idx.msk [tilespmem:v17+s11+$0x0], $0xffff;
	v7 =	vadd.f32 v12, v7  }
0xce: {  	v10 =	vand.u32 $0x7FFFFFFF, v10;
	v9 =	vsub.f32 v9, v13  }
0xcf: {  	v7 =	vadd.f32 v10, v7  }
0xd0: {  	s26 =	simm.s32 $0x0;
	v9 =	vand.u32 $0x7FFFFFFF, v9;
	v8 =	vsub.f32 v8, v15  }
0xd1: {  	v7 =	vadd.f32 v9, v7;
	v9 =	vadd.s32 s26, v0  }
0xd2: {  	s29 =	simm.s32 $0x1;
	v8 =	vand.u32 $0x7FFFFFFF, v8;
	v10 =	vsub.f32 v11, v14;
	v9 =	vand.u32 $0x7F, v9  }
0xd3: {  	v7 =	vadd.f32 v8, v7;
	v8 =	vadd.s32 s29, v0;
	v9 =	vor.u32 v4, v9  }
0xd4: {  	s30 =	simm.s32 $0x2;
	v10 =	vand.u32 $0x7FFFFFFF, v10;
	v8 =	vand.u32 $0x7F, v8  }
0xd5: {  	v7 =	vadd.f32 v10, v7;
	v10 =	vadd.s32 s30, v0;
	v8 =	vor.u32 v4, v8  }
0xd6: {  	s31 =	simm.s32 $0x3;
	v10 =	vand.u32 $0x7F, v10  }
0xd7: {  	[tilespmem:s22+$0x18020] =	vst v7;
	v7 =	vadd.s32 s31, v0;
	v10 =	vor.u32 v4, v10  }
0xd8: {  	s25 =	simm.s32 $0x4;
	v12 =	vld.idx.msk [tilespmem:v9+s11+$0x0], $0xffff;
	v7 =	vand.u32 $0x7F, v7  }
0xd9: {  	v11 =	vadd.s32 s25, v0;
	v13 =	vld.idx.msk [tilespmem:v9+s12+$0x0], $0xffff;
	v14 =	vor.u32 v4, v7  }
0xda: {  	s26 =	simm.s32 $0x5;
	v7 =	vand.u32 $0x7F, v11;
	v15 =	vld.idx.msk [tilespmem:v8+s11+$0x0], $0xffff  }
0xdb: {  	v18 =	vld.idx.msk [tilespmem:v8+s12+$0x0], $0xffff;
	v20 =	vor.u32 v4, v7;
	v7 =	vadd.s32 s26, v0  }
0xdc: {  	s29 =	simm.s32 $0x6;
	v7 =	vand.u32 $0x7F, v7;
	v9 =	vld.idx.msk [tilespmem:v10+s11+$0x0], $0xffff  }
0xdd: {  	v8 =	vadd.s32 s29, v0;
	v10 =	vld.idx.msk [tilespmem:v10+s12+$0x0], $0xffff;
	v11 =	vor.u32 v4, v7  }
0xde: {  	s30 =	simm.s32 $0x7;
	v8 =	vand.u32 $0x7F, v8;
	v7 =	vld.idx.msk [tilespmem:v14+s11+$0x0], $0xffff  }
0xdf: {  	v19 =	vadd.s32 s30, v0;
	s31 =	simm.s32 $0x8;
	v21 =	vsub.f32 v12, v13;
	v12 =	vor.u32 v4, v8;
	v13 =	vld.idx.msk [tilespmem:v14+s12+$0x0], $0xffff  }
0xe0: {  	v16 =	vimm.f32 $0.0e+00;
	v17 =	vadd.s32 s31, v0;
	v14 =	vand.u32 $0x7F, v19;
	v8 =	vld.idx.msk [tilespmem:v20+s11+$0x0], $0xffff  }
0xe1: {  	s24 =	simm.s32 $0xF;
	s25 =	simm.s32 $0x17;
	s26 =	simm.s32 $0x9;
	v19 =	vand.u32 $0x7FFFFFFF, v21;
	v18 =	vsub.f32 v15, v18;
	v15 =	vld.idx.msk [tilespmem:v20+s12+$0x0], $0xffff;
	v14 =	vor.u32 v4, v14  }
.LBB2_9:
0xe2: {  	p0 =	sne.s32 s25, $0x7F;
	v17 =	vand.u32 $0x7F, v17;
	v20 =	vadd.s32 s26, v0;
	v16 =	vadd.f32 v19, v16;
	v19 =	vld.idx.msk [tilespmem:v11+s11+$0x0], $0xffff  }
0xe3: {  	s26 =	sadd.s32 $0xFFFFFFFB, s24;
	v9 =	vsub.f32 v9, v10;
	v17 =	vor.u32 v4, v17;
	v18 =	vand.u32 $0x7FFFFFFF, v18;
	v10 =	vld.idx.msk [tilespmem:v11+s12+$0x0], $0xffff  }
0xe4: {  	v11 =	vand.u32 $0x7F, v20;
	v20 =	vadd.s32 s26, v0;
	v16 =	vadd.f32 v18, v16;
	v18 =	vld.idx.msk [tilespmem:v12+s11+$0x0], $0xffff  }
0xe5: {  	s26 =	sadd.s32 $0xFFFFFFFC, s24;
	v11 =	vor.u32 v4, v11;
	v9 =	vand.u32 $0x7FFFFFFF, v9;
	v7 =	vsub.f32 v7, v13;
	v12 =	vld.idx.msk [tilespmem:v12+s12+$0x0], $0xffff  }
0xe6: {  	v13 =	vand.u32 $0x7F, v20;
	v20 =	vadd.s32 s26, v0;
	v9 =	vadd.f32 v9, v16;
	v16 =	vld.idx.msk [tilespmem:v14+s11+$0x0], $0xffff  }
0xe7: {  	s26 =	sadd.s32 $0xFFFFFFFD, s24;
	v13 =	vor.u32 v4, v13;
	v7 =	vand.u32 $0x7FFFFFFF, v7;
	v8 =	vsub.f32 v8, v15;
	v14 =	vld.idx.msk [tilespmem:v14+s12+$0x0], $0xffff  }
0xe8: {  	v20 =	vand.u32 $0x7F, v20;
	v21 =	vadd.s32 s26, v0;
	v15 =	vld.idx.msk [tilespmem:v17+s11+$0x0], $0xffff;
	v7 =	vadd.f32 v7, v9  }
0xe9: {  	s26 =	sadd.s32 $0xFFFFFFFE, s24;
	v20 =	vor.u32 v4, v20;
	v8 =	vand.u32 $0x7FFFFFFF, v8;
	v9 =	vsub.f32 v19, v10;
	v17 =	vld.idx.msk [tilespmem:v17+s12+$0x0], $0xffff  }
0xea: {  	v10 =	vand.u32 $0x7F, v21;
	v19 =	vadd.s32 s26, v0;
	v22 =	vld.idx.msk [tilespmem:v11+s11+$0x0], $0xffff;
	v7 =	vadd.f32 v8, v7  }
0xeb: {  	s26 =	sadd.s32 $0xFFFFFFFF, s24;
	v23 =	vor.u32 v4, v10;
	v8 =	vand.u32 $0x7FFFFFFF, v9;
	v12 =	vsub.f32 v18, v12;
	v21 =	vld.idx.msk [tilespmem:v11+s12+$0x0], $0xffff  }
0xec: {  	v18 =	vadd.s32 s26, v0;
	v11 =	vand.u32 $0x7F, v19;
	v9 =	vld.idx.msk [tilespmem:v13+s11+$0x0], $0xffff;
	v8 =	vadd.f32 v8, v7  }
.Ltmp3:
0xed: {  	v11 =	vor.u32 v4, v11;
	v12 =	vand.u32 $0x7FFFFFFF, v12;
	v14 =	vsub.f32 v16, v14;
	v10 =	vld.idx.msk [tilespmem:v13+s12+$0x0], $0xffff;
	(pc) =	sbr.rel @p0 .LBB2_9-.Ltmp3, $4  }
0xee: {  	v16 =	vand.u32 $0x7F, v18;
	v18 =	vadd.s32 s24, v0;
	s24 =	smov.u32 s25;
	v7 =	vld.idx.msk [tilespmem:v20+s11+$0x0], $0xffff;
	v19 =	vadd.f32 v12, v8  }
0xef: {  	s26 =	sadd.s32 $0xFFFFFFF9, s25;
	v15 =	vsub.f32 v15, v17;
	v12 =	vor.u32 v4, v16;
	v14 =	vand.u32 $0x7FFFFFFF, v14;
	v13 =	vld.idx.msk [tilespmem:v20+s12+$0x0], $0xffff  }
0xf0: {  	v17 =	vadd.s32 s26, v0;
	v20 =	vand.u32 $0x7F, v18;
	v8 =	vld.idx.msk [tilespmem:v23+s11+$0x0], $0xffff;
	v16 =	vadd.f32 v14, v19  }
0xf1: {  	s25 =	sadd.s32 $0x8, s25;
	s26 =	sadd.s32 $0xFFFFFFFA, s24;
	v19 =	vand.u32 $0x7FFFFFFF, v15;
	v18 =	vsub.f32 v22, v21;
	v14 =	vor.u32 v4, v20;
	v15 =	vld.idx.msk [tilespmem:v23+s12+$0x0], $0xffff  }
0xf2: {  	_ =	sdelay $0x2  }
0xf3: {  	v16 =	vadd.f32 v19, v16  }
0xf4: {  	v17 =	vand.u32 $0x7F, v17;
	v19 =	vld.idx.msk [tilespmem:v11+s11+$0x0], $0xffff;
	v9 =	vsub.f32 v9, v10;
	v18 =	vand.u32 $0x7FFFFFFF, v18  }
0xf5: {  	v10 =	vadd.s32 s26, v0;
	v11 =	vld.idx.msk [tilespmem:v11+s12+$0x0], $0xffff;
	v17 =	vor.u32 v4, v17;
	v16 =	vadd.f32 v18, v16  }
0xf6: {  	s25 =	sadd.s32 $0xFFFFFFFB, s24;
	v10 =	vand.u32 $0x7F, v10;
	v18 =	vld.idx.msk [tilespmem:v12+s11+$0x0], $0xffff;
	v9 =	vand.u32 $0x7FFFFFFF, v9;
	v7 =	vsub.f32 v7, v13  }
0xf7: {  	v13 =	vadd.s32 s25, v0;
	v10 =	vor.u32 v4, v10;
	v12 =	vld.idx.msk [tilespmem:v12+s12+$0x0], $0xffff;
	v9 =	vadd.f32 v9, v16  }
0xf8: {  	s26 =	sadd.s32 $0xFFFFFFFC, s24;
	v13 =	vand.u32 $0x7F, v13;
	v16 =	vld.idx.msk [tilespmem:v14+s11+$0x0], $0xffff;
	v7 =	vand.u32 $0x7FFFFFFF, v7;
	v8 =	vsub.f32 v8, v15  }
0xf9: {  	v15 =	vadd.s32 s26, v0;
	v13 =	vor.u32 v4, v13;
	v14 =	vld.idx.msk [tilespmem:v14+s12+$0x0], $0xffff;
	v7 =	vadd.f32 v7, v9  }
0xfa: {  	s29 =	sadd.s32 $0xFFFFFFFD, s24;
	v15 =	vand.u32 $0x7F, v15;
	v11 =	vsub.f32 v19, v11;
	v9 =	vld.idx.msk [tilespmem:v17+s11+$0x0], $0xffff;
	v8 =	vand.u32 $0x7FFFFFFF, v8  }
0xfb: {  	v19 =	vadd.s32 s29, v0;
	v17 =	vld.idx.msk [tilespmem:v17+s12+$0x0], $0xffff;
	v15 =	vor.u32 v4, v15;
	v7 =	vadd.f32 v8, v7  }
0xfc: {  	s30 =	sadd.s32 $0xFFFFFFFE, s24;
	v19 =	vand.u32 $0x7F, v19;
	v11 =	vand.u32 $0x7FFFFFFF, v11;
	v12 =	vsub.f32 v18, v12;
	v8 =	vld.idx.msk [tilespmem:v10+s11+$0x0], $0xffff  }
0xfd: {  	v18 =	vadd.s32 s30, v0;
	v19 =	vor.u32 v4, v19;
	v10 =	vld.idx.msk [tilespmem:v10+s12+$0x0], $0xffff;
	v7 =	vadd.f32 v11, v7  }
0xfe: {  	s31 =	sadd.s32 $0xFFFFFFFF, s24;
	v18 =	vand.u32 $0x7F, v18;
	v12 =	vand.u32 $0x7FFFFFFF, v12;
	v14 =	vsub.f32 v16, v14;
	v11 =	vld.idx.msk [tilespmem:v13+s11+$0x0], $0xffff  }
0xff: {  	v16 =	vadd.s32 s31, v0;
	v18 =	vor.u32 v4, v18;
	v13 =	vld.idx.msk [tilespmem:v13+s12+$0x0], $0xffff;
	v7 =	vadd.f32 v12, v7  }
0x100: {  	v16 =	vand.u32 $0x7F, v16;
	v9 =	vsub.f32 v9, v17;
	v14 =	vand.u32 $0x7FFFFFFF, v14;
	v12 =	vld.idx.msk [tilespmem:v15+s11+$0x0], $0xffff  }
0x101: {  	v17 =	vadd.s32 s24, v0;
	v16 =	vor.u32 v4, v16;
	v15 =	vld.idx.msk [tilespmem:v15+s12+$0x0], $0xffff;
	v7 =	vadd.f32 v14, v7  }
0x102: {  	v17 =	vand.u32 $0x7F, v17;
	v9 =	vand.u32 $0x7FFFFFFF, v9;
	v8 =	vsub.f32 v8, v10;
	v10 =	vld.idx.msk [tilespmem:v19+s12+$0x0], $0xffff  }
0x103: {  	v17 =	vor.u32 v4, v17;
	v14 =	vld.idx.msk [tilespmem:v19+s11+$0x0], $0xffff;
	v7 =	vadd.f32 v9, v7  }
0x104: {  	v8 =	vand.u32 $0x7FFFFFFF, v8;
	v11 =	vsub.f32 v11, v13;
	v13 =	vld.idx.msk [tilespmem:v18+s12+$0x0], $0xffff  }
0x105: {  	v9 =	vld.idx.msk [tilespmem:v18+s11+$0x0], $0xffff;
	v7 =	vadd.f32 v8, v7  }
0x106: {  	v11 =	vand.u32 $0x7FFFFFFF, v11;
	v12 =	vsub.f32 v12, v15;
	v15 =	vld.idx.msk [tilespmem:v16+s12+$0x0], $0xffff  }
0x107: {  	v8 =	vld.idx.msk [tilespmem:v16+s11+$0x0], $0xffff;
	v7 =	vadd.f32 v11, v7  }
0x108: {  	v12 =	vand.u32 $0x7FFFFFFF, v12;
	v10 =	vsub.f32 v14, v10;
	v14 =	vld.idx.msk [tilespmem:v17+s12+$0x0], $0xffff  }
0x109: {  	v11 =	vld.idx.msk [tilespmem:v17+s11+$0x0], $0xffff;
	v7 =	vadd.f32 v12, v7  }
0x10a: {  	v10 =	vand.u32 $0x7FFFFFFF, v10;
	v9 =	vsub.f32 v9, v13  }
0x10b: {  	v7 =	vadd.f32 v10, v7  }
0x10c: {  	s26 =	simm.s32 $0x0;
	v9 =	vand.u32 $0x7FFFFFFF, v9;
	v8 =	vsub.f32 v8, v15  }
0x10d: {  	v7 =	vadd.f32 v9, v7;
	v9 =	vadd.s32 s26, v0  }
0x10e: {  	s29 =	simm.s32 $0x1;
	v8 =	vand.u32 $0x7FFFFFFF, v8;
	v10 =	vsub.f32 v11, v14;
	v9 =	vand.u32 $0x7F, v9  }
0x10f: {  	v7 =	vadd.f32 v8, v7;
	v8 =	vadd.s32 s29, v0;
	v9 =	vor.u32 v5, v9  }
0x110: {  	s30 =	simm.s32 $0x2;
	v10 =	vand.u32 $0x7FFFFFFF, v10;
	v8 =	vand.u32 $0x7F, v8  }
0x111: {  	v7 =	vadd.f32 v10, v7;
	v10 =	vadd.s32 s30, v0;
	v8 =	vor.u32 v5, v8  }
0x112: {  	s31 =	simm.s32 $0x3;
	v10 =	vand.u32 $0x7F, v10  }
0x113: {  	[tilespmem:s22+$0x18030] =	vst v7;
	v7 =	vadd.s32 s31, v0;
	v10 =	vor.u32 v5, v10  }
0x114: {  	s25 =	simm.s32 $0x4;
	v12 =	vld.idx.msk [tilespmem:v9+s11+$0x0], $0xffff;
	v7 =	vand.u32 $0x7F, v7  }
0x115: {  	v11 =	vadd.s32 s25, v0;
	v13 =	vld.idx.msk [tilespmem:v9+s12+$0x0], $0xffff;
	v14 =	vor.u32 v5, v7  }
0x116: {  	s26 =	simm.s32 $0x5;
	v7 =	vand.u32 $0x7F, v11;
	v15 =	vld.idx.msk [tilespmem:v8+s11+$0x0], $0xffff  }
0x117: {  	v18 =	vld.idx.msk [tilespmem:v8+s12+$0x0], $0xffff;
	v20 =	vor.u32 v5, v7;
	v7 =	vadd.s32 s26, v0  }
0x118: {  	s29 =	simm.s32 $0x6;
	v7 =	vand.u32 $0x7F, v7;
	v9 =	vld.idx.msk [tilespmem:v10+s11+$0x0], $0xffff  }
0x119: {  	v8 =	vadd.s32 s29, v0;
	v10 =	vld.idx.msk [tilespmem:v10+s12+$0x0], $0xffff;
	v11 =	vor.u32 v5, v7  }
0x11a: {  	s30 =	simm.s32 $0x7;
	v8 =	vand.u32 $0x7F, v8;
	v7 =	vld.idx.msk [tilespmem:v14+s11+$0x0], $0xffff  }
0x11b: {  	v19 =	vadd.s32 s30, v0;
	s31 =	simm.s32 $0x8;
	v21 =	vsub.f32 v12, v13;
	v12 =	vor.u32 v5, v8;
	v13 =	vld.idx.msk [tilespmem:v14+s12+$0x0], $0xffff  }
0x11c: {  	v16 =	vimm.f32 $0.0e+00;
	v17 =	vadd.s32 s31, v0;
	v14 =	vand.u32 $0x7F, v19;
	v8 =	vld.idx.msk [tilespmem:v20+s11+$0x0], $0xffff  }
0x11d: {  	s24 =	simm.s32 $0xF;
	s25 =	simm.s32 $0x17;
	s26 =	simm.s32 $0x9;
	v19 =	vand.u32 $0x7FFFFFFF, v21;
	v18 =	vsub.f32 v15, v18;
	v15 =	vld.idx.msk [tilespmem:v20+s12+$0x0], $0xffff;
	v14 =	vor.u32 v5, v14  }
.LBB2_11:
0x11e: {  	p0 =	sne.s32 s25, $0x7F;
	v17 =	vand.u32 $0x7F, v17;
	v20 =	vadd.s32 s26, v0;
	v16 =	vadd.f32 v19, v16;
	v19 =	vld.idx.msk [tilespmem:v11+s11+$0x0], $0xffff  }
0x11f: {  	s26 =	sadd.s32 $0xFFFFFFFB, s24;
	v9 =	vsub.f32 v9, v10;
	v17 =	vor.u32 v5, v17;
	v18 =	vand.u32 $0x7FFFFFFF, v18;
	v10 =	vld.idx.msk [tilespmem:v11+s12+$0x0], $0xffff  }
0x120: {  	v11 =	vand.u32 $0x7F, v20;
	v20 =	vadd.s32 s26, v0;
	v16 =	vadd.f32 v18, v16;
	v18 =	vld.idx.msk [tilespmem:v12+s11+$0x0], $0xffff  }
0x121: {  	s26 =	sadd.s32 $0xFFFFFFFC, s24;
	v11 =	vor.u32 v5, v11;
	v9 =	vand.u32 $0x7FFFFFFF, v9;
	v7 =	vsub.f32 v7, v13;
	v12 =	vld.idx.msk [tilespmem:v12+s12+$0x0], $0xffff  }
0x122: {  	v13 =	vand.u32 $0x7F, v20;
	v20 =	vadd.s32 s26, v0;
	v9 =	vadd.f32 v9, v16;
	v16 =	vld.idx.msk [tilespmem:v14+s11+$0x0], $0xffff  }
0x123: {  	s26 =	sadd.s32 $0xFFFFFFFD, s24;
	v13 =	vor.u32 v5, v13;
	v7 =	vand.u32 $0x7FFFFFFF, v7;
	v8 =	vsub.f32 v8, v15;
	v14 =	vld.idx.msk [tilespmem:v14+s12+$0x0], $0xffff  }
0x124: {  	v20 =	vand.u32 $0x7F, v20;
	v21 =	vadd.s32 s26, v0;
	v15 =	vld.idx.msk [tilespmem:v17+s11+$0x0], $0xffff;
	v7 =	vadd.f32 v7, v9  }
0x125: {  	s26 =	sadd.s32 $0xFFFFFFFE, s24;
	v20 =	vor.u32 v5, v20;
	v8 =	vand.u32 $0x7FFFFFFF, v8;
	v9 =	vsub.f32 v19, v10;
	v17 =	vld.idx.msk [tilespmem:v17+s12+$0x0], $0xffff  }
0x126: {  	v10 =	vand.u32 $0x7F, v21;
	v19 =	vadd.s32 s26, v0;
	v22 =	vld.idx.msk [tilespmem:v11+s11+$0x0], $0xffff;
	v7 =	vadd.f32 v8, v7  }
0x127: {  	s26 =	sadd.s32 $0xFFFFFFFF, s24;
	v23 =	vor.u32 v5, v10;
	v8 =	vand.u32 $0x7FFFFFFF, v9;
	v12 =	vsub.f32 v18, v12;
	v21 =	vld.idx.msk [tilespmem:v11+s12+$0x0], $0xffff  }
0x128: {  	v18 =	vadd.s32 s26, v0;
	v11 =	vand.u32 $0x7F, v19;
	v9 =	vld.idx.msk [tilespmem:v13+s11+$0x0], $0xffff;
	v8 =	vadd.f32 v8, v7  }
.Ltmp4:
0x129: {  	v11 =	vor.u32 v5, v11;
	v12 =	vand.u32 $0x7FFFFFFF, v12;
	v14 =	vsub.f32 v16, v14;
	v10 =	vld.idx.msk [tilespmem:v13+s12+$0x0], $0xffff;
	(pc) =	sbr.rel @p0 .LBB2_11-.Ltmp4, $4  }
0x12a: {  	v16 =	vand.u32 $0x7F, v18;
	v18 =	vadd.s32 s24, v0;
	s24 =	smov.u32 s25;
	v7 =	vld.idx.msk [tilespmem:v20+s11+$0x0], $0xffff;
	v19 =	vadd.f32 v12, v8  }
0x12b: {  	s26 =	sadd.s32 $0xFFFFFFF9, s25;
	v15 =	vsub.f32 v15, v17;
	v12 =	vor.u32 v5, v16;
	v14 =	vand.u32 $0x7FFFFFFF, v14;
	v13 =	vld.idx.msk [tilespmem:v20+s12+$0x0], $0xffff  }
0x12c: {  	v17 =	vadd.s32 s26, v0;
	v20 =	vand.u32 $0x7F, v18;
	v8 =	vld.idx.msk [tilespmem:v23+s11+$0x0], $0xffff;
	v16 =	vadd.f32 v14, v19  }
0x12d: {  	s25 =	sadd.s32 $0x8, s25;
	s26 =	sadd.s32 $0xFFFFFFFA, s24;
	v19 =	vand.u32 $0x7FFFFFFF, v15;
	v18 =	vsub.f32 v22, v21;
	v14 =	vor.u32 v5, v20;
	v15 =	vld.idx.msk [tilespmem:v23+s12+$0x0], $0xffff  }
0x12e: {  	_ =	sdelay $0x2  }
0x12f: {  	v16 =	vadd.f32 v19, v16  }
0x130: {  	v17 =	vand.u32 $0x7F, v17;
	v19 =	vld.idx.msk [tilespmem:v11+s11+$0x0], $0xffff;
	v9 =	vsub.f32 v9, v10;
	v18 =	vand.u32 $0x7FFFFFFF, v18  }
0x131: {  	v10 =	vadd.s32 s26, v0;
	v11 =	vld.idx.msk [tilespmem:v11+s12+$0x0], $0xffff;
	v17 =	vor.u32 v5, v17;
	v16 =	vadd.f32 v18, v16  }
0x132: {  	s25 =	sadd.s32 $0xFFFFFFFB, s24;
	v10 =	vand.u32 $0x7F, v10;
	v18 =	vld.idx.msk [tilespmem:v12+s11+$0x0], $0xffff;
	v9 =	vand.u32 $0x7FFFFFFF, v9;
	v7 =	vsub.f32 v7, v13  }
0x133: {  	v13 =	vadd.s32 s25, v0;
	v10 =	vor.u32 v5, v10;
	v12 =	vld.idx.msk [tilespmem:v12+s12+$0x0], $0xffff;
	v9 =	vadd.f32 v9, v16  }
0x134: {  	s26 =	sadd.s32 $0xFFFFFFFC, s24;
	v13 =	vand.u32 $0x7F, v13;
	v16 =	vld.idx.msk [tilespmem:v14+s11+$0x0], $0xffff;
	v7 =	vand.u32 $0x7FFFFFFF, v7;
	v8 =	vsub.f32 v8, v15  }
0x135: {  	v15 =	vadd.s32 s26, v0;
	v13 =	vor.u32 v5, v13;
	v14 =	vld.idx.msk [tilespmem:v14+s12+$0x0], $0xffff;
	v7 =	vadd.f32 v7, v9  }
0x136: {  	s29 =	sadd.s32 $0xFFFFFFFD, s24;
	v15 =	vand.u32 $0x7F, v15;
	v11 =	vsub.f32 v19, v11;
	v9 =	vld.idx.msk [tilespmem:v17+s11+$0x0], $0xffff;
	v8 =	vand.u32 $0x7FFFFFFF, v8  }
0x137: {  	v19 =	vadd.s32 s29, v0;
	v17 =	vld.idx.msk [tilespmem:v17+s12+$0x0], $0xffff;
	v15 =	vor.u32 v5, v15;
	v7 =	vadd.f32 v8, v7  }
0x138: {  	s30 =	sadd.s32 $0xFFFFFFFE, s24;
	v19 =	vand.u32 $0x7F, v19;
	v11 =	vand.u32 $0x7FFFFFFF, v11;
	v12 =	vsub.f32 v18, v12;
	v8 =	vld.idx.msk [tilespmem:v10+s11+$0x0], $0xffff  }
0x139: {  	v18 =	vadd.s32 s30, v0;
	v19 =	vor.u32 v5, v19;
	v10 =	vld.idx.msk [tilespmem:v10+s12+$0x0], $0xffff;
	v7 =	vadd.f32 v11, v7  }
0x13a: {  	s31 =	sadd.s32 $0xFFFFFFFF, s24;
	v18 =	vand.u32 $0x7F, v18;
	v12 =	vand.u32 $0x7FFFFFFF, v12;
	v14 =	vsub.f32 v16, v14;
	v11 =	vld.idx.msk [tilespmem:v13+s11+$0x0], $0xffff  }
0x13b: {  	v16 =	vadd.s32 s31, v0;
	v18 =	vor.u32 v5, v18;
	v13 =	vld.idx.msk [tilespmem:v13+s12+$0x0], $0xffff;
	v7 =	vadd.f32 v12, v7  }
0x13c: {  	v16 =	vand.u32 $0x7F, v16;
	v9 =	vsub.f32 v9, v17;
	v14 =	vand.u32 $0x7FFFFFFF, v14;
	v12 =	vld.idx.msk [tilespmem:v15+s11+$0x0], $0xffff  }
0x13d: {  	v17 =	vadd.s32 s24, v0;
	v16 =	vor.u32 v5, v16;
	v15 =	vld.idx.msk [tilespmem:v15+s12+$0x0], $0xffff;
	v7 =	vadd.f32 v14, v7  }
0x13e: {  	v17 =	vand.u32 $0x7F, v17;
	v9 =	vand.u32 $0x7FFFFFFF, v9;
	v8 =	vsub.f32 v8, v10;
	v10 =	vld.idx.msk [tilespmem:v19+s12+$0x0], $0xffff  }
0x13f: {  	v17 =	vor.u32 v5, v17;
	v14 =	vld.idx.msk [tilespmem:v19+s11+$0x0], $0xffff;
	v7 =	vadd.f32 v9, v7  }
0x140: {  	v8 =	vand.u32 $0x7FFFFFFF, v8;
	v11 =	vsub.f32 v11, v13;
	v13 =	vld.idx.msk [tilespmem:v18+s12+$0x0], $0xffff  }
0x141: {  	v9 =	vld.idx.msk [tilespmem:v18+s11+$0x0], $0xffff;
	v7 =	vadd.f32 v8, v7  }
0x142: {  	v11 =	vand.u32 $0x7FFFFFFF, v11;
	v12 =	vsub.f32 v12, v15;
	v15 =	vld.idx.msk [tilespmem:v16+s12+$0x0], $0xffff  }
0x143: {  	v8 =	vld.idx.msk [tilespmem:v16+s11+$0x0], $0xffff;
	v7 =	vadd.f32 v11, v7  }
0x144: {  	v12 =	vand.u32 $0x7FFFFFFF, v12;
	v10 =	vsub.f32 v14, v10;
	v14 =	vld.idx.msk [tilespmem:v17+s12+$0x0], $0xffff  }
0x145: {  	v11 =	vld.idx.msk [tilespmem:v17+s11+$0x0], $0xffff;
	v7 =	vadd.f32 v12, v7  }
0x146: {  	v10 =	vand.u32 $0x7FFFFFFF, v10;
	v9 =	vsub.f32 v9, v13  }
0x147: {  	v7 =	vadd.f32 v10, v7  }
0x148: {  	s26 =	simm.s32 $0x0;
	v9 =	vand.u32 $0x7FFFFFFF, v9;
	v8 =	vsub.f32 v8, v15  }
0x149: {  	v7 =	vadd.f32 v9, v7;
	v9 =	vadd.s32 s26, v0  }
0x14a: {  	s29 =	simm.s32 $0x1;
	v8 =	vand.u32 $0x7FFFFFFF, v8;
	v10 =	vsub.f32 v11, v14;
	v9 =	vand.u32 $0x7F, v9  }
0x14b: {  	v7 =	vadd.f32 v8, v7;
	v8 =	vadd.s32 s29, v0;
	v9 =	vor.u32 v6, v9  }
0x14c: {  	s30 =	simm.s32 $0x2;
	v10 =	vand.u32 $0x7FFFFFFF, v10;
	v8 =	vand.u32 $0x7F, v8  }
0x14d: {  	v7 =	vadd.f32 v10, v7;
	v10 =	vadd.s32 s30, v0;
	v8 =	vor.u32 v6, v8  }
0x14e: {  	s31 =	simm.s32 $0x3;
	v10 =	vand.u32 $0x7F, v10  }
0x14f: {  	[tilespmem:s22+$0x18040] =	vst v7;
	v7 =	vadd.s32 s31, v0;
	v10 =	vor.u32 v6, v10  }
0x150: {  	s25 =	simm.s32 $0x4;
	v12 =	vld.idx.msk [tilespmem:v9+s11+$0x0], $0xffff;
	v7 =	vand.u32 $0x7F, v7  }
0x151: {  	v11 =	vadd.s32 s25, v0;
	v13 =	vld.idx.msk [tilespmem:v9+s12+$0x0], $0xffff;
	v14 =	vor.u32 v6, v7  }
0x152: {  	s26 =	simm.s32 $0x5;
	v7 =	vand.u32 $0x7F, v11;
	v15 =	vld.idx.msk [tilespmem:v8+s11+$0x0], $0xffff  }
0x153: {  	v18 =	vld.idx.msk [tilespmem:v8+s12+$0x0], $0xffff;
	v20 =	vor.u32 v6, v7;
	v7 =	vadd.s32 s26, v0  }
0x154: {  	s29 =	simm.s32 $0x6;
	v7 =	vand.u32 $0x7F, v7;
	v9 =	vld.idx.msk [tilespmem:v10+s11+$0x0], $0xffff  }
0x155: {  	v8 =	vadd.s32 s29, v0;
	v10 =	vld.idx.msk [tilespmem:v10+s12+$0x0], $0xffff;
	v11 =	vor.u32 v6, v7  }
0x156: {  	s30 =	simm.s32 $0x7;
	v8 =	vand.u32 $0x7F, v8;
	v7 =	vld.idx.msk [tilespmem:v14+s11+$0x0], $0xffff  }
0x157: {  	v19 =	vadd.s32 s30, v0;
	s31 =	simm.s32 $0x8;
	v21 =	vsub.f32 v12, v13;
	v12 =	vor.u32 v6, v8;
	v13 =	vld.idx.msk [tilespmem:v14+s12+$0x0], $0xffff  }
0x158: {  	v16 =	vimm.f32 $0.0e+00;
	v17 =	vadd.s32 s31, v0;
	v14 =	vand.u32 $0x7F, v19;
	v8 =	vld.idx.msk [tilespmem:v20+s11+$0x0], $0xffff  }
0x159: {  	s24 =	simm.s32 $0xF;
	s25 =	simm.s32 $0x17;
	s26 =	simm.s32 $0x9;
	v19 =	vand.u32 $0x7FFFFFFF, v21;
	v18 =	vsub.f32 v15, v18;
	v15 =	vld.idx.msk [tilespmem:v20+s12+$0x0], $0xffff;
	v14 =	vor.u32 v6, v14  }
.LBB2_13:
0x15a: {  	p0 =	sne.s32 s25, $0x7F;
	v17 =	vand.u32 $0x7F, v17;
	v20 =	vadd.s32 s26, v0;
	v16 =	vadd.f32 v19, v16;
	v19 =	vld.idx.msk [tilespmem:v11+s11+$0x0], $0xffff  }
0x15b: {  	s26 =	sadd.s32 $0xFFFFFFFB, s24;
	v9 =	vsub.f32 v9, v10;
	v17 =	vor.u32 v6, v17;
	v18 =	vand.u32 $0x7FFFFFFF, v18;
	v10 =	vld.idx.msk [tilespmem:v11+s12+$0x0], $0xffff  }
0x15c: {  	v11 =	vand.u32 $0x7F, v20;
	v20 =	vadd.s32 s26, v0;
	v16 =	vadd.f32 v18, v16;
	v18 =	vld.idx.msk [tilespmem:v12+s11+$0x0], $0xffff  }
0x15d: {  	s26 =	sadd.s32 $0xFFFFFFFC, s24;
	v11 =	vor.u32 v6, v11;
	v9 =	vand.u32 $0x7FFFFFFF, v9;
	v7 =	vsub.f32 v7, v13;
	v12 =	vld.idx.msk [tilespmem:v12+s12+$0x0], $0xffff  }
0x15e: {  	v13 =	vand.u32 $0x7F, v20;
	v20 =	vadd.s32 s26, v0;
	v9 =	vadd.f32 v9, v16;
	v16 =	vld.idx.msk [tilespmem:v14+s11+$0x0], $0xffff  }
0x15f: {  	s26 =	sadd.s32 $0xFFFFFFFD, s24;
	v13 =	vor.u32 v6, v13;
	v7 =	vand.u32 $0x7FFFFFFF, v7;
	v8 =	vsub.f32 v8, v15;
	v14 =	vld.idx.msk [tilespmem:v14+s12+$0x0], $0xffff  }
0x160: {  	v20 =	vand.u32 $0x7F, v20;
	v21 =	vadd.s32 s26, v0;
	v15 =	vld.idx.msk [tilespmem:v17+s11+$0x0], $0xffff;
	v7 =	vadd.f32 v7, v9  }
0x161: {  	s26 =	sadd.s32 $0xFFFFFFFE, s24;
	v20 =	vor.u32 v6, v20;
	v8 =	vand.u32 $0x7FFFFFFF, v8;
	v9 =	vsub.f32 v19, v10;
	v17 =	vld.idx.msk [tilespmem:v17+s12+$0x0], $0xffff  }
0x162: {  	v10 =	vand.u32 $0x7F, v21;
	v19 =	vadd.s32 s26, v0;
	v22 =	vld.idx.msk [tilespmem:v11+s11+$0x0], $0xffff;
	v7 =	vadd.f32 v8, v7  }
0x163: {  	s26 =	sadd.s32 $0xFFFFFFFF, s24;
	v23 =	vor.u32 v6, v10;
	v8 =	vand.u32 $0x7FFFFFFF, v9;
	v12 =	vsub.f32 v18, v12;
	v21 =	vld.idx.msk [tilespmem:v11+s12+$0x0], $0xffff  }
0x164: {  	v18 =	vadd.s32 s26, v0;
	v11 =	vand.u32 $0x7F, v19;
	v9 =	vld.idx.msk [tilespmem:v13+s11+$0x0], $0xffff;
	v8 =	vadd.f32 v8, v7  }
.Ltmp5:
0x165: {  	v11 =	vor.u32 v6, v11;
	v12 =	vand.u32 $0x7FFFFFFF, v12;
	v14 =	vsub.f32 v16, v14;
	v10 =	vld.idx.msk [tilespmem:v13+s12+$0x0], $0xffff;
	(pc) =	sbr.rel @p0 .LBB2_13-.Ltmp5, $4  }
0x166: {  	v16 =	vand.u32 $0x7F, v18;
	v18 =	vadd.s32 s24, v0;
	s24 =	smov.u32 s25;
	v7 =	vld.idx.msk [tilespmem:v20+s11+$0x0], $0xffff;
	v19 =	vadd.f32 v12, v8  }
0x167: {  	s26 =	sadd.s32 $0xFFFFFFF9, s25;
	v15 =	vsub.f32 v15, v17;
	v12 =	vor.u32 v6, v16;
	v14 =	vand.u32 $0x7FFFFFFF, v14;
	v13 =	vld.idx.msk [tilespmem:v20+s12+$0x0], $0xffff  }
0x168: {  	v17 =	vadd.s32 s26, v0;
	v20 =	vand.u32 $0x7F, v18;
	v8 =	vld.idx.msk [tilespmem:v23+s11+$0x0], $0xffff;
	v16 =	vadd.f32 v14, v19  }
0x169: {  	s25 =	sadd.s32 $0x8, s25;
	s26 =	sadd.s32 $0xFFFFFFFA, s24;
	v19 =	vand.u32 $0x7FFFFFFF, v15;
	v18 =	vsub.f32 v22, v21;
	v14 =	vor.u32 v6, v20;
	v15 =	vld.idx.msk [tilespmem:v23+s12+$0x0], $0xffff  }
0x16a: {  	_ =	sdelay $0x3  }
0x16b: {  	v17 =	vand.u32 $0x7F, v17;
	v20 =	vadd.s32 s26, v0;
	v16 =	vadd.f32 v19, v16;
	v19 =	vld.idx.msk [tilespmem:v11+s11+$0x0], $0xffff  }
0x16c: {  	s25 =	sadd.s32 $0xFFFFFFFB, s24;
	v9 =	vsub.f32 v9, v10;
	v10 =	vld.idx.msk [tilespmem:v11+s12+$0x0], $0xffff;
	v17 =	vor.u32 v6, v17;
	v18 =	vand.u32 $0x7FFFFFFF, v18  }
0x16d: {  	v11 =	vand.u32 $0x7F, v20;
	v20 =	vadd.s32 s25, v0;
	v16 =	vadd.f32 v18, v16;
	v18 =	vld.idx.msk [tilespmem:v12+s11+$0x0], $0xffff  }
0x16e: {  	s26 =	sadd.s32 $0xFFFFFFFC, s24;
	v11 =	vor.u32 v6, v11;
	v9 =	vand.u32 $0x7FFFFFFF, v9;
	v7 =	vsub.f32 v7, v13;
	v12 =	vld.idx.msk [tilespmem:v12+s12+$0x0], $0xffff  }
0x16f: {  	v13 =	vand.u32 $0x7F, v20;
	v20 =	vadd.s32 s26, v0;
	v9 =	vadd.f32 v9, v16;
	v16 =	vld.idx.msk [tilespmem:v14+s11+$0x0], $0xffff  }
0x170: {  	s29 =	sadd.s32 $0xFFFFFFFD, s24;
	v13 =	vor.u32 v6, v13;
	v7 =	vand.u32 $0x7FFFFFFF, v7;
	v8 =	vsub.f32 v8, v15;
	v14 =	vld.idx.msk [tilespmem:v14+s12+$0x0], $0xffff  }
0x171: {  	v21 =	vadd.s32 s29, v0;
	v20 =	vand.u32 $0x7F, v20;
	v15 =	vld.idx.msk [tilespmem:v17+s11+$0x0], $0xffff;
	v7 =	vadd.f32 v7, v9  }
0x172: {  	s30 =	sadd.s32 $0xFFFFFFFE, s24;
	v10 =	vsub.f32 v19, v10;
	v9 =	vld.idx.msk [tilespmem:v17+s12+$0x0], $0xffff;
	v17 =	vor.u32 v6, v20;
	v8 =	vand.u32 $0x7FFFFFFF, v8  }
0x173: {  	v20 =	vand.u32 $0x7F, v21;
	v21 =	vadd.s32 s30, v0;
	v19 =	vld.idx.msk [tilespmem:v11+s11+$0x0], $0xffff;
	v7 =	vadd.f32 v8, v7  }
0x174: {  	s31 =	sadd.s32 $0xFFFFFFFF, s24;
	v10 =	vand.u32 $0x7FFFFFFF, v10;
	v12 =	vsub.f32 v18, v12;
	v8 =	vld.idx.msk [tilespmem:v11+s12+$0x0], $0xffff;
	v11 =	vor.u32 v6, v20  }
0x175: {  	v18 =	vld.idx.msk [tilespmem:v13+s11+$0x0], $0xffff;
	v20 =	vand.u32 $0x7F, v21;
	v21 =	vadd.s32 s31, v0;
	v7 =	vadd.f32 v10, v7  }
0x176: {  	v12 =	vand.u32 $0x7FFFFFFF, v12;
	v14 =	vsub.f32 v16, v14;
	v10 =	vld.idx.msk [tilespmem:v13+s12+$0x0], $0xffff;
	v13 =	vor.u32 v6, v20  }
0x177: {  	v20 =	vand.u32 $0x7F, v21;
	v16 =	vld.idx.msk [tilespmem:v17+s11+$0x0], $0xffff;
	v7 =	vadd.f32 v12, v7  }
0x178: {  	v9 =	vsub.f32 v15, v9;
	v15 =	vor.u32 v6, v20;
	v14 =	vand.u32 $0x7FFFFFFF, v14;
	v12 =	vld.idx.msk [tilespmem:v17+s12+$0x0], $0xffff  }
0x179: {  	v17 =	vadd.s32 s24, v0;
	v20 =	vld.idx.msk [tilespmem:v11+s11+$0x0], $0xffff;
	v7 =	vadd.f32 v14, v7  }
0x17a: {  	v9 =	vand.u32 $0x7FFFFFFF, v9;
	v8 =	vsub.f32 v19, v8;
	v11 =	vld.idx.msk [tilespmem:v11+s12+$0x0], $0xffff;
	v14 =	vand.u32 $0x7F, v17  }
0x17b: {  	v14 =	vor.u32 v6, v14;
	v7 =	vadd.f32 v9, v7;
	v9 =	vld.idx.msk [tilespmem:v13+s11+$0x0], $0xffff  }
0x17c: {  	v8 =	vand.u32 $0x7FFFFFFF, v8;
	v10 =	vsub.f32 v18, v10;
	v13 =	vld.idx.msk [tilespmem:v13+s12+$0x0], $0xffff  }
0x17d: {  	v7 =	vadd.f32 v8, v7;
	v8 =	vld.idx.msk [tilespmem:v15+s11+$0x0], $0xffff  }
0x17e: {  	v10 =	vand.u32 $0x7FFFFFFF, v10;
	v12 =	vsub.f32 v16, v12;
	v15 =	vld.idx.msk [tilespmem:v15+s12+$0x0], $0xffff  }
0x17f: {  	v7 =	vadd.f32 v10, v7  }
0x180: {  	v11 =	vsub.f32 v20, v11;
	v12 =	vand.u32 $0x7FFFFFFF, v12;
	v10 =	vld.idx.msk [tilespmem:v14+s11+$0x0], $0xffff  }
0x181: {  	v14 =	vld.idx.msk [tilespmem:v14+s12+$0x0], $0xffff;
	v7 =	vadd.f32 v12, v7  }
0x182: {  	v11 =	vand.u32 $0x7FFFFFFF, v11;
	v9 =	vsub.f32 v9, v13  }
0x183: {  	v8 =	vsub.f32 v8, v15;
	v7 =	vadd.f32 v11, v7  }
0x184: {  	s26 =	simm.s32 $0x0;
	v9 =	vand.u32 $0x7FFFFFFF, v9  }
0x185: {  	v11 =	vadd.s32 s26, v0;
	v8 =	vand.u32 $0x7FFFFFFF, v8;
	v9 =	vadd.f32 v9, v7  }
0x186: {  	s29 =	simm.s32 $0x1;
	v10 =	vsub.f32 v10, v14;
	v11 =	vand.u32 $0x7F, v11;
	v7 =	vor.u32 $0x3000, v1  }
0x187: {  	v8 =	vadd.f32 v8, v9;
	v9 =	vor.u32 v7, v11;
	v11 =	vadd.s32 s29, v0  }
0x188: {  	s30 =	simm.s32 $0x2;
	v10 =	vand.u32 $0x7FFFFFFF, v10;
	v11 =	vand.u32 $0x7F, v11  }
0x189: {  	v8 =	vadd.f32 v10, v8;
	v10 =	vor.u32 v7, v11;
	v11 =	vadd.s32 s30, v0  }
0x18a: {  	s31 =	simm.s32 $0x3;
	v11 =	vand.u32 $0x7F, v11  }
0x18b: {  	[tilespmem:s22+$0x18050] =	vst v8;
	v8 =	vor.u32 v7, v11;
	v11 =	vadd.s32 s31, v0  }
0x18c: {  	s26 =	simm.s32 $0x5;
	v12 =	vld.idx.msk [tilespmem:v9+s11+$0x0], $0xffff;
	v11 =	vand.u32 $0x7F, v11  }
0x18d: {  	s25 =	simm.s32 $0x4;
	v15 =	vadd.s32 s26, v0;
	v9 =	vld.idx.msk [tilespmem:v9+s12+$0x0], $0xffff;
	v13 =	vor.u32 v7, v11  }
0x18e: {  	v15 =	vand.u32 $0x7F, v15;
	v11 =	vadd.s32 s25, v0;
	v14 =	vld.idx.msk [tilespmem:v10+s11+$0x0], $0xffff  }
0x18f: {  	v15 =	vor.u32 v7, v15;
	v11 =	vand.u32 $0x7F, v11;
	v10 =	vld.idx.msk [tilespmem:v10+s12+$0x0], $0xffff  }
0x190: {  	s29 =	simm.s32 $0x6;
	v19 =	vor.u32 v7, v11;
	v11 =	vld.idx.msk [tilespmem:v8+s11+$0x0], $0xffff  }
0x191: {  	v17 =	vadd.s32 s29, v0;
	v16 =	vld.idx.msk [tilespmem:v8+s12+$0x0], $0xffff  }
0x192: {  	s30 =	simm.s32 $0x7;
	v17 =	vand.u32 $0x7F, v17;
	v18 =	vsub.f32 v12, v9;
	v8 =	vld.idx.msk [tilespmem:v13+s11+$0x0], $0xffff  }
0x193: {  	v17 =	vor.u32 v7, v17;
	v12 =	vld.idx.msk [tilespmem:v13+s12+$0x0], $0xffff;
	v13 =	vadd.s32 s30, v0  }
0x194: {  	v13 =	vand.u32 $0x7F, v13;
	v22 =	vand.u32 $0x7FFFFFFF, v18;
	v18 =	vsub.f32 v14, v10;
	v10 =	vld.idx.msk [tilespmem:v15+s11+$0x0], $0xffff  }
0x195: {  	v21 =	vimm.f32 $0.0e+00;
	s31 =	simm.s32 $0x8;
	v9 =	vld.idx.msk [tilespmem:v19+s11+$0x0], $0xffff;
	v13 =	vor.u32 v7, v13  }
0x196: {  	s24 =	simm.s32 $0xF;
	v20 =	vadd.s32 s31, v0;
	s25 =	simm.s32 $0x17;
	v14 =	vld.idx.msk [tilespmem:v19+s12+$0x0], $0xffff;
	v19 =	vadd.f32 v22, v21  }
.LBB2_15:
0x197: {  	p0 =	sne.s32 s25, $0x7F;
	v20 =	vand.u32 $0x7F, v20;
	s26 =	sadd.s32 $0xFFFFFFFA, s24;
	v18 =	vand.u32 $0x7FFFFFFF, v18;
	v11 =	vsub.f32 v11, v16;
	v15 =	vld.idx.msk [tilespmem:v15+s12+$0x0], $0xffff  }
0x198: {  	v16 =	vor.u32 v7, v20;
	v20 =	vadd.s32 s26, v0;
	v18 =	vadd.f32 v18, v19;
	v19 =	vld.idx.msk [tilespmem:v17+s11+$0x0], $0xffff  }
0x199: {  	s26 =	sadd.s32 $0xFFFFFFFB, s24;
	v8 =	vsub.f32 v8, v12;
	v20 =	vand.u32 $0x7F, v20;
	v11 =	vand.u32 $0x7FFFFFFF, v11;
	v12 =	vld.idx.msk [tilespmem:v17+s12+$0x0], $0xffff  }
0x19a: {  	v17 =	vor.u32 v7, v20;
	v20 =	vadd.s32 s26, v0;
	v11 =	vadd.f32 v11, v18;
	v18 =	vld.idx.msk [tilespmem:v13+s11+$0x0], $0xffff  }
0x19b: {  	s26 =	sadd.s32 $0xFFFFFFFC, s24;
	v8 =	vand.u32 $0x7FFFFFFF, v8;
	v9 =	vsub.f32 v9, v14;
	v20 =	vand.u32 $0x7F, v20;
	v13 =	vld.idx.msk [tilespmem:v13+s12+$0x0], $0xffff  }
0x19c: {  	v14 =	vor.u32 v7, v20;
	v20 =	vadd.s32 s26, v0;
	v8 =	vadd.f32 v8, v11  }
0x19d: {  	s26 =	sadd.s32 $0xFFFFFFFD, s24;
	v9 =	vand.u32 $0x7FFFFFFF, v9;
	v10 =	vsub.f32 v10, v15;
	v21 =	vld.idx.msk [tilespmem:v16+s11+$0x0], $0xffff;
	v11 =	vand.u32 $0x7F, v20  }
0x19e: {  	v20 =	vld.idx.msk [tilespmem:v16+s12+$0x0], $0xffff;
	v22 =	vor.u32 v7, v11;
	v11 =	vadd.s32 s26, v0;
	v8 =	vadd.f32 v9, v8  }
0x19f: {  	s26 =	sadd.s32 $0xFFFFFFFE, s24;
	v10 =	vand.u32 $0x7FFFFFFF, v10;
	v12 =	vsub.f32 v19, v12;
	v23 =	vld.idx.msk [tilespmem:v17+s11+$0x0], $0xffff;
	v9 =	vand.u32 $0x7F, v11  }
0x1a0: {  	v19 =	vld.idx.msk [tilespmem:v17+s12+$0x0], $0xffff;
	v24 =	vor.u32 v7, v9;
	v9 =	vadd.s32 s26, v0;
	v8 =	vadd.f32 v10, v8  }
0x1a1: {  	s26 =	sadd.s32 $0xFFFFFFFF, s24;
	v10 =	vand.u32 $0x7FFFFFFF, v12;
	v12 =	vsub.f32 v18, v13;
	v11 =	vld.idx.msk [tilespmem:v14+s11+$0x0], $0xffff;
	v9 =	vand.u32 $0x7F, v9  }
0x1a2: {  	v16 =	vld.idx.msk [tilespmem:v14+s12+$0x0], $0xffff;
	v15 =	vor.u32 v7, v9;
	v9 =	vadd.s32 s26, v0;
	v10 =	vadd.f32 v10, v8  }
.Ltmp6:
0x1a3: {  	v13 =	vadd.s32 s24, v0;
	s24 =	smov.u32 s25;
	v14 =	vand.u32 $0x7FFFFFFF, v12;
	v8 =	vld.idx.msk [tilespmem:v22+s11+$0x0], $0xffff;
	v9 =	vand.u32 $0x7F, v9;
	(pc) =	sbr.rel @p0 .LBB2_15-.Ltmp6, $4  }
0x1a4: {  	v18 =	vsub.f32 v21, v20;
	v12 =	vld.idx.msk [tilespmem:v22+s12+$0x0], $0xffff;
	v17 =	vor.u32 v7, v9;
	v10 =	vadd.f32 v14, v10  }
0x1a5: {  	v13 =	vand.u32 $0x7F, v13;
	v9 =	vld.idx.msk [tilespmem:v24+s11+$0x0], $0xffff  }
0x1a6: {  	s26 =	sadd.s32 $0xFFFFFFF9, s25;
	v13 =	vor.u32 v7, v13;
	v21 =	vand.u32 $0x7FFFFFFF, v18;
	v18 =	vsub.f32 v23, v19;
	v14 =	vld.idx.msk [tilespmem:v24+s12+$0x0], $0xffff  }
0x1a7: {  	s25 =	sadd.s32 $0x8, s25;
	v20 =	vadd.s32 s26, v0;
	v19 =	vadd.f32 v21, v10;
	v10 =	vld.idx.msk [tilespmem:v15+s11+$0x0], $0xffff  }
0x1a8: {  	_ =	sdelay $0x2  }
0x1a9: {  	v20 =	vand.u32 $0x7F, v20;
	s25 =	sadd.s32 $0xFFFFFFFA, s24;
	v11 =	vsub.f32 v11, v16;
	v16 =	vand.u32 $0x7FFFFFFF, v18  }
0x1aa: {  	v15 =	vld.idx.msk [tilespmem:v15+s12+$0x0], $0xffff;
	v18 =	vor.u32 v7, v20;
	v20 =	vadd.s32 s25, v0;
	v16 =	vadd.f32 v16, v19  }
0x1ab: {  	s31 =	sadd.s32 $0xFFFFFFFB, s24;
	v19 =	vld.idx.msk [tilespmem:v17+s11+$0x0], $0xffff;
	v8 =	vsub.f32 v8, v12;
	v20 =	vand.u32 $0x7F, v20;
	v11 =	vand.u32 $0x7FFFFFFF, v11  }
0x1ac: {  	v12 =	vld.idx.msk [tilespmem:v17+s12+$0x0], $0xffff;
	v17 =	vor.u32 v7, v20;
	v20 =	vadd.s32 s31, v0;
	v11 =	vadd.f32 v11, v16  }
0x1ad: {  	s26 =	sadd.s32 $0xFFFFFFFC, s24;
	v16 =	vld.idx.msk [tilespmem:v13+s11+$0x0], $0xffff;
	v9 =	vsub.f32 v9, v14;
	v8 =	vand.u32 $0x7FFFFFFF, v8;
	v20 =	vand.u32 $0x7F, v20  }
0x1ae: {  	v13 =	vld.idx.msk [tilespmem:v13+s12+$0x0], $0xffff;
	v14 =	vor.u32 v7, v20;
	v20 =	vadd.s32 s26, v0;
	v8 =	vadd.f32 v8, v11  }
0x1af: {  	s29 =	sadd.s32 $0xFFFFFFFD, s24;
	v9 =	vand.u32 $0x7FFFFFFF, v9;
	v10 =	vsub.f32 v10, v15;
	v11 =	vld.idx.msk [tilespmem:v18+s11+$0x0], $0xffff;
	v20 =	vand.u32 $0x7F, v20  }
0x1b0: {  	v15 =	vld.idx.msk [tilespmem:v18+s12+$0x0], $0xffff;
	v18 =	vor.u32 v7, v20;
	v20 =	vadd.s32 s29, v0;
	v8 =	vadd.f32 v9, v8  }
0x1b1: {  	s30 =	sadd.s32 $0xFFFFFFFE, s24;
	v12 =	vsub.f32 v19, v12;
	v10 =	vand.u32 $0x7FFFFFFF, v10;
	v9 =	vld.idx.msk [tilespmem:v17+s11+$0x0], $0xffff;
	v20 =	vand.u32 $0x7F, v20  }
0x1b2: {  	v17 =	vld.idx.msk [tilespmem:v17+s12+$0x0], $0xffff;
	v19 =	vor.u32 v7, v20;
	v20 =	vadd.s32 s30, v0;
	v8 =	vadd.f32 v10, v8  }
0x1b3: {  	s31 =	sadd.s32 $0xFFFFFFFF, s24;
	v12 =	vand.u32 $0x7FFFFFFF, v12;
	v13 =	vsub.f32 v16, v13;
	v10 =	vld.idx.msk [tilespmem:v14+s11+$0x0], $0xffff;
	v20 =	vand.u32 $0x7F, v20  }
0x1b4: {  	v14 =	vld.idx.msk [tilespmem:v14+s12+$0x0], $0xffff;
	v16 =	vor.u32 v7, v20;
	v20 =	vadd.s32 s31, v0;
	v8 =	vadd.f32 v12, v8  }
0x1b5: {  	v13 =	vand.u32 $0x7FFFFFFF, v13;
	v11 =	vsub.f32 v11, v15;
	v12 =	vld.idx.msk [tilespmem:v18+s11+$0x0], $0xffff;
	v20 =	vand.u32 $0x7F, v20  }
0x1b6: {  	v15 =	vld.idx.msk [tilespmem:v18+s12+$0x0], $0xffff;
	v18 =	vor.u32 v7, v20;
	v20 =	vadd.s32 s24, v0;
	v8 =	vadd.f32 v13, v8  }
0x1b7: {  	v11 =	vand.u32 $0x7FFFFFFF, v11;
	v9 =	vsub.f32 v9, v17;
	v13 =	vld.idx.msk [tilespmem:v19+s11+$0x0], $0xffff;
	v20 =	vand.u32 $0x7F, v20  }
0x1b8: {  	v17 =	vld.idx.msk [tilespmem:v19+s12+$0x0], $0xffff;
	v19 =	vor.u32 v7, v20;
	v8 =	vadd.f32 v11, v8  }
0x1b9: {  	v9 =	vand.u32 $0x7FFFFFFF, v9;
	v10 =	vsub.f32 v10, v14;
	v11 =	vld.idx.msk [tilespmem:v16+s11+$0x0], $0xffff  }
0x1ba: {  	v14 =	vld.idx.msk [tilespmem:v16+s12+$0x0], $0xffff;
	v8 =	vadd.f32 v9, v8  }
0x1bb: {  	v10 =	vand.u32 $0x7FFFFFFF, v10;
	v12 =	vsub.f32 v12, v15;
	v9 =	vld.idx.msk [tilespmem:v18+s11+$0x0], $0xffff  }
0x1bc: {  	v15 =	vld.idx.msk [tilespmem:v18+s12+$0x0], $0xffff;
	v8 =	vadd.f32 v10, v8  }
0x1bd: {  	v12 =	vand.u32 $0x7FFFFFFF, v12;
	v13 =	vsub.f32 v13, v17;
	v10 =	vld.idx.msk [tilespmem:v19+s11+$0x0], $0xffff  }
0x1be: {  	v16 =	vld.idx.msk [tilespmem:v19+s12+$0x0], $0xffff;
	v8 =	vadd.f32 v12, v8  }
0x1bf: {  	v12 =	vand.u32 $0x7FFFFFFF, v13;
	v11 =	vsub.f32 v11, v14  }
0x1c0: {  	s26 =	simm.s32 $0x0;
	v8 =	vadd.f32 v12, v8  }
0x1c1: {  	v9 =	vsub.f32 v9, v15;
	v11 =	vand.u32 $0x7FFFFFFF, v11;
	v12 =	vadd.s32 s26, v0  }
0x1c2: {  	v12 =	vand.u32 $0x7F, v12;
	v11 =	vadd.f32 v11, v8  }
0x1c3: {  	s29 =	simm.s32 $0x1;
	v9 =	vand.u32 $0x7FFFFFFF, v9;
	v10 =	vsub.f32 v10, v16;
	v8 =	vor.u32 $0x3800, v1  }
0x1c4: {  	v9 =	vadd.f32 v9, v11;
	v11 =	vor.u32 v8, v12;
	v12 =	vadd.s32 s29, v0  }
0x1c5: {  	s30 =	simm.s32 $0x2;
	v10 =	vand.u32 $0x7FFFFFFF, v10;
	v12 =	vand.u32 $0x7F, v12  }
0x1c6: {  	v9 =	vadd.f32 v10, v9;
	v10 =	vor.u32 v8, v12;
	v12 =	vadd.s32 s30, v0  }
0x1c7: {  	s31 =	simm.s32 $0x3;
	v12 =	vand.u32 $0x7F, v12  }
0x1c8: {  	[tilespmem:s22+$0x18060] =	vst v9;
	v9 =	vor.u32 v8, v12;
	v12 =	vadd.s32 s31, v0  }
0x1c9: {  	s25 =	simm.s32 $0x4;
	v13 =	vld.idx.msk [tilespmem:v11+s11+$0x0], $0xffff;
	v12 =	vand.u32 $0x7F, v12  }
0x1ca: {  	v11 =	vld.idx.msk [tilespmem:v11+s12+$0x0], $0xffff;
	v14 =	vor.u32 v8, v12;
	v12 =	vadd.s32 s25, v0  }
0x1cb: {  	s26 =	simm.s32 $0x5;
	v15 =	vld.idx.msk [tilespmem:v10+s11+$0x0], $0xffff;
	v12 =	vand.u32 $0x7F, v12  }
0x1cc: {  	v19 =	vld.idx.msk [tilespmem:v10+s12+$0x0], $0xffff;
	v10 =	vadd.s32 s26, v0;
	v20 =	vor.u32 v8, v12  }
0x1cd: {  	s29 =	simm.s32 $0x6;
	v10 =	vand.u32 $0x7F, v10;
	v12 =	vld.idx.msk [tilespmem:v9+s11+$0x0], $0xffff  }
0x1ce: {  	v16 =	vld.idx.msk [tilespmem:v9+s12+$0x0], $0xffff;
	v17 =	vor.u32 v8, v10;
	v9 =	vadd.s32 s29, v0  }
0x1cf: {  	s30 =	simm.s32 $0x7;
	v9 =	vand.u32 $0x7F, v9;
	v10 =	vld.idx.msk [tilespmem:v14+s11+$0x0], $0xffff  }
0x1d0: {  	v11 =	vsub.f32 v13, v11;
	v13 =	vadd.s32 s30, v0;
	v14 =	vld.idx.msk [tilespmem:v14+s12+$0x0], $0xffff;
	v18 =	vor.u32 v8, v9  }
0x1d1: {  	v22 =	vimm.f32 $0.0e+00;
	v21 =	vand.u32 $0x7F, v13;
	v9 =	vld.idx.msk [tilespmem:v20+s11+$0x0], $0xffff  }
0x1d2: {  	s31 =	simm.s32 $0x8;
	v11 =	vand.u32 $0x7FFFFFFF, v11;
	v19 =	vsub.f32 v15, v19;
	v15 =	vor.u32 v8, v21;
	v13 =	vld.idx.msk [tilespmem:v20+s12+$0x0], $0xffff  }
0x1d3: {  	s24 =	simm.s32 $0xF;
	s25 =	simm.s32 $0x17;
	v21 =	vadd.s32 s31, v0;
	v20 =	vadd.f32 v11, v22;
	v11 =	vld.idx.msk [tilespmem:v17+s11+$0x0], $0xffff  }
.LBB2_17:
0x1d4: {  	p0 =	sne.s32 s25, $0x7F;
	v21 =	vand.u32 $0x7F, v21;
	s26 =	sadd.s32 $0xFFFFFFFA, s24;
	v19 =	vand.u32 $0x7FFFFFFF, v19;
	v12 =	vsub.f32 v12, v16;
	v16 =	vld.idx.msk [tilespmem:v17+s12+$0x0], $0xffff  }
0x1d5: {  	v17 =	vor.u32 v8, v21;
	v21 =	vadd.s32 s26, v0;
	v19 =	vadd.f32 v19, v20;
	v20 =	vld.idx.msk [tilespmem:v18+s11+$0x0], $0xffff  }
0x1d6: {  	s26 =	sadd.s32 $0xFFFFFFFB, s24;
	v10 =	vsub.f32 v10, v14;
	v21 =	vand.u32 $0x7F, v21;
	v12 =	vand.u32 $0x7FFFFFFF, v12;
	v14 =	vld.idx.msk [tilespmem:v18+s12+$0x0], $0xffff  }
0x1d7: {  	v18 =	vor.u32 v8, v21;
	v21 =	vadd.s32 s26, v0;
	v12 =	vadd.f32 v12, v19;
	v19 =	vld.idx.msk [tilespmem:v15+s11+$0x0], $0xffff  }
0x1d8: {  	s26 =	sadd.s32 $0xFFFFFFFC, s24;
	v10 =	vand.u32 $0x7FFFFFFF, v10;
	v9 =	vsub.f32 v9, v13;
	v21 =	vand.u32 $0x7F, v21;
	v13 =	vld.idx.msk [tilespmem:v15+s12+$0x0], $0xffff  }
0x1d9: {  	v15 =	vor.u32 v8, v21;
	v21 =	vadd.s32 s26, v0;
	v10 =	vadd.f32 v10, v12  }
0x1da: {  	s26 =	sadd.s32 $0xFFFFFFFD, s24;
	v9 =	vand.u32 $0x7FFFFFFF, v9;
	v11 =	vsub.f32 v11, v16;
	v22 =	vld.idx.msk [tilespmem:v17+s11+$0x0], $0xffff;
	v12 =	vand.u32 $0x7F, v21  }
0x1db: {  	v21 =	vld.idx.msk [tilespmem:v17+s12+$0x0], $0xffff;
	v23 =	vor.u32 v8, v12;
	v12 =	vadd.s32 s26, v0;
	v9 =	vadd.f32 v9, v10  }
0x1dc: {  	s26 =	sadd.s32 $0xFFFFFFFE, s24;
	v11 =	vand.u32 $0x7FFFFFFF, v11;
	v14 =	vsub.f32 v20, v14;
	v24 =	vld.idx.msk [tilespmem:v18+s11+$0x0], $0xffff;
	v10 =	vand.u32 $0x7F, v12  }
0x1dd: {  	v20 =	vld.idx.msk [tilespmem:v18+s12+$0x0], $0xffff;
	v25 =	vor.u32 v8, v10;
	v10 =	vadd.s32 s26, v0;
	v9 =	vadd.f32 v11, v9  }
0x1de: {  	s26 =	sadd.s32 $0xFFFFFFFF, s24;
	v11 =	vand.u32 $0x7FFFFFFF, v14;
	v13 =	vsub.f32 v19, v13;
	v12 =	vld.idx.msk [tilespmem:v15+s11+$0x0], $0xffff;
	v10 =	vand.u32 $0x7F, v10  }
0x1df: {  	v14 =	vadd.s32 s26, v0;
	v16 =	vld.idx.msk [tilespmem:v15+s12+$0x0], $0xffff;
	v17 =	vor.u32 v8, v10;
	v9 =	vadd.f32 v11, v9  }
.Ltmp7:
0x1e0: {  	v11 =	vand.u32 $0x7F, v14;
	v15 =	vadd.s32 s24, v0;
	v13 =	vand.u32 $0x7FFFFFFF, v13;
	s24 =	smov.u32 s25;
	v10 =	vld.idx.msk [tilespmem:v23+s11+$0x0], $0xffff;
	(pc) =	sbr.rel @p0 .LBB2_17-.Ltmp7, $4  }
0x1e1: {  	v19 =	vsub.f32 v22, v21;
	v18 =	vor.u32 v8, v11;
	v14 =	vld.idx.msk [tilespmem:v23+s12+$0x0], $0xffff;
	v11 =	vadd.f32 v13, v9  }
0x1e2: {  	v15 =	vand.u32 $0x7F, v15;
	v9 =	vld.idx.msk [tilespmem:v25+s11+$0x0], $0xffff  }
0x1e3: {  	s26 =	sadd.s32 $0xFFFFFFF9, s25;
	v15 =	vor.u32 v8, v15;
	v22 =	vand.u32 $0x7FFFFFFF, v19;
	v19 =	vsub.f32 v24, v20;
	v13 =	vld.idx.msk [tilespmem:v25+s12+$0x0], $0xffff  }
0x1e4: {  	s25 =	sadd.s32 $0x8, s25;
	v21 =	vadd.s32 s26, v0;
	v20 =	vadd.f32 v22, v11;
	v11 =	vld.idx.msk [tilespmem:v17+s11+$0x0], $0xffff  }
0x1e5: {  	_ =	sdelay $0x2  }
0x1e6: {  	v21 =	vand.u32 $0x7F, v21;
	s25 =	sadd.s32 $0xFFFFFFFA, s24;
	v19 =	vand.u32 $0x7FFFFFFF, v19;
	v12 =	vsub.f32 v12, v16  }
0x1e7: {  	v16 =	vld.idx.msk [tilespmem:v17+s12+$0x0], $0xffff;
	v17 =	vor.u32 v8, v21;
	v21 =	vadd.s32 s25, v0;
	v19 =	vadd.f32 v19, v20  }
0x1e8: {  	s26 =	sadd.s32 $0xFFFFFFFB, s24;
	v20 =	vld.idx.msk [tilespmem:v18+s11+$0x0], $0xffff;
	v10 =	vsub.f32 v10, v14;
	v21 =	vand.u32 $0x7F, v21;
	v12 =	vand.u32 $0x7FFFFFFF, v12  }
0x1e9: {  	v14 =	vld.idx.msk [tilespmem:v18+s12+$0x0], $0xffff;
	v18 =	vor.u32 v8, v21;
	v21 =	vadd.s32 s26, v0;
	v12 =	vadd.f32 v12, v19  }
0x1ea: {  	s29 =	sadd.s32 $0xFFFFFFFC, s24;
	v19 =	vld.idx.msk [tilespmem:v15+s11+$0x0], $0xffff;
	v10 =	vand.u32 $0x7FFFFFFF, v10;
	v9 =	vsub.f32 v9, v13;
	v21 =	vand.u32 $0x7F, v21  }
0x1eb: {  	v13 =	vld.idx.msk [tilespmem:v15+s12+$0x0], $0xffff;
	v15 =	vor.u32 v8, v21;
	v21 =	vadd.s32 s29, v0;
	v10 =	vadd.f32 v10, v12  }
0x1ec: {  	s30 =	sadd.s32 $0xFFFFFFFD, s24;
	v9 =	vand.u32 $0x7FFFFFFF, v9;
	v11 =	vsub.f32 v11, v16;
	v12 =	vld.idx.msk [tilespmem:v17+s11+$0x0], $0xffff;
	v21 =	vand.u32 $0x7F, v21  }
0x1ed: {  	v16 =	vld.idx.msk [tilespmem:v17+s12+$0x0], $0xffff;
	v17 =	vor.u32 v8, v21;
	v21 =	vadd.s32 s30, v0;
	v9 =	vadd.f32 v9, v10  }
0x1ee: {  	s31 =	sadd.s32 $0xFFFFFFFE, s24;
	v14 =	vsub.f32 v20, v14;
	v11 =	vand.u32 $0x7FFFFFFF, v11;
	v10 =	vld.idx.msk [tilespmem:v18+s11+$0x0], $0xffff;
	v21 =	vand.u32 $0x7F, v21  }
0x1ef: {  	v18 =	vld.idx.msk [tilespmem:v18+s12+$0x0], $0xffff;
	v20 =	vor.u32 v8, v21;
	v21 =	vadd.s32 s31, v0;
	v9 =	vadd.f32 v11, v9  }
0x1f0: {  	s26 =	sadd.s32 $0xFFFFFFFF, s24;
	v14 =	vand.u32 $0x7FFFFFFF, v14;
	v13 =	vsub.f32 v19, v13;
	v11 =	vld.idx.msk [tilespmem:v15+s11+$0x0], $0xffff;
	v21 =	vand.u32 $0x7F, v21  }
0x1f1: {  	v15 =	vld.idx.msk [tilespmem:v15+s12+$0x0], $0xffff;
	v19 =	vor.u32 v8, v21;
	v21 =	vadd.s32 s26, v0;
	v9 =	vadd.f32 v14, v9  }
0x1f2: {  	v13 =	vand.u32 $0x7FFFFFFF, v13;
	v12 =	vsub.f32 v12, v16;
	v14 =	vld.idx.msk [tilespmem:v17+s11+$0x0], $0xffff;
	v21 =	vand.u32 $0x7F, v21  }
0x1f3: {  	v16 =	vadd.s32 s24, v0;
	v17 =	vld.idx.msk [tilespmem:v17+s12+$0x0], $0xffff;
	v21 =	vor.u32 v8, v21;
	v9 =	vadd.f32 v13, v9  }
0x1f4: {  	v16 =	vand.u32 $0x7F, v16;
	v12 =	vand.u32 $0x7FFFFFFF, v12;
	v10 =	vsub.f32 v10, v18;
	v13 =	vld.idx.msk [tilespmem:v20+s11+$0x0], $0xffff  }
0x1f5: {  	v16 =	vor.u32 v8, v16;
	v18 =	vld.idx.msk [tilespmem:v20+s12+$0x0], $0xffff;
	v9 =	vadd.f32 v12, v9  }
0x1f6: {  	v10 =	vand.u32 $0x7FFFFFFF, v10;
	v11 =	vsub.f32 v11, v15;
	v12 =	vld.idx.msk [tilespmem:v19+s11+$0x0], $0xffff  }
0x1f7: {  	v15 =	vld.idx.msk [tilespmem:v19+s12+$0x0], $0xffff;
	v9 =	vadd.f32 v10, v9  }
0x1f8: {  	v11 =	vand.u32 $0x7FFFFFFF, v11;
	v14 =	vsub.f32 v14, v17;
	v10 =	vld.idx.msk [tilespmem:v21+s11+$0x0], $0xffff  }
0x1f9: {  	v17 =	vld.idx.msk [tilespmem:v21+s12+$0x0], $0xffff;
	v9 =	vadd.f32 v11, v9  }
0x1fa: {  	v11 =	vld.idx.msk [tilespmem:v16+s11+$0x0], $0xffff;
	v14 =	vand.u32 $0x7FFFFFFF, v14;
	v13 =	vsub.f32 v13, v18  }
0x1fb: {  	v16 =	vld.idx.msk [tilespmem:v16+s12+$0x0], $0xffff;
	v9 =	vadd.f32 v14, v9  }
0x1fc: {  	v13 =	vand.u32 $0x7FFFFFFF, v13;
	v12 =	vsub.f32 v12, v15  }
0x1fd: {  	v9 =	vadd.f32 v13, v9  }
0x1fe: {  	v12 =	vand.u32 $0x7FFFFFFF, v12;
	v10 =	vsub.f32 v10, v17  }
0x1ff: {  	v9 =	vadd.f32 v12, v9  }
0x200: {  	v11 =	vsub.f32 v11, v16;
	v10 =	vand.u32 $0x7FFFFFFF, v10  }
0x201: {  	v9 =	vadd.f32 v10, v9  }
0x202: {  	v10 =	vand.u32 $0x7FFFFFFF, v11  }
0x203: {  	v9 =	vadd.f32 v10, v9  }
0x204: {  	p0 =	seq.s32 s21, $0x3E  }
0x205: {  	s25 =	simm.s32 @!p0 $0x80;
	s24 =	sadd.s32 @!p0 $0x100, s22;
	s26 =	simm.s32 @!p0 $0x8000;
	[tilespmem:s22+$0x18070] =	vst v9  }
0x206: {  	[tilespmem:s26], [sflag:$0x1] =	stream.indirect.gather @!p0 [hbm4b:s2+s25], $0x80, s24, s25, $0xb8;
	[tilespmem:$0x1BF00] =	vst v63  }
0x207: {  	s24 =	sadd.s32 @!p0 $0x4100, s22;
	s26 =	simm.s32 @!p0 $0xC000  }
0x208: {  	v9 =	vadd.s32 s28, v0;
	[tilespmem:s26], [sflag:$0x2] =	stream.indirect.gather @!p0 [hbm4b:s2+s25], $0x80, s24, s25, $0xb8;
	[tilespmem:$0x1BF00] =	vst v63  }
0x209: {  	s29 =	simm.s32 $0x1;
	v9 =	vand.u32 $0x7F, v9;
	_ =	swait.ge [sflag:s17], $0x4000  }
0x20a: {  	v10 =	vadd.s32 s29, v0;
	v9 =	vor.u32 v1, v9;
	[sflag:s17] =	ssyncset.done $0x0  }
0x20b: {  	s30 =	simm.s32 $0x2;
	v10 =	vand.u32 $0x7F, v10;
	[sflag:s17] =	ssyncadd.s32 $0xFFFFC000  }
0x20c: {  	v11 =	vadd.s32 s30, v0;
	v10 =	vor.u32 v1, v10;
	_ =	swait.ge [sflag:s18], $0x4000  }
0x20d: {  	s31 =	simm.s32 $0x3;
	v11 =	vand.u32 $0x7F, v11;
	[sflag:s18] =	ssyncset.done $0x0  }
0x20e: {  	v12 =	vadd.s32 s31, v0;
	v13 =	vor.u32 v1, v11;
	[sflag:s18] =	ssyncadd.s32 $0xFFFFC000  }
0x20f: {  	v11 =	vand.u32 $0x7F, v12;
	s25 =	simm.s32 $0x4;
	v14 =	vld.idx.msk [tilespmem:v9+s13+$0x0], $0xffff  }
0x210: {  	v16 =	vor.u32 v1, v11;
	v12 =	vadd.s32 s25, v0;
	v15 =	vld.idx.msk [tilespmem:v9+s14+$0x0], $0xffff  }
0x211: {  	s26 =	simm.s32 $0x5;
	v17 =	vld.idx.msk [tilespmem:v10+s13+$0x0], $0xffff;
	v9 =	vand.u32 $0x7F, v12  }
0x212: {  	v20 =	vld.idx.msk [tilespmem:v10+s14+$0x0], $0xffff;
	v22 =	vor.u32 v1, v9;
	v9 =	vadd.s32 s26, v0  }
0x213: {  	s29 =	simm.s32 $0x6;
	v11 =	vld.idx.msk [tilespmem:v13+s13+$0x0], $0xffff;
	v9 =	vand.u32 $0x7F, v9  }
0x214: {  	v12 =	vld.idx.msk [tilespmem:v13+s14+$0x0], $0xffff;
	v10 =	vadd.s32 s29, v0;
	v13 =	vor.u32 v1, v9  }
0x215: {  	s30 =	simm.s32 $0x7;
	v10 =	vand.u32 $0x7F, v10;
	v9 =	vld.idx.msk [tilespmem:v16+s13+$0x0], $0xffff  }
0x216: {  	s31 =	simm.s32 $0x8;
	v21 =	vadd.s32 s30, v0;
	v23 =	vsub.f32 v14, v15;
	v15 =	vld.idx.msk [tilespmem:v16+s14+$0x0], $0xffff;
	v14 =	vor.u32 v1, v10  }
0x217: {  	v18 =	vimm.f32 $0.0e+00;
	v19 =	vadd.s32 s31, v0;
	v16 =	vand.u32 $0x7F, v21;
	v10 =	vld.idx.msk [tilespmem:v22+s13+$0x0], $0xffff  }
0x218: {  	s24 =	simm.s32 $0xF;
	s25 =	simm.s32 $0x17;
	s26 =	simm.s32 $0x9;
	v20 =	vsub.f32 v17, v20;
	v17 =	vld.idx.msk [tilespmem:v22+s14+$0x0], $0xffff;
	v16 =	vor.u32 v1, v16;
	v21 =	vand.u32 $0x7FFFFFFF, v23  }
.LBB2_19:
0x219: {  	p0 =	sne.s32 s25, $0x7F;
	v19 =	vand.u32 $0x7F, v19;
	v22 =	vadd.s32 s26, v0;
	v18 =	vadd.f32 v21, v18;
	v21 =	vld.idx.msk [tilespmem:v13+s13+$0x0], $0xffff  }
0x21a: {  	s26 =	sadd.s32 $0xFFFFFFFB, s24;
	v11 =	vsub.f32 v11, v12;
	v19 =	vor.u32 v1, v19;
	v20 =	vand.u32 $0x7FFFFFFF, v20;
	v12 =	vld.idx.msk [tilespmem:v13+s14+$0x0], $0xffff  }
0x21b: {  	v13 =	vand.u32 $0x7F, v22;
	v22 =	vadd.s32 s26, v0;
	v18 =	vadd.f32 v20, v18;
	v20 =	vld.idx.msk [tilespmem:v14+s13+$0x0], $0xffff  }
0x21c: {  	s26 =	sadd.s32 $0xFFFFFFFC, s24;
	v13 =	vor.u32 v1, v13;
	v11 =	vand.u32 $0x7FFFFFFF, v11;
	v9 =	vsub.f32 v9, v15;
	v14 =	vld.idx.msk [tilespmem:v14+s14+$0x0], $0xffff  }
0x21d: {  	v15 =	vand.u32 $0x7F, v22;
	v22 =	vadd.s32 s26, v0;
	v11 =	vadd.f32 v11, v18;
	v18 =	vld.idx.msk [tilespmem:v16+s13+$0x0], $0xffff  }
0x21e: {  	s26 =	sadd.s32 $0xFFFFFFFD, s24;
	v15 =	vor.u32 v1, v15;
	v9 =	vand.u32 $0x7FFFFFFF, v9;
	v10 =	vsub.f32 v10, v17;
	v16 =	vld.idx.msk [tilespmem:v16+s14+$0x0], $0xffff  }
0x21f: {  	v22 =	vand.u32 $0x7F, v22;
	v23 =	vadd.s32 s26, v0;
	v17 =	vld.idx.msk [tilespmem:v19+s13+$0x0], $0xffff;
	v9 =	vadd.f32 v9, v11  }
0x220: {  	s26 =	sadd.s32 $0xFFFFFFFE, s24;
	v22 =	vor.u32 v1, v22;
	v10 =	vand.u32 $0x7FFFFFFF, v10;
	v11 =	vsub.f32 v21, v12;
	v19 =	vld.idx.msk [tilespmem:v19+s14+$0x0], $0xffff  }
0x221: {  	v12 =	vand.u32 $0x7F, v23;
	v21 =	vadd.s32 s26, v0;
	v24 =	vld.idx.msk [tilespmem:v13+s13+$0x0], $0xffff;
	v9 =	vadd.f32 v10, v9  }
0x222: {  	s26 =	sadd.s32 $0xFFFFFFFF, s24;
	v25 =	vor.u32 v1, v12;
	v10 =	vand.u32 $0x7FFFFFFF, v11;
	v14 =	vsub.f32 v20, v14;
	v23 =	vld.idx.msk [tilespmem:v13+s14+$0x0], $0xffff  }
0x223: {  	v20 =	vadd.s32 s26, v0;
	v13 =	vand.u32 $0x7F, v21;
	v11 =	vld.idx.msk [tilespmem:v15+s13+$0x0], $0xffff;
	v10 =	vadd.f32 v10, v9  }
.Ltmp8:
0x224: {  	v13 =	vor.u32 v1, v13;
	v14 =	vand.u32 $0x7FFFFFFF, v14;
	v16 =	vsub.f32 v18, v16;
	v12 =	vld.idx.msk [tilespmem:v15+s14+$0x0], $0xffff;
	(pc) =	sbr.rel @p0 .LBB2_19-.Ltmp8, $4  }
0x225: {  	v18 =	vand.u32 $0x7F, v20;
	v20 =	vadd.s32 s24, v0;
	s24 =	smov.u32 s25;
	v9 =	vld.idx.msk [tilespmem:v22+s13+$0x0], $0xffff;
	v21 =	vadd.f32 v14, v10  }
0x226: {  	s26 =	sadd.s32 $0xFFFFFFF9, s25;
	v17 =	vsub.f32 v17, v19;
	v14 =	vor.u32 v1, v18;
	v16 =	vand.u32 $0x7FFFFFFF, v16;
	v15 =	vld.idx.msk [tilespmem:v22+s14+$0x0], $0xffff  }
0x227: {  	v19 =	vadd.s32 s26, v0;
	v22 =	vand.u32 $0x7F, v20;
	v10 =	vld.idx.msk [tilespmem:v25+s13+$0x0], $0xffff;
	v18 =	vadd.f32 v16, v21  }
0x228: {  	s25 =	sadd.s32 $0x8, s25;
	s26 =	sadd.s32 $0xFFFFFFFA, s24;
	v21 =	vand.u32 $0x7FFFFFFF, v17;
	v20 =	vsub.f32 v24, v23;
	v16 =	vor.u32 v1, v22;
	v17 =	vld.idx.msk [tilespmem:v25+s14+$0x0], $0xffff  }
0x229: {  	_ =	sdelay $0x2  }
0x22a: {  	v18 =	vadd.f32 v21, v18  }
0x22b: {  	v19 =	vand.u32 $0x7F, v19;
	v21 =	vld.idx.msk [tilespmem:v13+s13+$0x0], $0xffff;
	v11 =	vsub.f32 v11, v12;
	v20 =	vand.u32 $0x7FFFFFFF, v20  }
0x22c: {  	v12 =	vadd.s32 s26, v0;
	v13 =	vld.idx.msk [tilespmem:v13+s14+$0x0], $0xffff;
	v19 =	vor.u32 v1, v19;
	v18 =	vadd.f32 v20, v18  }
0x22d: {  	s25 =	sadd.s32 $0xFFFFFFFB, s24;
	v12 =	vand.u32 $0x7F, v12;
	v20 =	vld.idx.msk [tilespmem:v14+s13+$0x0], $0xffff;
	v11 =	vand.u32 $0x7FFFFFFF, v11;
	v9 =	vsub.f32 v9, v15  }
0x22e: {  	v15 =	vadd.s32 s25, v0;
	v12 =	vor.u32 v1, v12;
	v14 =	vld.idx.msk [tilespmem:v14+s14+$0x0], $0xffff;
	v11 =	vadd.f32 v11, v18  }
0x22f: {  	s26 =	sadd.s32 $0xFFFFFFFC, s24;
	v15 =	vand.u32 $0x7F, v15;
	v18 =	vld.idx.msk [tilespmem:v16+s13+$0x0], $0xffff;
	v9 =	vand.u32 $0x7FFFFFFF, v9;
	v10 =	vsub.f32 v10, v17  }
0x230: {  	v17 =	vadd.s32 s26, v0;
	v15 =	vor.u32 v1, v15;
	v16 =	vld.idx.msk [tilespmem:v16+s14+$0x0], $0xffff;
	v9 =	vadd.f32 v9, v11  }
0x231: {  	s29 =	sadd.s32 $0xFFFFFFFD, s24;
	v17 =	vand.u32 $0x7F, v17;
	v13 =	vsub.f32 v21, v13;
	v11 =	vld.idx.msk [tilespmem:v19+s13+$0x0], $0xffff;
	v10 =	vand.u32 $0x7FFFFFFF, v10  }
0x232: {  	v21 =	vadd.s32 s29, v0;
	v19 =	vld.idx.msk [tilespmem:v19+s14+$0x0], $0xffff;
	v17 =	vor.u32 v1, v17;
	v9 =	vadd.f32 v10, v9  }
0x233: {  	s30 =	sadd.s32 $0xFFFFFFFE, s24;
	v21 =	vand.u32 $0x7F, v21;
	v13 =	vand.u32 $0x7FFFFFFF, v13;
	v14 =	vsub.f32 v20, v14;
	v10 =	vld.idx.msk [tilespmem:v12+s13+$0x0], $0xffff  }
0x234: {  	v20 =	vadd.s32 s30, v0;
	v21 =	vor.u32 v1, v21;
	v12 =	vld.idx.msk [tilespmem:v12+s14+$0x0], $0xffff;
	v9 =	vadd.f32 v13, v9  }
0x235: {  	s31 =	sadd.s32 $0xFFFFFFFF, s24;
	v20 =	vand.u32 $0x7F, v20;
	v14 =	vand.u32 $0x7FFFFFFF, v14;
	v16 =	vsub.f32 v18, v16;
	v13 =	vld.idx.msk [tilespmem:v15+s13+$0x0], $0xffff  }
0x236: {  	v18 =	vadd.s32 s31, v0;
	v20 =	vor.u32 v1, v20;
	v15 =	vld.idx.msk [tilespmem:v15+s14+$0x0], $0xffff;
	v9 =	vadd.f32 v14, v9  }
0x237: {  	v18 =	vand.u32 $0x7F, v18;
	v11 =	vsub.f32 v11, v19;
	v16 =	vand.u32 $0x7FFFFFFF, v16;
	v14 =	vld.idx.msk [tilespmem:v17+s13+$0x0], $0xffff  }
0x238: {  	v19 =	vadd.s32 s24, v0;
	v18 =	vor.u32 v1, v18;
	v17 =	vld.idx.msk [tilespmem:v17+s14+$0x0], $0xffff;
	v9 =	vadd.f32 v16, v9  }
0x239: {  	v19 =	vand.u32 $0x7F, v19;
	v11 =	vand.u32 $0x7FFFFFFF, v11;
	v10 =	vsub.f32 v10, v12;
	v12 =	vld.idx.msk [tilespmem:v21+s14+$0x0], $0xffff  }
0x23a: {  	v19 =	vor.u32 v1, v19;
	v16 =	vld.idx.msk [tilespmem:v21+s13+$0x0], $0xffff;
	v9 =	vadd.f32 v11, v9  }
0x23b: {  	v10 =	vand.u32 $0x7FFFFFFF, v10;
	v13 =	vsub.f32 v13, v15;
	v15 =	vld.idx.msk [tilespmem:v20+s14+$0x0], $0xffff  }
0x23c: {  	v11 =	vld.idx.msk [tilespmem:v20+s13+$0x0], $0xffff;
	v9 =	vadd.f32 v10, v9  }
0x23d: {  	v13 =	vand.u32 $0x7FFFFFFF, v13;
	v14 =	vsub.f32 v14, v17;
	v17 =	vld.idx.msk [tilespmem:v18+s14+$0x0], $0xffff  }
0x23e: {  	v10 =	vld.idx.msk [tilespmem:v18+s13+$0x0], $0xffff;
	v9 =	vadd.f32 v13, v9  }
0x23f: {  	v14 =	vand.u32 $0x7FFFFFFF, v14;
	v12 =	vsub.f32 v16, v12;
	v16 =	vld.idx.msk [tilespmem:v19+s14+$0x0], $0xffff  }
0x240: {  	v13 =	vld.idx.msk [tilespmem:v19+s13+$0x0], $0xffff;
	v9 =	vadd.f32 v14, v9  }
0x241: {  	v12 =	vand.u32 $0x7FFFFFFF, v12;
	v11 =	vsub.f32 v11, v15  }
0x242: {  	v9 =	vadd.f32 v12, v9  }
0x243: {  	s26 =	simm.s32 $0x0;
	v11 =	vand.u32 $0x7FFFFFFF, v11;
	v10 =	vsub.f32 v10, v17  }
0x244: {  	v9 =	vadd.f32 v11, v9;
	v11 =	vadd.s32 s26, v0  }
0x245: {  	s29 =	simm.s32 $0x1;
	v10 =	vand.u32 $0x7FFFFFFF, v10;
	v12 =	vsub.f32 v13, v16;
	v11 =	vand.u32 $0x7F, v11  }
0x246: {  	v9 =	vadd.f32 v10, v9;
	v10 =	vadd.s32 s29, v0;
	v11 =	vor.u32 v2, v11  }
0x247: {  	s30 =	simm.s32 $0x2;
	v12 =	vand.u32 $0x7FFFFFFF, v12;
	v10 =	vand.u32 $0x7F, v10  }
0x248: {  	v9 =	vadd.f32 v12, v9;
	v12 =	vadd.s32 s30, v0;
	v10 =	vor.u32 v2, v10  }
0x249: {  	s31 =	simm.s32 $0x3;
	v12 =	vand.u32 $0x7F, v12  }
0x24a: {  	[tilespmem:s23+$0x18000] =	vst v9;
	v9 =	vadd.s32 s31, v0;
	v12 =	vor.u32 v2, v12  }
0x24b: {  	s25 =	simm.s32 $0x4;
	v14 =	vld.idx.msk [tilespmem:v11+s13+$0x0], $0xffff;
	v9 =	vand.u32 $0x7F, v9  }
0x24c: {  	v13 =	vadd.s32 s25, v0;
	v15 =	vld.idx.msk [tilespmem:v11+s14+$0x0], $0xffff;
	v16 =	vor.u32 v2, v9  }
0x24d: {  	s26 =	simm.s32 $0x5;
	v9 =	vand.u32 $0x7F, v13;
	v17 =	vld.idx.msk [tilespmem:v10+s13+$0x0], $0xffff  }
0x24e: {  	v20 =	vld.idx.msk [tilespmem:v10+s14+$0x0], $0xffff;
	v22 =	vor.u32 v2, v9;
	v9 =	vadd.s32 s26, v0  }
0x24f: {  	s29 =	simm.s32 $0x6;
	v9 =	vand.u32 $0x7F, v9;
	v11 =	vld.idx.msk [tilespmem:v12+s13+$0x0], $0xffff  }
0x250: {  	v10 =	vadd.s32 s29, v0;
	v12 =	vld.idx.msk [tilespmem:v12+s14+$0x0], $0xffff;
	v13 =	vor.u32 v2, v9  }
0x251: {  	s30 =	simm.s32 $0x7;
	v10 =	vand.u32 $0x7F, v10;
	v9 =	vld.idx.msk [tilespmem:v16+s13+$0x0], $0xffff  }
0x252: {  	v21 =	vadd.s32 s30, v0;
	s31 =	simm.s32 $0x8;
	v23 =	vsub.f32 v14, v15;
	v14 =	vor.u32 v2, v10;
	v15 =	vld.idx.msk [tilespmem:v16+s14+$0x0], $0xffff  }
0x253: {  	v18 =	vimm.f32 $0.0e+00;
	v19 =	vadd.s32 s31, v0;
	v16 =	vand.u32 $0x7F, v21;
	v10 =	vld.idx.msk [tilespmem:v22+s13+$0x0], $0xffff  }
0x254: {  	s24 =	simm.s32 $0x17;
	s25 =	simm.s32 $0x9;
	s23 =	simm.s32 $0xF;
	v21 =	vand.u32 $0x7FFFFFFF, v23;
	v20 =	vsub.f32 v17, v20;
	v17 =	vld.idx.msk [tilespmem:v22+s14+$0x0], $0xffff;
	v16 =	vor.u32 v2, v16  }
.LBB2_21:
0x255: {  	p0 =	sne.s32 s24, $0x7F;
	v19 =	vand.u32 $0x7F, v19;
	v22 =	vadd.s32 s25, v0;
	v18 =	vadd.f32 v21, v18;
	v21 =	vld.idx.msk [tilespmem:v13+s13+$0x0], $0xffff  }
0x256: {  	s25 =	sadd.s32 $0xFFFFFFFB, s23;
	v11 =	vsub.f32 v11, v12;
	v19 =	vor.u32 v2, v19;
	v20 =	vand.u32 $0x7FFFFFFF, v20;
	v12 =	vld.idx.msk [tilespmem:v13+s14+$0x0], $0xffff  }
0x257: {  	v13 =	vand.u32 $0x7F, v22;
	v22 =	vadd.s32 s25, v0;
	v18 =	vadd.f32 v20, v18;
	v20 =	vld.idx.msk [tilespmem:v14+s13+$0x0], $0xffff  }
0x258: {  	s25 =	sadd.s32 $0xFFFFFFFC, s23;
	v13 =	vor.u32 v2, v13;
	v11 =	vand.u32 $0x7FFFFFFF, v11;
	v9 =	vsub.f32 v9, v15;
	v14 =	vld.idx.msk [tilespmem:v14+s14+$0x0], $0xffff  }
0x259: {  	v15 =	vand.u32 $0x7F, v22;
	v22 =	vadd.s32 s25, v0;
	v11 =	vadd.f32 v11, v18;
	v18 =	vld.idx.msk [tilespmem:v16+s13+$0x0], $0xffff  }
0x25a: {  	s25 =	sadd.s32 $0xFFFFFFFD, s23;
	v15 =	vor.u32 v2, v15;
	v9 =	vand.u32 $0x7FFFFFFF, v9;
	v10 =	vsub.f32 v10, v17;
	v16 =	vld.idx.msk [tilespmem:v16+s14+$0x0], $0xffff  }
0x25b: {  	v22 =	vand.u32 $0x7F, v22;
	v23 =	vadd.s32 s25, v0;
	v17 =	vld.idx.msk [tilespmem:v19+s13+$0x0], $0xffff;
	v9 =	vadd.f32 v9, v11  }
0x25c: {  	s25 =	sadd.s32 $0xFFFFFFFE, s23;
	v22 =	vor.u32 v2, v22;
	v10 =	vand.u32 $0x7FFFFFFF, v10;
	v11 =	vsub.f32 v21, v12;
	v19 =	vld.idx.msk [tilespmem:v19+s14+$0x0], $0xffff  }
0x25d: {  	v12 =	vand.u32 $0x7F, v23;
	v21 =	vadd.s32 s25, v0;
	v24 =	vld.idx.msk [tilespmem:v13+s13+$0x0], $0xffff;
	v9 =	vadd.f32 v10, v9  }
0x25e: {  	s25 =	sadd.s32 $0xFFFFFFFF, s23;
	v25 =	vor.u32 v2, v12;
	v10 =	vand.u32 $0x7FFFFFFF, v11;
	v14 =	vsub.f32 v20, v14;
	v23 =	vld.idx.msk [tilespmem:v13+s14+$0x0], $0xffff  }
0x25f: {  	v20 =	vadd.s32 s25, v0;
	v13 =	vand.u32 $0x7F, v21;
	v11 =	vld.idx.msk [tilespmem:v15+s13+$0x0], $0xffff;
	v10 =	vadd.f32 v10, v9  }
.Ltmp9:
0x260: {  	v13 =	vor.u32 v2, v13;
	v14 =	vand.u32 $0x7FFFFFFF, v14;
	v16 =	vsub.f32 v18, v16;
	v12 =	vld.idx.msk [tilespmem:v15+s14+$0x0], $0xffff;
	(pc) =	sbr.rel @p0 .LBB2_21-.Ltmp9, $4  }
0x261: {  	v18 =	vand.u32 $0x7F, v20;
	v20 =	vadd.s32 s23, v0;
	s23 =	smov.u32 s24;
	v9 =	vld.idx.msk [tilespmem:v22+s13+$0x0], $0xffff;
	v21 =	vadd.f32 v14, v10  }
0x262: {  	s25 =	sadd.s32 $0xFFFFFFF9, s24;
	v17 =	vsub.f32 v17, v19;
	v14 =	vor.u32 v2, v18;
	v16 =	vand.u32 $0x7FFFFFFF, v16;
	v15 =	vld.idx.msk [tilespmem:v22+s14+$0x0], $0xffff  }
0x263: {  	v19 =	vadd.s32 s25, v0;
	v22 =	vand.u32 $0x7F, v20;
	v10 =	vld.idx.msk [tilespmem:v25+s13+$0x0], $0xffff;
	v18 =	vadd.f32 v16, v21  }
0x264: {  	s24 =	sadd.s32 $0x8, s24;
	s25 =	sadd.s32 $0xFFFFFFFA, s23;
	v21 =	vand.u32 $0x7FFFFFFF, v17;
	v20 =	vsub.f32 v24, v23;
	v16 =	vor.u32 v2, v22;
	v17 =	vld.idx.msk [tilespmem:v25+s14+$0x0], $0xffff  }
0x265: {  	_ =	sdelay $0x2  }
0x266: {  	v18 =	vadd.f32 v21, v18  }
0x267: {  	v19 =	vand.u32 $0x7F, v19;
	v21 =	vld.idx.msk [tilespmem:v13+s13+$0x0], $0xffff;
	v11 =	vsub.f32 v11, v12;
	v20 =	vand.u32 $0x7FFFFFFF, v20  }
0x268: {  	v12 =	vadd.s32 s25, v0;
	v13 =	vld.idx.msk [tilespmem:v13+s14+$0x0], $0xffff;
	v19 =	vor.u32 v2, v19;
	v18 =	vadd.f32 v20, v18  }
0x269: {  	s24 =	sadd.s32 $0xFFFFFFFB, s23;
	v12 =	vand.u32 $0x7F, v12;
	v20 =	vld.idx.msk [tilespmem:v14+s13+$0x0], $0xffff;
	v11 =	vand.u32 $0x7FFFFFFF, v11;
	v9 =	vsub.f32 v9, v15  }
0x26a: {  	v15 =	vadd.s32 s24, v0;
	v12 =	vor.u32 v2, v12;
	v14 =	vld.idx.msk [tilespmem:v14+s14+$0x0], $0xffff;
	v11 =	vadd.f32 v11, v18  }
0x26b: {  	s30 =	sadd.s32 $0xFFFFFFFC, s23;
	v15 =	vand.u32 $0x7F, v15;
	v18 =	vld.idx.msk [tilespmem:v16+s13+$0x0], $0xffff;
	v9 =	vand.u32 $0x7FFFFFFF, v9;
	v10 =	vsub.f32 v10, v17  }
0x26c: {  	v17 =	vadd.s32 s30, v0;
	v15 =	vor.u32 v2, v15;
	v16 =	vld.idx.msk [tilespmem:v16+s14+$0x0], $0xffff;
	v9 =	vadd.f32 v9, v11  }
0x26d: {  	s31 =	sadd.s32 $0xFFFFFFFD, s23;
	v17 =	vand.u32 $0x7F, v17;
	v13 =	vsub.f32 v21, v13;
	v11 =	vld.idx.msk [tilespmem:v19+s13+$0x0], $0xffff;
	v10 =	vand.u32 $0x7FFFFFFF, v10  }
0x26e: {  	v21 =	vadd.s32 s31, v0;
	v19 =	vld.idx.msk [tilespmem:v19+s14+$0x0], $0xffff;
	v17 =	vor.u32 v2, v17;
	v9 =	vadd.f32 v10, v9  }
0x26f: {  	s25 =	sadd.s32 $0xFFFFFFFE, s23;
	v21 =	vand.u32 $0x7F, v21;
	v13 =	vand.u32 $0x7FFFFFFF, v13;
	v14 =	vsub.f32 v20, v14;
	v10 =	vld.idx.msk [tilespmem:v12+s13+$0x0], $0xffff  }
0x270: {  	v20 =	vadd.s32 s25, v0;
	v21 =	vor.u32 v2, v21;
	v12 =	vld.idx.msk [tilespmem:v12+s14+$0x0], $0xffff;
	v9 =	vadd.f32 v13, v9  }
0x271: {  	s26 =	sadd.s32 $0xFFFFFFFF, s23;
	v20 =	vand.u32 $0x7F, v20;
	v14 =	vand.u32 $0x7FFFFFFF, v14;
	v16 =	vsub.f32 v18, v16;
	v13 =	vld.idx.msk [tilespmem:v15+s13+$0x0], $0xffff  }
0x272: {  	v18 =	vadd.s32 s26, v0;
	v20 =	vor.u32 v2, v20;
	v15 =	vld.idx.msk [tilespmem:v15+s14+$0x0], $0xffff;
	v9 =	vadd.f32 v14, v9  }
0x273: {  	v18 =	vand.u32 $0x7F, v18;
	v11 =	vsub.f32 v11, v19;
	v16 =	vand.u32 $0x7FFFFFFF, v16;
	v14 =	vld.idx.msk [tilespmem:v17+s13+$0x0], $0xffff  }
0x274: {  	v19 =	vadd.s32 s23, v0;
	v18 =	vor.u32 v2, v18;
	v17 =	vld.idx.msk [tilespmem:v17+s14+$0x0], $0xffff;
	v9 =	vadd.f32 v16, v9  }
0x275: {  	v19 =	vand.u32 $0x7F, v19;
	v11 =	vand.u32 $0x7FFFFFFF, v11;
	v10 =	vsub.f32 v10, v12;
	v12 =	vld.idx.msk [tilespmem:v21+s14+$0x0], $0xffff  }
0x276: {  	v19 =	vor.u32 v2, v19;
	v16 =	vld.idx.msk [tilespmem:v21+s13+$0x0], $0xffff;
	v9 =	vadd.f32 v11, v9  }
0x277: {  	v10 =	vand.u32 $0x7FFFFFFF, v10;
	v13 =	vsub.f32 v13, v15;
	v15 =	vld.idx.msk [tilespmem:v20+s14+$0x0], $0xffff  }
0x278: {  	v11 =	vld.idx.msk [tilespmem:v20+s13+$0x0], $0xffff;
	v9 =	vadd.f32 v10, v9  }
0x279: {  	v13 =	vand.u32 $0x7FFFFFFF, v13;
	v14 =	vsub.f32 v14, v17;
	v17 =	vld.idx.msk [tilespmem:v18+s14+$0x0], $0xffff  }
0x27a: {  	v10 =	vld.idx.msk [tilespmem:v18+s13+$0x0], $0xffff;
	v9 =	vadd.f32 v13, v9  }
0x27b: {  	v14 =	vand.u32 $0x7FFFFFFF, v14;
	v12 =	vsub.f32 v16, v12;
	v16 =	vld.idx.msk [tilespmem:v19+s14+$0x0], $0xffff  }
0x27c: {  	v13 =	vld.idx.msk [tilespmem:v19+s13+$0x0], $0xffff;
	v9 =	vadd.f32 v14, v9  }
0x27d: {  	v12 =	vand.u32 $0x7FFFFFFF, v12;
	v11 =	vsub.f32 v11, v15  }
0x27e: {  	v9 =	vadd.f32 v12, v9  }
0x27f: {  	s29 =	simm.s32 $0x0;
	v11 =	vand.u32 $0x7FFFFFFF, v11;
	v10 =	vsub.f32 v10, v17  }
0x280: {  	v9 =	vadd.f32 v11, v9;
	v11 =	vadd.s32 s29, v0  }
0x281: {  	s30 =	simm.s32 $0x1;
	v10 =	vand.u32 $0x7FFFFFFF, v10;
	v12 =	vsub.f32 v13, v16;
	v11 =	vand.u32 $0x7F, v11  }
0x282: {  	v9 =	vadd.f32 v10, v9;
	v10 =	vadd.s32 s30, v0;
	v11 =	vor.u32 v3, v11  }
0x283: {  	s31 =	simm.s32 $0x2;
	v12 =	vand.u32 $0x7FFFFFFF, v12;
	v10 =	vand.u32 $0x7F, v10  }
0x284: {  	v9 =	vadd.f32 v12, v9;
	v12 =	vadd.s32 s31, v0;
	v10 =	vor.u32 v3, v10  }
0x285: {  	s24 =	simm.s32 $0x3;
	v12 =	vand.u32 $0x7F, v12  }
0x286: {  	[tilespmem:s22+$0x18090] =	vst v9;
	v9 =	vadd.s32 s24, v0;
	v12 =	vor.u32 v3, v12  }
0x287: {  	s25 =	simm.s32 $0x4;
	v14 =	vld.idx.msk [tilespmem:v11+s13+$0x0], $0xffff;
	v9 =	vand.u32 $0x7F, v9  }
0x288: {  	v13 =	vadd.s32 s25, v0;
	v15 =	vld.idx.msk [tilespmem:v11+s14+$0x0], $0xffff;
	v16 =	vor.u32 v3, v9  }
0x289: {  	s26 =	simm.s32 $0x5;
	v9 =	vand.u32 $0x7F, v13;
	v17 =	vld.idx.msk [tilespmem:v10+s13+$0x0], $0xffff  }
0x28a: {  	v20 =	vld.idx.msk [tilespmem:v10+s14+$0x0], $0xffff;
	v22 =	vor.u32 v3, v9;
	v9 =	vadd.s32 s26, v0  }
0x28b: {  	s29 =	simm.s32 $0x6;
	v9 =	vand.u32 $0x7F, v9;
	v11 =	vld.idx.msk [tilespmem:v12+s13+$0x0], $0xffff  }
0x28c: {  	v10 =	vadd.s32 s29, v0;
	v12 =	vld.idx.msk [tilespmem:v12+s14+$0x0], $0xffff;
	v13 =	vor.u32 v3, v9  }
0x28d: {  	s30 =	simm.s32 $0x7;
	v10 =	vand.u32 $0x7F, v10;
	v9 =	vld.idx.msk [tilespmem:v16+s13+$0x0], $0xffff  }
0x28e: {  	v21 =	vadd.s32 s30, v0;
	s31 =	simm.s32 $0x8;
	v23 =	vsub.f32 v14, v15;
	v14 =	vor.u32 v3, v10;
	v15 =	vld.idx.msk [tilespmem:v16+s14+$0x0], $0xffff  }
0x28f: {  	v18 =	vimm.f32 $0.0e+00;
	v19 =	vadd.s32 s31, v0;
	v16 =	vand.u32 $0x7F, v21;
	v10 =	vld.idx.msk [tilespmem:v22+s13+$0x0], $0xffff  }
0x290: {  	s23 =	simm.s32 $0xF;
	s25 =	simm.s32 $0x9;
	s24 =	simm.s32 $0x17;
	v21 =	vand.u32 $0x7FFFFFFF, v23;
	v20 =	vsub.f32 v17, v20;
	v17 =	vld.idx.msk [tilespmem:v22+s14+$0x0], $0xffff;
	v16 =	vor.u32 v3, v16  }
.LBB2_23:
0x291: {  	p0 =	sne.s32 s24, $0x7F;
	v19 =	vand.u32 $0x7F, v19;
	v22 =	vadd.s32 s25, v0;
	v18 =	vadd.f32 v21, v18;
	v21 =	vld.idx.msk [tilespmem:v13+s13+$0x0], $0xffff  }
0x292: {  	s25 =	sadd.s32 $0xFFFFFFFB, s23;
	v11 =	vsub.f32 v11, v12;
	v19 =	vor.u32 v3, v19;
	v20 =	vand.u32 $0x7FFFFFFF, v20;
	v12 =	vld.idx.msk [tilespmem:v13+s14+$0x0], $0xffff  }
0x293: {  	v13 =	vand.u32 $0x7F, v22;
	v22 =	vadd.s32 s25, v0;
	v18 =	vadd.f32 v20, v18;
	v20 =	vld.idx.msk [tilespmem:v14+s13+$0x0], $0xffff  }
0x294: {  	s25 =	sadd.s32 $0xFFFFFFFC, s23;
	v13 =	vor.u32 v3, v13;
	v11 =	vand.u32 $0x7FFFFFFF, v11;
	v9 =	vsub.f32 v9, v15;
	v14 =	vld.idx.msk [tilespmem:v14+s14+$0x0], $0xffff  }
0x295: {  	v15 =	vand.u32 $0x7F, v22;
	v22 =	vadd.s32 s25, v0;
	v11 =	vadd.f32 v11, v18;
	v18 =	vld.idx.msk [tilespmem:v16+s13+$0x0], $0xffff  }
0x296: {  	s25 =	sadd.s32 $0xFFFFFFFD, s23;
	v15 =	vor.u32 v3, v15;
	v9 =	vand.u32 $0x7FFFFFFF, v9;
	v10 =	vsub.f32 v10, v17;
	v16 =	vld.idx.msk [tilespmem:v16+s14+$0x0], $0xffff  }
0x297: {  	v22 =	vand.u32 $0x7F, v22;
	v23 =	vadd.s32 s25, v0;
	v17 =	vld.idx.msk [tilespmem:v19+s13+$0x0], $0xffff;
	v9 =	vadd.f32 v9, v11  }
0x298: {  	s25 =	sadd.s32 $0xFFFFFFFE, s23;
	v22 =	vor.u32 v3, v22;
	v10 =	vand.u32 $0x7FFFFFFF, v10;
	v11 =	vsub.f32 v21, v12;
	v19 =	vld.idx.msk [tilespmem:v19+s14+$0x0], $0xffff  }
0x299: {  	v12 =	vand.u32 $0x7F, v23;
	v21 =	vadd.s32 s25, v0;
	v24 =	vld.idx.msk [tilespmem:v13+s13+$0x0], $0xffff;
	v9 =	vadd.f32 v10, v9  }
0x29a: {  	s25 =	sadd.s32 $0xFFFFFFFF, s23;
	v25 =	vor.u32 v3, v12;
	v10 =	vand.u32 $0x7FFFFFFF, v11;
	v14 =	vsub.f32 v20, v14;
	v23 =	vld.idx.msk [tilespmem:v13+s14+$0x0], $0xffff  }
0x29b: {  	v20 =	vadd.s32 s25, v0;
	v13 =	vand.u32 $0x7F, v21;
	v11 =	vld.idx.msk [tilespmem:v15+s13+$0x0], $0xffff;
	v10 =	vadd.f32 v10, v9  }
.Ltmp10:
0x29c: {  	v13 =	vor.u32 v3, v13;
	v14 =	vand.u32 $0x7FFFFFFF, v14;
	v16 =	vsub.f32 v18, v16;
	v12 =	vld.idx.msk [tilespmem:v15+s14+$0x0], $0xffff;
	(pc) =	sbr.rel @p0 .LBB2_23-.Ltmp10, $4  }
0x29d: {  	v18 =	vand.u32 $0x7F, v20;
	v20 =	vadd.s32 s23, v0;
	s23 =	smov.u32 s24;
	v9 =	vld.idx.msk [tilespmem:v22+s13+$0x0], $0xffff;
	v21 =	vadd.f32 v14, v10  }
0x29e: {  	s25 =	sadd.s32 $0xFFFFFFF9, s24;
	v17 =	vsub.f32 v17, v19;
	v14 =	vor.u32 v3, v18;
	v16 =	vand.u32 $0x7FFFFFFF, v16;
	v15 =	vld.idx.msk [tilespmem:v22+s14+$0x0], $0xffff  }
0x29f: {  	v19 =	vadd.s32 s25, v0;
	v22 =	vand.u32 $0x7F, v20;
	v10 =	vld.idx.msk [tilespmem:v25+s13+$0x0], $0xffff;
	v18 =	vadd.f32 v16, v21  }
0x2a0: {  	s24 =	sadd.s32 $0x8, s24;
	s25 =	sadd.s32 $0xFFFFFFFA, s23;
	v21 =	vand.u32 $0x7FFFFFFF, v17;
	v20 =	vsub.f32 v24, v23;
	v16 =	vor.u32 v3, v22;
	v17 =	vld.idx.msk [tilespmem:v25+s14+$0x0], $0xffff  }
0x2a1: {  	_ =	sdelay $0x2  }
0x2a2: {  	v18 =	vadd.f32 v21, v18  }
0x2a3: {  	v19 =	vand.u32 $0x7F, v19;
	v21 =	vld.idx.msk [tilespmem:v13+s13+$0x0], $0xffff;
	v11 =	vsub.f32 v11, v12;
	v20 =	vand.u32 $0x7FFFFFFF, v20  }
0x2a4: {  	v12 =	vadd.s32 s25, v0;
	v13 =	vld.idx.msk [tilespmem:v13+s14+$0x0], $0xffff;
	v19 =	vor.u32 v3, v19;
	v18 =	vadd.f32 v20, v18  }
0x2a5: {  	s24 =	sadd.s32 $0xFFFFFFFB, s23;
	v12 =	vand.u32 $0x7F, v12;
	v20 =	vld.idx.msk [tilespmem:v14+s13+$0x0], $0xffff;
	v11 =	vand.u32 $0x7FFFFFFF, v11;
	v9 =	vsub.f32 v9, v15  }
0x2a6: {  	v15 =	vadd.s32 s24, v0;
	v12 =	vor.u32 v3, v12;
	v14 =	vld.idx.msk [tilespmem:v14+s14+$0x0], $0xffff;
	v11 =	vadd.f32 v11, v18  }
0x2a7: {  	s30 =	sadd.s32 $0xFFFFFFFC, s23;
	v15 =	vand.u32 $0x7F, v15;
	v18 =	vld.idx.msk [tilespmem:v16+s13+$0x0], $0xffff;
	v9 =	vand.u32 $0x7FFFFFFF, v9;
	v10 =	vsub.f32 v10, v17  }
0x2a8: {  	v17 =	vadd.s32 s30, v0;
	v15 =	vor.u32 v3, v15;
	v16 =	vld.idx.msk [tilespmem:v16+s14+$0x0], $0xffff;
	v9 =	vadd.f32 v9, v11  }
0x2a9: {  	s31 =	sadd.s32 $0xFFFFFFFD, s23;
	v17 =	vand.u32 $0x7F, v17;
	v13 =	vsub.f32 v21, v13;
	v11 =	vld.idx.msk [tilespmem:v19+s13+$0x0], $0xffff;
	v10 =	vand.u32 $0x7FFFFFFF, v10  }
0x2aa: {  	v21 =	vadd.s32 s31, v0;
	v19 =	vld.idx.msk [tilespmem:v19+s14+$0x0], $0xffff;
	v17 =	vor.u32 v3, v17;
	v9 =	vadd.f32 v10, v9  }
0x2ab: {  	s25 =	sadd.s32 $0xFFFFFFFE, s23;
	v21 =	vand.u32 $0x7F, v21;
	v13 =	vand.u32 $0x7FFFFFFF, v13;
	v14 =	vsub.f32 v20, v14;
	v10 =	vld.idx.msk [tilespmem:v12+s13+$0x0], $0xffff  }
0x2ac: {  	v20 =	vadd.s32 s25, v0;
	v21 =	vor.u32 v3, v21;
	v12 =	vld.idx.msk [tilespmem:v12+s14+$0x0], $0xffff;
	v9 =	vadd.f32 v13, v9  }
0x2ad: {  	s26 =	sadd.s32 $0xFFFFFFFF, s23;
	v20 =	vand.u32 $0x7F, v20;
	v14 =	vand.u32 $0x7FFFFFFF, v14;
	v16 =	vsub.f32 v18, v16;
	v13 =	vld.idx.msk [tilespmem:v15+s13+$0x0], $0xffff  }
0x2ae: {  	v18 =	vadd.s32 s26, v0;
	v20 =	vor.u32 v3, v20;
	v15 =	vld.idx.msk [tilespmem:v15+s14+$0x0], $0xffff;
	v9 =	vadd.f32 v14, v9  }
0x2af: {  	v18 =	vand.u32 $0x7F, v18;
	v11 =	vsub.f32 v11, v19;
	v16 =	vand.u32 $0x7FFFFFFF, v16;
	v14 =	vld.idx.msk [tilespmem:v17+s13+$0x0], $0xffff  }
0x2b0: {  	v19 =	vadd.s32 s23, v0;
	v18 =	vor.u32 v3, v18;
	v17 =	vld.idx.msk [tilespmem:v17+s14+$0x0], $0xffff;
	v9 =	vadd.f32 v16, v9  }
0x2b1: {  	v19 =	vand.u32 $0x7F, v19;
	v11 =	vand.u32 $0x7FFFFFFF, v11;
	v10 =	vsub.f32 v10, v12;
	v12 =	vld.idx.msk [tilespmem:v21+s14+$0x0], $0xffff  }
0x2b2: {  	v19 =	vor.u32 v3, v19;
	v16 =	vld.idx.msk [tilespmem:v21+s13+$0x0], $0xffff;
	v9 =	vadd.f32 v11, v9  }
0x2b3: {  	v10 =	vand.u32 $0x7FFFFFFF, v10;
	v13 =	vsub.f32 v13, v15;
	v15 =	vld.idx.msk [tilespmem:v20+s14+$0x0], $0xffff  }
0x2b4: {  	v11 =	vld.idx.msk [tilespmem:v20+s13+$0x0], $0xffff;
	v9 =	vadd.f32 v10, v9  }
0x2b5: {  	v13 =	vand.u32 $0x7FFFFFFF, v13;
	v14 =	vsub.f32 v14, v17;
	v17 =	vld.idx.msk [tilespmem:v18+s14+$0x0], $0xffff  }
0x2b6: {  	v10 =	vld.idx.msk [tilespmem:v18+s13+$0x0], $0xffff;
	v9 =	vadd.f32 v13, v9  }
0x2b7: {  	v14 =	vand.u32 $0x7FFFFFFF, v14;
	v12 =	vsub.f32 v16, v12;
	v16 =	vld.idx.msk [tilespmem:v19+s14+$0x0], $0xffff  }
0x2b8: {  	v13 =	vld.idx.msk [tilespmem:v19+s13+$0x0], $0xffff;
	v9 =	vadd.f32 v14, v9  }
0x2b9: {  	v12 =	vand.u32 $0x7FFFFFFF, v12;
	v11 =	vsub.f32 v11, v15  }
0x2ba: {  	v9 =	vadd.f32 v12, v9  }
0x2bb: {  	s29 =	simm.s32 $0x0;
	v11 =	vand.u32 $0x7FFFFFFF, v11;
	v10 =	vsub.f32 v10, v17  }
0x2bc: {  	v9 =	vadd.f32 v11, v9;
	v11 =	vadd.s32 s29, v0  }
0x2bd: {  	s30 =	simm.s32 $0x1;
	v10 =	vand.u32 $0x7FFFFFFF, v10;
	v12 =	vsub.f32 v13, v16;
	v11 =	vand.u32 $0x7F, v11  }
0x2be: {  	v9 =	vadd.f32 v10, v9;
	v10 =	vadd.s32 s30, v0;
	v11 =	vor.u32 v4, v11  }
0x2bf: {  	s31 =	simm.s32 $0x2;
	v12 =	vand.u32 $0x7FFFFFFF, v12;
	v10 =	vand.u32 $0x7F, v10  }
0x2c0: {  	v9 =	vadd.f32 v12, v9;
	v12 =	vadd.s32 s31, v0;
	v10 =	vor.u32 v4, v10  }
0x2c1: {  	s24 =	simm.s32 $0x3;
	v12 =	vand.u32 $0x7F, v12  }
0x2c2: {  	[tilespmem:s22+$0x180A0] =	vst v9;
	v9 =	vadd.s32 s24, v0;
	v12 =	vor.u32 v4, v12  }
0x2c3: {  	s25 =	simm.s32 $0x4;
	v14 =	vld.idx.msk [tilespmem:v11+s13+$0x0], $0xffff;
	v9 =	vand.u32 $0x7F, v9  }
0x2c4: {  	v13 =	vadd.s32 s25, v0;
	v15 =	vld.idx.msk [tilespmem:v11+s14+$0x0], $0xffff;
	v16 =	vor.u32 v4, v9  }
0x2c5: {  	s26 =	simm.s32 $0x5;
	v9 =	vand.u32 $0x7F, v13;
	v17 =	vld.idx.msk [tilespmem:v10+s13+$0x0], $0xffff  }
0x2c6: {  	v20 =	vld.idx.msk [tilespmem:v10+s14+$0x0], $0xffff;
	v22 =	vor.u32 v4, v9;
	v9 =	vadd.s32 s26, v0  }
0x2c7: {  	s29 =	simm.s32 $0x6;
	v9 =	vand.u32 $0x7F, v9;
	v11 =	vld.idx.msk [tilespmem:v12+s13+$0x0], $0xffff  }
0x2c8: {  	v10 =	vadd.s32 s29, v0;
	v12 =	vld.idx.msk [tilespmem:v12+s14+$0x0], $0xffff;
	v13 =	vor.u32 v4, v9  }
0x2c9: {  	s30 =	simm.s32 $0x7;
	v10 =	vand.u32 $0x7F, v10;
	v9 =	vld.idx.msk [tilespmem:v16+s13+$0x0], $0xffff  }
0x2ca: {  	v21 =	vadd.s32 s30, v0;
	s31 =	simm.s32 $0x8;
	v23 =	vsub.f32 v14, v15;
	v14 =	vor.u32 v4, v10;
	v15 =	vld.idx.msk [tilespmem:v16+s14+$0x0], $0xffff  }
0x2cb: {  	v18 =	vimm.f32 $0.0e+00;
	v19 =	vadd.s32 s31, v0;
	v16 =	vand.u32 $0x7F, v21;
	v10 =	vld.idx.msk [tilespmem:v22+s13+$0x0], $0xffff  }
0x2cc: {  	s23 =	simm.s32 $0xF;
	s25 =	simm.s32 $0x9;
	s24 =	simm.s32 $0x17;
	v21 =	vand.u32 $0x7FFFFFFF, v23;
	v20 =	vsub.f32 v17, v20;
	v17 =	vld.idx.msk [tilespmem:v22+s14+$0x0], $0xffff;
	v16 =	vor.u32 v4, v16  }
.LBB2_25:
0x2cd: {  	p0 =	sne.s32 s24, $0x7F;
	v19 =	vand.u32 $0x7F, v19;
	v22 =	vadd.s32 s25, v0;
	v18 =	vadd.f32 v21, v18;
	v21 =	vld.idx.msk [tilespmem:v13+s13+$0x0], $0xffff  }
0x2ce: {  	s25 =	sadd.s32 $0xFFFFFFFB, s23;
	v11 =	vsub.f32 v11, v12;
	v19 =	vor.u32 v4, v19;
	v20 =	vand.u32 $0x7FFFFFFF, v20;
	v12 =	vld.idx.msk [tilespmem:v13+s14+$0x0], $0xffff  }
0x2cf: {  	v13 =	vand.u32 $0x7F, v22;
	v22 =	vadd.s32 s25, v0;
	v18 =	vadd.f32 v20, v18;
	v20 =	vld.idx.msk [tilespmem:v14+s13+$0x0], $0xffff  }
0x2d0: {  	s25 =	sadd.s32 $0xFFFFFFFC, s23;
	v13 =	vor.u32 v4, v13;
	v11 =	vand.u32 $0x7FFFFFFF, v11;
	v9 =	vsub.f32 v9, v15;
	v14 =	vld.idx.msk [tilespmem:v14+s14+$0x0], $0xffff  }
0x2d1: {  	v15 =	vand.u32 $0x7F, v22;
	v22 =	vadd.s32 s25, v0;
	v11 =	vadd.f32 v11, v18;
	v18 =	vld.idx.msk [tilespmem:v16+s13+$0x0], $0xffff  }
0x2d2: {  	s25 =	sadd.s32 $0xFFFFFFFD, s23;
	v15 =	vor.u32 v4, v15;
	v9 =	vand.u32 $0x7FFFFFFF, v9;
	v10 =	vsub.f32 v10, v17;
	v16 =	vld.idx.msk [tilespmem:v16+s14+$0x0], $0xffff  }
0x2d3: {  	v22 =	vand.u32 $0x7F, v22;
	v23 =	vadd.s32 s25, v0;
	v17 =	vld.idx.msk [tilespmem:v19+s13+$0x0], $0xffff;
	v9 =	vadd.f32 v9, v11  }
0x2d4: {  	s25 =	sadd.s32 $0xFFFFFFFE, s23;
	v22 =	vor.u32 v4, v22;
	v10 =	vand.u32 $0x7FFFFFFF, v10;
	v11 =	vsub.f32 v21, v12;
	v19 =	vld.idx.msk [tilespmem:v19+s14+$0x0], $0xffff  }
0x2d5: {  	v12 =	vand.u32 $0x7F, v23;
	v21 =	vadd.s32 s25, v0;
	v24 =	vld.idx.msk [tilespmem:v13+s13+$0x0], $0xffff;
	v9 =	vadd.f32 v10, v9  }
0x2d6: {  	s25 =	sadd.s32 $0xFFFFFFFF, s23;
	v25 =	vor.u32 v4, v12;
	v10 =	vand.u32 $0x7FFFFFFF, v11;
	v14 =	vsub.f32 v20, v14;
	v23 =	vld.idx.msk [tilespmem:v13+s14+$0x0], $0xffff  }
0x2d7: {  	v20 =	vadd.s32 s25, v0;
	v13 =	vand.u32 $0x7F, v21;
	v11 =	vld.idx.msk [tilespmem:v15+s13+$0x0], $0xffff;
	v10 =	vadd.f32 v10, v9  }
.Ltmp11:
0x2d8: {  	v13 =	vor.u32 v4, v13;
	v14 =	vand.u32 $0x7FFFFFFF, v14;
	v16 =	vsub.f32 v18, v16;
	v12 =	vld.idx.msk [tilespmem:v15+s14+$0x0], $0xffff;
	(pc) =	sbr.rel @p0 .LBB2_25-.Ltmp11, $4  }
0x2d9: {  	v18 =	vand.u32 $0x7F, v20;
	v20 =	vadd.s32 s23, v0;
	s23 =	smov.u32 s24;
	v9 =	vld.idx.msk [tilespmem:v22+s13+$0x0], $0xffff;
	v21 =	vadd.f32 v14, v10  }
0x2da: {  	s25 =	sadd.s32 $0xFFFFFFF9, s24;
	v17 =	vsub.f32 v17, v19;
	v14 =	vor.u32 v4, v18;
	v16 =	vand.u32 $0x7FFFFFFF, v16;
	v15 =	vld.idx.msk [tilespmem:v22+s14+$0x0], $0xffff  }
0x2db: {  	v19 =	vadd.s32 s25, v0;
	v22 =	vand.u32 $0x7F, v20;
	v10 =	vld.idx.msk [tilespmem:v25+s13+$0x0], $0xffff;
	v18 =	vadd.f32 v16, v21  }
0x2dc: {  	s24 =	sadd.s32 $0x8, s24;
	s25 =	sadd.s32 $0xFFFFFFFA, s23;
	v21 =	vand.u32 $0x7FFFFFFF, v17;
	v20 =	vsub.f32 v24, v23;
	v16 =	vor.u32 v4, v22;
	v17 =	vld.idx.msk [tilespmem:v25+s14+$0x0], $0xffff  }
0x2dd: {  	_ =	sdelay $0x2  }
0x2de: {  	v18 =	vadd.f32 v21, v18  }
0x2df: {  	v19 =	vand.u32 $0x7F, v19;
	v21 =	vld.idx.msk [tilespmem:v13+s13+$0x0], $0xffff;
	v11 =	vsub.f32 v11, v12;
	v20 =	vand.u32 $0x7FFFFFFF, v20  }
0x2e0: {  	v12 =	vadd.s32 s25, v0;
	v13 =	vld.idx.msk [tilespmem:v13+s14+$0x0], $0xffff;
	v19 =	vor.u32 v4, v19;
	v18 =	vadd.f32 v20, v18  }
0x2e1: {  	s24 =	sadd.s32 $0xFFFFFFFB, s23;
	v12 =	vand.u32 $0x7F, v12;
	v20 =	vld.idx.msk [tilespmem:v14+s13+$0x0], $0xffff;
	v11 =	vand.u32 $0x7FFFFFFF, v11;
	v9 =	vsub.f32 v9, v15  }
0x2e2: {  	v15 =	vadd.s32 s24, v0;
	v12 =	vor.u32 v4, v12;
	v14 =	vld.idx.msk [tilespmem:v14+s14+$0x0], $0xffff;
	v11 =	vadd.f32 v11, v18  }
0x2e3: {  	s30 =	sadd.s32 $0xFFFFFFFC, s23;
	v15 =	vand.u32 $0x7F, v15;
	v18 =	vld.idx.msk [tilespmem:v16+s13+$0x0], $0xffff;
	v9 =	vand.u32 $0x7FFFFFFF, v9;
	v10 =	vsub.f32 v10, v17  }
0x2e4: {  	v17 =	vadd.s32 s30, v0;
	v15 =	vor.u32 v4, v15;
	v16 =	vld.idx.msk [tilespmem:v16+s14+$0x0], $0xffff;
	v9 =	vadd.f32 v9, v11  }
0x2e5: {  	s31 =	sadd.s32 $0xFFFFFFFD, s23;
	v17 =	vand.u32 $0x7F, v17;
	v13 =	vsub.f32 v21, v13;
	v11 =	vld.idx.msk [tilespmem:v19+s13+$0x0], $0xffff;
	v10 =	vand.u32 $0x7FFFFFFF, v10  }
0x2e6: {  	v21 =	vadd.s32 s31, v0;
	v19 =	vld.idx.msk [tilespmem:v19+s14+$0x0], $0xffff;
	v17 =	vor.u32 v4, v17;
	v9 =	vadd.f32 v10, v9  }
0x2e7: {  	s25 =	sadd.s32 $0xFFFFFFFE, s23;
	v21 =	vand.u32 $0x7F, v21;
	v13 =	vand.u32 $0x7FFFFFFF, v13;
	v14 =	vsub.f32 v20, v14;
	v10 =	vld.idx.msk [tilespmem:v12+s13+$0x0], $0xffff  }
0x2e8: {  	v20 =	vadd.s32 s25, v0;
	v21 =	vor.u32 v4, v21;
	v12 =	vld.idx.msk [tilespmem:v12+s14+$0x0], $0xffff;
	v9 =	vadd.f32 v13, v9  }
0x2e9: {  	s26 =	sadd.s32 $0xFFFFFFFF, s23;
	v20 =	vand.u32 $0x7F, v20;
	v14 =	vand.u32 $0x7FFFFFFF, v14;
	v16 =	vsub.f32 v18, v16;
	v13 =	vld.idx.msk [tilespmem:v15+s13+$0x0], $0xffff  }
0x2ea: {  	v18 =	vadd.s32 s26, v0;
	v20 =	vor.u32 v4, v20;
	v15 =	vld.idx.msk [tilespmem:v15+s14+$0x0], $0xffff;
	v9 =	vadd.f32 v14, v9  }
0x2eb: {  	v18 =	vand.u32 $0x7F, v18;
	v11 =	vsub.f32 v11, v19;
	v16 =	vand.u32 $0x7FFFFFFF, v16;
	v14 =	vld.idx.msk [tilespmem:v17+s13+$0x0], $0xffff  }
0x2ec: {  	v19 =	vadd.s32 s23, v0;
	v18 =	vor.u32 v4, v18;
	v17 =	vld.idx.msk [tilespmem:v17+s14+$0x0], $0xffff;
	v9 =	vadd.f32 v16, v9  }
0x2ed: {  	v19 =	vand.u32 $0x7F, v19;
	v11 =	vand.u32 $0x7FFFFFFF, v11;
	v10 =	vsub.f32 v10, v12;
	v12 =	vld.idx.msk [tilespmem:v21+s14+$0x0], $0xffff  }
0x2ee: {  	v19 =	vor.u32 v4, v19;
	v16 =	vld.idx.msk [tilespmem:v21+s13+$0x0], $0xffff;
	v9 =	vadd.f32 v11, v9  }
0x2ef: {  	v10 =	vand.u32 $0x7FFFFFFF, v10;
	v13 =	vsub.f32 v13, v15;
	v15 =	vld.idx.msk [tilespmem:v20+s14+$0x0], $0xffff  }
0x2f0: {  	v11 =	vld.idx.msk [tilespmem:v20+s13+$0x0], $0xffff;
	v9 =	vadd.f32 v10, v9  }
0x2f1: {  	v13 =	vand.u32 $0x7FFFFFFF, v13;
	v14 =	vsub.f32 v14, v17;
	v17 =	vld.idx.msk [tilespmem:v18+s14+$0x0], $0xffff  }
0x2f2: {  	v10 =	vld.idx.msk [tilespmem:v18+s13+$0x0], $0xffff;
	v9 =	vadd.f32 v13, v9  }
0x2f3: {  	v14 =	vand.u32 $0x7FFFFFFF, v14;
	v12 =	vsub.f32 v16, v12;
	v16 =	vld.idx.msk [tilespmem:v19+s14+$0x0], $0xffff  }
0x2f4: {  	v13 =	vld.idx.msk [tilespmem:v19+s13+$0x0], $0xffff;
	v9 =	vadd.f32 v14, v9  }
0x2f5: {  	v12 =	vand.u32 $0x7FFFFFFF, v12;
	v11 =	vsub.f32 v11, v15  }
0x2f6: {  	v9 =	vadd.f32 v12, v9  }
0x2f7: {  	s29 =	simm.s32 $0x0;
	v11 =	vand.u32 $0x7FFFFFFF, v11;
	v10 =	vsub.f32 v10, v17  }
0x2f8: {  	v9 =	vadd.f32 v11, v9;
	v11 =	vadd.s32 s29, v0  }
0x2f9: {  	s30 =	simm.s32 $0x1;
	v10 =	vand.u32 $0x7FFFFFFF, v10;
	v12 =	vsub.f32 v13, v16;
	v11 =	vand.u32 $0x7F, v11  }
0x2fa: {  	v9 =	vadd.f32 v10, v9;
	v10 =	vadd.s32 s30, v0;
	v11 =	vor.u32 v5, v11  }
0x2fb: {  	s31 =	simm.s32 $0x2;
	v12 =	vand.u32 $0x7FFFFFFF, v12;
	v10 =	vand.u32 $0x7F, v10  }
0x2fc: {  	v9 =	vadd.f32 v12, v9;
	v12 =	vadd.s32 s31, v0;
	v10 =	vor.u32 v5, v10  }
0x2fd: {  	s24 =	simm.s32 $0x3;
	v12 =	vand.u32 $0x7F, v12  }
0x2fe: {  	[tilespmem:s22+$0x180B0] =	vst v9;
	v9 =	vadd.s32 s24, v0;
	v12 =	vor.u32 v5, v12  }
0x2ff: {  	s25 =	simm.s32 $0x4;
	v14 =	vld.idx.msk [tilespmem:v11+s13+$0x0], $0xffff;
	v9 =	vand.u32 $0x7F, v9  }
0x300: {  	v13 =	vadd.s32 s25, v0;
	v15 =	vld.idx.msk [tilespmem:v11+s14+$0x0], $0xffff;
	v16 =	vor.u32 v5, v9  }
0x301: {  	s26 =	simm.s32 $0x5;
	v9 =	vand.u32 $0x7F, v13;
	v17 =	vld.idx.msk [tilespmem:v10+s13+$0x0], $0xffff  }
0x302: {  	v20 =	vld.idx.msk [tilespmem:v10+s14+$0x0], $0xffff;
	v22 =	vor.u32 v5, v9;
	v9 =	vadd.s32 s26, v0  }
0x303: {  	s29 =	simm.s32 $0x6;
	v9 =	vand.u32 $0x7F, v9;
	v11 =	vld.idx.msk [tilespmem:v12+s13+$0x0], $0xffff  }
0x304: {  	v10 =	vadd.s32 s29, v0;
	v12 =	vld.idx.msk [tilespmem:v12+s14+$0x0], $0xffff;
	v13 =	vor.u32 v5, v9  }
0x305: {  	s30 =	simm.s32 $0x7;
	v10 =	vand.u32 $0x7F, v10;
	v9 =	vld.idx.msk [tilespmem:v16+s13+$0x0], $0xffff  }
0x306: {  	v21 =	vadd.s32 s30, v0;
	s31 =	simm.s32 $0x8;
	v23 =	vsub.f32 v14, v15;
	v14 =	vor.u32 v5, v10;
	v15 =	vld.idx.msk [tilespmem:v16+s14+$0x0], $0xffff  }
0x307: {  	v18 =	vimm.f32 $0.0e+00;
	v19 =	vadd.s32 s31, v0;
	v16 =	vand.u32 $0x7F, v21;
	v10 =	vld.idx.msk [tilespmem:v22+s13+$0x0], $0xffff  }
0x308: {  	s23 =	simm.s32 $0xF;
	s25 =	simm.s32 $0x9;
	s24 =	simm.s32 $0x17;
	v21 =	vand.u32 $0x7FFFFFFF, v23;
	v20 =	vsub.f32 v17, v20;
	v17 =	vld.idx.msk [tilespmem:v22+s14+$0x0], $0xffff;
	v16 =	vor.u32 v5, v16  }
.LBB2_27:
0x309: {  	p0 =	sne.s32 s24, $0x7F;
	v19 =	vand.u32 $0x7F, v19;
	v22 =	vadd.s32 s25, v0;
	v18 =	vadd.f32 v21, v18;
	v21 =	vld.idx.msk [tilespmem:v13+s13+$0x0], $0xffff  }
0x30a: {  	s25 =	sadd.s32 $0xFFFFFFFB, s23;
	v11 =	vsub.f32 v11, v12;
	v19 =	vor.u32 v5, v19;
	v20 =	vand.u32 $0x7FFFFFFF, v20;
	v12 =	vld.idx.msk [tilespmem:v13+s14+$0x0], $0xffff  }
0x30b: {  	v13 =	vand.u32 $0x7F, v22;
	v22 =	vadd.s32 s25, v0;
	v18 =	vadd.f32 v20, v18;
	v20 =	vld.idx.msk [tilespmem:v14+s13+$0x0], $0xffff  }
0x30c: {  	s25 =	sadd.s32 $0xFFFFFFFC, s23;
	v13 =	vor.u32 v5, v13;
	v11 =	vand.u32 $0x7FFFFFFF, v11;
	v9 =	vsub.f32 v9, v15;
	v14 =	vld.idx.msk [tilespmem:v14+s14+$0x0], $0xffff  }
0x30d: {  	v15 =	vand.u32 $0x7F, v22;
	v22 =	vadd.s32 s25, v0;
	v11 =	vadd.f32 v11, v18;
	v18 =	vld.idx.msk [tilespmem:v16+s13+$0x0], $0xffff  }
0x30e: {  	s25 =	sadd.s32 $0xFFFFFFFD, s23;
	v15 =	vor.u32 v5, v15;
	v9 =	vand.u32 $0x7FFFFFFF, v9;
	v10 =	vsub.f32 v10, v17;
	v16 =	vld.idx.msk [tilespmem:v16+s14+$0x0], $0xffff  }
0x30f: {  	v22 =	vand.u32 $0x7F, v22;
	v23 =	vadd.s32 s25, v0;
	v17 =	vld.idx.msk [tilespmem:v19+s13+$0x0], $0xffff;
	v9 =	vadd.f32 v9, v11  }
0x310: {  	s25 =	sadd.s32 $0xFFFFFFFE, s23;
	v22 =	vor.u32 v5, v22;
	v10 =	vand.u32 $0x7FFFFFFF, v10;
	v11 =	vsub.f32 v21, v12;
	v19 =	vld.idx.msk [tilespmem:v19+s14+$0x0], $0xffff  }
0x311: {  	v12 =	vand.u32 $0x7F, v23;
	v21 =	vadd.s32 s25, v0;
	v24 =	vld.idx.msk [tilespmem:v13+s13+$0x0], $0xffff;
	v9 =	vadd.f32 v10, v9  }
0x312: {  	s25 =	sadd.s32 $0xFFFFFFFF, s23;
	v25 =	vor.u32 v5, v12;
	v10 =	vand.u32 $0x7FFFFFFF, v11;
	v14 =	vsub.f32 v20, v14;
	v23 =	vld.idx.msk [tilespmem:v13+s14+$0x0], $0xffff  }
0x313: {  	v20 =	vadd.s32 s25, v0;
	v13 =	vand.u32 $0x7F, v21;
	v11 =	vld.idx.msk [tilespmem:v15+s13+$0x0], $0xffff;
	v10 =	vadd.f32 v10, v9  }
.Ltmp12:
0x314: {  	v13 =	vor.u32 v5, v13;
	v14 =	vand.u32 $0x7FFFFFFF, v14;
	v16 =	vsub.f32 v18, v16;
	v12 =	vld.idx.msk [tilespmem:v15+s14+$0x0], $0xffff;
	(pc) =	sbr.rel @p0 .LBB2_27-.Ltmp12, $4  }
0x315: {  	v18 =	vand.u32 $0x7F, v20;
	v20 =	vadd.s32 s23, v0;
	s23 =	smov.u32 s24;
	v9 =	vld.idx.msk [tilespmem:v22+s13+$0x0], $0xffff;
	v21 =	vadd.f32 v14, v10  }
0x316: {  	s25 =	sadd.s32 $0xFFFFFFF9, s24;
	v17 =	vsub.f32 v17, v19;
	v14 =	vor.u32 v5, v18;
	v16 =	vand.u32 $0x7FFFFFFF, v16;
	v15 =	vld.idx.msk [tilespmem:v22+s14+$0x0], $0xffff  }
0x317: {  	v19 =	vadd.s32 s25, v0;
	v22 =	vand.u32 $0x7F, v20;
	v10 =	vld.idx.msk [tilespmem:v25+s13+$0x0], $0xffff;
	v18 =	vadd.f32 v16, v21  }
0x318: {  	s24 =	sadd.s32 $0x8, s24;
	s25 =	sadd.s32 $0xFFFFFFFA, s23;
	v21 =	vand.u32 $0x7FFFFFFF, v17;
	v20 =	vsub.f32 v24, v23;
	v16 =	vor.u32 v5, v22;
	v17 =	vld.idx.msk [tilespmem:v25+s14+$0x0], $0xffff  }
0x319: {  	_ =	sdelay $0x2  }
0x31a: {  	v18 =	vadd.f32 v21, v18  }
0x31b: {  	v19 =	vand.u32 $0x7F, v19;
	v21 =	vld.idx.msk [tilespmem:v13+s13+$0x0], $0xffff;
	v11 =	vsub.f32 v11, v12;
	v20 =	vand.u32 $0x7FFFFFFF, v20  }
0x31c: {  	v12 =	vadd.s32 s25, v0;
	v13 =	vld.idx.msk [tilespmem:v13+s14+$0x0], $0xffff;
	v19 =	vor.u32 v5, v19;
	v18 =	vadd.f32 v20, v18  }
0x31d: {  	s24 =	sadd.s32 $0xFFFFFFFB, s23;
	v12 =	vand.u32 $0x7F, v12;
	v20 =	vld.idx.msk [tilespmem:v14+s13+$0x0], $0xffff;
	v11 =	vand.u32 $0x7FFFFFFF, v11;
	v9 =	vsub.f32 v9, v15  }
0x31e: {  	v15 =	vadd.s32 s24, v0;
	v12 =	vor.u32 v5, v12;
	v14 =	vld.idx.msk [tilespmem:v14+s14+$0x0], $0xffff;
	v11 =	vadd.f32 v11, v18  }
0x31f: {  	s30 =	sadd.s32 $0xFFFFFFFC, s23;
	v15 =	vand.u32 $0x7F, v15;
	v18 =	vld.idx.msk [tilespmem:v16+s13+$0x0], $0xffff;
	v9 =	vand.u32 $0x7FFFFFFF, v9;
	v10 =	vsub.f32 v10, v17  }
0x320: {  	v17 =	vadd.s32 s30, v0;
	v15 =	vor.u32 v5, v15;
	v16 =	vld.idx.msk [tilespmem:v16+s14+$0x0], $0xffff;
	v9 =	vadd.f32 v9, v11  }
0x321: {  	s31 =	sadd.s32 $0xFFFFFFFD, s23;
	v17 =	vand.u32 $0x7F, v17;
	v13 =	vsub.f32 v21, v13;
	v11 =	vld.idx.msk [tilespmem:v19+s13+$0x0], $0xffff;
	v10 =	vand.u32 $0x7FFFFFFF, v10  }
0x322: {  	v21 =	vadd.s32 s31, v0;
	v19 =	vld.idx.msk [tilespmem:v19+s14+$0x0], $0xffff;
	v17 =	vor.u32 v5, v17;
	v9 =	vadd.f32 v10, v9  }
0x323: {  	s25 =	sadd.s32 $0xFFFFFFFE, s23;
	v21 =	vand.u32 $0x7F, v21;
	v13 =	vand.u32 $0x7FFFFFFF, v13;
	v14 =	vsub.f32 v20, v14;
	v10 =	vld.idx.msk [tilespmem:v12+s13+$0x0], $0xffff  }
0x324: {  	v20 =	vadd.s32 s25, v0;
	v21 =	vor.u32 v5, v21;
	v12 =	vld.idx.msk [tilespmem:v12+s14+$0x0], $0xffff;
	v9 =	vadd.f32 v13, v9  }
0x325: {  	s26 =	sadd.s32 $0xFFFFFFFF, s23;
	v20 =	vand.u32 $0x7F, v20;
	v14 =	vand.u32 $0x7FFFFFFF, v14;
	v16 =	vsub.f32 v18, v16;
	v13 =	vld.idx.msk [tilespmem:v15+s13+$0x0], $0xffff  }
0x326: {  	v18 =	vadd.s32 s26, v0;
	v20 =	vor.u32 v5, v20;
	v15 =	vld.idx.msk [tilespmem:v15+s14+$0x0], $0xffff;
	v9 =	vadd.f32 v14, v9  }
0x327: {  	v18 =	vand.u32 $0x7F, v18;
	v11 =	vsub.f32 v11, v19;
	v16 =	vand.u32 $0x7FFFFFFF, v16;
	v14 =	vld.idx.msk [tilespmem:v17+s13+$0x0], $0xffff  }
0x328: {  	v19 =	vadd.s32 s23, v0;
	v18 =	vor.u32 v5, v18;
	v17 =	vld.idx.msk [tilespmem:v17+s14+$0x0], $0xffff;
	v9 =	vadd.f32 v16, v9  }
0x329: {  	v19 =	vand.u32 $0x7F, v19;
	v11 =	vand.u32 $0x7FFFFFFF, v11;
	v10 =	vsub.f32 v10, v12;
	v12 =	vld.idx.msk [tilespmem:v21+s14+$0x0], $0xffff  }
0x32a: {  	v19 =	vor.u32 v5, v19;
	v16 =	vld.idx.msk [tilespmem:v21+s13+$0x0], $0xffff;
	v9 =	vadd.f32 v11, v9  }
0x32b: {  	v10 =	vand.u32 $0x7FFFFFFF, v10;
	v13 =	vsub.f32 v13, v15;
	v15 =	vld.idx.msk [tilespmem:v20+s14+$0x0], $0xffff  }
0x32c: {  	v11 =	vld.idx.msk [tilespmem:v20+s13+$0x0], $0xffff;
	v9 =	vadd.f32 v10, v9  }
0x32d: {  	v13 =	vand.u32 $0x7FFFFFFF, v13;
	v14 =	vsub.f32 v14, v17;
	v17 =	vld.idx.msk [tilespmem:v18+s14+$0x0], $0xffff  }
0x32e: {  	v10 =	vld.idx.msk [tilespmem:v18+s13+$0x0], $0xffff;
	v9 =	vadd.f32 v13, v9  }
0x32f: {  	v14 =	vand.u32 $0x7FFFFFFF, v14;
	v12 =	vsub.f32 v16, v12;
	v16 =	vld.idx.msk [tilespmem:v19+s14+$0x0], $0xffff  }
0x330: {  	v13 =	vld.idx.msk [tilespmem:v19+s13+$0x0], $0xffff;
	v9 =	vadd.f32 v14, v9  }
0x331: {  	v12 =	vand.u32 $0x7FFFFFFF, v12;
	v11 =	vsub.f32 v11, v15  }
0x332: {  	v9 =	vadd.f32 v12, v9  }
0x333: {  	s29 =	simm.s32 $0x0;
	v11 =	vand.u32 $0x7FFFFFFF, v11;
	v10 =	vsub.f32 v10, v17  }
0x334: {  	v9 =	vadd.f32 v11, v9;
	v11 =	vadd.s32 s29, v0  }
0x335: {  	s30 =	simm.s32 $0x1;
	v10 =	vand.u32 $0x7FFFFFFF, v10;
	v12 =	vsub.f32 v13, v16;
	v11 =	vand.u32 $0x7F, v11  }
0x336: {  	v9 =	vadd.f32 v10, v9;
	v10 =	vadd.s32 s30, v0;
	v11 =	vor.u32 v6, v11  }
0x337: {  	s31 =	simm.s32 $0x2;
	v12 =	vand.u32 $0x7FFFFFFF, v12;
	v10 =	vand.u32 $0x7F, v10  }
0x338: {  	v9 =	vadd.f32 v12, v9;
	v12 =	vadd.s32 s31, v0;
	v10 =	vor.u32 v6, v10  }
0x339: {  	s24 =	simm.s32 $0x3;
	v12 =	vand.u32 $0x7F, v12  }
0x33a: {  	[tilespmem:s22+$0x180C0] =	vst v9;
	v9 =	vadd.s32 s24, v0;
	v12 =	vor.u32 v6, v12  }
0x33b: {  	s25 =	simm.s32 $0x4;
	v14 =	vld.idx.msk [tilespmem:v11+s13+$0x0], $0xffff;
	v9 =	vand.u32 $0x7F, v9  }
0x33c: {  	v13 =	vadd.s32 s25, v0;
	v15 =	vld.idx.msk [tilespmem:v11+s14+$0x0], $0xffff;
	v16 =	vor.u32 v6, v9  }
0x33d: {  	s26 =	simm.s32 $0x5;
	v9 =	vand.u32 $0x7F, v13;
	v17 =	vld.idx.msk [tilespmem:v10+s13+$0x0], $0xffff  }
0x33e: {  	v20 =	vld.idx.msk [tilespmem:v10+s14+$0x0], $0xffff;
	v22 =	vor.u32 v6, v9;
	v9 =	vadd.s32 s26, v0  }
0x33f: {  	s29 =	simm.s32 $0x6;
	v9 =	vand.u32 $0x7F, v9;
	v11 =	vld.idx.msk [tilespmem:v12+s13+$0x0], $0xffff  }
0x340: {  	v10 =	vadd.s32 s29, v0;
	v12 =	vld.idx.msk [tilespmem:v12+s14+$0x0], $0xffff;
	v13 =	vor.u32 v6, v9  }
0x341: {  	s30 =	simm.s32 $0x7;
	v10 =	vand.u32 $0x7F, v10;
	v9 =	vld.idx.msk [tilespmem:v16+s13+$0x0], $0xffff  }
0x342: {  	v21 =	vadd.s32 s30, v0;
	s31 =	simm.s32 $0x8;
	v23 =	vsub.f32 v14, v15;
	v14 =	vor.u32 v6, v10;
	v15 =	vld.idx.msk [tilespmem:v16+s14+$0x0], $0xffff  }
0x343: {  	v18 =	vimm.f32 $0.0e+00;
	v19 =	vadd.s32 s31, v0;
	v16 =	vand.u32 $0x7F, v21;
	v10 =	vld.idx.msk [tilespmem:v22+s13+$0x0], $0xffff  }
0x344: {  	s23 =	simm.s32 $0xF;
	s25 =	simm.s32 $0x9;
	s24 =	simm.s32 $0x17;
	v21 =	vand.u32 $0x7FFFFFFF, v23;
	v20 =	vsub.f32 v17, v20;
	v17 =	vld.idx.msk [tilespmem:v22+s14+$0x0], $0xffff;
	v16 =	vor.u32 v6, v16  }
.LBB2_29:
0x345: {  	p0 =	sne.s32 s24, $0x7F;
	v19 =	vand.u32 $0x7F, v19;
	v22 =	vadd.s32 s25, v0;
	v18 =	vadd.f32 v21, v18;
	v21 =	vld.idx.msk [tilespmem:v13+s13+$0x0], $0xffff  }
0x346: {  	s25 =	sadd.s32 $0xFFFFFFFB, s23;
	v11 =	vsub.f32 v11, v12;
	v19 =	vor.u32 v6, v19;
	v20 =	vand.u32 $0x7FFFFFFF, v20;
	v12 =	vld.idx.msk [tilespmem:v13+s14+$0x0], $0xffff  }
0x347: {  	v13 =	vand.u32 $0x7F, v22;
	v22 =	vadd.s32 s25, v0;
	v18 =	vadd.f32 v20, v18;
	v20 =	vld.idx.msk [tilespmem:v14+s13+$0x0], $0xffff  }
0x348: {  	s25 =	sadd.s32 $0xFFFFFFFC, s23;
	v13 =	vor.u32 v6, v13;
	v11 =	vand.u32 $0x7FFFFFFF, v11;
	v9 =	vsub.f32 v9, v15;
	v14 =	vld.idx.msk [tilespmem:v14+s14+$0x0], $0xffff  }
0x349: {  	v15 =	vand.u32 $0x7F, v22;
	v22 =	vadd.s32 s25, v0;
	v11 =	vadd.f32 v11, v18;
	v18 =	vld.idx.msk [tilespmem:v16+s13+$0x0], $0xffff  }
0x34a: {  	s25 =	sadd.s32 $0xFFFFFFFD, s23;
	v15 =	vor.u32 v6, v15;
	v9 =	vand.u32 $0x7FFFFFFF, v9;
	v10 =	vsub.f32 v10, v17;
	v16 =	vld.idx.msk [tilespmem:v16+s14+$0x0], $0xffff  }
0x34b: {  	v22 =	vand.u32 $0x7F, v22;
	v23 =	vadd.s32 s25, v0;
	v17 =	vld.idx.msk [tilespmem:v19+s13+$0x0], $0xffff;
	v9 =	vadd.f32 v9, v11  }
0x34c: {  	s25 =	sadd.s32 $0xFFFFFFFE, s23;
	v22 =	vor.u32 v6, v22;
	v10 =	vand.u32 $0x7FFFFFFF, v10;
	v11 =	vsub.f32 v21, v12;
	v19 =	vld.idx.msk [tilespmem:v19+s14+$0x0], $0xffff  }
0x34d: {  	v12 =	vand.u32 $0x7F, v23;
	v21 =	vadd.s32 s25, v0;
	v24 =	vld.idx.msk [tilespmem:v13+s13+$0x0], $0xffff;
	v9 =	vadd.f32 v10, v9  }
0x34e: {  	s25 =	sadd.s32 $0xFFFFFFFF, s23;
	v25 =	vor.u32 v6, v12;
	v10 =	vand.u32 $0x7FFFFFFF, v11;
	v14 =	vsub.f32 v20, v14;
	v23 =	vld.idx.msk [tilespmem:v13+s14+$0x0], $0xffff  }
0x34f: {  	v20 =	vadd.s32 s25, v0;
	v13 =	vand.u32 $0x7F, v21;
	v11 =	vld.idx.msk [tilespmem:v15+s13+$0x0], $0xffff;
	v10 =	vadd.f32 v10, v9  }
.Ltmp13:
0x350: {  	v13 =	vor.u32 v6, v13;
	v14 =	vand.u32 $0x7FFFFFFF, v14;
	v16 =	vsub.f32 v18, v16;
	v12 =	vld.idx.msk [tilespmem:v15+s14+$0x0], $0xffff;
	(pc) =	sbr.rel @p0 .LBB2_29-.Ltmp13, $4  }
0x351: {  	v18 =	vand.u32 $0x7F, v20;
	v20 =	vadd.s32 s23, v0;
	s23 =	smov.u32 s24;
	v9 =	vld.idx.msk [tilespmem:v22+s13+$0x0], $0xffff;
	v21 =	vadd.f32 v14, v10  }
0x352: {  	s25 =	sadd.s32 $0xFFFFFFF9, s24;
	v17 =	vsub.f32 v17, v19;
	v14 =	vor.u32 v6, v18;
	v16 =	vand.u32 $0x7FFFFFFF, v16;
	v15 =	vld.idx.msk [tilespmem:v22+s14+$0x0], $0xffff  }
0x353: {  	v19 =	vadd.s32 s25, v0;
	v22 =	vand.u32 $0x7F, v20;
	v10 =	vld.idx.msk [tilespmem:v25+s13+$0x0], $0xffff;
	v18 =	vadd.f32 v16, v21  }
0x354: {  	s24 =	sadd.s32 $0x8, s24;
	s25 =	sadd.s32 $0xFFFFFFFA, s23;
	v21 =	vand.u32 $0x7FFFFFFF, v17;
	v20 =	vsub.f32 v24, v23;
	v16 =	vor.u32 v6, v22;
	v17 =	vld.idx.msk [tilespmem:v25+s14+$0x0], $0xffff  }
0x355: {  	_ =	sdelay $0x2  }
0x356: {  	v18 =	vadd.f32 v21, v18  }
0x357: {  	v19 =	vand.u32 $0x7F, v19;
	v21 =	vld.idx.msk [tilespmem:v13+s13+$0x0], $0xffff;
	v11 =	vsub.f32 v11, v12;
	v20 =	vand.u32 $0x7FFFFFFF, v20  }
0x358: {  	v12 =	vadd.s32 s25, v0;
	v13 =	vld.idx.msk [tilespmem:v13+s14+$0x0], $0xffff;
	v19 =	vor.u32 v6, v19;
	v18 =	vadd.f32 v20, v18  }
0x359: {  	s24 =	sadd.s32 $0xFFFFFFFB, s23;
	v12 =	vand.u32 $0x7F, v12;
	v20 =	vld.idx.msk [tilespmem:v14+s13+$0x0], $0xffff;
	v11 =	vand.u32 $0x7FFFFFFF, v11;
	v9 =	vsub.f32 v9, v15  }
0x35a: {  	v15 =	vadd.s32 s24, v0;
	v12 =	vor.u32 v6, v12;
	v14 =	vld.idx.msk [tilespmem:v14+s14+$0x0], $0xffff;
	v11 =	vadd.f32 v11, v18  }
0x35b: {  	s30 =	sadd.s32 $0xFFFFFFFC, s23;
	v15 =	vand.u32 $0x7F, v15;
	v18 =	vld.idx.msk [tilespmem:v16+s13+$0x0], $0xffff;
	v9 =	vand.u32 $0x7FFFFFFF, v9;
	v10 =	vsub.f32 v10, v17  }
0x35c: {  	v17 =	vadd.s32 s30, v0;
	v15 =	vor.u32 v6, v15;
	v16 =	vld.idx.msk [tilespmem:v16+s14+$0x0], $0xffff;
	v9 =	vadd.f32 v9, v11  }
0x35d: {  	s31 =	sadd.s32 $0xFFFFFFFD, s23;
	v17 =	vand.u32 $0x7F, v17;
	v13 =	vsub.f32 v21, v13;
	v11 =	vld.idx.msk [tilespmem:v19+s13+$0x0], $0xffff;
	v10 =	vand.u32 $0x7FFFFFFF, v10  }
0x35e: {  	v21 =	vadd.s32 s31, v0;
	v19 =	vld.idx.msk [tilespmem:v19+s14+$0x0], $0xffff;
	v17 =	vor.u32 v6, v17;
	v9 =	vadd.f32 v10, v9  }
0x35f: {  	s25 =	sadd.s32 $0xFFFFFFFE, s23;
	v21 =	vand.u32 $0x7F, v21;
	v13 =	vand.u32 $0x7FFFFFFF, v13;
	v14 =	vsub.f32 v20, v14;
	v10 =	vld.idx.msk [tilespmem:v12+s13+$0x0], $0xffff  }
0x360: {  	v20 =	vadd.s32 s25, v0;
	v21 =	vor.u32 v6, v21;
	v12 =	vld.idx.msk [tilespmem:v12+s14+$0x0], $0xffff;
	v9 =	vadd.f32 v13, v9  }
0x361: {  	s26 =	sadd.s32 $0xFFFFFFFF, s23;
	v20 =	vand.u32 $0x7F, v20;
	v14 =	vand.u32 $0x7FFFFFFF, v14;
	v16 =	vsub.f32 v18, v16;
	v13 =	vld.idx.msk [tilespmem:v15+s13+$0x0], $0xffff  }
0x362: {  	v18 =	vadd.s32 s26, v0;
	v20 =	vor.u32 v6, v20;
	v15 =	vld.idx.msk [tilespmem:v15+s14+$0x0], $0xffff;
	v9 =	vadd.f32 v14, v9  }
0x363: {  	v18 =	vand.u32 $0x7F, v18;
	v11 =	vsub.f32 v11, v19;
	v16 =	vand.u32 $0x7FFFFFFF, v16;
	v14 =	vld.idx.msk [tilespmem:v17+s13+$0x0], $0xffff  }
0x364: {  	v19 =	vadd.s32 s23, v0;
	v18 =	vor.u32 v6, v18;
	v17 =	vld.idx.msk [tilespmem:v17+s14+$0x0], $0xffff;
	v9 =	vadd.f32 v16, v9  }
0x365: {  	v19 =	vand.u32 $0x7F, v19;
	v11 =	vand.u32 $0x7FFFFFFF, v11;
	v10 =	vsub.f32 v10, v12;
	v12 =	vld.idx.msk [tilespmem:v21+s14+$0x0], $0xffff  }
0x366: {  	v19 =	vor.u32 v6, v19;
	v16 =	vld.idx.msk [tilespmem:v21+s13+$0x0], $0xffff;
	v9 =	vadd.f32 v11, v9  }
0x367: {  	v10 =	vand.u32 $0x7FFFFFFF, v10;
	v13 =	vsub.f32 v13, v15;
	v15 =	vld.idx.msk [tilespmem:v20+s14+$0x0], $0xffff  }
0x368: {  	v11 =	vld.idx.msk [tilespmem:v20+s13+$0x0], $0xffff;
	v9 =	vadd.f32 v10, v9  }
0x369: {  	v13 =	vand.u32 $0x7FFFFFFF, v13;
	v14 =	vsub.f32 v14, v17;
	v17 =	vld.idx.msk [tilespmem:v18+s14+$0x0], $0xffff  }
0x36a: {  	v10 =	vld.idx.msk [tilespmem:v18+s13+$0x0], $0xffff;
	v9 =	vadd.f32 v13, v9  }
0x36b: {  	v14 =	vand.u32 $0x7FFFFFFF, v14;
	v12 =	vsub.f32 v16, v12;
	v16 =	vld.idx.msk [tilespmem:v19+s14+$0x0], $0xffff  }
0x36c: {  	v13 =	vld.idx.msk [tilespmem:v19+s13+$0x0], $0xffff;
	v9 =	vadd.f32 v14, v9  }
0x36d: {  	v12 =	vand.u32 $0x7FFFFFFF, v12;
	v11 =	vsub.f32 v11, v15  }
0x36e: {  	v9 =	vadd.f32 v12, v9  }
0x36f: {  	s29 =	simm.s32 $0x0;
	v11 =	vand.u32 $0x7FFFFFFF, v11;
	v10 =	vsub.f32 v10, v17  }
0x370: {  	v9 =	vadd.f32 v11, v9;
	v11 =	vadd.s32 s29, v0  }
0x371: {  	s30 =	simm.s32 $0x1;
	v10 =	vand.u32 $0x7FFFFFFF, v10;
	v12 =	vsub.f32 v13, v16;
	v11 =	vand.u32 $0x7F, v11  }
0x372: {  	v9 =	vadd.f32 v10, v9;
	v10 =	vadd.s32 s30, v0;
	v11 =	vor.u32 v7, v11  }
0x373: {  	s31 =	simm.s32 $0x2;
	v12 =	vand.u32 $0x7FFFFFFF, v12;
	v10 =	vand.u32 $0x7F, v10  }
0x374: {  	v9 =	vadd.f32 v12, v9;
	v12 =	vadd.s32 s31, v0;
	v10 =	vor.u32 v7, v10  }
0x375: {  	s24 =	simm.s32 $0x3;
	v12 =	vand.u32 $0x7F, v12  }
0x376: {  	[tilespmem:s22+$0x180D0] =	vst v9;
	v9 =	vadd.s32 s24, v0;
	v12 =	vor.u32 v7, v12  }
0x377: {  	s25 =	simm.s32 $0x4;
	v14 =	vld.idx.msk [tilespmem:v11+s13+$0x0], $0xffff;
	v9 =	vand.u32 $0x7F, v9  }
0x378: {  	v13 =	vadd.s32 s25, v0;
	v15 =	vld.idx.msk [tilespmem:v11+s14+$0x0], $0xffff;
	v16 =	vor.u32 v7, v9  }
0x379: {  	s26 =	simm.s32 $0x5;
	v9 =	vand.u32 $0x7F, v13;
	v17 =	vld.idx.msk [tilespmem:v10+s13+$0x0], $0xffff  }
0x37a: {  	v20 =	vld.idx.msk [tilespmem:v10+s14+$0x0], $0xffff;
	v22 =	vor.u32 v7, v9;
	v9 =	vadd.s32 s26, v0  }
0x37b: {  	s29 =	simm.s32 $0x6;
	v9 =	vand.u32 $0x7F, v9;
	v11 =	vld.idx.msk [tilespmem:v12+s13+$0x0], $0xffff  }
0x37c: {  	v10 =	vadd.s32 s29, v0;
	v12 =	vld.idx.msk [tilespmem:v12+s14+$0x0], $0xffff;
	v13 =	vor.u32 v7, v9  }
0x37d: {  	s30 =	simm.s32 $0x7;
	v10 =	vand.u32 $0x7F, v10;
	v9 =	vld.idx.msk [tilespmem:v16+s13+$0x0], $0xffff  }
0x37e: {  	v21 =	vadd.s32 s30, v0;
	s31 =	simm.s32 $0x8;
	v23 =	vsub.f32 v14, v15;
	v14 =	vor.u32 v7, v10;
	v15 =	vld.idx.msk [tilespmem:v16+s14+$0x0], $0xffff  }
0x37f: {  	v18 =	vimm.f32 $0.0e+00;
	v19 =	vadd.s32 s31, v0;
	v16 =	vand.u32 $0x7F, v21;
	v10 =	vld.idx.msk [tilespmem:v22+s13+$0x0], $0xffff  }
0x380: {  	s23 =	simm.s32 $0xF;
	s25 =	simm.s32 $0x9;
	s24 =	simm.s32 $0x17;
	v21 =	vand.u32 $0x7FFFFFFF, v23;
	v20 =	vsub.f32 v17, v20;
	v17 =	vld.idx.msk [tilespmem:v22+s14+$0x0], $0xffff;
	v16 =	vor.u32 v7, v16  }
.LBB2_31:
0x381: {  	p0 =	sne.s32 s24, $0x7F;
	v19 =	vand.u32 $0x7F, v19;
	v22 =	vadd.s32 s25, v0;
	v18 =	vadd.f32 v21, v18;
	v21 =	vld.idx.msk [tilespmem:v13+s13+$0x0], $0xffff  }
0x382: {  	s25 =	sadd.s32 $0xFFFFFFFB, s23;
	v11 =	vsub.f32 v11, v12;
	v19 =	vor.u32 v7, v19;
	v20 =	vand.u32 $0x7FFFFFFF, v20;
	v12 =	vld.idx.msk [tilespmem:v13+s14+$0x0], $0xffff  }
0x383: {  	v13 =	vand.u32 $0x7F, v22;
	v22 =	vadd.s32 s25, v0;
	v18 =	vadd.f32 v20, v18;
	v20 =	vld.idx.msk [tilespmem:v14+s13+$0x0], $0xffff  }
0x384: {  	s25 =	sadd.s32 $0xFFFFFFFC, s23;
	v13 =	vor.u32 v7, v13;
	v11 =	vand.u32 $0x7FFFFFFF, v11;
	v9 =	vsub.f32 v9, v15;
	v14 =	vld.idx.msk [tilespmem:v14+s14+$0x0], $0xffff  }
0x385: {  	v15 =	vand.u32 $0x7F, v22;
	v22 =	vadd.s32 s25, v0;
	v11 =	vadd.f32 v11, v18;
	v18 =	vld.idx.msk [tilespmem:v16+s13+$0x0], $0xffff  }
0x386: {  	s25 =	sadd.s32 $0xFFFFFFFD, s23;
	v15 =	vor.u32 v7, v15;
	v9 =	vand.u32 $0x7FFFFFFF, v9;
	v10 =	vsub.f32 v10, v17;
	v16 =	vld.idx.msk [tilespmem:v16+s14+$0x0], $0xffff  }
0x387: {  	v22 =	vand.u32 $0x7F, v22;
	v23 =	vadd.s32 s25, v0;
	v17 =	vld.idx.msk [tilespmem:v19+s13+$0x0], $0xffff;
	v9 =	vadd.f32 v9, v11  }
0x388: {  	s25 =	sadd.s32 $0xFFFFFFFE, s23;
	v22 =	vor.u32 v7, v22;
	v10 =	vand.u32 $0x7FFFFFFF, v10;
	v11 =	vsub.f32 v21, v12;
	v19 =	vld.idx.msk [tilespmem:v19+s14+$0x0], $0xffff  }
0x389: {  	v12 =	vand.u32 $0x7F, v23;
	v21 =	vadd.s32 s25, v0;
	v24 =	vld.idx.msk [tilespmem:v13+s13+$0x0], $0xffff;
	v9 =	vadd.f32 v10, v9  }
0x38a: {  	s25 =	sadd.s32 $0xFFFFFFFF, s23;
	v25 =	vor.u32 v7, v12;
	v10 =	vand.u32 $0x7FFFFFFF, v11;
	v14 =	vsub.f32 v20, v14;
	v23 =	vld.idx.msk [tilespmem:v13+s14+$0x0], $0xffff  }
0x38b: {  	v20 =	vadd.s32 s25, v0;
	v13 =	vand.u32 $0x7F, v21;
	v11 =	vld.idx.msk [tilespmem:v15+s13+$0x0], $0xffff;
	v10 =	vadd.f32 v10, v9  }
.Ltmp14:
0x38c: {  	v13 =	vor.u32 v7, v13;
	v14 =	vand.u32 $0x7FFFFFFF, v14;
	v16 =	vsub.f32 v18, v16;
	v12 =	vld.idx.msk [tilespmem:v15+s14+$0x0], $0xffff;
	(pc) =	sbr.rel @p0 .LBB2_31-.Ltmp14, $4  }
0x38d: {  	v18 =	vand.u32 $0x7F, v20;
	v20 =	vadd.s32 s23, v0;
	s23 =	smov.u32 s24;
	v9 =	vld.idx.msk [tilespmem:v22+s13+$0x0], $0xffff;
	v21 =	vadd.f32 v14, v10  }
0x38e: {  	s25 =	sadd.s32 $0xFFFFFFF9, s24;
	v17 =	vsub.f32 v17, v19;
	v14 =	vor.u32 v7, v18;
	v16 =	vand.u32 $0x7FFFFFFF, v16;
	v15 =	vld.idx.msk [tilespmem:v22+s14+$0x0], $0xffff  }
0x38f: {  	v19 =	vadd.s32 s25, v0;
	v22 =	vand.u32 $0x7F, v20;
	v10 =	vld.idx.msk [tilespmem:v25+s13+$0x0], $0xffff;
	v18 =	vadd.f32 v16, v21  }
0x390: {  	s24 =	sadd.s32 $0x8, s24;
	s25 =	sadd.s32 $0xFFFFFFFA, s23;
	v21 =	vand.u32 $0x7FFFFFFF, v17;
	v20 =	vsub.f32 v24, v23;
	v16 =	vor.u32 v7, v22;
	v17 =	vld.idx.msk [tilespmem:v25+s14+$0x0], $0xffff  }
0x391: {  	_ =	sdelay $0x2  }
0x392: {  	v18 =	vadd.f32 v21, v18  }
0x393: {  	v19 =	vand.u32 $0x7F, v19;
	v21 =	vld.idx.msk [tilespmem:v13+s13+$0x0], $0xffff;
	v11 =	vsub.f32 v11, v12;
	v20 =	vand.u32 $0x7FFFFFFF, v20  }
0x394: {  	v12 =	vadd.s32 s25, v0;
	v13 =	vld.idx.msk [tilespmem:v13+s14+$0x0], $0xffff;
	v19 =	vor.u32 v7, v19;
	v18 =	vadd.f32 v20, v18  }
0x395: {  	s24 =	sadd.s32 $0xFFFFFFFB, s23;
	v12 =	vand.u32 $0x7F, v12;
	v20 =	vld.idx.msk [tilespmem:v14+s13+$0x0], $0xffff;
	v11 =	vand.u32 $0x7FFFFFFF, v11;
	v9 =	vsub.f32 v9, v15  }
0x396: {  	v15 =	vadd.s32 s24, v0;
	v12 =	vor.u32 v7, v12;
	v14 =	vld.idx.msk [tilespmem:v14+s14+$0x0], $0xffff;
	v11 =	vadd.f32 v11, v18  }
0x397: {  	s30 =	sadd.s32 $0xFFFFFFFC, s23;
	v15 =	vand.u32 $0x7F, v15;
	v18 =	vld.idx.msk [tilespmem:v16+s13+$0x0], $0xffff;
	v9 =	vand.u32 $0x7FFFFFFF, v9;
	v10 =	vsub.f32 v10, v17  }
0x398: {  	v17 =	vadd.s32 s30, v0;
	v15 =	vor.u32 v7, v15;
	v16 =	vld.idx.msk [tilespmem:v16+s14+$0x0], $0xffff;
	v9 =	vadd.f32 v9, v11  }
0x399: {  	s31 =	sadd.s32 $0xFFFFFFFD, s23;
	v17 =	vand.u32 $0x7F, v17;
	v13 =	vsub.f32 v21, v13;
	v11 =	vld.idx.msk [tilespmem:v19+s13+$0x0], $0xffff;
	v10 =	vand.u32 $0x7FFFFFFF, v10  }
0x39a: {  	v21 =	vadd.s32 s31, v0;
	v19 =	vld.idx.msk [tilespmem:v19+s14+$0x0], $0xffff;
	v17 =	vor.u32 v7, v17;
	v9 =	vadd.f32 v10, v9  }
0x39b: {  	s25 =	sadd.s32 $0xFFFFFFFE, s23;
	v21 =	vand.u32 $0x7F, v21;
	v13 =	vand.u32 $0x7FFFFFFF, v13;
	v14 =	vsub.f32 v20, v14;
	v10 =	vld.idx.msk [tilespmem:v12+s13+$0x0], $0xffff  }
0x39c: {  	v20 =	vadd.s32 s25, v0;
	v21 =	vor.u32 v7, v21;
	v12 =	vld.idx.msk [tilespmem:v12+s14+$0x0], $0xffff;
	v9 =	vadd.f32 v13, v9  }
0x39d: {  	s26 =	sadd.s32 $0xFFFFFFFF, s23;
	v20 =	vand.u32 $0x7F, v20;
	v14 =	vand.u32 $0x7FFFFFFF, v14;
	v16 =	vsub.f32 v18, v16;
	v13 =	vld.idx.msk [tilespmem:v15+s13+$0x0], $0xffff  }
0x39e: {  	v18 =	vadd.s32 s26, v0;
	v20 =	vor.u32 v7, v20;
	v15 =	vld.idx.msk [tilespmem:v15+s14+$0x0], $0xffff;
	v9 =	vadd.f32 v14, v9  }
0x39f: {  	v18 =	vand.u32 $0x7F, v18;
	v11 =	vsub.f32 v11, v19;
	v16 =	vand.u32 $0x7FFFFFFF, v16;
	v14 =	vld.idx.msk [tilespmem:v17+s13+$0x0], $0xffff  }
0x3a0: {  	v19 =	vadd.s32 s23, v0;
	v18 =	vor.u32 v7, v18;
	v17 =	vld.idx.msk [tilespmem:v17+s14+$0x0], $0xffff;
	v9 =	vadd.f32 v16, v9  }
0x3a1: {  	v19 =	vand.u32 $0x7F, v19;
	v11 =	vand.u32 $0x7FFFFFFF, v11;
	v10 =	vsub.f32 v10, v12;
	v12 =	vld.idx.msk [tilespmem:v21+s14+$0x0], $0xffff  }
0x3a2: {  	v7 =	vor.u32 v7, v19;
	v16 =	vld.idx.msk [tilespmem:v21+s13+$0x0], $0xffff;
	v9 =	vadd.f32 v11, v9  }
0x3a3: {  	v10 =	vand.u32 $0x7FFFFFFF, v10;
	v13 =	vsub.f32 v13, v15;
	v15 =	vld.idx.msk [tilespmem:v20+s14+$0x0], $0xffff  }
0x3a4: {  	v11 =	vld.idx.msk [tilespmem:v20+s13+$0x0], $0xffff;
	v9 =	vadd.f32 v10, v9  }
0x3a5: {  	v13 =	vand.u32 $0x7FFFFFFF, v13;
	v14 =	vsub.f32 v14, v17;
	v17 =	vld.idx.msk [tilespmem:v18+s14+$0x0], $0xffff  }
0x3a6: {  	v10 =	vld.idx.msk [tilespmem:v18+s13+$0x0], $0xffff;
	v9 =	vadd.f32 v13, v9  }
0x3a7: {  	v14 =	vand.u32 $0x7FFFFFFF, v14;
	v12 =	vsub.f32 v16, v12;
	v13 =	vld.idx.msk [tilespmem:v7+s13+$0x0], $0xffff  }
0x3a8: {  	v7 =	vld.idx.msk [tilespmem:v7+s14+$0x0], $0xffff;
	v9 =	vadd.f32 v14, v9  }
0x3a9: {  	v12 =	vand.u32 $0x7FFFFFFF, v12;
	v11 =	vsub.f32 v11, v15  }
0x3aa: {  	v9 =	vadd.f32 v12, v9  }
0x3ab: {  	s29 =	simm.s32 $0x0;
	v11 =	vand.u32 $0x7FFFFFFF, v11;
	v10 =	vsub.f32 v10, v17  }
0x3ac: {  	v9 =	vadd.f32 v11, v9;
	v11 =	vadd.s32 s29, v0  }
0x3ad: {  	s30 =	simm.s32 $0x1;
	v10 =	vand.u32 $0x7FFFFFFF, v10;
	v7 =	vsub.f32 v13, v7;
	v11 =	vand.u32 $0x7F, v11  }
0x3ae: {  	v9 =	vadd.f32 v10, v9;
	v10 =	vadd.s32 s30, v0;
	v11 =	vor.u32 v8, v11  }
0x3af: {  	s31 =	simm.s32 $0x2;
	v7 =	vand.u32 $0x7FFFFFFF, v7;
	v10 =	vand.u32 $0x7F, v10  }
0x3b0: {  	v7 =	vadd.f32 v7, v9;
	v9 =	vadd.s32 s31, v0;
	v10 =	vor.u32 v8, v10  }
0x3b1: {  	s24 =	simm.s32 $0x3;
	v9 =	vand.u32 $0x7F, v9  }
0x3b2: {  	[tilespmem:s22+$0x180E0] =	vst v7;
	v7 =	vadd.s32 s24, v0;
	v9 =	vor.u32 v8, v9  }
0x3b3: {  	s25 =	simm.s32 $0x4;
	v13 =	vld.idx.msk [tilespmem:v11+s13+$0x0], $0xffff;
	v7 =	vand.u32 $0x7F, v7  }
0x3b4: {  	v12 =	vadd.s32 s25, v0;
	v14 =	vld.idx.msk [tilespmem:v11+s14+$0x0], $0xffff;
	v15 =	vor.u32 v8, v7  }
0x3b5: {  	s26 =	simm.s32 $0x5;
	v7 =	vand.u32 $0x7F, v12;
	v16 =	vld.idx.msk [tilespmem:v10+s13+$0x0], $0xffff  }
0x3b6: {  	v19 =	vld.idx.msk [tilespmem:v10+s14+$0x0], $0xffff;
	v21 =	vor.u32 v8, v7;
	v7 =	vadd.s32 s26, v0  }
0x3b7: {  	s29 =	simm.s32 $0x6;
	v7 =	vand.u32 $0x7F, v7;
	v10 =	vld.idx.msk [tilespmem:v9+s13+$0x0], $0xffff  }
0x3b8: {  	v11 =	vld.idx.msk [tilespmem:v9+s14+$0x0], $0xffff;
	v9 =	vadd.s32 s29, v0;
	v12 =	vor.u32 v8, v7  }
0x3b9: {  	s30 =	simm.s32 $0x7;
	v9 =	vand.u32 $0x7F, v9;
	v7 =	vld.idx.msk [tilespmem:v15+s13+$0x0], $0xffff  }
0x3ba: {  	v20 =	vadd.s32 s30, v0;
	s31 =	simm.s32 $0x8;
	v22 =	vsub.f32 v13, v14;
	v14 =	vld.idx.msk [tilespmem:v15+s14+$0x0], $0xffff;
	v13 =	vor.u32 v8, v9  }
0x3bb: {  	v17 =	vimm.f32 $0.0e+00;
	v18 =	vadd.s32 s31, v0;
	v15 =	vand.u32 $0x7F, v20;
	v9 =	vld.idx.msk [tilespmem:v21+s13+$0x0], $0xffff  }
0x3bc: {  	s23 =	simm.s32 $0xF;
	s25 =	simm.s32 $0x9;
	s24 =	simm.s32 $0x17;
	v20 =	vand.u32 $0x7FFFFFFF, v22;
	v19 =	vsub.f32 v16, v19;
	v16 =	vld.idx.msk [tilespmem:v21+s14+$0x0], $0xffff;
	v15 =	vor.u32 v8, v15  }
.LBB2_33:
0x3bd: {  	p0 =	sne.s32 s24, $0x7F;
	v18 =	vand.u32 $0x7F, v18;
	v21 =	vadd.s32 s25, v0;
	v17 =	vadd.f32 v20, v17;
	v20 =	vld.idx.msk [tilespmem:v12+s13+$0x0], $0xffff  }
0x3be: {  	s25 =	sadd.s32 $0xFFFFFFFB, s23;
	v10 =	vsub.f32 v10, v11;
	v18 =	vor.u32 v8, v18;
	v19 =	vand.u32 $0x7FFFFFFF, v19;
	v11 =	vld.idx.msk [tilespmem:v12+s14+$0x0], $0xffff  }
0x3bf: {  	v12 =	vand.u32 $0x7F, v21;
	v21 =	vadd.s32 s25, v0;
	v17 =	vadd.f32 v19, v17;
	v19 =	vld.idx.msk [tilespmem:v13+s13+$0x0], $0xffff  }
0x3c0: {  	s25 =	sadd.s32 $0xFFFFFFFC, s23;
	v12 =	vor.u32 v8, v12;
	v10 =	vand.u32 $0x7FFFFFFF, v10;
	v7 =	vsub.f32 v7, v14;
	v13 =	vld.idx.msk [tilespmem:v13+s14+$0x0], $0xffff  }
0x3c1: {  	v14 =	vand.u32 $0x7F, v21;
	v21 =	vadd.s32 s25, v0;
	v10 =	vadd.f32 v10, v17;
	v17 =	vld.idx.msk [tilespmem:v15+s13+$0x0], $0xffff  }
0x3c2: {  	s25 =	sadd.s32 $0xFFFFFFFD, s23;
	v14 =	vor.u32 v8, v14;
	v7 =	vand.u32 $0x7FFFFFFF, v7;
	v9 =	vsub.f32 v9, v16;
	v15 =	vld.idx.msk [tilespmem:v15+s14+$0x0], $0xffff  }
0x3c3: {  	v21 =	vand.u32 $0x7F, v21;
	v22 =	vadd.s32 s25, v0;
	v16 =	vld.idx.msk [tilespmem:v18+s13+$0x0], $0xffff;
	v7 =	vadd.f32 v7, v10  }
0x3c4: {  	s25 =	sadd.s32 $0xFFFFFFFE, s23;
	v21 =	vor.u32 v8, v21;
	v9 =	vand.u32 $0x7FFFFFFF, v9;
	v10 =	vsub.f32 v20, v11;
	v18 =	vld.idx.msk [tilespmem:v18+s14+$0x0], $0xffff  }
0x3c5: {  	v11 =	vand.u32 $0x7F, v22;
	v20 =	vadd.s32 s25, v0;
	v23 =	vld.idx.msk [tilespmem:v12+s13+$0x0], $0xffff;
	v7 =	vadd.f32 v9, v7  }
0x3c6: {  	s25 =	sadd.s32 $0xFFFFFFFF, s23;
	v24 =	vor.u32 v8, v11;
	v9 =	vand.u32 $0x7FFFFFFF, v10;
	v13 =	vsub.f32 v19, v13;
	v22 =	vld.idx.msk [tilespmem:v12+s14+$0x0], $0xffff  }
0x3c7: {  	v19 =	vadd.s32 s25, v0;
	v12 =	vand.u32 $0x7F, v20;
	v10 =	vld.idx.msk [tilespmem:v14+s13+$0x0], $0xffff;
	v9 =	vadd.f32 v9, v7  }
.Ltmp15:
0x3c8: {  	v12 =	vor.u32 v8, v12;
	v13 =	vand.u32 $0x7FFFFFFF, v13;
	v15 =	vsub.f32 v17, v15;
	v11 =	vld.idx.msk [tilespmem:v14+s14+$0x0], $0xffff;
	(pc) =	sbr.rel @p0 .LBB2_33-.Ltmp15, $4  }
0x3c9: {  	v17 =	vand.u32 $0x7F, v19;
	v19 =	vadd.s32 s23, v0;
	s23 =	smov.u32 s24;
	v7 =	vld.idx.msk [tilespmem:v21+s13+$0x0], $0xffff;
	v20 =	vadd.f32 v13, v9  }
0x3ca: {  	s25 =	sadd.s32 $0xFFFFFFF9, s24;
	v16 =	vsub.f32 v16, v18;
	v13 =	vor.u32 v8, v17;
	v15 =	vand.u32 $0x7FFFFFFF, v15;
	v14 =	vld.idx.msk [tilespmem:v21+s14+$0x0], $0xffff  }
0x3cb: {  	v18 =	vadd.s32 s25, v0;
	v21 =	vand.u32 $0x7F, v19;
	v9 =	vld.idx.msk [tilespmem:v24+s13+$0x0], $0xffff;
	v17 =	vadd.f32 v15, v20  }
0x3cc: {  	s24 =	sadd.s32 $0x8, s24;
	s25 =	sadd.s32 $0xFFFFFFFA, s23;
	v20 =	vand.u32 $0x7FFFFFFF, v16;
	v19 =	vsub.f32 v23, v22;
	v15 =	vor.u32 v8, v21;
	v16 =	vld.idx.msk [tilespmem:v24+s14+$0x0], $0xffff  }
0x3cd: {  	_ =	sdelay $0x2  }
0x3ce: {  	v17 =	vadd.f32 v20, v17  }
0x3cf: {  	v18 =	vand.u32 $0x7F, v18;
	v40 =	vld.idx.msk [tilespmem:v12+s13+$0x0], $0xffff;
	v10 =	vsub.f32 v10, v11;
	v19 =	vand.u32 $0x7FFFFFFF, v19  }
0x3d0: {  	v41 =	vadd.s32 s25, v0;
	v42 =	vld.idx.msk [tilespmem:v12+s14+$0x0], $0xffff;
	v18 =	vor.u32 v8, v18;
	v17 =	vadd.f32 v19, v17  }
0x3d1: {  	s24 =	sadd.s32 $0xFFFFFFFB, s23;
	v43 =	vld.idx.msk [tilespmem:v13+s13+$0x0], $0xffff;
	v11 =	vand.u32 $0x7F, v41;
	v10 =	vand.u32 $0x7FFFFFFF, v10;
	v7 =	vsub.f32 v7, v14  }
0x3d2: {  	v45 =	vld.idx.msk [tilespmem:v13+s14+$0x0], $0xffff;
	v44 =	vadd.s32 s24, v0;
	v11 =	vor.u32 v8, v11;
	v10 =	vadd.f32 v10, v17  }
0x3d3: {  	s26 =	sadd.s32 $0xFFFFFFFC, s23;
	v46 =	vld.idx.msk [tilespmem:v15+s13+$0x0], $0xffff;
	v14 =	vand.u32 $0x7F, v44;
	v7 =	vand.u32 $0x7FFFFFFF, v7;
	v9 =	vsub.f32 v9, v16  }
0x3d4: {  	v48 =	vld.idx.msk [tilespmem:v15+s14+$0x0], $0xffff;
	v47 =	vadd.s32 s26, v0;
	v14 =	vor.u32 v8, v14;
	v7 =	vadd.f32 v7, v10  }
0x3d5: {  	s29 =	sadd.s32 $0xFFFFFFFD, s23;
	v16 =	vand.u32 $0x7F, v47;
	v12 =	vsub.f32 v40, v42;
	v49 =	vld.idx.msk [tilespmem:v18+s13+$0x0], $0xffff;
	v9 =	vand.u32 $0x7FFFFFFF, v9  }
0x3d6: {  	v50 =	vadd.s32 s29, v0;
	v16 =	vor.u32 v8, v16;
	v18 =	vld.idx.msk [tilespmem:v18+s14+$0x0], $0xffff;
	v7 =	vadd.f32 v9, v7  }
0x3d7: {  	s30 =	sadd.s32 $0xFFFFFFFE, s23;
	v20 =	vand.u32 $0x7F, v50;
	v13 =	vsub.f32 v43, v45;
	v51 =	vld.idx.msk [tilespmem:v11+s13+$0x0], $0xffff;
	v12 =	vand.u32 $0x7FFFFFFF, v12  }
0x3d8: {  	v52 =	vadd.s32 s30, v0;
	v20 =	vor.u32 v8, v20;
	v11 =	vld.idx.msk [tilespmem:v11+s14+$0x0], $0xffff;
	v7 =	vadd.f32 v12, v7  }
0x3d9: {  	s31 =	sadd.s32 $0xFFFFFFFF, s23;
	v19 =	vand.u32 $0x7F, v52;
	v15 =	vsub.f32 v46, v48;
	v13 =	vand.u32 $0x7FFFFFFF, v13;
	v53 =	vld.idx.msk [tilespmem:v14+s13+$0x0], $0xffff  }
0x3da: {  	v54 =	vadd.s32 s31, v0;
	v19 =	vor.u32 v8, v19;
	v14 =	vld.idx.msk [tilespmem:v14+s14+$0x0], $0xffff;
	v7 =	vadd.f32 v13, v7  }
0x3db: {  	v17 =	vand.u32 $0x7F, v54;
	v15 =	vand.u32 $0x7FFFFFFF, v15;
	v55 =	vld.idx.msk [tilespmem:v16+s13+$0x0], $0xffff;
	v10 =	vsub.f32 v49, v18  }
0x3dc: {  	v56 =	vadd.s32 s23, v0;
	v17 =	vor.u32 v8, v17;
	v16 =	vld.idx.msk [tilespmem:v16+s14+$0x0], $0xffff;
	v7 =	vadd.f32 v15, v7  }
0x3dd: {  	v57 =	vld.idx.msk [tilespmem:v20+s13+$0x0], $0xffff;
	v18 =	vand.u32 $0x7F, v56;
	v9 =	vsub.f32 v51, v11;
	v10 =	vand.u32 $0x7FFFFFFF, v10  }
0x3de: {  	v58 =	vld.idx.msk [tilespmem:v20+s14+$0x0], $0xffff;
	v8 =	vor.u32 v8, v18;
	v7 =	vadd.f32 v10, v7  }
0x3df: {  	v59 =	vld.idx.msk [tilespmem:v19+s13+$0x0], $0xffff;
	v12 =	vsub.f32 v53, v14;
	v9 =	vand.u32 $0x7FFFFFFF, v9  }
0x3e0: {  	v60 =	vld.idx.msk [tilespmem:v19+s14+$0x0], $0xffff;
	v7 =	vadd.f32 v9, v7  }
0x3e1: {  	v61 =	vld.idx.msk [tilespmem:v17+s13+$0x0], $0xffff;
	v12 =	vand.u32 $0x7FFFFFFF, v12;
	v13 =	vsub.f32 v55, v16  }
0x3e2: {  	v62 =	vld.idx.msk [tilespmem:v17+s14+$0x0], $0xffff;
	v7 =	vadd.f32 v12, v7  }
0x3e3: {  	v11 =	vsub.f32 v57, v58;
	v63 =	vld.idx.msk [tilespmem:v8+s13+$0x0], $0xffff;
	v13 =	vand.u32 $0x7FFFFFFF, v13  }
0x3e4: {  	v8 =	vld.idx.msk [tilespmem:v8+s14+$0x0], $0xffff;
	v7 =	vadd.f32 v13, v7  }
0x3e5: {  	v11 =	vand.u32 $0x7FFFFFFF, v11;
	v10 =	vsub.f32 v59, v60  }
0x3e6: {  	v7 =	vadd.f32 v11, v7  }
0x3e7: {  	v10 =	vand.u32 $0x7FFFFFFF, v10;
	v9 =	vsub.f32 v61, v62  }
0x3e8: {  	s21 =	sadd.s32 $0x1, s21;
	v7 =	vadd.f32 v10, v7  }
0x3e9: {  	p0 =	sne.s32 s21, $0x3F;
	v9 =	vand.u32 $0x7FFFFFFF, v9;
	v8 =	vsub.f32 v63, v8  }
.Ltmp16:
0x3ea: {  	v7 =	vadd.f32 v9, v7;
	(pc) =	sbr.rel @p0 .LBB2_2-.Ltmp16, $3  }
0x3eb: {  	v8 =	vand.u32 $0x7FFFFFFF, v8  }
0x3ec: {  	v7 =	vadd.f32 v8, v7;
	_ =	sdelay $0x1  }
0x3ed: {  	[tilespmem:s22+$0x180F0] =	vst v7  }
0x3ee: {  	s20 =	sadd.s32 $0x1, s20  }
0x3ef: {  	p0 =	sne.s32 s20, s7  }
.Ltmp17:
0x3f0: {  	_ = 	snop;
	(pc) =	sbr.rel @p0 .LBB2_1-.Ltmp17, $4  }
0x3f1: {  	[hbm4b:s6+s3] =	stream.linear.scatter [tilespmem:s19], [sflag:$0x5], $0x3F00, $0x38;
	[tilespmem:$0x1BF00] =	vst v63  }
0x3f2: {  	_ =	swait.ge [sflag:s8], $0x3F00  }
0x3f3: {  	[sflag:s8] =	ssyncset.done $0x0  }
0x3f4: {  	[sflag:s8] =	ssyncadd.s32 $0xFFFFC100  }
0x3f5: {  	_ =	sfence.sel $0x180000  }
0x3f6: {  	[bflag:$0x0] =	sbarrier.arrive $0xFFFF  }
0x3f7: {  	p0 =	sne.s32 s0, $0x0;
	_ =	strace $0x90000047  }
0x3f8: {  	s0 =	sadd.s32 @!p0 $0x100000, s1;
	[bflag:$0x2] =	sbarrier.arrive $0xFFFF  }
0x3f9: {  	[sflag:s0] =	ssyncadd.tile.s32 @!p0 $0x1;
	_ =	shalt  }
.Lfunc_end2:
_tile_overlayer_lowered:
.L_overlay_start_2:
0x3fa: {  	(tag) =	ssettag $0x2  }
0x3fb: {  	s0 =	rddreg [dreg:$0x0];
	s2 =	stileid.u32  }
0x3fc: {  	s1 =	rddreg [dreg:$0x1];
	p0 =	sne.s32 s2, $0x0  }
0x3fd: {  	s3 =	rddreg [dreg:$0x2];
	[bflag:$0x3] =	sbarrier.arrive $0xFFFF;
	s2 =	simm.s32 @!p0 $0x1C05  }
0x3fe: {  	[timem:s3], [sflag:s2] =	dma.local @!p0 [hbm:s0], s1  }
0x3ff: {  	s0 =	simm.s32 @!p0 $0x5  }
0x400: {  	_ =	swait.ge @!p0 [sflag:s0], s1  }
0x401: {  	s1 =	ssub.s32 @!p0 $0x0, s1;
	[sflag:s0] =	ssyncset.done @!p0 $0x0  }
0x402: {  	[sflag:s0] =	ssyncadd.s32 @!p0 s1  }
0x403: {  	[bflag:$0x3] =	sbarrier.arrive $0xFFFF  }
0x404: {  	_ =	shalt  }

</sc_bundles>
